<compile_context>
chip_gen: v7x
topology: tpu7x:2x2x1
jax: 0.10.2.dev20260603
libtpu: 0.0.44.dev20260713+nightly
codegen_flags: <defaults>
</compile_context>

<pallas_src>
import functools

import jax
import jax.numpy as jnp
from jax import lax
from jax.experimental import pallas as pl
from jax.experimental.pallas import tpu as pltpu
from jax.experimental.pallas import tpu_sc as plsc

DIM = 64
BATCH = 16384
NC = 2
NS = 16
L = 16
NW = NC * NS
BPW = BATCH // NW
SPW = 256
NSTAGE = BPW // SPW

_mesh = plsc.VectorSubcoreMesh(
    core_axis_name="c", subcore_axis_name="s", num_cores=NC, num_subcores=NS
)


@functools.partial(
    pl.kernel,
    out_type=jax.ShapeDtypeStruct((BATCH,), jnp.float32),
    mesh=_mesh,
    scratch_types=[
        pltpu.VMEM((BPW,), jnp.int32),
        pltpu.VMEM((BPW,), jnp.int32),
        pltpu.VMEM((SPW, DIM), jnp.float32),
        pltpu.VMEM((SPW, DIM), jnp.float32),
        pltpu.VMEM((BPW,), jnp.float32),
        pltpu.SemaphoreType.DMA,
    ],
)
def _sgns_sc(x_hbm, t_hbm, hw_hbm, tw_hbm, out_hbm,
             xi_v, ti_v, h_v, t_v, o_v, sem):
    wid = lax.axis_index("s") * NC + lax.axis_index("c")
    base = wid * BPW

    pltpu.sync_copy(x_hbm.at[pl.ds(base, BPW)], xi_v)
    pltpu.sync_copy(t_hbm.at[pl.ds(base, BPW)], ti_v)

    lane = lax.iota(jnp.int32, L)
    perms = [lane ^ sh for sh in (8, 4, 2, 1)]

    gather_dnums = lax.GatherDimensionNumbers(
        offset_dims=(), collapsed_slice_dims=(0,), start_index_map=(0,)
    )

    def lane_perm(v, perm):
        return lax.gather(
            v, perm[:, None], gather_dnums, slice_sizes=(1,),
            mode=lax.GatherScatterMode.PROMISE_IN_BOUNDS,
        )

    def lane_sum(v):
        for perm in perms:
            v = v + lane_perm(v, perm)
        return v

    def run_stage(stage):
        sbase = stage * SPW

        def issue(g, carry):
            gbase = g * L
            xv_vec = xi_v[pl.ds(sbase + gbase, L)]
            tv_vec = ti_v[pl.ds(sbase + gbase, L)]
            for j in range(L):
                xv = xv_vec[j]
                tv = tv_vec[j]
                pltpu.async_copy(hw_hbm.at[pl.ds(xv, 1), :],
                                 h_v.at[pl.ds(gbase + j, 1), :], sem)
                pltpu.async_copy(tw_hbm.at[pl.ds(tv, 1), :],
                                 t_v.at[pl.ds(gbase + j, 1), :], sem)
            return carry

        lax.fori_loop(0, SPW // L, issue, 0)

        def drain(r, carry):
            pltpu.make_async_copy(hw_hbm.at[pl.ds(0, 1), :],
                                  h_v.at[pl.ds(0, 1), :], sem).wait()
            pltpu.make_async_copy(hw_hbm.at[pl.ds(0, 1), :],
                                  t_v.at[pl.ds(0, 1), :], sem).wait()
            return carry

        lax.fori_loop(0, SPW, drain, 0)

        def chunk(c, carry):
            rbase = c * L
            res = jnp.zeros((L,), jnp.float32)
            for j in range(L):
                r = rbase + j
                acc = h_v[r, pl.ds(0, L)] * t_v[r, pl.ds(0, L)]
                for k in range(1, DIM // L):
                    acc = acc + h_v[r, pl.ds(k * L, L)] * t_v[r, pl.ds(k * L, L)]
                res = jnp.where(lane == j, lane_sum(acc), res)
            o_v[pl.ds(sbase + rbase, L)] = res
            return carry

        lax.fori_loop(0, SPW // L, chunk, 0)

    for stage in range(NSTAGE):
        run_stage(stage)

    pltpu.sync_copy(o_v, out_hbm.at[pl.ds(base, BPW)])


def kernel(x, t, hidden_W, target_W):
    return _sgns_sc(x.astype(jnp.int32), t.astype(jnp.int32), hidden_W, target_W)

# --- scband reference (transcript-rebuilt; emitter-appended) ---
"""Pipeline reference for scband-sgns-56212531970513 (READ-ONLY COPY).

The authoritative reference and input builder live on the scoring server;
editing this copy changes nothing except your own understanding.
"""

import jax, jax.numpy as jnp
import numpy as np

VOCAB = 1000000
DIM = 64
BATCH = 16384

def setup_inputs(seed: int = 0) -> dict:
    key = jax.random.key(seed)
    k1, k2, k3, k4 = jax.random.split(key, 4)
    default_w = 0.5 / DIM
    hidden_W = jax.random.uniform(k1, (VOCAB, DIM), dtype=jnp.float32, minval=-default_w, maxval=default_w)
    target_W = jax.random.uniform(k2, (VOCAB, DIM), dtype=jnp.float32, minval=-default_w, maxval=default_w)
    x = jax.random.randint(k3, (BATCH,), 0, VOCAB, dtype=jnp.int64 if jax.config.jax_enable_x64 else jnp.int32)
    t = jax.random.randint(k4, (BATCH,), 0, VOCAB, dtype=jnp.int64 if jax.config.jax_enable_x64 else jnp.int32)
    return {"x": x, "t": t, "hidden_W": hidden_W, "target_W": target_W}

def reference(x, t, hidden_W, target_W):
    # center_embedding = hidden_emb(x): [B, D]
    center_embedding = jnp.take(hidden_W, x, axis=0)
    # target_embedding = target_emb(t): [B, D]
    target_embedding = jnp.take(target_W, t, axis=0)
    # bmm(target[:, None, :], center[:, :, None]) -> [B, 1, 1] -> squeeze -> reshape [-1]
    logit = jnp.sum(target_embedding * center_embedding, axis=-1)
    logit = logit.reshape([-1])
    return logit

if __name__ == "__main__":
    import jax
    _d = setup_inputs()
    print(jax.jit(kernel)(*tuple(_d.values())))

</pallas_src>

<mosaic_0001>
#map = affine_map<(d0, d1) -> (0)>
#map1 = affine_map<(d0, d1) -> (0, 0)>
module attributes {stable_mosaic.version = 14 : i64} {
  func.func @_sgns_sc(%arg0: i32, %arg1: i32, %arg2: memref<16384xi32, #tpu.memory_space<hbm>>, %arg3: memref<16384xi32, #tpu.memory_space<hbm>>, %arg4: memref<1000000x64xf32, #tpu.memory_space<hbm>>, %arg5: memref<1000000x64xf32, #tpu.memory_space<hbm>>, %arg6: memref<16384xf32, #tpu.memory_space<hbm>>, %arg7: memref<512xi32, #tpu.memory_space<vmem>>, %arg8: memref<512xi32, #tpu.memory_space<vmem>>, %arg9: memref<256x64xf32, #tpu.memory_space<vmem>>, %arg10: memref<256x64xf32, #tpu.memory_space<vmem>>, %arg11: memref<512xf32, #tpu.memory_space<vmem>>, %arg12: memref<!tpu.dma_semaphore, #tpu.memory_space<semaphore_mem>>) attributes {dimension_semantics = [#tpu.dimension_semantics<core_parallel>, #tpu.dimension_semantics<subcore_parallel>], iteration_bounds = array<i64: 2, 16>, scalar_prefetch = 0 : i64, scratch_operands = 6 : i64, tpu.core_type = #tpu.core_type<sc_vector_subcore>, window_params = [{transform_indices = #map}, {transform_indices = #map}, {transform_indices = #map1}, {transform_indices = #map1}, {transform_indices = #map}]} {
    %mul3A = arith.constant 2 : i32
    %mul3A_0 = arith.muli %arg1, %mul3A : i32
    %add3A = arith.addi %mul3A_0, %arg0 : i32
    %mul3A_1 = arith.constant 512 : i32
    %mul3A_2 = arith.muli %add3A, %mul3A_1 : i32
    "tpu.region"() ({
      %run_scoped3A = tpu.sem_alloc : memref<!tpu.dma_semaphore, #tpu.memory_space<semaphore_mem>>
      %dma_start3A = tpu.memref_slice %arg2[%mul3A_2] : memref<16384xi32, #tpu.memory_space<hbm>> -> memref<512xi32, #tpu.memory_space<hbm>>
      %dma_start3A_49 = tpu.memref_slice %arg2[%mul3A_2] : memref<16384xi32, #tpu.memory_space<hbm>> -> memref<512xi32, #tpu.memory_space<hbm>>
      tpu.enqueue_dma source(%dma_start3A_49 : memref<512xi32, #tpu.memory_space<hbm>>) target(%arg7 : memref<512xi32, #tpu.memory_space<vmem>>) target_semaphore(%run_scoped3A : memref<!tpu.dma_semaphore, #tpu.memory_space<semaphore_mem>>)
      %dma_wait3A = tpu.memref_slice %arg2[%mul3A_2] : memref<16384xi32, #tpu.memory_space<hbm>> -> memref<512xi32, #tpu.memory_space<hbm>>
      %dma_wait3A_50 = tpu.memref_slice %arg2[%mul3A_2] : memref<16384xi32, #tpu.memory_space<hbm>> -> memref<512xi32, #tpu.memory_space<hbm>>
      tpu.wait_dma2 semaphore(%run_scoped3A : memref<!tpu.dma_semaphore, #tpu.memory_space<semaphore_mem>>) src(%dma_wait3A_50 : memref<512xi32, #tpu.memory_space<hbm>>) dst(%arg7 : memref<512xi32, #tpu.memory_space<vmem>>)
      tpu.yield
    }) : () -> ()
    "tpu.region"() ({
      %run_scoped3A = tpu.sem_alloc : memref<!tpu.dma_semaphore, #tpu.memory_space<semaphore_mem>>
      %dma_start3A = tpu.memref_slice %arg3[%mul3A_2] : memref<16384xi32, #tpu.memory_space<hbm>> -> memref<512xi32, #tpu.memory_space<hbm>>
      %dma_start3A_49 = tpu.memref_slice %arg3[%mul3A_2] : memref<16384xi32, #tpu.memory_space<hbm>> -> memref<512xi32, #tpu.memory_space<hbm>>
      tpu.enqueue_dma source(%dma_start3A_49 : memref<512xi32, #tpu.memory_space<hbm>>) target(%arg8 : memref<512xi32, #tpu.memory_space<vmem>>) target_semaphore(%run_scoped3A : memref<!tpu.dma_semaphore, #tpu.memory_space<semaphore_mem>>)
      %dma_wait3A = tpu.memref_slice %arg3[%mul3A_2] : memref<16384xi32, #tpu.memory_space<hbm>> -> memref<512xi32, #tpu.memory_space<hbm>>
      %dma_wait3A_50 = tpu.memref_slice %arg3[%mul3A_2] : memref<16384xi32, #tpu.memory_space<hbm>> -> memref<512xi32, #tpu.memory_space<hbm>>
      tpu.wait_dma2 semaphore(%run_scoped3A : memref<!tpu.dma_semaphore, #tpu.memory_space<semaphore_mem>>) src(%dma_wait3A_50 : memref<512xi32, #tpu.memory_space<hbm>>) dst(%arg8 : memref<512xi32, #tpu.memory_space<vmem>>)
      tpu.yield
    }) : () -> ()
    %iota3A = tpu.iota {dimensions = array<i32: 0>} : vector<16xi32>
    %xor3A = arith.constant 8 : i32
    %xor3A_3 = vector.broadcast %xor3A : i32 to vector<16xi32>
    %xor3A_4 = arith.xori %iota3A, %xor3A_3 : vector<16xi32>
    %xor3A_5 = arith.constant 4 : i32
    %xor3A_6 = vector.broadcast %xor3A_5 : i32 to vector<16xi32>
    %xor3A_7 = arith.xori %iota3A, %xor3A_6 : vector<16xi32>
    %xor3A_8 = arith.constant 2 : i32
    %xor3A_9 = vector.broadcast %xor3A_8 : i32 to vector<16xi32>
    %xor3A_10 = arith.xori %iota3A, %xor3A_9 : vector<16xi32>
    %xor3A_11 = arith.constant 1 : i32
    %xor3A_12 = vector.broadcast %xor3A_11 : i32 to vector<16xi32>
    %xor3A_13 = arith.xori %iota3A, %xor3A_12 : vector<16xi32>
    %scan3A = arith.constant 0 : i32
    %scan3A_14 = arith.constant 0 : i32
    %scan3A_15 = arith.constant 16 : i32
    %scan3A_16 = arith.addi %scan3A_14, %scan3A_15 : i32
    %scan3A_17 = arith.constant 1 : i32
    scf.for %scan3A_49 = %scan3A_14 to %scan3A_16 step %scan3A_17  : i32 {
      %mul3A_50 = arith.constant 16 : i32
      %mul3A_51 = arith.muli %scan3A_49, %mul3A_50 : i32
      %add3A_52 = arith.constant 0 : i32
      %add3A_53 = arith.addi %add3A_52, %mul3A_51 : i32
      %get3A = arith.index_cast %add3A_53 : i32 to index
      %get3A_54 = tpu.vector_load %arg7[%get3A] {strides = array<i32>} : memref<512xi32, #tpu.memory_space<vmem>>, vector<16xi32>,
      %get3A_55 = vector.shape_cast %get3A_54 : vector<16xi32> to vector<16xi32>
      %add3A_56 = arith.constant 0 : i32
      %add3A_57 = arith.addi %add3A_56, %mul3A_51 : i32
      %get3A_58 = arith.index_cast %add3A_57 : i32 to index
      %get3A_59 = tpu.vector_load %arg8[%get3A_58] {strides = array<i32>} : memref<512xi32, #tpu.memory_space<vmem>>, vector<16xi32>,
      %get3A_60 = vector.shape_cast %get3A_59 : vector<16xi32> to vector<16xi32>
      %slice3A = vector.extract_strided_slice %get3A_55 {offsets = [0], sizes = [1], strides = [1]} : vector<16xi32> to vector<1xi32>
      %squeeze3A = vector.extract %slice3A[0] : i32 from vector<1xi32>
      %slice3A_61 = vector.extract_strided_slice %get3A_60 {offsets = [0], sizes = [1], strides = [1]} : vector<16xi32> to vector<1xi32>
      %squeeze3A_62 = vector.extract %slice3A_61[0] : i32 from vector<1xi32>
      %add3A_63 = arith.constant 0 : i32
      %add3A_64 = arith.addi %mul3A_51, %add3A_63 : i32
      %dma_start3A = arith.constant 0 : i32
      %dma_start3A_65 = tpu.memref_slice %arg9[%add3A_64, %dma_start3A] : memref<256x64xf32, #tpu.memory_space<vmem>> -> memref<1x64xf32, #tpu.memory_space<vmem>>
      %dma_start3A_66 = arith.constant 0 : i32
      %dma_start3A_67 = tpu.memref_slice %arg4[%squeeze3A, %dma_start3A_66] : memref<1000000x64xf32, #tpu.memory_space<hbm>> -> memref<1x64xf32, #tpu.memory_space<hbm>>
      %dma_start3A_68 = arith.constant 0 : i32
      %dma_start3A_69 = tpu.memref_slice %arg9[%add3A_64, %dma_start3A_68] : memref<256x64xf32, #tpu.memory_space<vmem>> -> memref<1x64xf32, #tpu.memory_space<vmem>>
      %dma_start3A_70 = arith.constant 0 : i32
      %dma_start3A_71 = tpu.memref_slice %arg4[%squeeze3A, %dma_start3A_70] : memref<1000000x64xf32, #tpu.memory_space<hbm>> -> memref<1x64xf32, #tpu.memory_space<hbm>>
      tpu.enqueue_dma source(%dma_start3A_71 : memref<1x64xf32, #tpu.memory_space<hbm>>) target(%dma_start3A_69 : memref<1x64xf32, #tpu.memory_space<vmem>>) target_semaphore(%arg12 : memref<!tpu.dma_semaphore, #tpu.memory_space<semaphore_mem>>)
      %add3A_72 = arith.constant 0 : i32
      %add3A_73 = arith.addi %mul3A_51, %add3A_72 : i32
      %dma_start3A_74 = arith.constant 0 : i32
      %dma_start3A_75 = tpu.memref_slice %arg10[%add3A_73, %dma_start3A_74] : memref<256x64xf32, #tpu.memory_space<vmem>> -> memref<1x64xf32, #tpu.memory_space<vmem>>
      %dma_start3A_76 = arith.constant 0 : i32
      %dma_start3A_77 = tpu.memref_slice %arg5[%squeeze3A_62, %dma_start3A_76] : memref<1000000x64xf32, #tpu.memory_space<hbm>> -> memref<1x64xf32, #tpu.memory_space<hbm>>
      %dma_start3A_78 = arith.constant 0 : i32
      %dma_start3A_79 = tpu.memref_slice %arg10[%add3A_73, %dma_start3A_78] : memref<256x64xf32, #tpu.memory_space<vmem>> -> memref<1x64xf32, #tpu.memory_space<vmem>>
      %dma_start3A_80 = arith.constant 0 : i32
      %dma_start3A_81 = tpu.memref_slice %arg5[%squeeze3A_62, %dma_start3A_80] : memref<1000000x64xf32, #tpu.memory_space<hbm>> -> memref<1x64xf32, #tpu.memory_space<hbm>>
      tpu.enqueue_dma source(%dma_start3A_81 : memref<1x64xf32, #tpu.memory_space<hbm>>) target(%dma_start3A_79 : memref<1x64xf32, #tpu.memory_space<vmem>>) target_semaphore(%arg12 : memref<!tpu.dma_semaphore, #tpu.memory_space<semaphore_mem>>)
      %slice3A_82 = vector.extract_strided_slice %get3A_55 {offsets = [1], sizes = [1], strides = [1]} : vector<16xi32> to vector<1xi32>
      %squeeze3A_83 = vector.extract %slice3A_82[0] : i32 from vector<1xi32>
      %slice3A_84 = vector.extract_strided_slice %get3A_60 {offsets = [1], sizes = [1], strides = [1]} : vector<16xi32> to vector<1xi32>
      %squeeze3A_85 = vector.extract %slice3A_84[0] : i32 from vector<1xi32>
      %add3A_86 = arith.constant 1 : i32
      %add3A_87 = arith.addi %mul3A_51, %add3A_86 : i32
      %dma_start3A_88 = arith.constant 0 : i32
      %dma_start3A_89 = tpu.memref_slice %arg9[%add3A_87, %dma_start3A_88] : memref<256x64xf32, #tpu.memory_space<vmem>> -> memref<1x64xf32, #tpu.memory_space<vmem>>
      %dma_start3A_90 = arith.constant 0 : i32
      %dma_start3A_91 = tpu.memref_slice %arg4[%squeeze3A_83, %dma_start3A_90] : memref<1000000x64xf32, #tpu.memory_space<hbm>> -> memref<1x64xf32, #tpu.memory_space<hbm>>
      %dma_start3A_92 = arith.constant 0 : i32
      %dma_start3A_93 = tpu.memref_slice %arg9[%add3A_87, %dma_start3A_92] : memref<256x64xf32, #tpu.memory_space<vmem>> -> memref<1x64xf32, #tpu.memory_space<vmem>>
      %dma_start3A_94 = arith.constant 0 : i32
      %dma_start3A_95 = tpu.memref_slice %arg4[%squeeze3A_83, %dma_start3A_94] : memref<1000000x64xf32, #tpu.memory_space<hbm>> -> memref<1x64xf32, #tpu.memory_space<hbm>>
      tpu.enqueue_dma source(%dma_start3A_95 : memref<1x64xf32, #tpu.memory_space<hbm>>) target(%dma_start3A_93 : memref<1x64xf32, #tpu.memory_space<vmem>>) target_semaphore(%arg12 : memref<!tpu.dma_semaphore, #tpu.memory_space<semaphore_mem>>)
      %add3A_96 = arith.constant 1 : i32
      %add3A_97 = arith.addi %mul3A_51, %add3A_96 : i32
      %dma_start3A_98 = arith.constant 0 : i32
      %dma_start3A_99 = tpu.memref_slice %arg10[%add3A_97, %dma_start3A_98] : memref<256x64xf32, #tpu.memory_space<vmem>> -> memref<1x64xf32, #tpu.memory_space<vmem>>
      %dma_start3A_100 = arith.constant 0 : i32
      %dma_start3A_101 = tpu.memref_slice %arg5[%squeeze3A_85, %dma_start3A_100] : memref<1000000x64xf32, #tpu.memory_space<hbm>> -> memref<1x64xf32, #tpu.memory_space<hbm>>
      %dma_start3A_102 = arith.constant 0 : i32
      %dma_start3A_103 = tpu.memref_slice %arg10[%add3A_97, %dma_start3A_102] : memref<256x64xf32, #tpu.memory_space<vmem>> -> memref<1x64xf32, #tpu.memory_space<vmem>>
      %dma_start3A_104 = arith.constant 0 : i32
      %dma_start3A_105 = tpu.memref_slice %arg5[%squeeze3A_85, %dma_start3A_104] : memref<1000000x64xf32, #tpu.memory_space<hbm>> -> memref<1x64xf32, #tpu.memory_space<hbm>>
      tpu.enqueue_dma source(%dma_start3A_105 : memref<1x64xf32, #tpu.memory_space<hbm>>) target(%dma_start3A_103 : memref<1x64xf32, #tpu.memory_space<vmem>>) target_semaphore(%arg12 : memref<!tpu.dma_semaphore, #tpu.memory_space<semaphore_mem>>)
      %slice3A_106 = vector.extract_strided_slice %get3A_55 {offsets = [2], sizes = [1], strides = [1]} : vector<16xi32> to vector<1xi32>
      %squeeze3A_107 = vector.extract %slice3A_106[0] : i32 from vector<1xi32>
      %slice3A_108 = vector.extract_strided_slice %get3A_60 {offsets = [2], sizes = [1], strides = [1]} : vector<16xi32> to vector<1xi32>
      %squeeze3A_109 = vector.extract %slice3A_108[0] : i32 from vector<1xi32>
      %add3A_110 = arith.constant 2 : i32
      %add3A_111 = arith.addi %mul3A_51, %add3A_110 : i32
      %dma_start3A_112 = arith.constant 0 : i32
      %dma_start3A_113 = tpu.memref_slice %arg9[%add3A_111, %dma_start3A_112] : memref<256x64xf32, #tpu.memory_space<vmem>> -> memref<1x64xf32, #tpu.memory_space<vmem>>
      %dma_start3A_114 = arith.constant 0 : i32
      %dma_start3A_115 = tpu.memref_slice %arg4[%squeeze3A_107, %dma_start3A_114] : memref<1000000x64xf32, #tpu.memory_space<hbm>> -> memref<1x64xf32, #tpu.memory_space<hbm>>
      %dma_start3A_116 = arith.constant 0 : i32
      %dma_start3A_117 = tpu.memref_slice %arg9[%add3A_111, %dma_start3A_116] : memref<256x64xf32, #tpu.memory_space<vmem>> -> memref<1x64xf32, #tpu.memory_space<vmem>>
      %dma_start3A_118 = arith.constant 0 : i32
      %dma_start3A_119 = tpu.memref_slice %arg4[%squeeze3A_107, %dma_start3A_118] : memref<1000000x64xf32, #tpu.memory_space<hbm>> -> memref<1x64xf32, #tpu.memory_space<hbm>>
      tpu.enqueue_dma source(%dma_start3A_119 : memref<1x64xf32, #tpu.memory_space<hbm>>) target(%dma_start3A_117 : memref<1x64xf32, #tpu.memory_space<vmem>>) target_semaphore(%arg12 : memref<!tpu.dma_semaphore, #tpu.memory_space<semaphore_mem>>)
      %add3A_120 = arith.constant 2 : i32
      %add3A_121 = arith.addi %mul3A_51, %add3A_120 : i32
      %dma_start3A_122 = arith.constant 0 : i32
      %dma_start3A_123 = tpu.memref_slice %arg10[%add3A_121, %dma_start3A_122] : memref<256x64xf32, #tpu.memory_space<vmem>> -> memref<1x64xf32, #tpu.memory_space<vmem>>
      %dma_start3A_124 = arith.constant 0 : i32
      %dma_start3A_125 = tpu.memref_slice %arg5[%squeeze3A_109, %dma_start3A_124] : memref<1000000x64xf32, #tpu.memory_space<hbm>> -> memref<1x64xf32, #tpu.memory_space<hbm>>
      %dma_start3A_126 = arith.constant 0 : i32
      %dma_start3A_127 = tpu.memref_slice %arg10[%add3A_121, %dma_start3A_126] : memref<256x64xf32, #tpu.memory_space<vmem>> -> memref<1x64xf32, #tpu.memory_space<vmem>>
      %dma_start3A_128 = arith.constant 0 : i32
      %dma_start3A_129 = tpu.memref_slice %arg5[%squeeze3A_109, %dma_start3A_128] : memref<1000000x64xf32, #tpu.memory_space<hbm>> -> memref<1x64xf32, #tpu.memory_space<hbm>>
      tpu.enqueue_dma source(%dma_start3A_129 : memref<1x64xf32, #tpu.memory_space<hbm>>) target(%dma_start3A_127 : memref<1x64xf32, #tpu.memory_space<vmem>>) target_semaphore(%arg12 : memref<!tpu.dma_semaphore, #tpu.memory_space<semaphore_mem>>)
      %slice3A_130 = vector.extract_strided_slice %get3A_55 {offsets = [3], sizes = [1], strides = [1]} : vector<16xi32> to vector<1xi32>
      %squeeze3A_131 = vector.extract %slice3A_130[0] : i32 from vector<1xi32>
      %slice3A_132 = vector.extract_strided_slice %get3A_60 {offsets = [3], sizes = [1], strides = [1]} : vector<16xi32> to vector<1xi32>
      %squeeze3A_133 = vector.extract %slice3A_132[0] : i32 from vector<1xi32>
      %add3A_134 = arith.constant 3 : i32
      %add3A_135 = arith.addi %mul3A_51, %add3A_134 : i32
      %dma_start3A_136 = arith.constant 0 : i32
      %dma_start3A_137 = tpu.memref_slice %arg9[%add3A_135, %dma_start3A_136] : memref<256x64xf32, #tpu.memory_space<vmem>> -> memref<1x64xf32, #tpu.memory_space<vmem>>
      %dma_start3A_138 = arith.constant 0 : i32
      %dma_start3A_139 = tpu.memref_slice %arg4[%squeeze3A_131, %dma_start3A_138] : memref<1000000x64xf32, #tpu.memory_space<hbm>> -> memref<1x64xf32, #tpu.memory_space<hbm>>
      %dma_start3A_140 = arith.constant 0 : i32
      %dma_start3A_141 = tpu.memref_slice %arg9[%add3A_135, %dma_start3A_140] : memref<256x64xf32, #tpu.memory_space<vmem>> -> memref<1x64xf32, #tpu.memory_space<vmem>>
      %dma_start3A_142 = arith.constant 0 : i32
      %dma_start3A_143 = tpu.memref_slice %arg4[%squeeze3A_131, %dma_start3A_142] : memref<1000000x64xf32, #tpu.memory_space<hbm>> -> memref<1x64xf32, #tpu.memory_space<hbm>>
      tpu.enqueue_dma source(%dma_start3A_143 : memref<1x64xf32, #tpu.memory_space<hbm>>) target(%dma_start3A_141 : memref<1x64xf32, #tpu.memory_space<vmem>>) target_semaphore(%arg12 : memref<!tpu.dma_semaphore, #tpu.memory_space<semaphore_mem>>)
      %add3A_144 = arith.constant 3 : i32
      %add3A_145 = arith.addi %mul3A_51, %add3A_144 : i32
      %dma_start3A_146 = arith.constant 0 : i32
      %dma_start3A_147 = tpu.memref_slice %arg10[%add3A_145, %dma_start3A_146] : memref<256x64xf32, #tpu.memory_space<vmem>> -> memref<1x64xf32, #tpu.memory_space<vmem>>
      %dma_start3A_148 = arith.constant 0 : i32
      %dma_start3A_149 = tpu.memref_slice %arg5[%squeeze3A_133, %dma_start3A_148] : memref<1000000x64xf32, #tpu.memory_space<hbm>> -> memref<1x64xf32, #tpu.memory_space<hbm>>
      %dma_start3A_150 = arith.constant 0 : i32
      %dma_start3A_151 = tpu.memref_slice %arg10[%add3A_145, %dma_start3A_150] : memref<256x64xf32, #tpu.memory_space<vmem>> -> memref<1x64xf32, #tpu.memory_space<vmem>>
      %dma_start3A_152 = arith.constant 0 : i32
      %dma_start3A_153 = tpu.memref_slice %arg5[%squeeze3A_133, %dma_start3A_152] : memref<1000000x64xf32, #tpu.memory_space<hbm>> -> memref<1x64xf32, #tpu.memory_space<hbm>>
      tpu.enqueue_dma source(%dma_start3A_153 : memref<1x64xf32, #tpu.memory_space<hbm>>) target(%dma_start3A_151 : memref<1x64xf32, #tpu.memory_space<vmem>>) target_semaphore(%arg12 : memref<!tpu.dma_semaphore, #tpu.memory_space<semaphore_mem>>)
      %slice3A_154 = vector.extract_strided_slice %get3A_55 {offsets = [4], sizes = [1], strides = [1]} : vector<16xi32> to vector<1xi32>
      %squeeze3A_155 = vector.extract %slice3A_154[0] : i32 from vector<1xi32>
      %slice3A_156 = vector.extract_strided_slice %get3A_60 {offsets = [4], sizes = [1], strides = [1]} : vector<16xi32> to vector<1xi32>
      %squeeze3A_157 = vector.extract %slice3A_156[0] : i32 from vector<1xi32>
      %add3A_158 = arith.constant 4 : i32
      %add3A_159 = arith.addi %mul3A_51, %add3A_158 : i32
      %dma_start3A_160 = arith.constant 0 : i32
      %dma_start3A_161 = tpu.memref_slice %arg9[%add3A_159, %dma_start3A_160] : memref<256x64xf32, #tpu.memory_space<vmem>> -> memref<1x64xf32, #tpu.memory_space<vmem>>
      %dma_start3A_162 = arith.constant 0 : i32
      %dma_start3A_163 = tpu.memref_slice %arg4[%squeeze3A_155, %dma_start3A_162] : memref<1000000x64xf32, #tpu.memory_space<hbm>> -> memref<1x64xf32, #tpu.memory_space<hbm>>
      %dma_start3A_164 = arith.constant 0 : i32
      %dma_start3A_165 = tpu.memref_slice %arg9[%add3A_159, %dma_start3A_164] : memref<256x64xf32, #tpu.memory_space<vmem>> -> memref<1x64xf32, #tpu.memory_space<vmem>>
      %dma_start3A_166 = arith.constant 0 : i32
      %dma_start3A_167 = tpu.memref_slice %arg4[%squeeze3A_155, %dma_start3A_166] : memref<1000000x64xf32, #tpu.memory_space<hbm>> -> memref<1x64xf32, #tpu.memory_space<hbm>>
      tpu.enqueue_dma source(%dma_start3A_167 : memref<1x64xf32, #tpu.memory_space<hbm>>) target(%dma_start3A_165 : memref<1x64xf32, #tpu.memory_space<vmem>>) target_semaphore(%arg12 : memref<!tpu.dma_semaphore, #tpu.memory_space<semaphore_mem>>)
      %add3A_168 = arith.constant 4 : i32
      %add3A_169 = arith.addi %mul3A_51, %add3A_168 : i32
      %dma_start3A_170 = arith.constant 0 : i32
      %dma_start3A_171 = tpu.memref_slice %arg10[%add3A_169, %dma_start3A_170] : memref<256x64xf32, #tpu.memory_space<vmem>> -> memref<1x64xf32, #tpu.memory_space<vmem>>
      %dma_start3A_172 = arith.constant 0 : i32
      %dma_start3A_173 = tpu.memref_slice %arg5[%squeeze3A_157, %dma_start3A_172] : memref<1000000x64xf32, #tpu.memory_space<hbm>> -> memref<1x64xf32, #tpu.memory_space<hbm>>
      %dma_start3A_174 = arith.constant 0 : i32
      %dma_start3A_175 = tpu.memref_slice %arg10[%add3A_169, %dma_start3A_174] : memref<256x64xf32, #tpu.memory_space<vmem>> -> memref<1x64xf32, #tpu.memory_space<vmem>>
      %dma_start3A_176 = arith.constant 0 : i32
      %dma_start3A_177 = tpu.memref_slice %arg5[%squeeze3A_157, %dma_start3A_176] : memref<1000000x64xf32, #tpu.memory_space<hbm>> -> memref<1x64xf32, #tpu.memory_space<hbm>>
      tpu.enqueue_dma source(%dma_start3A_177 : memref<1x64xf32, #tpu.memory_space<hbm>>) target(%dma_start3A_175 : memref<1x64xf32, #tpu.memory_space<vmem>>) target_semaphore(%arg12 : memref<!tpu.dma_semaphore, #tpu.memory_space<semaphore_mem>>)
      %slice3A_178 = vector.extract_strided_slice %get3A_55 {offsets = [5], sizes = [1], strides = [1]} : vector<16xi32> to vector<1xi32>
      %squeeze3A_179 = vector.extract %slice3A_178[0] : i32 from vector<1xi32>
      %slice3A_180 = vector.extract_strided_slice %get3A_60 {offsets = [5], sizes = [1], strides = [1]} : vector<16xi32> to vector<1xi32>
      %squeeze3A_181 = vector.extract %slice3A_180[0] : i32 from vector<1xi32>
      %add3A_182 = arith.constant 5 : i32
      %add3A_183 = arith.addi %mul3A_51, %add3A_182 : i32
      %dma_start3A_184 = arith.constant 0 : i32
      %dma_start3A_185 = tpu.memref_slice %arg9[%add3A_183, %dma_start3A_184] : memref<256x64xf32, #tpu.memory_space<vmem>> -> memref<1x64xf32, #tpu.memory_space<vmem>>
      %dma_start3A_186 = arith.constant 0 : i32
      %dma_start3A_187 = tpu.memref_slice %arg4[%squeeze3A_179, %dma_start3A_186] : memref<1000000x64xf32, #tpu.memory_space<hbm>> -> memref<1x64xf32, #tpu.memory_space<hbm>>
      %dma_start3A_188 = arith.constant 0 : i32
      %dma_start3A_189 = tpu.memref_slice %arg9[%add3A_183, %dma_start3A_188] : memref<256x64xf32, #tpu.memory_space<vmem>> -> memref<1x64xf32, #tpu.memory_space<vmem>>
      %dma_start3A_190 = arith.constant 0 : i32
      %dma_start3A_191 = tpu.memref_slice %arg4[%squeeze3A_179, %dma_start3A_190] : memref<1000000x64xf32, #tpu.memory_space<hbm>> -> memref<1x64xf32, #tpu.memory_space<hbm>>
      tpu.enqueue_dma source(%dma_start3A_191 : memref<1x64xf32, #tpu.memory_space<hbm>>) target(%dma_start3A_189 : memref<1x64xf32, #tpu.memory_space<vmem>>) target_semaphore(%arg12 : memref<!tpu.dma_semaphore, #tpu.memory_space<semaphore_mem>>)
      %add3A_192 = arith.constant 5 : i32
      %add3A_193 = arith.addi %mul3A_51, %add3A_192 : i32
      %dma_start3A_194 = arith.constant 0 : i32
      %dma_start3A_195 = tpu.memref_slice %arg10[%add3A_193, %dma_start3A_194] : memref<256x64xf32, #tpu.memory_space<vmem>> -> memref<1x64xf32, #tpu.memory_space<vmem>>
      %dma_start3A_196 = arith.constant 0 : i32
      %dma_start3A_197 = tpu.memref_slice %arg5[%squeeze3A_181, %dma_start3A_196] : memref<1000000x64xf32, #tpu.memory_space<hbm>> -> memref<1x64xf32, #tpu.memory_space<hbm>>
      %dma_start3A_198 = arith.constant 0 : i32
      %dma_start3A_199 = tpu.memref_slice %arg10[%add3A_193, %dma_start3A_198] : memref<256x64xf32, #tpu.memory_space<vmem>> -> memref<1x64xf32, #tpu.memory_space<vmem>>
      %dma_start3A_200 = arith.constant 0 : i32
      %dma_start3A_201 = tpu.memref_slice %arg5[%squeeze3A_181, %dma_start3A_200] : memref<1000000x64xf32, #tpu.memory_space<hbm>> -> memref<1x64xf32, #tpu.memory_space<hbm>>
      tpu.enqueue_dma source(%dma_start3A_201 : memref<1x64xf32, #tpu.memory_space<hbm>>) target(%dma_start3A_199 : memref<1x64xf32, #tpu.memory_space<vmem>>) target_semaphore(%arg12 : memref<!tpu.dma_semaphore, #tpu.memory_space<semaphore_mem>>)
      %slice3A_202 = vector.extract_strided_slice %get3A_55 {offsets = [6], sizes = [1], strides = [1]} : vector<16xi32> to vector<1xi32>
      %squeeze3A_203 = vector.extract %slice3A_202[0] : i32 from vector<1xi32>
      %slice3A_204 = vector.extract_strided_slice %get3A_60 {offsets = [6], sizes = [1], strides = [1]} : vector<16xi32> to vector<1xi32>
      %squeeze3A_205 = vector.extract %slice3A_204[0] : i32 from vector<1xi32>
      %add3A_206 = arith.constant 6 : i32
      %add3A_207 = arith.addi %mul3A_51, %add3A_206 : i32
      %dma_start3A_208 = arith.constant 0 : i32
      %dma_start3A_209 = tpu.memref_slice %arg9[%add3A_207, %dma_start3A_208] : memref<256x64xf32, #tpu.memory_space<vmem>> -> memref<1x64xf32, #tpu.memory_space<vmem>>
      %dma_start3A_210 = arith.constant 0 : i32
      %dma_start3A_211 = tpu.memref_slice %arg4[%squeeze3A_203, %dma_start3A_210] : memref<1000000x64xf32, #tpu.memory_space<hbm>> -> memref<1x64xf32, #tpu.memory_space<hbm>>
      %dma_start3A_212 = arith.constant 0 : i32
      %dma_start3A_213 = tpu.memref_slice %arg9[%add3A_207, %dma_start3A_212] : memref<256x64xf32, #tpu.memory_space<vmem>> -> memref<1x64xf32, #tpu.memory_space<vmem>>
      %dma_start3A_214 = arith.constant 0 : i32
      %dma_start3A_215 = tpu.memref_slice %arg4[%squeeze3A_203, %dma_start3A_214] : memref<1000000x64xf32, #tpu.memory_space<hbm>> -> memref<1x64xf32, #tpu.memory_space<hbm>>
      tpu.enqueue_dma source(%dma_start3A_215 : memref<1x64xf32, #tpu.memory_space<hbm>>) target(%dma_start3A_213 : memref<1x64xf32, #tpu.memory_space<vmem>>) target_semaphore(%arg12 : memref<!tpu.dma_semaphore, #tpu.memory_space<semaphore_mem>>)
      %add3A_216 = arith.constant 6 : i32
      %add3A_217 = arith.addi %mul3A_51, %add3A_216 : i32
      %dma_start3A_218 = arith.constant 0 : i32
      %dma_start3A_219 = tpu.memref_slice %arg10[%add3A_217, %dma_start3A_218] : memref<256x64xf32, #tpu.memory_space<vmem>> -> memref<1x64xf32, #tpu.memory_space<vmem>>
      %dma_start3A_220 = arith.constant 0 : i32
      %dma_start3A_221 = tpu.memref_slice %arg5[%squeeze3A_205, %dma_start3A_220] : memref<1000000x64xf32, #tpu.memory_space<hbm>> -> memref<1x64xf32, #tpu.memory_space<hbm>>
      %dma_start3A_222 = arith.constant 0 : i32
      %dma_start3A_223 = tpu.memref_slice %arg10[%add3A_217, %dma_start3A_222] : memref<256x64xf32, #tpu.memory_space<vmem>> -> memref<1x64xf32, #tpu.memory_space<vmem>>
      %dma_start3A_224 = arith.constant 0 : i32
      %dma_start3A_225 = tpu.memref_slice %arg5[%squeeze3A_205, %dma_start3A_224] : memref<1000000x64xf32, #tpu.memory_space<hbm>> -> memref<1x64xf32, #tpu.memory_space<hbm>>
      tpu.enqueue_dma source(%dma_start3A_225 : memref<1x64xf32, #tpu.memory_space<hbm>>) target(%dma_start3A_223 : memref<1x64xf32, #tpu.memory_space<vmem>>) target_semaphore(%arg12 : memref<!tpu.dma_semaphore, #tpu.memory_space<semaphore_mem>>)
      %slice3A_226 = vector.extract_strided_slice %get3A_55 {offsets = [7], sizes = [1], strides = [1]} : vector<16xi32> to vector<1xi32>
      %squeeze3A_227 = vector.extract %slice3A_226[0] : i32 from vector<1xi32>
      %slice3A_228 = vector.extract_strided_slice %get3A_60 {offsets = [7], sizes = [1], strides = [1]} : vector<16xi32> to vector<1xi32>
      %squeeze3A_229 = vector.extract %slice3A_228[0] : i32 from vector<1xi32>
      %add3A_230 = arith.constant 7 : i32
      %add3A_231 = arith.addi %mul3A_51, %add3A_230 : i32
      %dma_start3A_232 = arith.constant 0 : i32
      %dma_start3A_233 = tpu.memref_slice %arg9[%add3A_231, %dma_start3A_232] : memref<256x64xf32, #tpu.memory_space<vmem>> -> memref<1x64xf32, #tpu.memory_space<vmem>>
      %dma_start3A_234 = arith.constant 0 : i32
      %dma_start3A_235 = tpu.memref_slice %arg4[%squeeze3A_227, %dma_start3A_234] : memref<1000000x64xf32, #tpu.memory_space<hbm>> -> memref<1x64xf32, #tpu.memory_space<hbm>>
      %dma_start3A_236 = arith.constant 0 : i32
      %dma_start3A_237 = tpu.memref_slice %arg9[%add3A_231, %dma_start3A_236] : memref<256x64xf32, #tpu.memory_space<vmem>> -> memref<1x64xf32, #tpu.memory_space<vmem>>
      %dma_start3A_238 = arith.constant 0 : i32
      %dma_start3A_239 = tpu.memref_slice %arg4[%squeeze3A_227, %dma_start3A_238] : memref<1000000x64xf32, #tpu.memory_space<hbm>> -> memref<1x64xf32, #tpu.memory_space<hbm>>
      tpu.enqueue_dma source(%dma_start3A_239 : memref<1x64xf32, #tpu.memory_space<hbm>>) target(%dma_start3A_237 : memref<1x64xf32, #tpu.memory_space<vmem>>) target_semaphore(%arg12 : memref<!tpu.dma_semaphore, #tpu.memory_space<semaphore_mem>>)
      %add3A_240 = arith.constant 7 : i32
      %add3A_241 = arith.addi %mul3A_51, %add3A_240 : i32
      %dma_start3A_242 = arith.constant 0 : i32
      %dma_start3A_243 = tpu.memref_slice %arg10[%add3A_241, %dma_start3A_242] : memref<256x64xf32, #tpu.memory_space<vmem>> -> memref<1x64xf32, #tpu.memory_space<vmem>>
      %dma_start3A_244 = arith.constant 0 : i32
      %dma_start3A_245 = tpu.memref_slice %arg5[%squeeze3A_229, %dma_start3A_244] : memref<1000000x64xf32, #tpu.memory_space<hbm>> -> memref<1x64xf32, #tpu.memory_space<hbm>>
      %dma_start3A_246 = arith.constant 0 : i32
      %dma_start3A_247 = tpu.memref_slice %arg10[%add3A_241, %dma_start3A_246] : memref<256x64xf32, #tpu.memory_space<vmem>> -> memref<1x64xf32, #tpu.memory_space<vmem>>
      %dma_start3A_248 = arith.constant 0 : i32
      %dma_start3A_249 = tpu.memref_slice %arg5[%squeeze3A_229, %dma_start3A_248] : memref<1000000x64xf32, #tpu.memory_space<hbm>> -> memref<1x64xf32, #tpu.memory_space<hbm>>
      tpu.enqueue_dma source(%dma_start3A_249 : memref<1x64xf32, #tpu.memory_space<hbm>>) target(%dma_start3A_247 : memref<1x64xf32, #tpu.memory_space<vmem>>) target_semaphore(%arg12 : memref<!tpu.dma_semaphore, #tpu.memory_space<semaphore_mem>>)
      %slice3A_250 = vector.extract_strided_slice %get3A_55 {offsets = [8], sizes = [1], strides = [1]} : vector<16xi32> to vector<1xi32>
      %squeeze3A_251 = vector.extract %slice3A_250[0] : i32 from vector<1xi32>
      %slice3A_252 = vector.extract_strided_slice %get3A_60 {offsets = [8], sizes = [1], strides = [1]} : vector<16xi32> to vector<1xi32>
      %squeeze3A_253 = vector.extract %slice3A_252[0] : i32 from vector<1xi32>
      %add3A_254 = arith.constant 8 : i32
      %add3A_255 = arith.addi %mul3A_51, %add3A_254 : i32
      %dma_start3A_256 = arith.constant 0 : i32
      %dma_start3A_257 = tpu.memref_slice %arg9[%add3A_255, %dma_start3A_256] : memref<256x64xf32, #tpu.memory_space<vmem>> -> memref<1x64xf32, #tpu.memory_space<vmem>>
      %dma_start3A_258 = arith.constant 0 : i32
      %dma_start3A_259 = tpu.memref_slice %arg4[%squeeze3A_251, %dma_start3A_258] : memref<1000000x64xf32, #tpu.memory_space<hbm>> -> memref<1x64xf32, #tpu.memory_space<hbm>>
      %dma_start3A_260 = arith.constant 0 : i32
      %dma_start3A_261 = tpu.memref_slice %arg9[%add3A_255, %dma_start3A_260] : memref<256x64xf32, #tpu.memory_space<vmem>> -> memref<1x64xf32, #tpu.memory_space<vmem>>
      %dma_start3A_262 = arith.constant 0 : i32
      %dma_start3A_263 = tpu.memref_slice %arg4[%squeeze3A_251, %dma_start3A_262] : memref<1000000x64xf32, #tpu.memory_space<hbm>> -> memref<1x64xf32, #tpu.memory_space<hbm>>
      tpu.enqueue_dma source(%dma_start3A_263 : memref<1x64xf32, #tpu.memory_space<hbm>>) target(%dma_start3A_261 : memref<1x64xf32, #tpu.memory_space<vmem>>) target_semaphore(%arg12 : memref<!tpu.dma_semaphore, #tpu.memory_space<semaphore_mem>>)
      %add3A_264 = arith.constant 8 : i32
      %add3A_265 = arith.addi %mul3A_51, %add3A_264 : i32
      %dma_start3A_266 = arith.constant 0 : i32
      %dma_start3A_267 = tpu.memref_slice %arg10[%add3A_265, %dma_start3A_266] : memref<256x64xf32, #tpu.memory_space<vmem>> -> memref<1x64xf32, #tpu.memory_space<vmem>>
      %dma_start3A_268 = arith.constant 0 : i32
      %dma_start3A_269 = tpu.memref_slice %arg5[%squeeze3A_253, %dma_start3A_268] : memref<1000000x64xf32, #tpu.memory_space<hbm>> -> memref<1x64xf32, #tpu.memory_space<hbm>>
      %dma_start3A_270 = arith.constant 0 : i32
      %dma_start3A_271 = tpu.memref_slice %arg10[%add3A_265, %dma_start3A_270] : memref<256x64xf32, #tpu.memory_space<vmem>> -> memref<1x64xf32, #tpu.memory_space<vmem>>
      %dma_start3A_272 = arith.constant 0 : i32
      %dma_start3A_273 = tpu.memref_slice %arg5[%squeeze3A_253, %dma_start3A_272] : memref<1000000x64xf32, #tpu.memory_space<hbm>> -> memref<1x64xf32, #tpu.memory_space<hbm>>
      tpu.enqueue_dma source(%dma_start3A_273 : memref<1x64xf32, #tpu.memory_space<hbm>>) target(%dma_start3A_271 : memref<1x64xf32, #tpu.memory_space<vmem>>) target_semaphore(%arg12 : memref<!tpu.dma_semaphore, #tpu.memory_space<semaphore_mem>>)
      %slice3A_274 = vector.extract_strided_slice %get3A_55 {offsets = [9], sizes = [1], strides = [1]} : vector<16xi32> to vector<1xi32>
      %squeeze3A_275 = vector.extract %slice3A_274[0] : i32 from vector<1xi32>
      %slice3A_276 = vector.extract_strided_slice %get3A_60 {offsets = [9], sizes = [1], strides = [1]} : vector<16xi32> to vector<1xi32>
      %squeeze3A_277 = vector.extract %slice3A_276[0] : i32 from vector<1xi32>
      %add3A_278 = arith.constant 9 : i32
      %add3A_279 = arith.addi %mul3A_51, %add3A_278 : i32
      %dma_start3A_280 = arith.constant 0 : i32
      %dma_start3A_281 = tpu.memref_slice %arg9[%add3A_279, %dma_start3A_280] : memref<256x64xf32, #tpu.memory_space<vmem>> -> memref<1x64xf32, #tpu.memory_space<vmem>>
      %dma_start3A_282 = arith.constant 0 : i32
      %dma_start3A_283 = tpu.memref_slice %arg4[%squeeze3A_275, %dma_start3A_282] : memref<1000000x64xf32, #tpu.memory_space<hbm>> -> memref<1x64xf32, #tpu.memory_space<hbm>>
      %dma_start3A_284 = arith.constant 0 : i32
      %dma_start3A_285 = tpu.memref_slice %arg9[%add3A_279, %dma_start3A_284] : memref<256x64xf32, #tpu.memory_space<vmem>> -> memref<1x64xf32, #tpu.memory_space<vmem>>
      %dma_start3A_286 = arith.constant 0 : i32
      %dma_start3A_287 = tpu.memref_slice %arg4[%squeeze3A_275, %dma_start3A_286] : memref<1000000x64xf32, #tpu.memory_space<hbm>> -> memref<1x64xf32, #tpu.memory_space<hbm>>
      tpu.enqueue_dma source(%dma_start3A_287 : memref<1x64xf32, #tpu.memory_space<hbm>>) target(%dma_start3A_285 : memref<1x64xf32, #tpu.memory_space<vmem>>) target_semaphore(%arg12 : memref<!tpu.dma_semaphore, #tpu.memory_space<semaphore_mem>>)
      %add3A_288 = arith.constant 9 : i32
      %add3A_289 = arith.addi %mul3A_51, %add3A_288 : i32
      %dma_start3A_290 = arith.constant 0 : i32
      %dma_start3A_291 = tpu.memref_slice %arg10[%add3A_289, %dma_start3A_290] : memref<256x64xf32, #tpu.memory_space<vmem>> -> memref<1x64xf32, #tpu.memory_space<vmem>>
      %dma_start3A_292 = arith.constant 0 : i32
      %dma_start3A_293 = tpu.memref_slice %arg5[%squeeze3A_277, %dma_start3A_292] : memref<1000000x64xf32, #tpu.memory_space<hbm>> -> memref<1x64xf32, #tpu.memory_space<hbm>>
      %dma_start3A_294 = arith.constant 0 : i32
      %dma_start3A_295 = tpu.memref_slice %arg10[%add3A_289, %dma_start3A_294] : memref<256x64xf32, #tpu.memory_space<vmem>> -> memref<1x64xf32, #tpu.memory_space<vmem>>
      %dma_start3A_296 = arith.constant 0 : i32
      %dma_start3A_297 = tpu.memref_slice %arg5[%squeeze3A_277, %dma_start3A_296] : memref<1000000x64xf32, #tpu.memory_space<hbm>> -> memref<1x64xf32, #tpu.memory_space<hbm>>
      tpu.enqueue_dma source(%dma_start3A_297 : memref<1x64xf32, #tpu.memory_space<hbm>>) target(%dma_start3A_295 : memref<1x64xf32, #tpu.memory_space<vmem>>) target_semaphore(%arg12 : memref<!tpu.dma_semaphore, #tpu.memory_space<semaphore_mem>>)
      %slice3A_298 = vector.extract_strided_slice %get3A_55 {offsets = [10], sizes = [1], strides = [1]} : vector<16xi32> to vector<1xi32>
      %squeeze3A_299 = vector.extract %slice3A_298[0] : i32 from vector<1xi32>
      %slice3A_300 = vector.extract_strided_slice %get3A_60 {offsets = [10], sizes = [1], strides = [1]} : vector<16xi32> to vector<1xi32>
      %squeeze3A_301 = vector.extract %slice3A_300[0] : i32 from vector<1xi32>
      %add3A_302 = arith.constant 10 : i32
      %add3A_303 = arith.addi %mul3A_51, %add3A_302 : i32
      %dma_start3A_304 = arith.constant 0 : i32
      %dma_start3A_305 = tpu.memref_slice %arg9[%add3A_303, %dma_start3A_304] : memref<256x64xf32, #tpu.memory_space<vmem>> -> memref<1x64xf32, #tpu.memory_space<vmem>>
      %dma_start3A_306 = arith.constant 0 : i32
      %dma_start3A_307 = tpu.memref_slice %arg4[%squeeze3A_299, %dma_start3A_306] : memref<1000000x64xf32, #tpu.memory_space<hbm>> -> memref<1x64xf32, #tpu.memory_space<hbm>>
      %dma_start3A_308 = arith.constant 0 : i32
      %dma_start3A_309 = tpu.memref_slice %arg9[%add3A_303, %dma_start3A_308] : memref<256x64xf32, #tpu.memory_space<vmem>> -> memref<1x64xf32, #tpu.memory_space<vmem>>
      %dma_start3A_310 = arith.constant 0 : i32
      %dma_start3A_311 = tpu.memref_slice %arg4[%squeeze3A_299, %dma_start3A_310] : memref<1000000x64xf32, #tpu.memory_space<hbm>> -> memref<1x64xf32, #tpu.memory_space<hbm>>
      tpu.enqueue_dma source(%dma_start3A_311 : memref<1x64xf32, #tpu.memory_space<hbm>>) target(%dma_start3A_309 : memref<1x64xf32, #tpu.memory_space<vmem>>) target_semaphore(%arg12 : memref<!tpu.dma_semaphore, #tpu.memory_space<semaphore_mem>>)
      %add3A_312 = arith.constant 10 : i32
      %add3A_313 = arith.addi %mul3A_51, %add3A_312 : i32
      %dma_start3A_314 = arith.constant 0 : i32
      %dma_start3A_315 = tpu.memref_slice %arg10[%add3A_313, %dma_start3A_314] : memref<256x64xf32, #tpu.memory_space<vmem>> -> memref<1x64xf32, #tpu.memory_space<vmem>>
      %dma_start3A_316 = arith.constant 0 : i32
      %dma_start3A_317 = tpu.memref_slice %arg5[%squeeze3A_301, %dma_start3A_316] : memref<1000000x64xf32, #tpu.memory_space<hbm>> -> memref<1x64xf32, #tpu.memory_space<hbm>>
      %dma_start3A_318 = arith.constant 0 : i32
      %dma_start3A_319 = tpu.memref_slice %arg10[%add3A_313, %dma_start3A_318] : memref<256x64xf32, #tpu.memory_space<vmem>> -> memref<1x64xf32, #tpu.memory_space<vmem>>
      %dma_start3A_320 = arith.constant 0 : i32
      %dma_start3A_321 = tpu.memref_slice %arg5[%squeeze3A_301, %dma_start3A_320] : memref<1000000x64xf32, #tpu.memory_space<hbm>> -> memref<1x64xf32, #tpu.memory_space<hbm>>
      tpu.enqueue_dma source(%dma_start3A_321 : memref<1x64xf32, #tpu.memory_space<hbm>>) target(%dma_start3A_319 : memref<1x64xf32, #tpu.memory_space<vmem>>) target_semaphore(%arg12 : memref<!tpu.dma_semaphore, #tpu.memory_space<semaphore_mem>>)
      %slice3A_322 = vector.extract_strided_slice %get3A_55 {offsets = [11], sizes = [1], strides = [1]} : vector<16xi32> to vector<1xi32>
      %squeeze3A_323 = vector.extract %slice3A_322[0] : i32 from vector<1xi32>
      %slice3A_324 = vector.extract_strided_slice %get3A_60 {offsets = [11], sizes = [1], strides = [1]} : vector<16xi32> to vector<1xi32>
      %squeeze3A_325 = vector.extract %slice3A_324[0] : i32 from vector<1xi32>
      %add3A_326 = arith.constant 11 : i32
      %add3A_327 = arith.addi %mul3A_51, %add3A_326 : i32
      %dma_start3A_328 = arith.constant 0 : i32
      %dma_start3A_329 = tpu.memref_slice %arg9[%add3A_327, %dma_start3A_328] : memref<256x64xf32, #tpu.memory_space<vmem>> -> memref<1x64xf32, #tpu.memory_space<vmem>>
      %dma_start3A_330 = arith.constant 0 : i32
      %dma_start3A_331 = tpu.memref_slice %arg4[%squeeze3A_323, %dma_start3A_330] : memref<1000000x64xf32, #tpu.memory_space<hbm>> -> memref<1x64xf32, #tpu.memory_space<hbm>>
      %dma_start3A_332 = arith.constant 0 : i32
      %dma_start3A_333 = tpu.memref_slice %arg9[%add3A_327, %dma_start3A_332] : memref<256x64xf32, #tpu.memory_space<vmem>> -> memref<1x64xf32, #tpu.memory_space<vmem>>
      %dma_start3A_334 = arith.constant 0 : i32
      %dma_start3A_335 = tpu.memref_slice %arg4[%squeeze3A_323, %dma_start3A_334] : memref<1000000x64xf32, #tpu.memory_space<hbm>> -> memref<1x64xf32, #tpu.memory_space<hbm>>
      tpu.enqueue_dma source(%dma_start3A_335 : memref<1x64xf32, #tpu.memory_space<hbm>>) target(%dma_start3A_333 : memref<1x64xf32, #tpu.memory_space<vmem>>) target_semaphore(%arg12 : memref<!tpu.dma_semaphore, #tpu.memory_space<semaphore_mem>>)
      %add3A_336 = arith.constant 11 : i32
      %add3A_337 = arith.addi %mul3A_51, %add3A_336 : i32
      %dma_start3A_338 = arith.constant 0 : i32
      %dma_start3A_339 = tpu.memref_slice %arg10[%add3A_337, %dma_start3A_338] : memref<256x64xf32, #tpu.memory_space<vmem>> -> memref<1x64xf32, #tpu.memory_space<vmem>>
      %dma_start3A_340 = arith.constant 0 : i32
      %dma_start3A_341 = tpu.memref_slice %arg5[%squeeze3A_325, %dma_start3A_340] : memref<1000000x64xf32, #tpu.memory_space<hbm>> -> memref<1x64xf32, #tpu.memory_space<hbm>>
      %dma_start3A_342 = arith.constant 0 : i32
      %dma_start3A_343 = tpu.memref_slice %arg10[%add3A_337, %dma_start3A_342] : memref<256x64xf32, #tpu.memory_space<vmem>> -> memref<1x64xf32, #tpu.memory_space<vmem>>
      %dma_start3A_344 = arith.constant 0 : i32
      %dma_start3A_345 = tpu.memref_slice %arg5[%squeeze3A_325, %dma_start3A_344] : memref<1000000x64xf32, #tpu.memory_space<hbm>> -> memref<1x64xf32, #tpu.memory_space<hbm>>
      tpu.enqueue_dma source(%dma_start3A_345 : memref<1x64xf32, #tpu.memory_space<hbm>>) target(%dma_start3A_343 : memref<1x64xf32, #tpu.memory_space<vmem>>) target_semaphore(%arg12 : memref<!tpu.dma_semaphore, #tpu.memory_space<semaphore_mem>>)
      %slice3A_346 = vector.extract_strided_slice %get3A_55 {offsets = [12], sizes = [1], strides = [1]} : vector<16xi32> to vector<1xi32>
      %squeeze3A_347 = vector.extract %slice3A_346[0] : i32 from vector<1xi32>
      %slice3A_348 = vector.extract_strided_slice %get3A_60 {offsets = [12], sizes = [1], strides = [1]} : vector<16xi32> to vector<1xi32>
      %squeeze3A_349 = vector.extract %slice3A_348[0] : i32 from vector<1xi32>
      %add3A_350 = arith.constant 12 : i32
      %add3A_351 = arith.addi %mul3A_51, %add3A_350 : i32
      %dma_start3A_352 = arith.constant 0 : i32
      %dma_start3A_353 = tpu.memref_slice %arg9[%add3A_351, %dma_start3A_352] : memref<256x64xf32, #tpu.memory_space<vmem>> -> memref<1x64xf32, #tpu.memory_space<vmem>>
      %dma_start3A_354 = arith.constant 0 : i32
      %dma_start3A_355 = tpu.memref_slice %arg4[%squeeze3A_347, %dma_start3A_354] : memref<1000000x64xf32, #tpu.memory_space<hbm>> -> memref<1x64xf32, #tpu.memory_space<hbm>>
      %dma_start3A_356 = arith.constant 0 : i32
      %dma_start3A_357 = tpu.memref_slice %arg9[%add3A_351, %dma_start3A_356] : memref<256x64xf32, #tpu.memory_space<vmem>> -> memref<1x64xf32, #tpu.memory_space<vmem>>
      %dma_start3A_358 = arith.constant 0 : i32
      %dma_start3A_359 = tpu.memref_slice %arg4[%squeeze3A_347, %dma_start3A_358] : memref<1000000x64xf32, #tpu.memory_space<hbm>> -> memref<1x64xf32, #tpu.memory_space<hbm>>
      tpu.enqueue_dma source(%dma_start3A_359 : memref<1x64xf32, #tpu.memory_space<hbm>>) target(%dma_start3A_357 : memref<1x64xf32, #tpu.memory_space<vmem>>) target_semaphore(%arg12 : memref<!tpu.dma_semaphore, #tpu.memory_space<semaphore_mem>>)
      %add3A_360 = arith.constant 12 : i32
      %add3A_361 = arith.addi %mul3A_51, %add3A_360 : i32
      %dma_start3A_362 = arith.constant 0 : i32
      %dma_start3A_363 = tpu.memref_slice %arg10[%add3A_361, %dma_start3A_362] : memref<256x64xf32, #tpu.memory_space<vmem>> -> memref<1x64xf32, #tpu.memory_space<vmem>>
      %dma_start3A_364 = arith.constant 0 : i32
      %dma_start3A_365 = tpu.memref_slice %arg5[%squeeze3A_349, %dma_start3A_364] : memref<1000000x64xf32, #tpu.memory_space<hbm>> -> memref<1x64xf32, #tpu.memory_space<hbm>>
      %dma_start3A_366 = arith.constant 0 : i32
      %dma_start3A_367 = tpu.memref_slice %arg10[%add3A_361, %dma_start3A_366] : memref<256x64xf32, #tpu.memory_space<vmem>> -> memref<1x64xf32, #tpu.memory_space<vmem>>
      %dma_start3A_368 = arith.constant 0 : i32
      %dma_start3A_369 = tpu.memref_slice %arg5[%squeeze3A_349, %dma_start3A_368] : memref<1000000x64xf32, #tpu.memory_space<hbm>> -> memref<1x64xf32, #tpu.memory_space<hbm>>
      tpu.enqueue_dma source(%dma_start3A_369 : memref<1x64xf32, #tpu.memory_space<hbm>>) target(%dma_start3A_367 : memref<1x64xf32, #tpu.memory_space<vmem>>) target_semaphore(%arg12 : memref<!tpu.dma_semaphore, #tpu.memory_space<semaphore_mem>>)
      %slice3A_370 = vector.extract_strided_slice %get3A_55 {offsets = [13], sizes = [1], strides = [1]} : vector<16xi32> to vector<1xi32>
      %squeeze3A_371 = vector.extract %slice3A_370[0] : i32 from vector<1xi32>
      %slice3A_372 = vector.extract_strided_slice %get3A_60 {offsets = [13], sizes = [1], strides = [1]} : vector<16xi32> to vector<1xi32>
      %squeeze3A_373 = vector.extract %slice3A_372[0] : i32 from vector<1xi32>
      %add3A_374 = arith.constant 13 : i32
      %add3A_375 = arith.addi %mul3A_51, %add3A_374 : i32
      %dma_start3A_376 = arith.constant 0 : i32
      %dma_start3A_377 = tpu.memref_slice %arg9[%add3A_375, %dma_start3A_376] : memref<256x64xf32, #tpu.memory_space<vmem>> -> memref<1x64xf32, #tpu.memory_space<vmem>>
      %dma_start3A_378 = arith.constant 0 : i32
      %dma_start3A_379 = tpu.memref_slice %arg4[%squeeze3A_371, %dma_start3A_378] : memref<1000000x64xf32, #tpu.memory_space<hbm>> -> memref<1x64xf32, #tpu.memory_space<hbm>>
      %dma_start3A_380 = arith.constant 0 : i32
      %dma_start3A_381 = tpu.memref_slice %arg9[%add3A_375, %dma_start3A_380] : memref<256x64xf32, #tpu.memory_space<vmem>> -> memref<1x64xf32, #tpu.memory_space<vmem>>
      %dma_start3A_382 = arith.constant 0 : i32
      %dma_start3A_383 = tpu.memref_slice %arg4[%squeeze3A_371, %dma_start3A_382] : memref<1000000x64xf32, #tpu.memory_space<hbm>> -> memref<1x64xf32, #tpu.memory_space<hbm>>
      tpu.enqueue_dma source(%dma_start3A_383 : memref<1x64xf32, #tpu.memory_space<hbm>>) target(%dma_start3A_381 : memref<1x64xf32, #tpu.memory_space<vmem>>) target_semaphore(%arg12 : memref<!tpu.dma_semaphore, #tpu.memory_space<semaphore_mem>>)
      %add3A_384 = arith.constant 13 : i32
      %add3A_385 = arith.addi %mul3A_51, %add3A_384 : i32
      %dma_start3A_386 = arith.constant 0 : i32
      %dma_start3A_387 = tpu.memref_slice %arg10[%add3A_385, %dma_start3A_386] : memref<256x64xf32, #tpu.memory_space<vmem>> -> memref<1x64xf32, #tpu.memory_space<vmem>>
      %dma_start3A_388 = arith.constant 0 : i32
      %dma_start3A_389 = tpu.memref_slice %arg5[%squeeze3A_373, %dma_start3A_388] : memref<1000000x64xf32, #tpu.memory_space<hbm>> -> memref<1x64xf32, #tpu.memory_space<hbm>>
      %dma_start3A_390 = arith.constant 0 : i32
      %dma_start3A_391 = tpu.memref_slice %arg10[%add3A_385, %dma_start3A_390] : memref<256x64xf32, #tpu.memory_space<vmem>> -> memref<1x64xf32, #tpu.memory_space<vmem>>
      %dma_start3A_392 = arith.constant 0 : i32
      %dma_start3A_393 = tpu.memref_slice %arg5[%squeeze3A_373, %dma_start3A_392] : memref<1000000x64xf32, #tpu.memory_space<hbm>> -> memref<1x64xf32, #tpu.memory_space<hbm>>
      tpu.enqueue_dma source(%dma_start3A_393 : memref<1x64xf32, #tpu.memory_space<hbm>>) target(%dma_start3A_391 : memref<1x64xf32, #tpu.memory_space<vmem>>) target_semaphore(%arg12 : memref<!tpu.dma_semaphore, #tpu.memory_space<semaphore_mem>>)
      %slice3A_394 = vector.extract_strided_slice %get3A_55 {offsets = [14], sizes = [1], strides = [1]} : vector<16xi32> to vector<1xi32>
      %squeeze3A_395 = vector.extract %slice3A_394[0] : i32 from vector<1xi32>
      %slice3A_396 = vector.extract_strided_slice %get3A_60 {offsets = [14], sizes = [1], strides = [1]} : vector<16xi32> to vector<1xi32>
      %squeeze3A_397 = vector.extract %slice3A_396[0] : i32 from vector<1xi32>
      %add3A_398 = arith.constant 14 : i32
      %add3A_399 = arith.addi %mul3A_51, %add3A_398 : i32
      %dma_start3A_400 = arith.constant 0 : i32
      %dma_start3A_401 = tpu.memref_slice %arg9[%add3A_399, %dma_start3A_400] : memref<256x64xf32, #tpu.memory_space<vmem>> -> memref<1x64xf32, #tpu.memory_space<vmem>>
      %dma_start3A_402 = arith.constant 0 : i32
      %dma_start3A_403 = tpu.memref_slice %arg4[%squeeze3A_395, %dma_start3A_402] : memref<1000000x64xf32, #tpu.memory_space<hbm>> -> memref<1x64xf32, #tpu.memory_space<hbm>>
      %dma_start3A_404 = arith.constant 0 : i32
      %dma_start3A_405 = tpu.memref_slice %arg9[%add3A_399, %dma_start3A_404] : memref<256x64xf32, #tpu.memory_space<vmem>> -> memref<1x64xf32, #tpu.memory_space<vmem>>
      %dma_start3A_406 = arith.constant 0 : i32
      %dma_start3A_407 = tpu.memref_slice %arg4[%squeeze3A_395, %dma_start3A_406] : memref<1000000x64xf32, #tpu.memory_space<hbm>> -> memref<1x64xf32, #tpu.memory_space<hbm>>
      tpu.enqueue_dma source(%dma_start3A_407 : memref<1x64xf32, #tpu.memory_space<hbm>>) target(%dma_start3A_405 : memref<1x64xf32, #tpu.memory_space<vmem>>) target_semaphore(%arg12 : memref<!tpu.dma_semaphore, #tpu.memory_space<semaphore_mem>>)
      %add3A_408 = arith.constant 14 : i32
      %add3A_409 = arith.addi %mul3A_51, %add3A_408 : i32
      %dma_start3A_410 = arith.constant 0 : i32
      %dma_start3A_411 = tpu.memref_slice %arg10[%add3A_409, %dma_start3A_410] : memref<256x64xf32, #tpu.memory_space<vmem>> -> memref<1x64xf32, #tpu.memory_space<vmem>>
      %dma_start3A_412 = arith.constant 0 : i32
      %dma_start3A_413 = tpu.memref_slice %arg5[%squeeze3A_397, %dma_start3A_412] : memref<1000000x64xf32, #tpu.memory_space<hbm>> -> memref<1x64xf32, #tpu.memory_space<hbm>>
      %dma_start3A_414 = arith.constant 0 : i32
      %dma_start3A_415 = tpu.memref_slice %arg10[%add3A_409, %dma_start3A_414] : memref<256x64xf32, #tpu.memory_space<vmem>> -> memref<1x64xf32, #tpu.memory_space<vmem>>
      %dma_start3A_416 = arith.constant 0 : i32
      %dma_start3A_417 = tpu.memref_slice %arg5[%squeeze3A_397, %dma_start3A_416] : memref<1000000x64xf32, #tpu.memory_space<hbm>> -> memref<1x64xf32, #tpu.memory_space<hbm>>
      tpu.enqueue_dma source(%dma_start3A_417 : memref<1x64xf32, #tpu.memory_space<hbm>>) target(%dma_start3A_415 : memref<1x64xf32, #tpu.memory_space<vmem>>) target_semaphore(%arg12 : memref<!tpu.dma_semaphore, #tpu.memory_space<semaphore_mem>>)
      %slice3A_418 = vector.extract_strided_slice %get3A_55 {offsets = [15], sizes = [1], strides = [1]} : vector<16xi32> to vector<1xi32>
      %squeeze3A_419 = vector.extract %slice3A_418[0] : i32 from vector<1xi32>
      %slice3A_420 = vector.extract_strided_slice %get3A_60 {offsets = [15], sizes = [1], strides = [1]} : vector<16xi32> to vector<1xi32>
      %squeeze3A_421 = vector.extract %slice3A_420[0] : i32 from vector<1xi32>
      %add3A_422 = arith.constant 15 : i32
      %add3A_423 = arith.addi %mul3A_51, %add3A_422 : i32
      %dma_start3A_424 = arith.constant 0 : i32
      %dma_start3A_425 = tpu.memref_slice %arg9[%add3A_423, %dma_start3A_424] : memref<256x64xf32, #tpu.memory_space<vmem>> -> memref<1x64xf32, #tpu.memory_space<vmem>>
      %dma_start3A_426 = arith.constant 0 : i32
      %dma_start3A_427 = tpu.memref_slice %arg4[%squeeze3A_419, %dma_start3A_426] : memref<1000000x64xf32, #tpu.memory_space<hbm>> -> memref<1x64xf32, #tpu.memory_space<hbm>>
      %dma_start3A_428 = arith.constant 0 : i32
      %dma_start3A_429 = tpu.memref_slice %arg9[%add3A_423, %dma_start3A_428] : memref<256x64xf32, #tpu.memory_space<vmem>> -> memref<1x64xf32, #tpu.memory_space<vmem>>
      %dma_start3A_430 = arith.constant 0 : i32
      %dma_start3A_431 = tpu.memref_slice %arg4[%squeeze3A_419, %dma_start3A_430] : memref<1000000x64xf32, #tpu.memory_space<hbm>> -> memref<1x64xf32, #tpu.memory_space<hbm>>
      tpu.enqueue_dma source(%dma_start3A_431 : memref<1x64xf32, #tpu.memory_space<hbm>>) target(%dma_start3A_429 : memref<1x64xf32, #tpu.memory_space<vmem>>) target_semaphore(%arg12 : memref<!tpu.dma_semaphore, #tpu.memory_space<semaphore_mem>>)
      %add3A_432 = arith.constant 15 : i32
      %add3A_433 = arith.addi %mul3A_51, %add3A_432 : i32
      %dma_start3A_434 = arith.constant 0 : i32
      %dma_start3A_435 = tpu.memref_slice %arg10[%add3A_433, %dma_start3A_434] : memref<256x64xf32, #tpu.memory_space<vmem>> -> memref<1x64xf32, #tpu.memory_space<vmem>>
      %dma_start3A_436 = arith.constant 0 : i32
      %dma_start3A_437 = tpu.memref_slice %arg5[%squeeze3A_421, %dma_start3A_436] : memref<1000000x64xf32, #tpu.memory_space<hbm>> -> memref<1x64xf32, #tpu.memory_space<hbm>>
      %dma_start3A_438 = arith.constant 0 : i32
      %dma_start3A_439 = tpu.memref_slice %arg10[%add3A_433, %dma_start3A_438] : memref<256x64xf32, #tpu.memory_space<vmem>> -> memref<1x64xf32, #tpu.memory_space<vmem>>
      %dma_start3A_440 = arith.constant 0 : i32
      %dma_start3A_441 = tpu.memref_slice %arg5[%squeeze3A_421, %dma_start3A_440] : memref<1000000x64xf32, #tpu.memory_space<hbm>> -> memref<1x64xf32, #tpu.memory_space<hbm>>
      tpu.enqueue_dma source(%dma_start3A_441 : memref<1x64xf32, #tpu.memory_space<hbm>>) target(%dma_start3A_439 : memref<1x64xf32, #tpu.memory_space<vmem>>) target_semaphore(%arg12 : memref<!tpu.dma_semaphore, #tpu.memory_space<semaphore_mem>>)
    }
    %scan3A_18 = arith.constant 16 : i32
    %scan3A_19 = arith.constant 0 : i32
    %scan3A_20 = arith.constant 0 : i32
    %scan3A_21 = arith.constant 256 : i32
    %scan3A_22 = arith.addi %scan3A_20, %scan3A_21 : i32
    %scan3A_23 = arith.constant 1 : i32
    scf.for %scan3A_49 = %scan3A_20 to %scan3A_22 step %scan3A_23  : i32 {
      %dma_wait3A = arith.constant 0 : i32
      %dma_wait3A_50 = arith.constant 0 : i32
      %dma_wait3A_51 = tpu.memref_slice %arg9[%dma_wait3A, %dma_wait3A_50] : memref<256x64xf32, #tpu.memory_space<vmem>> -> memref<1x64xf32, #tpu.memory_space<vmem>>
      %dma_wait3A_52 = arith.constant 0 : i32
      %dma_wait3A_53 = arith.constant 0 : i32
      %dma_wait3A_54 = tpu.memref_slice %arg4[%dma_wait3A_52, %dma_wait3A_53] : memref<1000000x64xf32, #tpu.memory_space<hbm>> -> memref<1x64xf32, #tpu.memory_space<hbm>>
      %dma_wait3A_55 = arith.constant 0 : i32
      %dma_wait3A_56 = arith.constant 0 : i32
      %dma_wait3A_57 = tpu.memref_slice %arg9[%dma_wait3A_55, %dma_wait3A_56] : memref<256x64xf32, #tpu.memory_space<vmem>> -> memref<1x64xf32, #tpu.memory_space<vmem>>
      %dma_wait3A_58 = arith.constant 0 : i32
      %dma_wait3A_59 = arith.constant 0 : i32
      %dma_wait3A_60 = tpu.memref_slice %arg4[%dma_wait3A_58, %dma_wait3A_59] : memref<1000000x64xf32, #tpu.memory_space<hbm>> -> memref<1x64xf32, #tpu.memory_space<hbm>>
      tpu.wait_dma2 semaphore(%arg12 : memref<!tpu.dma_semaphore, #tpu.memory_space<semaphore_mem>>) src(%dma_wait3A_60 : memref<1x64xf32, #tpu.memory_space<hbm>>) dst(%dma_wait3A_57 : memref<1x64xf32, #tpu.memory_space<vmem>>)
      %dma_wait3A_61 = arith.constant 0 : i32
      %dma_wait3A_62 = arith.constant 0 : i32
      %dma_wait3A_63 = tpu.memref_slice %arg10[%dma_wait3A_61, %dma_wait3A_62] : memref<256x64xf32, #tpu.memory_space<vmem>> -> memref<1x64xf32, #tpu.memory_space<vmem>>
      %dma_wait3A_64 = arith.constant 0 : i32
      %dma_wait3A_65 = arith.constant 0 : i32
      %dma_wait3A_66 = tpu.memref_slice %arg4[%dma_wait3A_64, %dma_wait3A_65] : memref<1000000x64xf32, #tpu.memory_space<hbm>> -> memref<1x64xf32, #tpu.memory_space<hbm>>
      %dma_wait3A_67 = arith.constant 0 : i32
      %dma_wait3A_68 = arith.constant 0 : i32
      %dma_wait3A_69 = tpu.memref_slice %arg10[%dma_wait3A_67, %dma_wait3A_68] : memref<256x64xf32, #tpu.memory_space<vmem>> -> memref<1x64xf32, #tpu.memory_space<vmem>>
      %dma_wait3A_70 = arith.constant 0 : i32
      %dma_wait3A_71 = arith.constant 0 : i32
      %dma_wait3A_72 = tpu.memref_slice %arg4[%dma_wait3A_70, %dma_wait3A_71] : memref<1000000x64xf32, #tpu.memory_space<hbm>> -> memref<1x64xf32, #tpu.memory_space<hbm>>
      tpu.wait_dma2 semaphore(%arg12 : memref<!tpu.dma_semaphore, #tpu.memory_space<semaphore_mem>>) src(%dma_wait3A_72 : memref<1x64xf32, #tpu.memory_space<hbm>>) dst(%dma_wait3A_69 : memref<1x64xf32, #tpu.memory_space<vmem>>)
    }
    %scan3A_24 = arith.constant 256 : i32
    %scan3A_25 = arith.constant 0 : i32
    %scan3A_26 = arith.constant 0 : i32
    %scan3A_27 = arith.constant 16 : i32
    %scan3A_28 = arith.addi %scan3A_26, %scan3A_27 : i32
    %scan3A_29 = arith.constant 1 : i32
    scf.for %scan3A_49 = %scan3A_26 to %scan3A_28 step %scan3A_29  : i32 {
      %mul3A_50 = arith.constant 16 : i32
      %mul3A_51 = arith.muli %scan3A_49, %mul3A_50 : i32
      %broadcast_in_dim3A = arith.constant 0.000000e+00 : f32
      %broadcast_in_dim3A_52 = vector.broadcast %broadcast_in_dim3A : f32 to vector<16xf32>
      %add3A_53 = arith.constant 0 : i32
      %add3A_54 = arith.addi %mul3A_51, %add3A_53 : i32
      %get3A = arith.index_cast %add3A_54 : i32 to index
      %get3A_55 = arith.constant 0 : index
      %get3A_56 = tpu.vector_load %arg9[%get3A, %get3A_55] {strides = array<i32>} : memref<256x64xf32, #tpu.memory_space<vmem>>, vector<1x16xf32>,
      %get3A_57 = vector.shape_cast %get3A_56 : vector<1x16xf32> to vector<16xf32>
      %get3A_58 = arith.index_cast %add3A_54 : i32 to index
      %get3A_59 = arith.constant 0 : index
      %get3A_60 = tpu.vector_load %arg10[%get3A_58, %get3A_59] {strides = array<i32>} : memref<256x64xf32, #tpu.memory_space<vmem>>, vector<1x16xf32>,
      %get3A_61 = vector.shape_cast %get3A_60 : vector<1x16xf32> to vector<16xf32>
      %mul3A_62 = arith.mulf %get3A_57, %get3A_61 : vector<16xf32>
      %get3A_63 = arith.index_cast %add3A_54 : i32 to index
      %get3A_64 = arith.constant 16 : index
      %get3A_65 = tpu.vector_load %arg9[%get3A_63, %get3A_64] {strides = array<i32>} : memref<256x64xf32, #tpu.memory_space<vmem>>, vector<1x16xf32>,
      %get3A_66 = vector.shape_cast %get3A_65 : vector<1x16xf32> to vector<16xf32>
      %get3A_67 = arith.index_cast %add3A_54 : i32 to index
      %get3A_68 = arith.constant 16 : index
      %get3A_69 = tpu.vector_load %arg10[%get3A_67, %get3A_68] {strides = array<i32>} : memref<256x64xf32, #tpu.memory_space<vmem>>, vector<1x16xf32>,
      %get3A_70 = vector.shape_cast %get3A_69 : vector<1x16xf32> to vector<16xf32>
      %mul3A_71 = arith.mulf %get3A_66, %get3A_70 : vector<16xf32>
      %add3A_72 = arith.addf %mul3A_62, %mul3A_71 : vector<16xf32>
      %get3A_73 = arith.index_cast %add3A_54 : i32 to index
      %get3A_74 = arith.constant 32 : index
      %get3A_75 = tpu.vector_load %arg9[%get3A_73, %get3A_74] {strides = array<i32>} : memref<256x64xf32, #tpu.memory_space<vmem>>, vector<1x16xf32>,
      %get3A_76 = vector.shape_cast %get3A_75 : vector<1x16xf32> to vector<16xf32>
      %get3A_77 = arith.index_cast %add3A_54 : i32 to index
      %get3A_78 = arith.constant 32 : index
      %get3A_79 = tpu.vector_load %arg10[%get3A_77, %get3A_78] {strides = array<i32>} : memref<256x64xf32, #tpu.memory_space<vmem>>, vector<1x16xf32>,
      %get3A_80 = vector.shape_cast %get3A_79 : vector<1x16xf32> to vector<16xf32>
      %mul3A_81 = arith.mulf %get3A_76, %get3A_80 : vector<16xf32>
      %add3A_82 = arith.addf %add3A_72, %mul3A_81 : vector<16xf32>
      %get3A_83 = arith.index_cast %add3A_54 : i32 to index
      %get3A_84 = arith.constant 48 : index
      %get3A_85 = tpu.vector_load %arg9[%get3A_83, %get3A_84] {strides = array<i32>} : memref<256x64xf32, #tpu.memory_space<vmem>>, vector<1x16xf32>,
      %get3A_86 = vector.shape_cast %get3A_85 : vector<1x16xf32> to vector<16xf32>
      %get3A_87 = arith.index_cast %add3A_54 : i32 to index
      %get3A_88 = arith.constant 48 : index
      %get3A_89 = tpu.vector_load %arg10[%get3A_87, %get3A_88] {strides = array<i32>} : memref<256x64xf32, #tpu.memory_space<vmem>>, vector<1x16xf32>,
      %get3A_90 = vector.shape_cast %get3A_89 : vector<1x16xf32> to vector<16xf32>
      %mul3A_91 = arith.mulf %get3A_86, %get3A_90 : vector<16xf32>
      %add3A_92 = arith.addf %add3A_82, %mul3A_91 : vector<16xf32>
      %eq3A = arith.constant 0 : i32
      %eq3A_93 = vector.broadcast %eq3A : i32 to vector<16xi32>
      %eq3A_94 = arith.cmpi eq, %iota3A, %eq3A_93 : vector<16xi32>
      %broadcast_in_dim3A_95 = vector.shape_cast %xor3A_4 : vector<16xi32> to vector<16x1xi32>
      %gather3A = vector.shape_cast %broadcast_in_dim3A_95 : vector<16x1xi32> to vector<16xi32>
      %gather3A_96 = tpu.dynamic_gather %add3A_92[%gather3A] in [0] : vector<16xf32>, vector<16xi32> -> vector<16xf32>
      %add3A_97 = arith.addf %add3A_92, %gather3A_96 : vector<16xf32>
      %broadcast_in_dim3A_98 = vector.shape_cast %xor3A_7 : vector<16xi32> to vector<16x1xi32>
      %gather3A_99 = vector.shape_cast %broadcast_in_dim3A_98 : vector<16x1xi32> to vector<16xi32>
      %gather3A_100 = tpu.dynamic_gather %add3A_97[%gather3A_99] in [0] : vector<16xf32>, vector<16xi32> -> vector<16xf32>
      %add3A_101 = arith.addf %add3A_97, %gather3A_100 : vector<16xf32>
      %broadcast_in_dim3A_102 = vector.shape_cast %xor3A_10 : vector<16xi32> to vector<16x1xi32>
      %gather3A_103 = vector.shape_cast %broadcast_in_dim3A_102 : vector<16x1xi32> to vector<16xi32>
      %gather3A_104 = tpu.dynamic_gather %add3A_101[%gather3A_103] in [0] : vector<16xf32>, vector<16xi32> -> vector<16xf32>
      %add3A_105 = arith.addf %add3A_101, %gather3A_104 : vector<16xf32>
      %broadcast_in_dim3A_106 = vector.shape_cast %xor3A_13 : vector<16xi32> to vector<16x1xi32>
      %gather3A_107 = vector.shape_cast %broadcast_in_dim3A_106 : vector<16x1xi32> to vector<16xi32>
      %gather3A_108 = tpu.dynamic_gather %add3A_105[%gather3A_107] in [0] : vector<16xf32>, vector<16xi32> -> vector<16xf32>
      %add3A_109 = arith.addf %add3A_105, %gather3A_108 : vector<16xf32>
      %select_n3A = arith.select %eq3A_94, %add3A_109, %broadcast_in_dim3A_52 : vector<16xi1>, vector<16xf32>
      %add3A_110 = arith.constant 1 : i32
      %add3A_111 = arith.addi %mul3A_51, %add3A_110 : i32
      %get3A_112 = arith.index_cast %add3A_111 : i32 to index
      %get3A_113 = arith.constant 0 : index
      %get3A_114 = tpu.vector_load %arg9[%get3A_112, %get3A_113] {strides = array<i32>} : memref<256x64xf32, #tpu.memory_space<vmem>>, vector<1x16xf32>,
      %get3A_115 = vector.shape_cast %get3A_114 : vector<1x16xf32> to vector<16xf32>
      %get3A_116 = arith.index_cast %add3A_111 : i32 to index
      %get3A_117 = arith.constant 0 : index
      %get3A_118 = tpu.vector_load %arg10[%get3A_116, %get3A_117] {strides = array<i32>} : memref<256x64xf32, #tpu.memory_space<vmem>>, vector<1x16xf32>,
      %get3A_119 = vector.shape_cast %get3A_118 : vector<1x16xf32> to vector<16xf32>
      %mul3A_120 = arith.mulf %get3A_115, %get3A_119 : vector<16xf32>
      %get3A_121 = arith.index_cast %add3A_111 : i32 to index
      %get3A_122 = arith.constant 16 : index
      %get3A_123 = tpu.vector_load %arg9[%get3A_121, %get3A_122] {strides = array<i32>} : memref<256x64xf32, #tpu.memory_space<vmem>>, vector<1x16xf32>,
      %get3A_124 = vector.shape_cast %get3A_123 : vector<1x16xf32> to vector<16xf32>
      %get3A_125 = arith.index_cast %add3A_111 : i32 to index
      %get3A_126 = arith.constant 16 : index
      %get3A_127 = tpu.vector_load %arg10[%get3A_125, %get3A_126] {strides = array<i32>} : memref<256x64xf32, #tpu.memory_space<vmem>>, vector<1x16xf32>,
      %get3A_128 = vector.shape_cast %get3A_127 : vector<1x16xf32> to vector<16xf32>
      %mul3A_129 = arith.mulf %get3A_124, %get3A_128 : vector<16xf32>
      %add3A_130 = arith.addf %mul3A_120, %mul3A_129 : vector<16xf32>
      %get3A_131 = arith.index_cast %add3A_111 : i32 to index
      %get3A_132 = arith.constant 32 : index
      %get3A_133 = tpu.vector_load %arg9[%get3A_131, %get3A_132] {strides = array<i32>} : memref<256x64xf32, #tpu.memory_space<vmem>>, vector<1x16xf32>,
      %get3A_134 = vector.shape_cast %get3A_133 : vector<1x16xf32> to vector<16xf32>
      %get3A_135 = arith.index_cast %add3A_111 : i32 to index
      %get3A_136 = arith.constant 32 : index
      %get3A_137 = tpu.vector_load %arg10[%get3A_135, %get3A_136] {strides = array<i32>} : memref<256x64xf32, #tpu.memory_space<vmem>>, vector<1x16xf32>,
      %get3A_138 = vector.shape_cast %get3A_137 : vector<1x16xf32> to vector<16xf32>
      %mul3A_139 = arith.mulf %get3A_134, %get3A_138 : vector<16xf32>
      %add3A_140 = arith.addf %add3A_130, %mul3A_139 : vector<16xf32>
      %get3A_141 = arith.index_cast %add3A_111 : i32 to index
      %get3A_142 = arith.constant 48 : index
      %get3A_143 = tpu.vector_load %arg9[%get3A_141, %get3A_142] {strides = array<i32>} : memref<256x64xf32, #tpu.memory_space<vmem>>, vector<1x16xf32>,
      %get3A_144 = vector.shape_cast %get3A_143 : vector<1x16xf32> to vector<16xf32>
      %get3A_145 = arith.index_cast %add3A_111 : i32 to index
      %get3A_146 = arith.constant 48 : index
      %get3A_147 = tpu.vector_load %arg10[%get3A_145, %get3A_146] {strides = array<i32>} : memref<256x64xf32, #tpu.memory_space<vmem>>, vector<1x16xf32>,
      %get3A_148 = vector.shape_cast %get3A_147 : vector<1x16xf32> to vector<16xf32>
      %mul3A_149 = arith.mulf %get3A_144, %get3A_148 : vector<16xf32>
      %add3A_150 = arith.addf %add3A_140, %mul3A_149 : vector<16xf32>
      %eq3A_151 = arith.constant 1 : i32
      %eq3A_152 = vector.broadcast %eq3A_151 : i32 to vector<16xi32>
      %eq3A_153 = arith.cmpi eq, %iota3A, %eq3A_152 : vector<16xi32>
      %broadcast_in_dim3A_154 = vector.shape_cast %xor3A_4 : vector<16xi32> to vector<16x1xi32>
      %gather3A_155 = vector.shape_cast %broadcast_in_dim3A_154 : vector<16x1xi32> to vector<16xi32>
      %gather3A_156 = tpu.dynamic_gather %add3A_150[%gather3A_155] in [0] : vector<16xf32>, vector<16xi32> -> vector<16xf32>
      %add3A_157 = arith.addf %add3A_150, %gather3A_156 : vector<16xf32>
      %broadcast_in_dim3A_158 = vector.shape_cast %xor3A_7 : vector<16xi32> to vector<16x1xi32>
      %gather3A_159 = vector.shape_cast %broadcast_in_dim3A_158 : vector<16x1xi32> to vector<16xi32>
      %gather3A_160 = tpu.dynamic_gather %add3A_157[%gather3A_159] in [0] : vector<16xf32>, vector<16xi32> -> vector<16xf32>
      %add3A_161 = arith.addf %add3A_157, %gather3A_160 : vector<16xf32>
      %broadcast_in_dim3A_162 = vector.shape_cast %xor3A_10 : vector<16xi32> to vector<16x1xi32>
      %gather3A_163 = vector.shape_cast %broadcast_in_dim3A_162 : vector<16x1xi32> to vector<16xi32>
      %gather3A_164 = tpu.dynamic_gather %add3A_161[%gather3A_163] in [0] : vector<16xf32>, vector<16xi32> -> vector<16xf32>
      %add3A_165 = arith.addf %add3A_161, %gather3A_164 : vector<16xf32>
      %broadcast_in_dim3A_166 = vector.shape_cast %xor3A_13 : vector<16xi32> to vector<16x1xi32>
      %gather3A_167 = vector.shape_cast %broadcast_in_dim3A_166 : vector<16x1xi32> to vector<16xi32>
      %gather3A_168 = tpu.dynamic_gather %add3A_165[%gather3A_167] in [0] : vector<16xf32>, vector<16xi32> -> vector<16xf32>
      %add3A_169 = arith.addf %add3A_165, %gather3A_168 : vector<16xf32>
      %select_n3A_170 = arith.select %eq3A_153, %add3A_169, %select_n3A : vector<16xi1>, vector<16xf32>
      %add3A_171 = arith.constant 2 : i32
      %add3A_172 = arith.addi %mul3A_51, %add3A_171 : i32
      %get3A_173 = arith.index_cast %add3A_172 : i32 to index
      %get3A_174 = arith.constant 0 : index
      %get3A_175 = tpu.vector_load %arg9[%get3A_173, %get3A_174] {strides = array<i32>} : memref<256x64xf32, #tpu.memory_space<vmem>>, vector<1x16xf32>,
      %get3A_176 = vector.shape_cast %get3A_175 : vector<1x16xf32> to vector<16xf32>
      %get3A_177 = arith.index_cast %add3A_172 : i32 to index
      %get3A_178 = arith.constant 0 : index
      %get3A_179 = tpu.vector_load %arg10[%get3A_177, %get3A_178] {strides = array<i32>} : memref<256x64xf32, #tpu.memory_space<vmem>>, vector<1x16xf32>,
      %get3A_180 = vector.shape_cast %get3A_179 : vector<1x16xf32> to vector<16xf32>
      %mul3A_181 = arith.mulf %get3A_176, %get3A_180 : vector<16xf32>
      %get3A_182 = arith.index_cast %add3A_172 : i32 to index
      %get3A_183 = arith.constant 16 : index
      %get3A_184 = tpu.vector_load %arg9[%get3A_182, %get3A_183] {strides = array<i32>} : memref<256x64xf32, #tpu.memory_space<vmem>>, vector<1x16xf32>,
      %get3A_185 = vector.shape_cast %get3A_184 : vector<1x16xf32> to vector<16xf32>
      %get3A_186 = arith.index_cast %add3A_172 : i32 to index
      %get3A_187 = arith.constant 16 : index
      %get3A_188 = tpu.vector_load %arg10[%get3A_186, %get3A_187] {strides = array<i32>} : memref<256x64xf32, #tpu.memory_space<vmem>>, vector<1x16xf32>,
      %get3A_189 = vector.shape_cast %get3A_188 : vector<1x16xf32> to vector<16xf32>
      %mul3A_190 = arith.mulf %get3A_185, %get3A_189 : vector<16xf32>
      %add3A_191 = arith.addf %mul3A_181, %mul3A_190 : vector<16xf32>
      %get3A_192 = arith.index_cast %add3A_172 : i32 to index
      %get3A_193 = arith.constant 32 : index
      %get3A_194 = tpu.vector_load %arg9[%get3A_192, %get3A_193] {strides = array<i32>} : memref<256x64xf32, #tpu.memory_space<vmem>>, vector<1x16xf32>,
      %get3A_195 = vector.shape_cast %get3A_194 : vector<1x16xf32> to vector<16xf32>
      %get3A_196 = arith.index_cast %add3A_172 : i32 to index
      %get3A_197 = arith.constant 32 : index
      %get3A_198 = tpu.vector_load %arg10[%get3A_196, %get3A_197] {strides = array<i32>} : memref<256x64xf32, #tpu.memory_space<vmem>>, vector<1x16xf32>,
      %get3A_199 = vector.shape_cast %get3A_198 : vector<1x16xf32> to vector<16xf32>
      %mul3A_200 = arith.mulf %get3A_195, %get3A_199 : vector<16xf32>
      %add3A_201 = arith.addf %add3A_191, %mul3A_200 : vector<16xf32>
      %get3A_202 = arith.index_cast %add3A_172 : i32 to index
      %get3A_203 = arith.constant 48 : index
      %get3A_204 = tpu.vector_load %arg9[%get3A_202, %get3A_203] {strides = array<i32>} : memref<256x64xf32, #tpu.memory_space<vmem>>, vector<1x16xf32>,
      %get3A_205 = vector.shape_cast %get3A_204 : vector<1x16xf32> to vector<16xf32>
      %get3A_206 = arith.index_cast %add3A_172 : i32 to index
      %get3A_207 = arith.constant 48 : index
      %get3A_208 = tpu.vector_load %arg10[%get3A_206, %get3A_207] {strides = array<i32>} : memref<256x64xf32, #tpu.memory_space<vmem>>, vector<1x16xf32>,
      %get3A_209 = vector.shape_cast %get3A_208 : vector<1x16xf32> to vector<16xf32>
      %mul3A_210 = arith.mulf %get3A_205, %get3A_209 : vector<16xf32>
      %add3A_211 = arith.addf %add3A_201, %mul3A_210 : vector<16xf32>
      %eq3A_212 = arith.constant 2 : i32
      %eq3A_213 = vector.broadcast %eq3A_212 : i32 to vector<16xi32>
      %eq3A_214 = arith.cmpi eq, %iota3A, %eq3A_213 : vector<16xi32>
      %broadcast_in_dim3A_215 = vector.shape_cast %xor3A_4 : vector<16xi32> to vector<16x1xi32>
      %gather3A_216 = vector.shape_cast %broadcast_in_dim3A_215 : vector<16x1xi32> to vector<16xi32>
      %gather3A_217 = tpu.dynamic_gather %add3A_211[%gather3A_216] in [0] : vector<16xf32>, vector<16xi32> -> vector<16xf32>
      %add3A_218 = arith.addf %add3A_211, %gather3A_217 : vector<16xf32>
      %broadcast_in_dim3A_219 = vector.shape_cast %xor3A_7 : vector<16xi32> to vector<16x1xi32>
      %gather3A_220 = vector.shape_cast %broadcast_in_dim3A_219 : vector<16x1xi32> to vector<16xi32>
      %gather3A_221 = tpu.dynamic_gather %add3A_218[%gather3A_220] in [0] : vector<16xf32>, vector<16xi32> -> vector<16xf32>
      %add3A_222 = arith.addf %add3A_218, %gather3A_221 : vector<16xf32>
      %broadcast_in_dim3A_223 = vector.shape_cast %xor3A_10 : vector<16xi32> to vector<16x1xi32>
      %gather3A_224 = vector.shape_cast %broadcast_in_dim3A_223 : vector<16x1xi32> to vector<16xi32>
      %gather3A_225 = tpu.dynamic_gather %add3A_222[%gather3A_224] in [0] : vector<16xf32>, vector<16xi32> -> vector<16xf32>
      %add3A_226 = arith.addf %add3A_222, %gather3A_225 : vector<16xf32>
      %broadcast_in_dim3A_227 = vector.shape_cast %xor3A_13 : vector<16xi32> to vector<16x1xi32>
      %gather3A_228 = vector.shape_cast %broadcast_in_dim3A_227 : vector<16x1xi32> to vector<16xi32>
      %gather3A_229 = tpu.dynamic_gather %add3A_226[%gather3A_228] in [0] : vector<16xf32>, vector<16xi32> -> vector<16xf32>
      %add3A_230 = arith.addf %add3A_226, %gather3A_229 : vector<16xf32>
      %select_n3A_231 = arith.select %eq3A_214, %add3A_230, %select_n3A_170 : vector<16xi1>, vector<16xf32>
      %add3A_232 = arith.constant 3 : i32
      %add3A_233 = arith.addi %mul3A_51, %add3A_232 : i32
      %get3A_234 = arith.index_cast %add3A_233 : i32 to index
      %get3A_235 = arith.constant 0 : index
      %get3A_236 = tpu.vector_load %arg9[%get3A_234, %get3A_235] {strides = array<i32>} : memref<256x64xf32, #tpu.memory_space<vmem>>, vector<1x16xf32>,
      %get3A_237 = vector.shape_cast %get3A_236 : vector<1x16xf32> to vector<16xf32>
      %get3A_238 = arith.index_cast %add3A_233 : i32 to index
      %get3A_239 = arith.constant 0 : index
      %get3A_240 = tpu.vector_load %arg10[%get3A_238, %get3A_239] {strides = array<i32>} : memref<256x64xf32, #tpu.memory_space<vmem>>, vector<1x16xf32>,
      %get3A_241 = vector.shape_cast %get3A_240 : vector<1x16xf32> to vector<16xf32>
      %mul3A_242 = arith.mulf %get3A_237, %get3A_241 : vector<16xf32>
      %get3A_243 = arith.index_cast %add3A_233 : i32 to index
      %get3A_244 = arith.constant 16 : index
      %get3A_245 = tpu.vector_load %arg9[%get3A_243, %get3A_244] {strides = array<i32>} : memref<256x64xf32, #tpu.memory_space<vmem>>, vector<1x16xf32>,
      %get3A_246 = vector.shape_cast %get3A_245 : vector<1x16xf32> to vector<16xf32>
      %get3A_247 = arith.index_cast %add3A_233 : i32 to index
      %get3A_248 = arith.constant 16 : index
      %get3A_249 = tpu.vector_load %arg10[%get3A_247, %get3A_248] {strides = array<i32>} : memref<256x64xf32, #tpu.memory_space<vmem>>, vector<1x16xf32>,
      %get3A_250 = vector.shape_cast %get3A_249 : vector<1x16xf32> to vector<16xf32>
      %mul3A_251 = arith.mulf %get3A_246, %get3A_250 : vector<16xf32>
      %add3A_252 = arith.addf %mul3A_242, %mul3A_251 : vector<16xf32>
      %get3A_253 = arith.index_cast %add3A_233 : i32 to index
      %get3A_254 = arith.constant 32 : index
      %get3A_255 = tpu.vector_load %arg9[%get3A_253, %get3A_254] {strides = array<i32>} : memref<256x64xf32, #tpu.memory_space<vmem>>, vector<1x16xf32>,
      %get3A_256 = vector.shape_cast %get3A_255 : vector<1x16xf32> to vector<16xf32>
      %get3A_257 = arith.index_cast %add3A_233 : i32 to index
      %get3A_258 = arith.constant 32 : index
      %get3A_259 = tpu.vector_load %arg10[%get3A_257, %get3A_258] {strides = array<i32>} : memref<256x64xf32, #tpu.memory_space<vmem>>, vector<1x16xf32>,
      %get3A_260 = vector.shape_cast %get3A_259 : vector<1x16xf32> to vector<16xf32>
      %mul3A_261 = arith.mulf %get3A_256, %get3A_260 : vector<16xf32>
      %add3A_262 = arith.addf %add3A_252, %mul3A_261 : vector<16xf32>
      %get3A_263 = arith.index_cast %add3A_233 : i32 to index
      %get3A_264 = arith.constant 48 : index
      %get3A_265 = tpu.vector_load %arg9[%get3A_263, %get3A_264] {strides = array<i32>} : memref<256x64xf32, #tpu.memory_space<vmem>>, vector<1x16xf32>,
      %get3A_266 = vector.shape_cast %get3A_265 : vector<1x16xf32> to vector<16xf32>
      %get3A_267 = arith.index_cast %add3A_233 : i32 to index
      %get3A_268 = arith.constant 48 : index
      %get3A_269 = tpu.vector_load %arg10[%get3A_267, %get3A_268] {strides = array<i32>} : memref<256x64xf32, #tpu.memory_space<vmem>>, vector<1x16xf32>,
      %get3A_270 = vector.shape_cast %get3A_269 : vector<1x16xf32> to vector<16xf32>
      %mul3A_271 = arith.mulf %get3A_266, %get3A_270 : vector<16xf32>
      %add3A_272 = arith.addf %add3A_262, %mul3A_271 : vector<16xf32>
      %eq3A_273 = arith.constant 3 : i32
      %eq3A_274 = vector.broadcast %eq3A_273 : i32 to vector<16xi32>
      %eq3A_275 = arith.cmpi eq, %iota3A, %eq3A_274 : vector<16xi32>
      %broadcast_in_dim3A_276 = vector.shape_cast %xor3A_4 : vector<16xi32> to vector<16x1xi32>
      %gather3A_277 = vector.shape_cast %broadcast_in_dim3A_276 : vector<16x1xi32> to vector<16xi32>
      %gather3A_278 = tpu.dynamic_gather %add3A_272[%gather3A_277] in [0] : vector<16xf32>, vector<16xi32> -> vector<16xf32>
      %add3A_279 = arith.addf %add3A_272, %gather3A_278 : vector<16xf32>
      %broadcast_in_dim3A_280 = vector.shape_cast %xor3A_7 : vector<16xi32> to vector<16x1xi32>
      %gather3A_281 = vector.shape_cast %broadcast_in_dim3A_280 : vector<16x1xi32> to vector<16xi32>
      %gather3A_282 = tpu.dynamic_gather %add3A_279[%gather3A_281] in [0] : vector<16xf32>, vector<16xi32> -> vector<16xf32>
      %add3A_283 = arith.addf %add3A_279, %gather3A_282 : vector<16xf32>
      %broadcast_in_dim3A_284 = vector.shape_cast %xor3A_10 : vector<16xi32> to vector<16x1xi32>
      %gather3A_285 = vector.shape_cast %broadcast_in_dim3A_284 : vector<16x1xi32> to vector<16xi32>
      %gather3A_286 = tpu.dynamic_gather %add3A_283[%gather3A_285] in [0] : vector<16xf32>, vector<16xi32> -> vector<16xf32>
      %add3A_287 = arith.addf %add3A_283, %gather3A_286 : vector<16xf32>
      %broadcast_in_dim3A_288 = vector.shape_cast %xor3A_13 : vector<16xi32> to vector<16x1xi32>
      %gather3A_289 = vector.shape_cast %broadcast_in_dim3A_288 : vector<16x1xi32> to vector<16xi32>
      %gather3A_290 = tpu.dynamic_gather %add3A_287[%gather3A_289] in [0] : vector<16xf32>, vector<16xi32> -> vector<16xf32>
      %add3A_291 = arith.addf %add3A_287, %gather3A_290 : vector<16xf32>
      %select_n3A_292 = arith.select %eq3A_275, %add3A_291, %select_n3A_231 : vector<16xi1>, vector<16xf32>
      %add3A_293 = arith.constant 4 : i32
      %add3A_294 = arith.addi %mul3A_51, %add3A_293 : i32
      %get3A_295 = arith.index_cast %add3A_294 : i32 to index
      %get3A_296 = arith.constant 0 : index
      %get3A_297 = tpu.vector_load %arg9[%get3A_295, %get3A_296] {strides = array<i32>} : memref<256x64xf32, #tpu.memory_space<vmem>>, vector<1x16xf32>,
      %get3A_298 = vector.shape_cast %get3A_297 : vector<1x16xf32> to vector<16xf32>
      %get3A_299 = arith.index_cast %add3A_294 : i32 to index
      %get3A_300 = arith.constant 0 : index
      %get3A_301 = tpu.vector_load %arg10[%get3A_299, %get3A_300] {strides = array<i32>} : memref<256x64xf32, #tpu.memory_space<vmem>>, vector<1x16xf32>,
      %get3A_302 = vector.shape_cast %get3A_301 : vector<1x16xf32> to vector<16xf32>
      %mul3A_303 = arith.mulf %get3A_298, %get3A_302 : vector<16xf32>
      %get3A_304 = arith.index_cast %add3A_294 : i32 to index
      %get3A_305 = arith.constant 16 : index
      %get3A_306 = tpu.vector_load %arg9[%get3A_304, %get3A_305] {strides = array<i32>} : memref<256x64xf32, #tpu.memory_space<vmem>>, vector<1x16xf32>,
      %get3A_307 = vector.shape_cast %get3A_306 : vector<1x16xf32> to vector<16xf32>
      %get3A_308 = arith.index_cast %add3A_294 : i32 to index
      %get3A_309 = arith.constant 16 : index
      %get3A_310 = tpu.vector_load %arg10[%get3A_308, %get3A_309] {strides = array<i32>} : memref<256x64xf32, #tpu.memory_space<vmem>>, vector<1x16xf32>,
      %get3A_311 = vector.shape_cast %get3A_310 : vector<1x16xf32> to vector<16xf32>
      %mul3A_312 = arith.mulf %get3A_307, %get3A_311 : vector<16xf32>
      %add3A_313 = arith.addf %mul3A_303, %mul3A_312 : vector<16xf32>
      %get3A_314 = arith.index_cast %add3A_294 : i32 to index
      %get3A_315 = arith.constant 32 : index
      %get3A_316 = tpu.vector_load %arg9[%get3A_314, %get3A_315] {strides = array<i32>} : memref<256x64xf32, #tpu.memory_space<vmem>>, vector<1x16xf32>,
      %get3A_317 = vector.shape_cast %get3A_316 : vector<1x16xf32> to vector<16xf32>
      %get3A_318 = arith.index_cast %add3A_294 : i32 to index
      %get3A_319 = arith.constant 32 : index
      %get3A_320 = tpu.vector_load %arg10[%get3A_318, %get3A_319] {strides = array<i32>} : memref<256x64xf32, #tpu.memory_space<vmem>>, vector<1x16xf32>,
      %get3A_321 = vector.shape_cast %get3A_320 : vector<1x16xf32> to vector<16xf32>
      %mul3A_322 = arith.mulf %get3A_317, %get3A_321 : vector<16xf32>
      %add3A_323 = arith.addf %add3A_313, %mul3A_322 : vector<16xf32>
      %get3A_324 = arith.index_cast %add3A_294 : i32 to index
      %get3A_325 = arith.constant 48 : index
      %get3A_326 = tpu.vector_load %arg9[%get3A_324, %get3A_325] {strides = array<i32>} : memref<256x64xf32, #tpu.memory_space<vmem>>, vector<1x16xf32>,
      %get3A_327 = vector.shape_cast %get3A_326 : vector<1x16xf32> to vector<16xf32>
      %get3A_328 = arith.index_cast %add3A_294 : i32 to index
      %get3A_329 = arith.constant 48 : index
      %get3A_330 = tpu.vector_load %arg10[%get3A_328, %get3A_329] {strides = array<i32>} : memref<256x64xf32, #tpu.memory_space<vmem>>, vector<1x16xf32>,
      %get3A_331 = vector.shape_cast %get3A_330 : vector<1x16xf32> to vector<16xf32>
      %mul3A_332 = arith.mulf %get3A_327, %get3A_331 : vector<16xf32>
      %add3A_333 = arith.addf %add3A_323, %mul3A_332 : vector<16xf32>
      %eq3A_334 = arith.constant 4 : i32
      %eq3A_335 = vector.broadcast %eq3A_334 : i32 to vector<16xi32>
      %eq3A_336 = arith.cmpi eq, %iota3A, %eq3A_335 : vector<16xi32>
      %broadcast_in_dim3A_337 = vector.shape_cast %xor3A_4 : vector<16xi32> to vector<16x1xi32>
      %gather3A_338 = vector.shape_cast %broadcast_in_dim3A_337 : vector<16x1xi32> to vector<16xi32>
      %gather3A_339 = tpu.dynamic_gather %add3A_333[%gather3A_338] in [0] : vector<16xf32>, vector<16xi32> -> vector<16xf32>
      %add3A_340 = arith.addf %add3A_333, %gather3A_339 : vector<16xf32>
      %broadcast_in_dim3A_341 = vector.shape_cast %xor3A_7 : vector<16xi32> to vector<16x1xi32>
      %gather3A_342 = vector.shape_cast %broadcast_in_dim3A_341 : vector<16x1xi32> to vector<16xi32>
      %gather3A_343 = tpu.dynamic_gather %add3A_340[%gather3A_342] in [0] : vector<16xf32>, vector<16xi32> -> vector<16xf32>
      %add3A_344 = arith.addf %add3A_340, %gather3A_343 : vector<16xf32>
      %broadcast_in_dim3A_345 = vector.shape_cast %xor3A_10 : vector<16xi32> to vector<16x1xi32>
      %gather3A_346 = vector.shape_cast %broadcast_in_dim3A_345 : vector<16x1xi32> to vector<16xi32>
      %gather3A_347 = tpu.dynamic_gather %add3A_344[%gather3A_346] in [0] : vector<16xf32>, vector<16xi32> -> vector<16xf32>
      %add3A_348 = arith.addf %add3A_344, %gather3A_347 : vector<16xf32>
      %broadcast_in_dim3A_349 = vector.shape_cast %xor3A_13 : vector<16xi32> to vector<16x1xi32>
      %gather3A_350 = vector.shape_cast %broadcast_in_dim3A_349 : vector<16x1xi32> to vector<16xi32>
      %gather3A_351 = tpu.dynamic_gather %add3A_348[%gather3A_350] in [0] : vector<16xf32>, vector<16xi32> -> vector<16xf32>
      %add3A_352 = arith.addf %add3A_348, %gather3A_351 : vector<16xf32>
      %select_n3A_353 = arith.select %eq3A_336, %add3A_352, %select_n3A_292 : vector<16xi1>, vector<16xf32>
      %add3A_354 = arith.constant 5 : i32
      %add3A_355 = arith.addi %mul3A_51, %add3A_354 : i32
      %get3A_356 = arith.index_cast %add3A_355 : i32 to index
      %get3A_357 = arith.constant 0 : index
      %get3A_358 = tpu.vector_load %arg9[%get3A_356, %get3A_357] {strides = array<i32>} : memref<256x64xf32, #tpu.memory_space<vmem>>, vector<1x16xf32>,
      %get3A_359 = vector.shape_cast %get3A_358 : vector<1x16xf32> to vector<16xf32>
      %get3A_360 = arith.index_cast %add3A_355 : i32 to index
      %get3A_361 = arith.constant 0 : index
      %get3A_362 = tpu.vector_load %arg10[%get3A_360, %get3A_361] {strides = array<i32>} : memref<256x64xf32, #tpu.memory_space<vmem>>, vector<1x16xf32>,
      %get3A_363 = vector.shape_cast %get3A_362 : vector<1x16xf32> to vector<16xf32>
      %mul3A_364 = arith.mulf %get3A_359, %get3A_363 : vector<16xf32>
      %get3A_365 = arith.index_cast %add3A_355 : i32 to index
      %get3A_366 = arith.constant 16 : index
      %get3A_367 = tpu.vector_load %arg9[%get3A_365, %get3A_366] {strides = array<i32>} : memref<256x64xf32, #tpu.memory_space<vmem>>, vector<1x16xf32>,
      %get3A_368 = vector.shape_cast %get3A_367 : vector<1x16xf32> to vector<16xf32>
      %get3A_369 = arith.index_cast %add3A_355 : i32 to index
      %get3A_370 = arith.constant 16 : index
      %get3A_371 = tpu.vector_load %arg10[%get3A_369, %get3A_370] {strides = array<i32>} : memref<256x64xf32, #tpu.memory_space<vmem>>, vector<1x16xf32>,
      %get3A_372 = vector.shape_cast %get3A_371 : vector<1x16xf32> to vector<16xf32>
      %mul3A_373 = arith.mulf %get3A_368, %get3A_372 : vector<16xf32>
      %add3A_374 = arith.addf %mul3A_364, %mul3A_373 : vector<16xf32>
      %get3A_375 = arith.index_cast %add3A_355 : i32 to index
      %get3A_376 = arith.constant 32 : index
      %get3A_377 = tpu.vector_load %arg9[%get3A_375, %get3A_376] {strides = array<i32>} : memref<256x64xf32, #tpu.memory_space<vmem>>, vector<1x16xf32>,
      %get3A_378 = vector.shape_cast %get3A_377 : vector<1x16xf32> to vector<16xf32>
      %get3A_379 = arith.index_cast %add3A_355 : i32 to index
      %get3A_380 = arith.constant 32 : index
      %get3A_381 = tpu.vector_load %arg10[%get3A_379, %get3A_380] {strides = array<i32>} : memref<256x64xf32, #tpu.memory_space<vmem>>, vector<1x16xf32>,
      %get3A_382 = vector.shape_cast %get3A_381 : vector<1x16xf32> to vector<16xf32>
      %mul3A_383 = arith.mulf %get3A_378, %get3A_382 : vector<16xf32>
      %add3A_384 = arith.addf %add3A_374, %mul3A_383 : vector<16xf32>
      %get3A_385 = arith.index_cast %add3A_355 : i32 to index
      %get3A_386 = arith.constant 48 : index
      %get3A_387 = tpu.vector_load %arg9[%get3A_385, %get3A_386] {strides = array<i32>} : memref<256x64xf32, #tpu.memory_space<vmem>>, vector<1x16xf32>,
      %get3A_388 = vector.shape_cast %get3A_387 : vector<1x16xf32> to vector<16xf32>
      %get3A_389 = arith.index_cast %add3A_355 : i32 to index
      %get3A_390 = arith.constant 48 : index
      %get3A_391 = tpu.vector_load %arg10[%get3A_389, %get3A_390] {strides = array<i32>} : memref<256x64xf32, #tpu.memory_space<vmem>>, vector<1x16xf32>,
      %get3A_392 = vector.shape_cast %get3A_391 : vector<1x16xf32> to vector<16xf32>
      %mul3A_393 = arith.mulf %get3A_388, %get3A_392 : vector<16xf32>
      %add3A_394 = arith.addf %add3A_384, %mul3A_393 : vector<16xf32>
      %eq3A_395 = arith.constant 5 : i32
      %eq3A_396 = vector.broadcast %eq3A_395 : i32 to vector<16xi32>
      %eq3A_397 = arith.cmpi eq, %iota3A, %eq3A_396 : vector<16xi32>
      %broadcast_in_dim3A_398 = vector.shape_cast %xor3A_4 : vector<16xi32> to vector<16x1xi32>
      %gather3A_399 = vector.shape_cast %broadcast_in_dim3A_398 : vector<16x1xi32> to vector<16xi32>
      %gather3A_400 = tpu.dynamic_gather %add3A_394[%gather3A_399] in [0] : vector<16xf32>, vector<16xi32> -> vector<16xf32>
      %add3A_401 = arith.addf %add3A_394, %gather3A_400 : vector<16xf32>
      %broadcast_in_dim3A_402 = vector.shape_cast %xor3A_7 : vector<16xi32> to vector<16x1xi32>
      %gather3A_403 = vector.shape_cast %broadcast_in_dim3A_402 : vector<16x1xi32> to vector<16xi32>
      %gather3A_404 = tpu.dynamic_gather %add3A_401[%gather3A_403] in [0] : vector<16xf32>, vector<16xi32> -> vector<16xf32>
      %add3A_405 = arith.addf %add3A_401, %gather3A_404 : vector<16xf32>
      %broadcast_in_dim3A_406 = vector.shape_cast %xor3A_10 : vector<16xi32> to vector<16x1xi32>
      %gather3A_407 = vector.shape_cast %broadcast_in_dim3A_406 : vector<16x1xi32> to vector<16xi32>
      %gather3A_408 = tpu.dynamic_gather %add3A_405[%gather3A_407] in [0] : vector<16xf32>, vector<16xi32> -> vector<16xf32>
      %add3A_409 = arith.addf %add3A_405, %gather3A_408 : vector<16xf32>
      %broadcast_in_dim3A_410 = vector.shape_cast %xor3A_13 : vector<16xi32> to vector<16x1xi32>
      %gather3A_411 = vector.shape_cast %broadcast_in_dim3A_410 : vector<16x1xi32> to vector<16xi32>
      %gather3A_412 = tpu.dynamic_gather %add3A_409[%gather3A_411] in [0] : vector<16xf32>, vector<16xi32> -> vector<16xf32>
      %add3A_413 = arith.addf %add3A_409, %gather3A_412 : vector<16xf32>
      %select_n3A_414 = arith.select %eq3A_397, %add3A_413, %select_n3A_353 : vector<16xi1>, vector<16xf32>
      %add3A_415 = arith.constant 6 : i32
      %add3A_416 = arith.addi %mul3A_51, %add3A_415 : i32
      %get3A_417 = arith.index_cast %add3A_416 : i32 to index
      %get3A_418 = arith.constant 0 : index
      %get3A_419 = tpu.vector_load %arg9[%get3A_417, %get3A_418] {strides = array<i32>} : memref<256x64xf32, #tpu.memory_space<vmem>>, vector<1x16xf32>,
      %get3A_420 = vector.shape_cast %get3A_419 : vector<1x16xf32> to vector<16xf32>
      %get3A_421 = arith.index_cast %add3A_416 : i32 to index
      %get3A_422 = arith.constant 0 : index
      %get3A_423 = tpu.vector_load %arg10[%get3A_421, %get3A_422] {strides = array<i32>} : memref<256x64xf32, #tpu.memory_space<vmem>>, vector<1x16xf32>,
      %get3A_424 = vector.shape_cast %get3A_423 : vector<1x16xf32> to vector<16xf32>
      %mul3A_425 = arith.mulf %get3A_420, %get3A_424 : vector<16xf32>
      %get3A_426 = arith.index_cast %add3A_416 : i32 to index
      %get3A_427 = arith.constant 16 : index
      %get3A_428 = tpu.vector_load %arg9[%get3A_426, %get3A_427] {strides = array<i32>} : memref<256x64xf32, #tpu.memory_space<vmem>>, vector<1x16xf32>,
      %get3A_429 = vector.shape_cast %get3A_428 : vector<1x16xf32> to vector<16xf32>
      %get3A_430 = arith.index_cast %add3A_416 : i32 to index
      %get3A_431 = arith.constant 16 : index
      %get3A_432 = tpu.vector_load %arg10[%get3A_430, %get3A_431] {strides = array<i32>} : memref<256x64xf32, #tpu.memory_space<vmem>>, vector<1x16xf32>,
      %get3A_433 = vector.shape_cast %get3A_432 : vector<1x16xf32> to vector<16xf32>
      %mul3A_434 = arith.mulf %get3A_429, %get3A_433 : vector<16xf32>
      %add3A_435 = arith.addf %mul3A_425, %mul3A_434 : vector<16xf32>
      %get3A_436 = arith.index_cast %add3A_416 : i32 to index
      %get3A_437 = arith.constant 32 : index
      %get3A_438 = tpu.vector_load %arg9[%get3A_436, %get3A_437] {strides = array<i32>} : memref<256x64xf32, #tpu.memory_space<vmem>>, vector<1x16xf32>,
      %get3A_439 = vector.shape_cast %get3A_438 : vector<1x16xf32> to vector<16xf32>
      %get3A_440 = arith.index_cast %add3A_416 : i32 to index
      %get3A_441 = arith.constant 32 : index
      %get3A_442 = tpu.vector_load %arg10[%get3A_440, %get3A_441] {strides = array<i32>} : memref<256x64xf32, #tpu.memory_space<vmem>>, vector<1x16xf32>,
      %get3A_443 = vector.shape_cast %get3A_442 : vector<1x16xf32> to vector<16xf32>
      %mul3A_444 = arith.mulf %get3A_439, %get3A_443 : vector<16xf32>
      %add3A_445 = arith.addf %add3A_435, %mul3A_444 : vector<16xf32>
      %get3A_446 = arith.index_cast %add3A_416 : i32 to index
      %get3A_447 = arith.constant 48 : index
      %get3A_448 = tpu.vector_load %arg9[%get3A_446, %get3A_447] {strides = array<i32>} : memref<256x64xf32, #tpu.memory_space<vmem>>, vector<1x16xf32>,
      %get3A_449 = vector.shape_cast %get3A_448 : vector<1x16xf32> to vector<16xf32>
      %get3A_450 = arith.index_cast %add3A_416 : i32 to index
      %get3A_451 = arith.constant 48 : index
      %get3A_452 = tpu.vector_load %arg10[%get3A_450, %get3A_451] {strides = array<i32>} : memref<256x64xf32, #tpu.memory_space<vmem>>, vector<1x16xf32>,
      %get3A_453 = vector.shape_cast %get3A_452 : vector<1x16xf32> to vector<16xf32>
      %mul3A_454 = arith.mulf %get3A_449, %get3A_453 : vector<16xf32>
      %add3A_455 = arith.addf %add3A_445, %mul3A_454 : vector<16xf32>
      %eq3A_456 = arith.constant 6 : i32
      %eq3A_457 = vector.broadcast %eq3A_456 : i32 to vector<16xi32>
      %eq3A_458 = arith.cmpi eq, %iota3A, %eq3A_457 : vector<16xi32>
      %broadcast_in_dim3A_459 = vector.shape_cast %xor3A_4 : vector<16xi32> to vector<16x1xi32>
      %gather3A_460 = vector.shape_cast %broadcast_in_dim3A_459 : vector<16x1xi32> to vector<16xi32>
      %gather3A_461 = tpu.dynamic_gather %add3A_455[%gather3A_460] in [0] : vector<16xf32>, vector<16xi32> -> vector<16xf32>
      %add3A_462 = arith.addf %add3A_455, %gather3A_461 : vector<16xf32>
      %broadcast_in_dim3A_463 = vector.shape_cast %xor3A_7 : vector<16xi32> to vector<16x1xi32>
      %gather3A_464 = vector.shape_cast %broadcast_in_dim3A_463 : vector<16x1xi32> to vector<16xi32>
      %gather3A_465 = tpu.dynamic_gather %add3A_462[%gather3A_464] in [0] : vector<16xf32>, vector<16xi32> -> vector<16xf32>
      %add3A_466 = arith.addf %add3A_462, %gather3A_465 : vector<16xf32>
      %broadcast_in_dim3A_467 = vector.shape_cast %xor3A_10 : vector<16xi32> to vector<16x1xi32>
      %gather3A_468 = vector.shape_cast %broadcast_in_dim3A_467 : vector<16x1xi32> to vector<16xi32>
      %gather3A_469 = tpu.dynamic_gather %add3A_466[%gather3A_468] in [0] : vector<16xf32>, vector<16xi32> -> vector<16xf32>
      %add3A_470 = arith.addf %add3A_466, %gather3A_469 : vector<16xf32>
      %broadcast_in_dim3A_471 = vector.shape_cast %xor3A_13 : vector<16xi32> to vector<16x1xi32>
      %gather3A_472 = vector.shape_cast %broadcast_in_dim3A_471 : vector<16x1xi32> to vector<16xi32>
      %gather3A_473 = tpu.dynamic_gather %add3A_470[%gather3A_472] in [0] : vector<16xf32>, vector<16xi32> -> vector<16xf32>
      %add3A_474 = arith.addf %add3A_470, %gather3A_473 : vector<16xf32>
      %select_n3A_475 = arith.select %eq3A_458, %add3A_474, %select_n3A_414 : vector<16xi1>, vector<16xf32>
      %add3A_476 = arith.constant 7 : i32
      %add3A_477 = arith.addi %mul3A_51, %add3A_476 : i32
      %get3A_478 = arith.index_cast %add3A_477 : i32 to index
      %get3A_479 = arith.constant 0 : index
      %get3A_480 = tpu.vector_load %arg9[%get3A_478, %get3A_479] {strides = array<i32>} : memref<256x64xf32, #tpu.memory_space<vmem>>, vector<1x16xf32>,
      %get3A_481 = vector.shape_cast %get3A_480 : vector<1x16xf32> to vector<16xf32>
      %get3A_482 = arith.index_cast %add3A_477 : i32 to index
      %get3A_483 = arith.constant 0 : index
      %get3A_484 = tpu.vector_load %arg10[%get3A_482, %get3A_483] {strides = array<i32>} : memref<256x64xf32, #tpu.memory_space<vmem>>, vector<1x16xf32>,
      %get3A_485 = vector.shape_cast %get3A_484 : vector<1x16xf32> to vector<16xf32>
      %mul3A_486 = arith.mulf %get3A_481, %get3A_485 : vector<16xf32>
      %get3A_487 = arith.index_cast %add3A_477 : i32 to index
      %get3A_488 = arith.constant 16 : index
      %get3A_489 = tpu.vector_load %arg9[%get3A_487, %get3A_488] {strides = array<i32>} : memref<256x64xf32, #tpu.memory_space<vmem>>, vector<1x16xf32>,
      %get3A_490 = vector.shape_cast %get3A_489 : vector<1x16xf32> to vector<16xf32>
      %get3A_491 = arith.index_cast %add3A_477 : i32 to index
      %get3A_492 = arith.constant 16 : index
      %get3A_493 = tpu.vector_load %arg10[%get3A_491, %get3A_492] {strides = array<i32>} : memref<256x64xf32, #tpu.memory_space<vmem>>, vector<1x16xf32>,
      %get3A_494 = vector.shape_cast %get3A_493 : vector<1x16xf32> to vector<16xf32>
      %mul3A_495 = arith.mulf %get3A_490, %get3A_494 : vector<16xf32>
      %add3A_496 = arith.addf %mul3A_486, %mul3A_495 : vector<16xf32>
      %get3A_497 = arith.index_cast %add3A_477 : i32 to index
      %get3A_498 = arith.constant 32 : index
      %get3A_499 = tpu.vector_load %arg9[%get3A_497, %get3A_498] {strides = array<i32>} : memref<256x64xf32, #tpu.memory_space<vmem>>, vector<1x16xf32>,
      %get3A_500 = vector.shape_cast %get3A_499 : vector<1x16xf32> to vector<16xf32>
      %get3A_501 = arith.index_cast %add3A_477 : i32 to index
      %get3A_502 = arith.constant 32 : index
      %get3A_503 = tpu.vector_load %arg10[%get3A_501, %get3A_502] {strides = array<i32>} : memref<256x64xf32, #tpu.memory_space<vmem>>, vector<1x16xf32>,
      %get3A_504 = vector.shape_cast %get3A_503 : vector<1x16xf32> to vector<16xf32>
      %mul3A_505 = arith.mulf %get3A_500, %get3A_504 : vector<16xf32>
      %add3A_506 = arith.addf %add3A_496, %mul3A_505 : vector<16xf32>
      %get3A_507 = arith.index_cast %add3A_477 : i32 to index
      %get3A_508 = arith.constant 48 : index
      %get3A_509 = tpu.vector_load %arg9[%get3A_507, %get3A_508] {strides = array<i32>} : memref<256x64xf32, #tpu.memory_space<vmem>>, vector<1x16xf32>,
      %get3A_510 = vector.shape_cast %get3A_509 : vector<1x16xf32> to vector<16xf32>
      %get3A_511 = arith.index_cast %add3A_477 : i32 to index
      %get3A_512 = arith.constant 48 : index
      %get3A_513 = tpu.vector_load %arg10[%get3A_511, %get3A_512] {strides = array<i32>} : memref<256x64xf32, #tpu.memory_space<vmem>>, vector<1x16xf32>,
      %get3A_514 = vector.shape_cast %get3A_513 : vector<1x16xf32> to vector<16xf32>
      %mul3A_515 = arith.mulf %get3A_510, %get3A_514 : vector<16xf32>
      %add3A_516 = arith.addf %add3A_506, %mul3A_515 : vector<16xf32>
      %eq3A_517 = arith.constant 7 : i32
      %eq3A_518 = vector.broadcast %eq3A_517 : i32 to vector<16xi32>
      %eq3A_519 = arith.cmpi eq, %iota3A, %eq3A_518 : vector<16xi32>
      %broadcast_in_dim3A_520 = vector.shape_cast %xor3A_4 : vector<16xi32> to vector<16x1xi32>
      %gather3A_521 = vector.shape_cast %broadcast_in_dim3A_520 : vector<16x1xi32> to vector<16xi32>
      %gather3A_522 = tpu.dynamic_gather %add3A_516[%gather3A_521] in [0] : vector<16xf32>, vector<16xi32> -> vector<16xf32>
      %add3A_523 = arith.addf %add3A_516, %gather3A_522 : vector<16xf32>
      %broadcast_in_dim3A_524 = vector.shape_cast %xor3A_7 : vector<16xi32> to vector<16x1xi32>
      %gather3A_525 = vector.shape_cast %broadcast_in_dim3A_524 : vector<16x1xi32> to vector<16xi32>
      %gather3A_526 = tpu.dynamic_gather %add3A_523[%gather3A_525] in [0] : vector<16xf32>, vector<16xi32> -> vector<16xf32>
      %add3A_527 = arith.addf %add3A_523, %gather3A_526 : vector<16xf32>
      %broadcast_in_dim3A_528 = vector.shape_cast %xor3A_10 : vector<16xi32> to vector<16x1xi32>
      %gather3A_529 = vector.shape_cast %broadcast_in_dim3A_528 : vector<16x1xi32> to vector<16xi32>
      %gather3A_530 = tpu.dynamic_gather %add3A_527[%gather3A_529] in [0] : vector<16xf32>, vector<16xi32> -> vector<16xf32>
      %add3A_531 = arith.addf %add3A_527, %gather3A_530 : vector<16xf32>
      %broadcast_in_dim3A_532 = vector.shape_cast %xor3A_13 : vector<16xi32> to vector<16x1xi32>
      %gather3A_533 = vector.shape_cast %broadcast_in_dim3A_532 : vector<16x1xi32> to vector<16xi32>
      %gather3A_534 = tpu.dynamic_gather %add3A_531[%gather3A_533] in [0] : vector<16xf32>, vector<16xi32> -> vector<16xf32>
      %add3A_535 = arith.addf %add3A_531, %gather3A_534 : vector<16xf32>
      %select_n3A_536 = arith.select %eq3A_519, %add3A_535, %select_n3A_475 : vector<16xi1>, vector<16xf32>
      %add3A_537 = arith.constant 8 : i32
      %add3A_538 = arith.addi %mul3A_51, %add3A_537 : i32
      %get3A_539 = arith.index_cast %add3A_538 : i32 to index
      %get3A_540 = arith.constant 0 : index
      %get3A_541 = tpu.vector_load %arg9[%get3A_539, %get3A_540] {strides = array<i32>} : memref<256x64xf32, #tpu.memory_space<vmem>>, vector<1x16xf32>,
      %get3A_542 = vector.shape_cast %get3A_541 : vector<1x16xf32> to vector<16xf32>
      %get3A_543 = arith.index_cast %add3A_538 : i32 to index
      %get3A_544 = arith.constant 0 : index
      %get3A_545 = tpu.vector_load %arg10[%get3A_543, %get3A_544] {strides = array<i32>} : memref<256x64xf32, #tpu.memory_space<vmem>>, vector<1x16xf32>,
      %get3A_546 = vector.shape_cast %get3A_545 : vector<1x16xf32> to vector<16xf32>
      %mul3A_547 = arith.mulf %get3A_542, %get3A_546 : vector<16xf32>
      %get3A_548 = arith.index_cast %add3A_538 : i32 to index
      %get3A_549 = arith.constant 16 : index
      %get3A_550 = tpu.vector_load %arg9[%get3A_548, %get3A_549] {strides = array<i32>} : memref<256x64xf32, #tpu.memory_space<vmem>>, vector<1x16xf32>,
      %get3A_551 = vector.shape_cast %get3A_550 : vector<1x16xf32> to vector<16xf32>
      %get3A_552 = arith.index_cast %add3A_538 : i32 to index
      %get3A_553 = arith.constant 16 : index
      %get3A_554 = tpu.vector_load %arg10[%get3A_552, %get3A_553] {strides = array<i32>} : memref<256x64xf32, #tpu.memory_space<vmem>>, vector<1x16xf32>,
      %get3A_555 = vector.shape_cast %get3A_554 : vector<1x16xf32> to vector<16xf32>
      %mul3A_556 = arith.mulf %get3A_551, %get3A_555 : vector<16xf32>
      %add3A_557 = arith.addf %mul3A_547, %mul3A_556 : vector<16xf32>
      %get3A_558 = arith.index_cast %add3A_538 : i32 to index
      %get3A_559 = arith.constant 32 : index
      %get3A_560 = tpu.vector_load %arg9[%get3A_558, %get3A_559] {strides = array<i32>} : memref<256x64xf32, #tpu.memory_space<vmem>>, vector<1x16xf32>,
      %get3A_561 = vector.shape_cast %get3A_560 : vector<1x16xf32> to vector<16xf32>
      %get3A_562 = arith.index_cast %add3A_538 : i32 to index
      %get3A_563 = arith.constant 32 : index
      %get3A_564 = tpu.vector_load %arg10[%get3A_562, %get3A_563] {strides = array<i32>} : memref<256x64xf32, #tpu.memory_space<vmem>>, vector<1x16xf32>,
      %get3A_565 = vector.shape_cast %get3A_564 : vector<1x16xf32> to vector<16xf32>
      %mul3A_566 = arith.mulf %get3A_561, %get3A_565 : vector<16xf32>
      %add3A_567 = arith.addf %add3A_557, %mul3A_566 : vector<16xf32>
      %get3A_568 = arith.index_cast %add3A_538 : i32 to index
      %get3A_569 = arith.constant 48 : index
      %get3A_570 = tpu.vector_load %arg9[%get3A_568, %get3A_569] {strides = array<i32>} : memref<256x64xf32, #tpu.memory_space<vmem>>, vector<1x16xf32>,
      %get3A_571 = vector.shape_cast %get3A_570 : vector<1x16xf32> to vector<16xf32>
      %get3A_572 = arith.index_cast %add3A_538 : i32 to index
      %get3A_573 = arith.constant 48 : index
      %get3A_574 = tpu.vector_load %arg10[%get3A_572, %get3A_573] {strides = array<i32>} : memref<256x64xf32, #tpu.memory_space<vmem>>, vector<1x16xf32>,
      %get3A_575 = vector.shape_cast %get3A_574 : vector<1x16xf32> to vector<16xf32>
      %mul3A_576 = arith.mulf %get3A_571, %get3A_575 : vector<16xf32>
      %add3A_577 = arith.addf %add3A_567, %mul3A_576 : vector<16xf32>
      %eq3A_578 = arith.constant 8 : i32
      %eq3A_579 = vector.broadcast %eq3A_578 : i32 to vector<16xi32>
      %eq3A_580 = arith.cmpi eq, %iota3A, %eq3A_579 : vector<16xi32>
      %broadcast_in_dim3A_581 = vector.shape_cast %xor3A_4 : vector<16xi32> to vector<16x1xi32>
      %gather3A_582 = vector.shape_cast %broadcast_in_dim3A_581 : vector<16x1xi32> to vector<16xi32>
      %gather3A_583 = tpu.dynamic_gather %add3A_577[%gather3A_582] in [0] : vector<16xf32>, vector<16xi32> -> vector<16xf32>
      %add3A_584 = arith.addf %add3A_577, %gather3A_583 : vector<16xf32>
      %broadcast_in_dim3A_585 = vector.shape_cast %xor3A_7 : vector<16xi32> to vector<16x1xi32>
      %gather3A_586 = vector.shape_cast %broadcast_in_dim3A_585 : vector<16x1xi32> to vector<16xi32>
      %gather3A_587 = tpu.dynamic_gather %add3A_584[%gather3A_586] in [0] : vector<16xf32>, vector<16xi32> -> vector<16xf32>
      %add3A_588 = arith.addf %add3A_584, %gather3A_587 : vector<16xf32>
      %broadcast_in_dim3A_589 = vector.shape_cast %xor3A_10 : vector<16xi32> to vector<16x1xi32>
      %gather3A_590 = vector.shape_cast %broadcast_in_dim3A_589 : vector<16x1xi32> to vector<16xi32>
      %gather3A_591 = tpu.dynamic_gather %add3A_588[%gather3A_590] in [0] : vector<16xf32>, vector<16xi32> -> vector<16xf32>
      %add3A_592 = arith.addf %add3A_588, %gather3A_591 : vector<16xf32>
      %broadcast_in_dim3A_593 = vector.shape_cast %xor3A_13 : vector<16xi32> to vector<16x1xi32>
      %gather3A_594 = vector.shape_cast %broadcast_in_dim3A_593 : vector<16x1xi32> to vector<16xi32>
      %gather3A_595 = tpu.dynamic_gather %add3A_592[%gather3A_594] in [0] : vector<16xf32>, vector<16xi32> -> vector<16xf32>
      %add3A_596 = arith.addf %add3A_592, %gather3A_595 : vector<16xf32>
      %select_n3A_597 = arith.select %eq3A_580, %add3A_596, %select_n3A_536 : vector<16xi1>, vector<16xf32>
      %add3A_598 = arith.constant 9 : i32
      %add3A_599 = arith.addi %mul3A_51, %add3A_598 : i32
      %get3A_600 = arith.index_cast %add3A_599 : i32 to index
      %get3A_601 = arith.constant 0 : index
      %get3A_602 = tpu.vector_load %arg9[%get3A_600, %get3A_601] {strides = array<i32>} : memref<256x64xf32, #tpu.memory_space<vmem>>, vector<1x16xf32>,
      %get3A_603 = vector.shape_cast %get3A_602 : vector<1x16xf32> to vector<16xf32>
      %get3A_604 = arith.index_cast %add3A_599 : i32 to index
      %get3A_605 = arith.constant 0 : index
      %get3A_606 = tpu.vector_load %arg10[%get3A_604, %get3A_605] {strides = array<i32>} : memref<256x64xf32, #tpu.memory_space<vmem>>, vector<1x16xf32>,
      %get3A_607 = vector.shape_cast %get3A_606 : vector<1x16xf32> to vector<16xf32>
      %mul3A_608 = arith.mulf %get3A_603, %get3A_607 : vector<16xf32>
      %get3A_609 = arith.index_cast %add3A_599 : i32 to index
      %get3A_610 = arith.constant 16 : index
      %get3A_611 = tpu.vector_load %arg9[%get3A_609, %get3A_610] {strides = array<i32>} : memref<256x64xf32, #tpu.memory_space<vmem>>, vector<1x16xf32>,
      %get3A_612 = vector.shape_cast %get3A_611 : vector<1x16xf32> to vector<16xf32>
      %get3A_613 = arith.index_cast %add3A_599 : i32 to index
      %get3A_614 = arith.constant 16 : index
      %get3A_615 = tpu.vector_load %arg10[%get3A_613, %get3A_614] {strides = array<i32>} : memref<256x64xf32, #tpu.memory_space<vmem>>, vector<1x16xf32>,
      %get3A_616 = vector.shape_cast %get3A_615 : vector<1x16xf32> to vector<16xf32>
      %mul3A_617 = arith.mulf %get3A_612, %get3A_616 : vector<16xf32>
      %add3A_618 = arith.addf %mul3A_608, %mul3A_617 : vector<16xf32>
      %get3A_619 = arith.index_cast %add3A_599 : i32 to index
      %get3A_620 = arith.constant 32 : index
      %get3A_621 = tpu.vector_load %arg9[%get3A_619, %get3A_620] {strides = array<i32>} : memref<256x64xf32, #tpu.memory_space<vmem>>, vector<1x16xf32>,
      %get3A_622 = vector.shape_cast %get3A_621 : vector<1x16xf32> to vector<16xf32>
      %get3A_623 = arith.index_cast %add3A_599 : i32 to index
      %get3A_624 = arith.constant 32 : index
      %get3A_625 = tpu.vector_load %arg10[%get3A_623, %get3A_624] {strides = array<i32>} : memref<256x64xf32, #tpu.memory_space<vmem>>, vector<1x16xf32>,
      %get3A_626 = vector.shape_cast %get3A_625 : vector<1x16xf32> to vector<16xf32>
      %mul3A_627 = arith.mulf %get3A_622, %get3A_626 : vector<16xf32>
      %add3A_628 = arith.addf %add3A_618, %mul3A_627 : vector<16xf32>
      %get3A_629 = arith.index_cast %add3A_599 : i32 to index
      %get3A_630 = arith.constant 48 : index
      %get3A_631 = tpu.vector_load %arg9[%get3A_629, %get3A_630] {strides = array<i32>} : memref<256x64xf32, #tpu.memory_space<vmem>>, vector<1x16xf32>,
      %get3A_632 = vector.shape_cast %get3A_631 : vector<1x16xf32> to vector<16xf32>
      %get3A_633 = arith.index_cast %add3A_599 : i32 to index
      %get3A_634 = arith.constant 48 : index
      %get3A_635 = tpu.vector_load %arg10[%get3A_633, %get3A_634] {strides = array<i32>} : memref<256x64xf32, #tpu.memory_space<vmem>>, vector<1x16xf32>,
      %get3A_636 = vector.shape_cast %get3A_635 : vector<1x16xf32> to vector<16xf32>
      %mul3A_637 = arith.mulf %get3A_632, %get3A_636 : vector<16xf32>
      %add3A_638 = arith.addf %add3A_628, %mul3A_637 : vector<16xf32>
      %eq3A_639 = arith.constant 9 : i32
      %eq3A_640 = vector.broadcast %eq3A_639 : i32 to vector<16xi32>
      %eq3A_641 = arith.cmpi eq, %iota3A, %eq3A_640 : vector<16xi32>
      %broadcast_in_dim3A_642 = vector.shape_cast %xor3A_4 : vector<16xi32> to vector<16x1xi32>
      %gather3A_643 = vector.shape_cast %broadcast_in_dim3A_642 : vector<16x1xi32> to vector<16xi32>
      %gather3A_644 = tpu.dynamic_gather %add3A_638[%gather3A_643] in [0] : vector<16xf32>, vector<16xi32> -> vector<16xf32>
      %add3A_645 = arith.addf %add3A_638, %gather3A_644 : vector<16xf32>
      %broadcast_in_dim3A_646 = vector.shape_cast %xor3A_7 : vector<16xi32> to vector<16x1xi32>
      %gather3A_647 = vector.shape_cast %broadcast_in_dim3A_646 : vector<16x1xi32> to vector<16xi32>
      %gather3A_648 = tpu.dynamic_gather %add3A_645[%gather3A_647] in [0] : vector<16xf32>, vector<16xi32> -> vector<16xf32>
      %add3A_649 = arith.addf %add3A_645, %gather3A_648 : vector<16xf32>
      %broadcast_in_dim3A_650 = vector.shape_cast %xor3A_10 : vector<16xi32> to vector<16x1xi32>
      %gather3A_651 = vector.shape_cast %broadcast_in_dim3A_650 : vector<16x1xi32> to vector<16xi32>
      %gather3A_652 = tpu.dynamic_gather %add3A_649[%gather3A_651] in [0] : vector<16xf32>, vector<16xi32> -> vector<16xf32>
      %add3A_653 = arith.addf %add3A_649, %gather3A_652 : vector<16xf32>
      %broadcast_in_dim3A_654 = vector.shape_cast %xor3A_13 : vector<16xi32> to vector<16x1xi32>
      %gather3A_655 = vector.shape_cast %broadcast_in_dim3A_654 : vector<16x1xi32> to vector<16xi32>
      %gather3A_656 = tpu.dynamic_gather %add3A_653[%gather3A_655] in [0] : vector<16xf32>, vector<16xi32> -> vector<16xf32>
      %add3A_657 = arith.addf %add3A_653, %gather3A_656 : vector<16xf32>
      %select_n3A_658 = arith.select %eq3A_641, %add3A_657, %select_n3A_597 : vector<16xi1>, vector<16xf32>
      %add3A_659 = arith.constant 10 : i32
      %add3A_660 = arith.addi %mul3A_51, %add3A_659 : i32
      %get3A_661 = arith.index_cast %add3A_660 : i32 to index
      %get3A_662 = arith.constant 0 : index
      %get3A_663 = tpu.vector_load %arg9[%get3A_661, %get3A_662] {strides = array<i32>} : memref<256x64xf32, #tpu.memory_space<vmem>>, vector<1x16xf32>,
      %get3A_664 = vector.shape_cast %get3A_663 : vector<1x16xf32> to vector<16xf32>
      %get3A_665 = arith.index_cast %add3A_660 : i32 to index
      %get3A_666 = arith.constant 0 : index
      %get3A_667 = tpu.vector_load %arg10[%get3A_665, %get3A_666] {strides = array<i32>} : memref<256x64xf32, #tpu.memory_space<vmem>>, vector<1x16xf32>,
      %get3A_668 = vector.shape_cast %get3A_667 : vector<1x16xf32> to vector<16xf32>
      %mul3A_669 = arith.mulf %get3A_664, %get3A_668 : vector<16xf32>
      %get3A_670 = arith.index_cast %add3A_660 : i32 to index
      %get3A_671 = arith.constant 16 : index
      %get3A_672 = tpu.vector_load %arg9[%get3A_670, %get3A_671] {strides = array<i32>} : memref<256x64xf32, #tpu.memory_space<vmem>>, vector<1x16xf32>,
      %get3A_673 = vector.shape_cast %get3A_672 : vector<1x16xf32> to vector<16xf32>
      %get3A_674 = arith.index_cast %add3A_660 : i32 to index
      %get3A_675 = arith.constant 16 : index
      %get3A_676 = tpu.vector_load %arg10[%get3A_674, %get3A_675] {strides = array<i32>} : memref<256x64xf32, #tpu.memory_space<vmem>>, vector<1x16xf32>,
      %get3A_677 = vector.shape_cast %get3A_676 : vector<1x16xf32> to vector<16xf32>
      %mul3A_678 = arith.mulf %get3A_673, %get3A_677 : vector<16xf32>
      %add3A_679 = arith.addf %mul3A_669, %mul3A_678 : vector<16xf32>
      %get3A_680 = arith.index_cast %add3A_660 : i32 to index
      %get3A_681 = arith.constant 32 : index
      %get3A_682 = tpu.vector_load %arg9[%get3A_680, %get3A_681] {strides = array<i32>} : memref<256x64xf32, #tpu.memory_space<vmem>>, vector<1x16xf32>,
      %get3A_683 = vector.shape_cast %get3A_682 : vector<1x16xf32> to vector<16xf32>
      %get3A_684 = arith.index_cast %add3A_660 : i32 to index
      %get3A_685 = arith.constant 32 : index
      %get3A_686 = tpu.vector_load %arg10[%get3A_684, %get3A_685] {strides = array<i32>} : memref<256x64xf32, #tpu.memory_space<vmem>>, vector<1x16xf32>,
      %get3A_687 = vector.shape_cast %get3A_686 : vector<1x16xf32> to vector<16xf32>
      %mul3A_688 = arith.mulf %get3A_683, %get3A_687 : vector<16xf32>
      %add3A_689 = arith.addf %add3A_679, %mul3A_688 : vector<16xf32>
      %get3A_690 = arith.index_cast %add3A_660 : i32 to index
      %get3A_691 = arith.constant 48 : index
      %get3A_692 = tpu.vector_load %arg9[%get3A_690, %get3A_691] {strides = array<i32>} : memref<256x64xf32, #tpu.memory_space<vmem>>, vector<1x16xf32>,
      %get3A_693 = vector.shape_cast %get3A_692 : vector<1x16xf32> to vector<16xf32>
      %get3A_694 = arith.index_cast %add3A_660 : i32 to index
      %get3A_695 = arith.constant 48 : index
      %get3A_696 = tpu.vector_load %arg10[%get3A_694, %get3A_695] {strides = array<i32>} : memref<256x64xf32, #tpu.memory_space<vmem>>, vector<1x16xf32>,
      %get3A_697 = vector.shape_cast %get3A_696 : vector<1x16xf32> to vector<16xf32>
      %mul3A_698 = arith.mulf %get3A_693, %get3A_697 : vector<16xf32>
      %add3A_699 = arith.addf %add3A_689, %mul3A_698 : vector<16xf32>
      %eq3A_700 = arith.constant 10 : i32
      %eq3A_701 = vector.broadcast %eq3A_700 : i32 to vector<16xi32>
      %eq3A_702 = arith.cmpi eq, %iota3A, %eq3A_701 : vector<16xi32>
      %broadcast_in_dim3A_703 = vector.shape_cast %xor3A_4 : vector<16xi32> to vector<16x1xi32>
      %gather3A_704 = vector.shape_cast %broadcast_in_dim3A_703 : vector<16x1xi32> to vector<16xi32>
      %gather3A_705 = tpu.dynamic_gather %add3A_699[%gather3A_704] in [0] : vector<16xf32>, vector<16xi32> -> vector<16xf32>
      %add3A_706 = arith.addf %add3A_699, %gather3A_705 : vector<16xf32>
      %broadcast_in_dim3A_707 = vector.shape_cast %xor3A_7 : vector<16xi32> to vector<16x1xi32>
      %gather3A_708 = vector.shape_cast %broadcast_in_dim3A_707 : vector<16x1xi32> to vector<16xi32>
      %gather3A_709 = tpu.dynamic_gather %add3A_706[%gather3A_708] in [0] : vector<16xf32>, vector<16xi32> -> vector<16xf32>
      %add3A_710 = arith.addf %add3A_706, %gather3A_709 : vector<16xf32>
      %broadcast_in_dim3A_711 = vector.shape_cast %xor3A_10 : vector<16xi32> to vector<16x1xi32>
      %gather3A_712 = vector.shape_cast %broadcast_in_dim3A_711 : vector<16x1xi32> to vector<16xi32>
      %gather3A_713 = tpu.dynamic_gather %add3A_710[%gather3A_712] in [0] : vector<16xf32>, vector<16xi32> -> vector<16xf32>
      %add3A_714 = arith.addf %add3A_710, %gather3A_713 : vector<16xf32>
      %broadcast_in_dim3A_715 = vector.shape_cast %xor3A_13 : vector<16xi32> to vector<16x1xi32>
      %gather3A_716 = vector.shape_cast %broadcast_in_dim3A_715 : vector<16x1xi32> to vector<16xi32>
      %gather3A_717 = tpu.dynamic_gather %add3A_714[%gather3A_716] in [0] : vector<16xf32>, vector<16xi32> -> vector<16xf32>
      %add3A_718 = arith.addf %add3A_714, %gather3A_717 : vector<16xf32>
      %select_n3A_719 = arith.select %eq3A_702, %add3A_718, %select_n3A_658 : vector<16xi1>, vector<16xf32>
      %add3A_720 = arith.constant 11 : i32
      %add3A_721 = arith.addi %mul3A_51, %add3A_720 : i32
      %get3A_722 = arith.index_cast %add3A_721 : i32 to index
      %get3A_723 = arith.constant 0 : index
      %get3A_724 = tpu.vector_load %arg9[%get3A_722, %get3A_723] {strides = array<i32>} : memref<256x64xf32, #tpu.memory_space<vmem>>, vector<1x16xf32>,
      %get3A_725 = vector.shape_cast %get3A_724 : vector<1x16xf32> to vector<16xf32>
      %get3A_726 = arith.index_cast %add3A_721 : i32 to index
      %get3A_727 = arith.constant 0 : index
      %get3A_728 = tpu.vector_load %arg10[%get3A_726, %get3A_727] {strides = array<i32>} : memref<256x64xf32, #tpu.memory_space<vmem>>, vector<1x16xf32>,
      %get3A_729 = vector.shape_cast %get3A_728 : vector<1x16xf32> to vector<16xf32>
      %mul3A_730 = arith.mulf %get3A_725, %get3A_729 : vector<16xf32>
      %get3A_731 = arith.index_cast %add3A_721 : i32 to index
      %get3A_732 = arith.constant 16 : index
      %get3A_733 = tpu.vector_load %arg9[%get3A_731, %get3A_732] {strides = array<i32>} : memref<256x64xf32, #tpu.memory_space<vmem>>, vector<1x16xf32>,
      %get3A_734 = vector.shape_cast %get3A_733 : vector<1x16xf32> to vector<16xf32>
      %get3A_735 = arith.index_cast %add3A_721 : i32 to index
      %get3A_736 = arith.constant 16 : index
      %get3A_737 = tpu.vector_load %arg10[%get3A_735, %get3A_736] {strides = array<i32>} : memref<256x64xf32, #tpu.memory_space<vmem>>, vector<1x16xf32>,
      %get3A_738 = vector.shape_cast %get3A_737 : vector<1x16xf32> to vector<16xf32>
      %mul3A_739 = arith.mulf %get3A_734, %get3A_738 : vector<16xf32>
      %add3A_740 = arith.addf %mul3A_730, %mul3A_739 : vector<16xf32>
      %get3A_741 = arith.index_cast %add3A_721 : i32 to index
      %get3A_742 = arith.constant 32 : index
      %get3A_743 = tpu.vector_load %arg9[%get3A_741, %get3A_742] {strides = array<i32>} : memref<256x64xf32, #tpu.memory_space<vmem>>, vector<1x16xf32>,
      %get3A_744 = vector.shape_cast %get3A_743 : vector<1x16xf32> to vector<16xf32>
      %get3A_745 = arith.index_cast %add3A_721 : i32 to index
      %get3A_746 = arith.constant 32 : index
      %get3A_747 = tpu.vector_load %arg10[%get3A_745, %get3A_746] {strides = array<i32>} : memref<256x64xf32, #tpu.memory_space<vmem>>, vector<1x16xf32>,
      %get3A_748 = vector.shape_cast %get3A_747 : vector<1x16xf32> to vector<16xf32>
      %mul3A_749 = arith.mulf %get3A_744, %get3A_748 : vector<16xf32>
      %add3A_750 = arith.addf %add3A_740, %mul3A_749 : vector<16xf32>
      %get3A_751 = arith.index_cast %add3A_721 : i32 to index
      %get3A_752 = arith.constant 48 : index
      %get3A_753 = tpu.vector_load %arg9[%get3A_751, %get3A_752] {strides = array<i32>} : memref<256x64xf32, #tpu.memory_space<vmem>>, vector<1x16xf32>,
      %get3A_754 = vector.shape_cast %get3A_753 : vector<1x16xf32> to vector<16xf32>
      %get3A_755 = arith.index_cast %add3A_721 : i32 to index
      %get3A_756 = arith.constant 48 : index
      %get3A_757 = tpu.vector_load %arg10[%get3A_755, %get3A_756] {strides = array<i32>} : memref<256x64xf32, #tpu.memory_space<vmem>>, vector<1x16xf32>,
      %get3A_758 = vector.shape_cast %get3A_757 : vector<1x16xf32> to vector<16xf32>
      %mul3A_759 = arith.mulf %get3A_754, %get3A_758 : vector<16xf32>
      %add3A_760 = arith.addf %add3A_750, %mul3A_759 : vector<16xf32>
      %eq3A_761 = arith.constant 11 : i32
      %eq3A_762 = vector.broadcast %eq3A_761 : i32 to vector<16xi32>
      %eq3A_763 = arith.cmpi eq, %iota3A, %eq3A_762 : vector<16xi32>
      %broadcast_in_dim3A_764 = vector.shape_cast %xor3A_4 : vector<16xi32> to vector<16x1xi32>
      %gather3A_765 = vector.shape_cast %broadcast_in_dim3A_764 : vector<16x1xi32> to vector<16xi32>
      %gather3A_766 = tpu.dynamic_gather %add3A_760[%gather3A_765] in [0] : vector<16xf32>, vector<16xi32> -> vector<16xf32>
      %add3A_767 = arith.addf %add3A_760, %gather3A_766 : vector<16xf32>
      %broadcast_in_dim3A_768 = vector.shape_cast %xor3A_7 : vector<16xi32> to vector<16x1xi32>
      %gather3A_769 = vector.shape_cast %broadcast_in_dim3A_768 : vector<16x1xi32> to vector<16xi32>
      %gather3A_770 = tpu.dynamic_gather %add3A_767[%gather3A_769] in [0] : vector<16xf32>, vector<16xi32> -> vector<16xf32>
      %add3A_771 = arith.addf %add3A_767, %gather3A_770 : vector<16xf32>
      %broadcast_in_dim3A_772 = vector.shape_cast %xor3A_10 : vector<16xi32> to vector<16x1xi32>
      %gather3A_773 = vector.shape_cast %broadcast_in_dim3A_772 : vector<16x1xi32> to vector<16xi32>
      %gather3A_774 = tpu.dynamic_gather %add3A_771[%gather3A_773] in [0] : vector<16xf32>, vector<16xi32> -> vector<16xf32>
      %add3A_775 = arith.addf %add3A_771, %gather3A_774 : vector<16xf32>
      %broadcast_in_dim3A_776 = vector.shape_cast %xor3A_13 : vector<16xi32> to vector<16x1xi32>
      %gather3A_777 = vector.shape_cast %broadcast_in_dim3A_776 : vector<16x1xi32> to vector<16xi32>
      %gather3A_778 = tpu.dynamic_gather %add3A_775[%gather3A_777] in [0] : vector<16xf32>, vector<16xi32> -> vector<16xf32>
      %add3A_779 = arith.addf %add3A_775, %gather3A_778 : vector<16xf32>
      %select_n3A_780 = arith.select %eq3A_763, %add3A_779, %select_n3A_719 : vector<16xi1>, vector<16xf32>
      %add3A_781 = arith.constant 12 : i32
      %add3A_782 = arith.addi %mul3A_51, %add3A_781 : i32
      %get3A_783 = arith.index_cast %add3A_782 : i32 to index
      %get3A_784 = arith.constant 0 : index
      %get3A_785 = tpu.vector_load %arg9[%get3A_783, %get3A_784] {strides = array<i32>} : memref<256x64xf32, #tpu.memory_space<vmem>>, vector<1x16xf32>,
      %get3A_786 = vector.shape_cast %get3A_785 : vector<1x16xf32> to vector<16xf32>
      %get3A_787 = arith.index_cast %add3A_782 : i32 to index
      %get3A_788 = arith.constant 0 : index
      %get3A_789 = tpu.vector_load %arg10[%get3A_787, %get3A_788] {strides = array<i32>} : memref<256x64xf32, #tpu.memory_space<vmem>>, vector<1x16xf32>,
      %get3A_790 = vector.shape_cast %get3A_789 : vector<1x16xf32> to vector<16xf32>
      %mul3A_791 = arith.mulf %get3A_786, %get3A_790 : vector<16xf32>
      %get3A_792 = arith.index_cast %add3A_782 : i32 to index
      %get3A_793 = arith.constant 16 : index
      %get3A_794 = tpu.vector_load %arg9[%get3A_792, %get3A_793] {strides = array<i32>} : memref<256x64xf32, #tpu.memory_space<vmem>>, vector<1x16xf32>,
      %get3A_795 = vector.shape_cast %get3A_794 : vector<1x16xf32> to vector<16xf32>
      %get3A_796 = arith.index_cast %add3A_782 : i32 to index
      %get3A_797 = arith.constant 16 : index
      %get3A_798 = tpu.vector_load %arg10[%get3A_796, %get3A_797] {strides = array<i32>} : memref<256x64xf32, #tpu.memory_space<vmem>>, vector<1x16xf32>,
      %get3A_799 = vector.shape_cast %get3A_798 : vector<1x16xf32> to vector<16xf32>
      %mul3A_800 = arith.mulf %get3A_795, %get3A_799 : vector<16xf32>
      %add3A_801 = arith.addf %mul3A_791, %mul3A_800 : vector<16xf32>
      %get3A_802 = arith.index_cast %add3A_782 : i32 to index
      %get3A_803 = arith.constant 32 : index
      %get3A_804 = tpu.vector_load %arg9[%get3A_802, %get3A_803] {strides = array<i32>} : memref<256x64xf32, #tpu.memory_space<vmem>>, vector<1x16xf32>,
      %get3A_805 = vector.shape_cast %get3A_804 : vector<1x16xf32> to vector<16xf32>
      %get3A_806 = arith.index_cast %add3A_782 : i32 to index
      %get3A_807 = arith.constant 32 : index
      %get3A_808 = tpu.vector_load %arg10[%get3A_806, %get3A_807] {strides = array<i32>} : memref<256x64xf32, #tpu.memory_space<vmem>>, vector<1x16xf32>,
      %get3A_809 = vector.shape_cast %get3A_808 : vector<1x16xf32> to vector<16xf32>
      %mul3A_810 = arith.mulf %get3A_805, %get3A_809 : vector<16xf32>
      %add3A_811 = arith.addf %add3A_801, %mul3A_810 : vector<16xf32>
      %get3A_812 = arith.index_cast %add3A_782 : i32 to index
      %get3A_813 = arith.constant 48 : index
      %get3A_814 = tpu.vector_load %arg9[%get3A_812, %get3A_813] {strides = array<i32>} : memref<256x64xf32, #tpu.memory_space<vmem>>, vector<1x16xf32>,
      %get3A_815 = vector.shape_cast %get3A_814 : vector<1x16xf32> to vector<16xf32>
      %get3A_816 = arith.index_cast %add3A_782 : i32 to index
      %get3A_817 = arith.constant 48 : index
      %get3A_818 = tpu.vector_load %arg10[%get3A_816, %get3A_817] {strides = array<i32>} : memref<256x64xf32, #tpu.memory_space<vmem>>, vector<1x16xf32>,
      %get3A_819 = vector.shape_cast %get3A_818 : vector<1x16xf32> to vector<16xf32>
      %mul3A_820 = arith.mulf %get3A_815, %get3A_819 : vector<16xf32>
      %add3A_821 = arith.addf %add3A_811, %mul3A_820 : vector<16xf32>
      %eq3A_822 = arith.constant 12 : i32
      %eq3A_823 = vector.broadcast %eq3A_822 : i32 to vector<16xi32>
      %eq3A_824 = arith.cmpi eq, %iota3A, %eq3A_823 : vector<16xi32>
      %broadcast_in_dim3A_825 = vector.shape_cast %xor3A_4 : vector<16xi32> to vector<16x1xi32>
      %gather3A_826 = vector.shape_cast %broadcast_in_dim3A_825 : vector<16x1xi32> to vector<16xi32>
      %gather3A_827 = tpu.dynamic_gather %add3A_821[%gather3A_826] in [0] : vector<16xf32>, vector<16xi32> -> vector<16xf32>
      %add3A_828 = arith.addf %add3A_821, %gather3A_827 : vector<16xf32>
      %broadcast_in_dim3A_829 = vector.shape_cast %xor3A_7 : vector<16xi32> to vector<16x1xi32>
      %gather3A_830 = vector.shape_cast %broadcast_in_dim3A_829 : vector<16x1xi32> to vector<16xi32>
      %gather3A_831 = tpu.dynamic_gather %add3A_828[%gather3A_830] in [0] : vector<16xf32>, vector<16xi32> -> vector<16xf32>
      %add3A_832 = arith.addf %add3A_828, %gather3A_831 : vector<16xf32>
      %broadcast_in_dim3A_833 = vector.shape_cast %xor3A_10 : vector<16xi32> to vector<16x1xi32>
      %gather3A_834 = vector.shape_cast %broadcast_in_dim3A_833 : vector<16x1xi32> to vector<16xi32>
      %gather3A_835 = tpu.dynamic_gather %add3A_832[%gather3A_834] in [0] : vector<16xf32>, vector<16xi32> -> vector<16xf32>
      %add3A_836 = arith.addf %add3A_832, %gather3A_835 : vector<16xf32>
      %broadcast_in_dim3A_837 = vector.shape_cast %xor3A_13 : vector<16xi32> to vector<16x1xi32>
      %gather3A_838 = vector.shape_cast %broadcast_in_dim3A_837 : vector<16x1xi32> to vector<16xi32>
      %gather3A_839 = tpu.dynamic_gather %add3A_836[%gather3A_838] in [0] : vector<16xf32>, vector<16xi32> -> vector<16xf32>
      %add3A_840 = arith.addf %add3A_836, %gather3A_839 : vector<16xf32>
      %select_n3A_841 = arith.select %eq3A_824, %add3A_840, %select_n3A_780 : vector<16xi1>, vector<16xf32>
      %add3A_842 = arith.constant 13 : i32
      %add3A_843 = arith.addi %mul3A_51, %add3A_842 : i32
      %get3A_844 = arith.index_cast %add3A_843 : i32 to index
      %get3A_845 = arith.constant 0 : index
      %get3A_846 = tpu.vector_load %arg9[%get3A_844, %get3A_845] {strides = array<i32>} : memref<256x64xf32, #tpu.memory_space<vmem>>, vector<1x16xf32>,
      %get3A_847 = vector.shape_cast %get3A_846 : vector<1x16xf32> to vector<16xf32>
      %get3A_848 = arith.index_cast %add3A_843 : i32 to index
      %get3A_849 = arith.constant 0 : index
      %get3A_850 = tpu.vector_load %arg10[%get3A_848, %get3A_849] {strides = array<i32>} : memref<256x64xf32, #tpu.memory_space<vmem>>, vector<1x16xf32>,
      %get3A_851 = vector.shape_cast %get3A_850 : vector<1x16xf32> to vector<16xf32>
      %mul3A_852 = arith.mulf %get3A_847, %get3A_851 : vector<16xf32>
      %get3A_853 = arith.index_cast %add3A_843 : i32 to index
      %get3A_854 = arith.constant 16 : index
      %get3A_855 = tpu.vector_load %arg9[%get3A_853, %get3A_854] {strides = array<i32>} : memref<256x64xf32, #tpu.memory_space<vmem>>, vector<1x16xf32>,
      %get3A_856 = vector.shape_cast %get3A_855 : vector<1x16xf32> to vector<16xf32>
      %get3A_857 = arith.index_cast %add3A_843 : i32 to index
      %get3A_858 = arith.constant 16 : index
      %get3A_859 = tpu.vector_load %arg10[%get3A_857, %get3A_858] {strides = array<i32>} : memref<256x64xf32, #tpu.memory_space<vmem>>, vector<1x16xf32>,
      %get3A_860 = vector.shape_cast %get3A_859 : vector<1x16xf32> to vector<16xf32>
      %mul3A_861 = arith.mulf %get3A_856, %get3A_860 : vector<16xf32>
      %add3A_862 = arith.addf %mul3A_852, %mul3A_861 : vector<16xf32>
      %get3A_863 = arith.index_cast %add3A_843 : i32 to index
      %get3A_864 = arith.constant 32 : index
      %get3A_865 = tpu.vector_load %arg9[%get3A_863, %get3A_864] {strides = array<i32>} : memref<256x64xf32, #tpu.memory_space<vmem>>, vector<1x16xf32>,
      %get3A_866 = vector.shape_cast %get3A_865 : vector<1x16xf32> to vector<16xf32>
      %get3A_867 = arith.index_cast %add3A_843 : i32 to index
      %get3A_868 = arith.constant 32 : index
      %get3A_869 = tpu.vector_load %arg10[%get3A_867, %get3A_868] {strides = array<i32>} : memref<256x64xf32, #tpu.memory_space<vmem>>, vector<1x16xf32>,
      %get3A_870 = vector.shape_cast %get3A_869 : vector<1x16xf32> to vector<16xf32>
      %mul3A_871 = arith.mulf %get3A_866, %get3A_870 : vector<16xf32>
      %add3A_872 = arith.addf %add3A_862, %mul3A_871 : vector<16xf32>
      %get3A_873 = arith.index_cast %add3A_843 : i32 to index
      %get3A_874 = arith.constant 48 : index
      %get3A_875 = tpu.vector_load %arg9[%get3A_873, %get3A_874] {strides = array<i32>} : memref<256x64xf32, #tpu.memory_space<vmem>>, vector<1x16xf32>,
      %get3A_876 = vector.shape_cast %get3A_875 : vector<1x16xf32> to vector<16xf32>
      %get3A_877 = arith.index_cast %add3A_843 : i32 to index
      %get3A_878 = arith.constant 48 : index
      %get3A_879 = tpu.vector_load %arg10[%get3A_877, %get3A_878] {strides = array<i32>} : memref<256x64xf32, #tpu.memory_space<vmem>>, vector<1x16xf32>,
      %get3A_880 = vector.shape_cast %get3A_879 : vector<1x16xf32> to vector<16xf32>
      %mul3A_881 = arith.mulf %get3A_876, %get3A_880 : vector<16xf32>
      %add3A_882 = arith.addf %add3A_872, %mul3A_881 : vector<16xf32>
      %eq3A_883 = arith.constant 13 : i32
      %eq3A_884 = vector.broadcast %eq3A_883 : i32 to vector<16xi32>
      %eq3A_885 = arith.cmpi eq, %iota3A, %eq3A_884 : vector<16xi32>
      %broadcast_in_dim3A_886 = vector.shape_cast %xor3A_4 : vector<16xi32> to vector<16x1xi32>
      %gather3A_887 = vector.shape_cast %broadcast_in_dim3A_886 : vector<16x1xi32> to vector<16xi32>
      %gather3A_888 = tpu.dynamic_gather %add3A_882[%gather3A_887] in [0] : vector<16xf32>, vector<16xi32> -> vector<16xf32>
      %add3A_889 = arith.addf %add3A_882, %gather3A_888 : vector<16xf32>
      %broadcast_in_dim3A_890 = vector.shape_cast %xor3A_7 : vector<16xi32> to vector<16x1xi32>
      %gather3A_891 = vector.shape_cast %broadcast_in_dim3A_890 : vector<16x1xi32> to vector<16xi32>
      %gather3A_892 = tpu.dynamic_gather %add3A_889[%gather3A_891] in [0] : vector<16xf32>, vector<16xi32> -> vector<16xf32>
      %add3A_893 = arith.addf %add3A_889, %gather3A_892 : vector<16xf32>
      %broadcast_in_dim3A_894 = vector.shape_cast %xor3A_10 : vector<16xi32> to vector<16x1xi32>
      %gather3A_895 = vector.shape_cast %broadcast_in_dim3A_894 : vector<16x1xi32> to vector<16xi32>
      %gather3A_896 = tpu.dynamic_gather %add3A_893[%gather3A_895] in [0] : vector<16xf32>, vector<16xi32> -> vector<16xf32>
      %add3A_897 = arith.addf %add3A_893, %gather3A_896 : vector<16xf32>
      %broadcast_in_dim3A_898 = vector.shape_cast %xor3A_13 : vector<16xi32> to vector<16x1xi32>
      %gather3A_899 = vector.shape_cast %broadcast_in_dim3A_898 : vector<16x1xi32> to vector<16xi32>
      %gather3A_900 = tpu.dynamic_gather %add3A_897[%gather3A_899] in [0] : vector<16xf32>, vector<16xi32> -> vector<16xf32>
      %add3A_901 = arith.addf %add3A_897, %gather3A_900 : vector<16xf32>
      %select_n3A_902 = arith.select %eq3A_885, %add3A_901, %select_n3A_841 : vector<16xi1>, vector<16xf32>
      %add3A_903 = arith.constant 14 : i32
      %add3A_904 = arith.addi %mul3A_51, %add3A_903 : i32
      %get3A_905 = arith.index_cast %add3A_904 : i32 to index
      %get3A_906 = arith.constant 0 : index
      %get3A_907 = tpu.vector_load %arg9[%get3A_905, %get3A_906] {strides = array<i32>} : memref<256x64xf32, #tpu.memory_space<vmem>>, vector<1x16xf32>,
      %get3A_908 = vector.shape_cast %get3A_907 : vector<1x16xf32> to vector<16xf32>
      %get3A_909 = arith.index_cast %add3A_904 : i32 to index
      %get3A_910 = arith.constant 0 : index
      %get3A_911 = tpu.vector_load %arg10[%get3A_909, %get3A_910] {strides = array<i32>} : memref<256x64xf32, #tpu.memory_space<vmem>>, vector<1x16xf32>,
      %get3A_912 = vector.shape_cast %get3A_911 : vector<1x16xf32> to vector<16xf32>
      %mul3A_913 = arith.mulf %get3A_908, %get3A_912 : vector<16xf32>
      %get3A_914 = arith.index_cast %add3A_904 : i32 to index
      %get3A_915 = arith.constant 16 : index
      %get3A_916 = tpu.vector_load %arg9[%get3A_914, %get3A_915] {strides = array<i32>} : memref<256x64xf32, #tpu.memory_space<vmem>>, vector<1x16xf32>,
      %get3A_917 = vector.shape_cast %get3A_916 : vector<1x16xf32> to vector<16xf32>
      %get3A_918 = arith.index_cast %add3A_904 : i32 to index
      %get3A_919 = arith.constant 16 : index
      %get3A_920 = tpu.vector_load %arg10[%get3A_918, %get3A_919] {strides = array<i32>} : memref<256x64xf32, #tpu.memory_space<vmem>>, vector<1x16xf32>,
      %get3A_921 = vector.shape_cast %get3A_920 : vector<1x16xf32> to vector<16xf32>
      %mul3A_922 = arith.mulf %get3A_917, %get3A_921 : vector<16xf32>
      %add3A_923 = arith.addf %mul3A_913, %mul3A_922 : vector<16xf32>
      %get3A_924 = arith.index_cast %add3A_904 : i32 to index
      %get3A_925 = arith.constant 32 : index
      %get3A_926 = tpu.vector_load %arg9[%get3A_924, %get3A_925] {strides = array<i32>} : memref<256x64xf32, #tpu.memory_space<vmem>>, vector<1x16xf32>,
      %get3A_927 = vector.shape_cast %get3A_926 : vector<1x16xf32> to vector<16xf32>
      %get3A_928 = arith.index_cast %add3A_904 : i32 to index
      %get3A_929 = arith.constant 32 : index
      %get3A_930 = tpu.vector_load %arg10[%get3A_928, %get3A_929] {strides = array<i32>} : memref<256x64xf32, #tpu.memory_space<vmem>>, vector<1x16xf32>,
      %get3A_931 = vector.shape_cast %get3A_930 : vector<1x16xf32> to vector<16xf32>
      %mul3A_932 = arith.mulf %get3A_927, %get3A_931 : vector<16xf32>
      %add3A_933 = arith.addf %add3A_923, %mul3A_932 : vector<16xf32>
      %get3A_934 = arith.index_cast %add3A_904 : i32 to index
      %get3A_935 = arith.constant 48 : index
      %get3A_936 = tpu.vector_load %arg9[%get3A_934, %get3A_935] {strides = array<i32>} : memref<256x64xf32, #tpu.memory_space<vmem>>, vector<1x16xf32>,
      %get3A_937 = vector.shape_cast %get3A_936 : vector<1x16xf32> to vector<16xf32>
      %get3A_938 = arith.index_cast %add3A_904 : i32 to index
      %get3A_939 = arith.constant 48 : index
      %get3A_940 = tpu.vector_load %arg10[%get3A_938, %get3A_939] {strides = array<i32>} : memref<256x64xf32, #tpu.memory_space<vmem>>, vector<1x16xf32>,
      %get3A_941 = vector.shape_cast %get3A_940 : vector<1x16xf32> to vector<16xf32>
      %mul3A_942 = arith.mulf %get3A_937, %get3A_941 : vector<16xf32>
      %add3A_943 = arith.addf %add3A_933, %mul3A_942 : vector<16xf32>
      %eq3A_944 = arith.constant 14 : i32
      %eq3A_945 = vector.broadcast %eq3A_944 : i32 to vector<16xi32>
      %eq3A_946 = arith.cmpi eq, %iota3A, %eq3A_945 : vector<16xi32>
      %broadcast_in_dim3A_947 = vector.shape_cast %xor3A_4 : vector<16xi32> to vector<16x1xi32>
      %gather3A_948 = vector.shape_cast %broadcast_in_dim3A_947 : vector<16x1xi32> to vector<16xi32>
      %gather3A_949 = tpu.dynamic_gather %add3A_943[%gather3A_948] in [0] : vector<16xf32>, vector<16xi32> -> vector<16xf32>
      %add3A_950 = arith.addf %add3A_943, %gather3A_949 : vector<16xf32>
      %broadcast_in_dim3A_951 = vector.shape_cast %xor3A_7 : vector<16xi32> to vector<16x1xi32>
      %gather3A_952 = vector.shape_cast %broadcast_in_dim3A_951 : vector<16x1xi32> to vector<16xi32>
      %gather3A_953 = tpu.dynamic_gather %add3A_950[%gather3A_952] in [0] : vector<16xf32>, vector<16xi32> -> vector<16xf32>
      %add3A_954 = arith.addf %add3A_950, %gather3A_953 : vector<16xf32>
      %broadcast_in_dim3A_955 = vector.shape_cast %xor3A_10 : vector<16xi32> to vector<16x1xi32>
      %gather3A_956 = vector.shape_cast %broadcast_in_dim3A_955 : vector<16x1xi32> to vector<16xi32>
      %gather3A_957 = tpu.dynamic_gather %add3A_954[%gather3A_956] in [0] : vector<16xf32>, vector<16xi32> -> vector<16xf32>
      %add3A_958 = arith.addf %add3A_954, %gather3A_957 : vector<16xf32>
      %broadcast_in_dim3A_959 = vector.shape_cast %xor3A_13 : vector<16xi32> to vector<16x1xi32>
      %gather3A_960 = vector.shape_cast %broadcast_in_dim3A_959 : vector<16x1xi32> to vector<16xi32>
      %gather3A_961 = tpu.dynamic_gather %add3A_958[%gather3A_960] in [0] : vector<16xf32>, vector<16xi32> -> vector<16xf32>
      %add3A_962 = arith.addf %add3A_958, %gather3A_961 : vector<16xf32>
      %select_n3A_963 = arith.select %eq3A_946, %add3A_962, %select_n3A_902 : vector<16xi1>, vector<16xf32>
      %add3A_964 = arith.constant 15 : i32
      %add3A_965 = arith.addi %mul3A_51, %add3A_964 : i32
      %get3A_966 = arith.index_cast %add3A_965 : i32 to index
      %get3A_967 = arith.constant 0 : index
      %get3A_968 = tpu.vector_load %arg9[%get3A_966, %get3A_967] {strides = array<i32>} : memref<256x64xf32, #tpu.memory_space<vmem>>, vector<1x16xf32>,
      %get3A_969 = vector.shape_cast %get3A_968 : vector<1x16xf32> to vector<16xf32>
      %get3A_970 = arith.index_cast %add3A_965 : i32 to index
      %get3A_971 = arith.constant 0 : index
      %get3A_972 = tpu.vector_load %arg10[%get3A_970, %get3A_971] {strides = array<i32>} : memref<256x64xf32, #tpu.memory_space<vmem>>, vector<1x16xf32>,
      %get3A_973 = vector.shape_cast %get3A_972 : vector<1x16xf32> to vector<16xf32>
      %mul3A_974 = arith.mulf %get3A_969, %get3A_973 : vector<16xf32>
      %get3A_975 = arith.index_cast %add3A_965 : i32 to index
      %get3A_976 = arith.constant 16 : index
      %get3A_977 = tpu.vector_load %arg9[%get3A_975, %get3A_976] {strides = array<i32>} : memref<256x64xf32, #tpu.memory_space<vmem>>, vector<1x16xf32>,
      %get3A_978 = vector.shape_cast %get3A_977 : vector<1x16xf32> to vector<16xf32>
      %get3A_979 = arith.index_cast %add3A_965 : i32 to index
      %get3A_980 = arith.constant 16 : index
      %get3A_981 = tpu.vector_load %arg10[%get3A_979, %get3A_980] {strides = array<i32>} : memref<256x64xf32, #tpu.memory_space<vmem>>, vector<1x16xf32>,
      %get3A_982 = vector.shape_cast %get3A_981 : vector<1x16xf32> to vector<16xf32>
      %mul3A_983 = arith.mulf %get3A_978, %get3A_982 : vector<16xf32>
      %add3A_984 = arith.addf %mul3A_974, %mul3A_983 : vector<16xf32>
      %get3A_985 = arith.index_cast %add3A_965 : i32 to index
      %get3A_986 = arith.constant 32 : index
      %get3A_987 = tpu.vector_load %arg9[%get3A_985, %get3A_986] {strides = array<i32>} : memref<256x64xf32, #tpu.memory_space<vmem>>, vector<1x16xf32>,
      %get3A_988 = vector.shape_cast %get3A_987 : vector<1x16xf32> to vector<16xf32>
      %get3A_989 = arith.index_cast %add3A_965 : i32 to index
      %get3A_990 = arith.constant 32 : index
      %get3A_991 = tpu.vector_load %arg10[%get3A_989, %get3A_990] {strides = array<i32>} : memref<256x64xf32, #tpu.memory_space<vmem>>, vector<1x16xf32>,
      %get3A_992 = vector.shape_cast %get3A_991 : vector<1x16xf32> to vector<16xf32>
      %mul3A_993 = arith.mulf %get3A_988, %get3A_992 : vector<16xf32>
      %add3A_994 = arith.addf %add3A_984, %mul3A_993 : vector<16xf32>
      %get3A_995 = arith.index_cast %add3A_965 : i32 to index
      %get3A_996 = arith.constant 48 : index
      %get3A_997 = tpu.vector_load %arg9[%get3A_995, %get3A_996] {strides = array<i32>} : memref<256x64xf32, #tpu.memory_space<vmem>>, vector<1x16xf32>,
      %get3A_998 = vector.shape_cast %get3A_997 : vector<1x16xf32> to vector<16xf32>
      %get3A_999 = arith.index_cast %add3A_965 : i32 to index
      %get3A_1000 = arith.constant 48 : index
      %get3A_1001 = tpu.vector_load %arg10[%get3A_999, %get3A_1000] {strides = array<i32>} : memref<256x64xf32, #tpu.memory_space<vmem>>, vector<1x16xf32>,
      %get3A_1002 = vector.shape_cast %get3A_1001 : vector<1x16xf32> to vector<16xf32>
      %mul3A_1003 = arith.mulf %get3A_998, %get3A_1002 : vector<16xf32>
      %add3A_1004 = arith.addf %add3A_994, %mul3A_1003 : vector<16xf32>
      %eq3A_1005 = arith.constant 15 : i32
      %eq3A_1006 = vector.broadcast %eq3A_1005 : i32 to vector<16xi32>
      %eq3A_1007 = arith.cmpi eq, %iota3A, %eq3A_1006 : vector<16xi32>
      %broadcast_in_dim3A_1008 = vector.shape_cast %xor3A_4 : vector<16xi32> to vector<16x1xi32>
      %gather3A_1009 = vector.shape_cast %broadcast_in_dim3A_1008 : vector<16x1xi32> to vector<16xi32>
      %gather3A_1010 = tpu.dynamic_gather %add3A_1004[%gather3A_1009] in [0] : vector<16xf32>, vector<16xi32> -> vector<16xf32>
      %add3A_1011 = arith.addf %add3A_1004, %gather3A_1010 : vector<16xf32>
      %broadcast_in_dim3A_1012 = vector.shape_cast %xor3A_7 : vector<16xi32> to vector<16x1xi32>
      %gather3A_1013 = vector.shape_cast %broadcast_in_dim3A_1012 : vector<16x1xi32> to vector<16xi32>
      %gather3A_1014 = tpu.dynamic_gather %add3A_1011[%gather3A_1013] in [0] : vector<16xf32>, vector<16xi32> -> vector<16xf32>
      %add3A_1015 = arith.addf %add3A_1011, %gather3A_1014 : vector<16xf32>
      %broadcast_in_dim3A_1016 = vector.shape_cast %xor3A_10 : vector<16xi32> to vector<16x1xi32>
      %gather3A_1017 = vector.shape_cast %broadcast_in_dim3A_1016 : vector<16x1xi32> to vector<16xi32>
      %gather3A_1018 = tpu.dynamic_gather %add3A_1015[%gather3A_1017] in [0] : vector<16xf32>, vector<16xi32> -> vector<16xf32>
      %add3A_1019 = arith.addf %add3A_1015, %gather3A_1018 : vector<16xf32>
      %broadcast_in_dim3A_1020 = vector.shape_cast %xor3A_13 : vector<16xi32> to vector<16x1xi32>
      %gather3A_1021 = vector.shape_cast %broadcast_in_dim3A_1020 : vector<16x1xi32> to vector<16xi32>
      %gather3A_1022 = tpu.dynamic_gather %add3A_1019[%gather3A_1021] in [0] : vector<16xf32>, vector<16xi32> -> vector<16xf32>
      %add3A_1023 = arith.addf %add3A_1019, %gather3A_1022 : vector<16xf32>
      %select_n3A_1024 = arith.select %eq3A_1007, %add3A_1023, %select_n3A_963 : vector<16xi1>, vector<16xf32>
      %add3A_1025 = arith.constant 0 : i32
      %add3A_1026 = arith.addi %add3A_1025, %mul3A_51 : i32
      %swap3A = arith.index_cast %add3A_1026 : i32 to index
      %swap3A_1027 = tpu.vector_load %arg11[%swap3A] {strides = array<i32>} : memref<512xf32, #tpu.memory_space<vmem>>, vector<16xf32>,
      %swap3A_1028 = vector.shape_cast %swap3A_1027 : vector<16xf32> to vector<16xf32>
      %swap3A_1029 = vector.shape_cast %select_n3A_1024 : vector<16xf32> to vector<16xf32>
      tpu.vector_store %arg11[%swap3A], %swap3A_1029 {strides = array<i32>} : memref<512xf32, #tpu.memory_space<vmem>>, vector<16xf32>,
    }
    %scan3A_30 = arith.constant 16 : i32
    %scan3A_31 = arith.constant 0 : i32
    %scan3A_32 = arith.constant 0 : i32
    %scan3A_33 = arith.constant 16 : i32
    %scan3A_34 = arith.addi %scan3A_32, %scan3A_33 : i32
    %scan3A_35 = arith.constant 1 : i32
    scf.for %scan3A_49 = %scan3A_32 to %scan3A_34 step %scan3A_35  : i32 {
      %mul3A_50 = arith.constant 16 : i32
      %mul3A_51 = arith.muli %scan3A_49, %mul3A_50 : i32
      %add3A_52 = arith.constant 256 : i32
      %add3A_53 = arith.addi %add3A_52, %mul3A_51 : i32
      %get3A = arith.index_cast %add3A_53 : i32 to index
      %get3A_54 = tpu.vector_load %arg7[%get3A] {strides = array<i32>} : memref<512xi32, #tpu.memory_space<vmem>>, vector<16xi32>,
      %get3A_55 = vector.shape_cast %get3A_54 : vector<16xi32> to vector<16xi32>
      %add3A_56 = arith.constant 256 : i32
      %add3A_57 = arith.addi %add3A_56, %mul3A_51 : i32
      %get3A_58 = arith.index_cast %add3A_57 : i32 to index
      %get3A_59 = tpu.vector_load %arg8[%get3A_58] {strides = array<i32>} : memref<512xi32, #tpu.memory_space<vmem>>, vector<16xi32>,
      %get3A_60 = vector.shape_cast %get3A_59 : vector<16xi32> to vector<16xi32>
      %slice3A = vector.extract_strided_slice %get3A_55 {offsets = [0], sizes = [1], strides = [1]} : vector<16xi32> to vector<1xi32>
      %squeeze3A = vector.extract %slice3A[0] : i32 from vector<1xi32>
      %slice3A_61 = vector.extract_strided_slice %get3A_60 {offsets = [0], sizes = [1], strides = [1]} : vector<16xi32> to vector<1xi32>
      %squeeze3A_62 = vector.extract %slice3A_61[0] : i32 from vector<1xi32>
      %add3A_63 = arith.constant 0 : i32
      %add3A_64 = arith.addi %mul3A_51, %add3A_63 : i32
      %dma_start3A = arith.constant 0 : i32
      %dma_start3A_65 = tpu.memref_slice %arg9[%add3A_64, %dma_start3A] : memref<256x64xf32, #tpu.memory_space<vmem>> -> memref<1x64xf32, #tpu.memory_space<vmem>>
      %dma_start3A_66 = arith.constant 0 : i32
      %dma_start3A_67 = tpu.memref_slice %arg4[%squeeze3A, %dma_start3A_66] : memref<1000000x64xf32, #tpu.memory_space<hbm>> -> memref<1x64xf32, #tpu.memory_space<hbm>>
      %dma_start3A_68 = arith.constant 0 : i32
      %dma_start3A_69 = tpu.memref_slice %arg9[%add3A_64, %dma_start3A_68] : memref<256x64xf32, #tpu.memory_space<vmem>> -> memref<1x64xf32, #tpu.memory_space<vmem>>
      %dma_start3A_70 = arith.constant 0 : i32
      %dma_start3A_71 = tpu.memref_slice %arg4[%squeeze3A, %dma_start3A_70] : memref<1000000x64xf32, #tpu.memory_space<hbm>> -> memref<1x64xf32, #tpu.memory_space<hbm>>
      tpu.enqueue_dma source(%dma_start3A_71 : memref<1x64xf32, #tpu.memory_space<hbm>>) target(%dma_start3A_69 : memref<1x64xf32, #tpu.memory_space<vmem>>) target_semaphore(%arg12 : memref<!tpu.dma_semaphore, #tpu.memory_space<semaphore_mem>>)
      %add3A_72 = arith.constant 0 : i32
      %add3A_73 = arith.addi %mul3A_51, %add3A_72 : i32
      %dma_start3A_74 = arith.constant 0 : i32
      %dma_start3A_75 = tpu.memref_slice %arg10[%add3A_73, %dma_start3A_74] : memref<256x64xf32, #tpu.memory_space<vmem>> -> memref<1x64xf32, #tpu.memory_space<vmem>>
      %dma_start3A_76 = arith.constant 0 : i32
      %dma_start3A_77 = tpu.memref_slice %arg5[%squeeze3A_62, %dma_start3A_76] : memref<1000000x64xf32, #tpu.memory_space<hbm>> -> memref<1x64xf32, #tpu.memory_space<hbm>>
      %dma_start3A_78 = arith.constant 0 : i32
      %dma_start3A_79 = tpu.memref_slice %arg10[%add3A_73, %dma_start3A_78] : memref<256x64xf32, #tpu.memory_space<vmem>> -> memref<1x64xf32, #tpu.memory_space<vmem>>
      %dma_start3A_80 = arith.constant 0 : i32
      %dma_start3A_81 = tpu.memref_slice %arg5[%squeeze3A_62, %dma_start3A_80] : memref<1000000x64xf32, #tpu.memory_space<hbm>> -> memref<1x64xf32, #tpu.memory_space<hbm>>
      tpu.enqueue_dma source(%dma_start3A_81 : memref<1x64xf32, #tpu.memory_space<hbm>>) target(%dma_start3A_79 : memref<1x64xf32, #tpu.memory_space<vmem>>) target_semaphore(%arg12 : memref<!tpu.dma_semaphore, #tpu.memory_space<semaphore_mem>>)
      %slice3A_82 = vector.extract_strided_slice %get3A_55 {offsets = [1], sizes = [1], strides = [1]} : vector<16xi32> to vector<1xi32>
      %squeeze3A_83 = vector.extract %slice3A_82[0] : i32 from vector<1xi32>
      %slice3A_84 = vector.extract_strided_slice %get3A_60 {offsets = [1], sizes = [1], strides = [1]} : vector<16xi32> to vector<1xi32>
      %squeeze3A_85 = vector.extract %slice3A_84[0] : i32 from vector<1xi32>
      %add3A_86 = arith.constant 1 : i32
      %add3A_87 = arith.addi %mul3A_51, %add3A_86 : i32
      %dma_start3A_88 = arith.constant 0 : i32
      %dma_start3A_89 = tpu.memref_slice %arg9[%add3A_87, %dma_start3A_88] : memref<256x64xf32, #tpu.memory_space<vmem>> -> memref<1x64xf32, #tpu.memory_space<vmem>>
      %dma_start3A_90 = arith.constant 0 : i32
      %dma_start3A_91 = tpu.memref_slice %arg4[%squeeze3A_83, %dma_start3A_90] : memref<1000000x64xf32, #tpu.memory_space<hbm>> -> memref<1x64xf32, #tpu.memory_space<hbm>>
      %dma_start3A_92 = arith.constant 0 : i32
      %dma_start3A_93 = tpu.memref_slice %arg9[%add3A_87, %dma_start3A_92] : memref<256x64xf32, #tpu.memory_space<vmem>> -> memref<1x64xf32, #tpu.memory_space<vmem>>
      %dma_start3A_94 = arith.constant 0 : i32
      %dma_start3A_95 = tpu.memref_slice %arg4[%squeeze3A_83, %dma_start3A_94] : memref<1000000x64xf32, #tpu.memory_space<hbm>> -> memref<1x64xf32, #tpu.memory_space<hbm>>
      tpu.enqueue_dma source(%dma_start3A_95 : memref<1x64xf32, #tpu.memory_space<hbm>>) target(%dma_start3A_93 : memref<1x64xf32, #tpu.memory_space<vmem>>) target_semaphore(%arg12 : memref<!tpu.dma_semaphore, #tpu.memory_space<semaphore_mem>>)
      %add3A_96 = arith.constant 1 : i32
      %add3A_97 = arith.addi %mul3A_51, %add3A_96 : i32
      %dma_start3A_98 = arith.constant 0 : i32
      %dma_start3A_99 = tpu.memref_slice %arg10[%add3A_97, %dma_start3A_98] : memref<256x64xf32, #tpu.memory_space<vmem>> -> memref<1x64xf32, #tpu.memory_space<vmem>>
      %dma_start3A_100 = arith.constant 0 : i32
      %dma_start3A_101 = tpu.memref_slice %arg5[%squeeze3A_85, %dma_start3A_100] : memref<1000000x64xf32, #tpu.memory_space<hbm>> -> memref<1x64xf32, #tpu.memory_space<hbm>>
      %dma_start3A_102 = arith.constant 0 : i32
      %dma_start3A_103 = tpu.memref_slice %arg10[%add3A_97, %dma_start3A_102] : memref<256x64xf32, #tpu.memory_space<vmem>> -> memref<1x64xf32, #tpu.memory_space<vmem>>
      %dma_start3A_104 = arith.constant 0 : i32
      %dma_start3A_105 = tpu.memref_slice %arg5[%squeeze3A_85, %dma_start3A_104] : memref<1000000x64xf32, #tpu.memory_space<hbm>> -> memref<1x64xf32, #tpu.memory_space<hbm>>
      tpu.enqueue_dma source(%dma_start3A_105 : memref<1x64xf32, #tpu.memory_space<hbm>>) target(%dma_start3A_103 : memref<1x64xf32, #tpu.memory_space<vmem>>) target_semaphore(%arg12 : memref<!tpu.dma_semaphore, #tpu.memory_space<semaphore_mem>>)
      %slice3A_106 = vector.extract_strided_slice %get3A_55 {offsets = [2], sizes = [1], strides = [1]} : vector<16xi32> to vector<1xi32>
      %squeeze3A_107 = vector.extract %slice3A_106[0] : i32 from vector<1xi32>
      %slice3A_108 = vector.extract_strided_slice %get3A_60 {offsets = [2], sizes = [1], strides = [1]} : vector<16xi32> to vector<1xi32>
      %squeeze3A_109 = vector.extract %slice3A_108[0] : i32 from vector<1xi32>
      %add3A_110 = arith.constant 2 : i32
      %add3A_111 = arith.addi %mul3A_51, %add3A_110 : i32
      %dma_start3A_112 = arith.constant 0 : i32
      %dma_start3A_113 = tpu.memref_slice %arg9[%add3A_111, %dma_start3A_112] : memref<256x64xf32, #tpu.memory_space<vmem>> -> memref<1x64xf32, #tpu.memory_space<vmem>>
      %dma_start3A_114 = arith.constant 0 : i32
      %dma_start3A_115 = tpu.memref_slice %arg4[%squeeze3A_107, %dma_start3A_114] : memref<1000000x64xf32, #tpu.memory_space<hbm>> -> memref<1x64xf32, #tpu.memory_space<hbm>>
      %dma_start3A_116 = arith.constant 0 : i32
      %dma_start3A_117 = tpu.memref_slice %arg9[%add3A_111, %dma_start3A_116] : memref<256x64xf32, #tpu.memory_space<vmem>> -> memref<1x64xf32, #tpu.memory_space<vmem>>
      %dma_start3A_118 = arith.constant 0 : i32
      %dma_start3A_119 = tpu.memref_slice %arg4[%squeeze3A_107, %dma_start3A_118] : memref<1000000x64xf32, #tpu.memory_space<hbm>> -> memref<1x64xf32, #tpu.memory_space<hbm>>
      tpu.enqueue_dma source(%dma_start3A_119 : memref<1x64xf32, #tpu.memory_space<hbm>>) target(%dma_start3A_117 : memref<1x64xf32, #tpu.memory_space<vmem>>) target_semaphore(%arg12 : memref<!tpu.dma_semaphore, #tpu.memory_space<semaphore_mem>>)
      %add3A_120 = arith.constant 2 : i32
      %add3A_121 = arith.addi %mul3A_51, %add3A_120 : i32
      %dma_start3A_122 = arith.constant 0 : i32
      %dma_start3A_123 = tpu.memref_slice %arg10[%add3A_121, %dma_start3A_122] : memref<256x64xf32, #tpu.memory_space<vmem>> -> memref<1x64xf32, #tpu.memory_space<vmem>>
      %dma_start3A_124 = arith.constant 0 : i32
      %dma_start3A_125 = tpu.memref_slice %arg5[%squeeze3A_109, %dma_start3A_124] : memref<1000000x64xf32, #tpu.memory_space<hbm>> -> memref<1x64xf32, #tpu.memory_space<hbm>>
      %dma_start3A_126 = arith.constant 0 : i32
      %dma_start3A_127 = tpu.memref_slice %arg10[%add3A_121, %dma_start3A_126] : memref<256x64xf32, #tpu.memory_space<vmem>> -> memref<1x64xf32, #tpu.memory_space<vmem>>
      %dma_start3A_128 = arith.constant 0 : i32
      %dma_start3A_129 = tpu.memref_slice %arg5[%squeeze3A_109, %dma_start3A_128] : memref<1000000x64xf32, #tpu.memory_space<hbm>> -> memref<1x64xf32, #tpu.memory_space<hbm>>
      tpu.enqueue_dma source(%dma_start3A_129 : memref<1x64xf32, #tpu.memory_space<hbm>>) target(%dma_start3A_127 : memref<1x64xf32, #tpu.memory_space<vmem>>) target_semaphore(%arg12 : memref<!tpu.dma_semaphore, #tpu.memory_space<semaphore_mem>>)
      %slice3A_130 = vector.extract_strided_slice %get3A_55 {offsets = [3], sizes = [1], strides = [1]} : vector<16xi32> to vector<1xi32>
      %squeeze3A_131 = vector.extract %slice3A_130[0] : i32 from vector<1xi32>
      %slice3A_132 = vector.extract_strided_slice %get3A_60 {offsets = [3], sizes = [1], strides = [1]} : vector<16xi32> to vector<1xi32>
      %squeeze3A_133 = vector.extract %slice3A_132[0] : i32 from vector<1xi32>
      %add3A_134 = arith.constant 3 : i32
      %add3A_135 = arith.addi %mul3A_51, %add3A_134 : i32
      %dma_start3A_136 = arith.constant 0 : i32
      %dma_start3A_137 = tpu.memref_slice %arg9[%add3A_135, %dma_start3A_136] : memref<256x64xf32, #tpu.memory_space<vmem>> -> memref<1x64xf32, #tpu.memory_space<vmem>>
      %dma_start3A_138 = arith.constant 0 : i32
      %dma_start3A_139 = tpu.memref_slice %arg4[%squeeze3A_131, %dma_start3A_138] : memref<1000000x64xf32, #tpu.memory_space<hbm>> -> memref<1x64xf32, #tpu.memory_space<hbm>>
      %dma_start3A_140 = arith.constant 0 : i32
      %dma_start3A_141 = tpu.memref_slice %arg9[%add3A_135, %dma_start3A_140] : memref<256x64xf32, #tpu.memory_space<vmem>> -> memref<1x64xf32, #tpu.memory_space<vmem>>
      %dma_start3A_142 = arith.constant 0 : i32
      %dma_start3A_143 = tpu.memref_slice %arg4[%squeeze3A_131, %dma_start3A_142] : memref<1000000x64xf32, #tpu.memory_space<hbm>> -> memref<1x64xf32, #tpu.memory_space<hbm>>
      tpu.enqueue_dma source(%dma_start3A_143 : memref<1x64xf32, #tpu.memory_space<hbm>>) target(%dma_start3A_141 : memref<1x64xf32, #tpu.memory_space<vmem>>) target_semaphore(%arg12 : memref<!tpu.dma_semaphore, #tpu.memory_space<semaphore_mem>>)
      %add3A_144 = arith.constant 3 : i32
      %add3A_145 = arith.addi %mul3A_51, %add3A_144 : i32
      %dma_start3A_146 = arith.constant 0 : i32
      %dma_start3A_147 = tpu.memref_slice %arg10[%add3A_145, %dma_start3A_146] : memref<256x64xf32, #tpu.memory_space<vmem>> -> memref<1x64xf32, #tpu.memory_space<vmem>>
      %dma_start3A_148 = arith.constant 0 : i32
      %dma_start3A_149 = tpu.memref_slice %arg5[%squeeze3A_133, %dma_start3A_148] : memref<1000000x64xf32, #tpu.memory_space<hbm>> -> memref<1x64xf32, #tpu.memory_space<hbm>>
      %dma_start3A_150 = arith.constant 0 : i32
      %dma_start3A_151 = tpu.memref_slice %arg10[%add3A_145, %dma_start3A_150] : memref<256x64xf32, #tpu.memory_space<vmem>> -> memref<1x64xf32, #tpu.memory_space<vmem>>
      %dma_start3A_152 = arith.constant 0 : i32
      %dma_start3A_153 = tpu.memref_slice %arg5[%squeeze3A_133, %dma_start3A_152] : memref<1000000x64xf32, #tpu.memory_space<hbm>> -> memref<1x64xf32, #tpu.memory_space<hbm>>
      tpu.enqueue_dma source(%dma_start3A_153 : memref<1x64xf32, #tpu.memory_space<hbm>>) target(%dma_start3A_151 : memref<1x64xf32, #tpu.memory_space<vmem>>) target_semaphore(%arg12 : memref<!tpu.dma_semaphore, #tpu.memory_space<semaphore_mem>>)
      %slice3A_154 = vector.extract_strided_slice %get3A_55 {offsets = [4], sizes = [1], strides = [1]} : vector<16xi32> to vector<1xi32>
      %squeeze3A_155 = vector.extract %slice3A_154[0] : i32 from vector<1xi32>
      %slice3A_156 = vector.extract_strided_slice %get3A_60 {offsets = [4], sizes = [1], strides = [1]} : vector<16xi32> to vector<1xi32>
      %squeeze3A_157 = vector.extract %slice3A_156[0] : i32 from vector<1xi32>
      %add3A_158 = arith.constant 4 : i32
      %add3A_159 = arith.addi %mul3A_51, %add3A_158 : i32
      %dma_start3A_160 = arith.constant 0 : i32
      %dma_start3A_161 = tpu.memref_slice %arg9[%add3A_159, %dma_start3A_160] : memref<256x64xf32, #tpu.memory_space<vmem>> -> memref<1x64xf32, #tpu.memory_space<vmem>>
      %dma_start3A_162 = arith.constant 0 : i32
      %dma_start3A_163 = tpu.memref_slice %arg4[%squeeze3A_155, %dma_start3A_162] : memref<1000000x64xf32, #tpu.memory_space<hbm>> -> memref<1x64xf32, #tpu.memory_space<hbm>>
      %dma_start3A_164 = arith.constant 0 : i32
      %dma_start3A_165 = tpu.memref_slice %arg9[%add3A_159, %dma_start3A_164] : memref<256x64xf32, #tpu.memory_space<vmem>> -> memref<1x64xf32, #tpu.memory_space<vmem>>
      %dma_start3A_166 = arith.constant 0 : i32
      %dma_start3A_167 = tpu.memref_slice %arg4[%squeeze3A_155, %dma_start3A_166] : memref<1000000x64xf32, #tpu.memory_space<hbm>> -> memref<1x64xf32, #tpu.memory_space<hbm>>
      tpu.enqueue_dma source(%dma_start3A_167 : memref<1x64xf32, #tpu.memory_space<hbm>>) target(%dma_start3A_165 : memref<1x64xf32, #tpu.memory_space<vmem>>) target_semaphore(%arg12 : memref<!tpu.dma_semaphore, #tpu.memory_space<semaphore_mem>>)
      %add3A_168 = arith.constant 4 : i32
      %add3A_169 = arith.addi %mul3A_51, %add3A_168 : i32
      %dma_start3A_170 = arith.constant 0 : i32
      %dma_start3A_171 = tpu.memref_slice %arg10[%add3A_169, %dma_start3A_170] : memref<256x64xf32, #tpu.memory_space<vmem>> -> memref<1x64xf32, #tpu.memory_space<vmem>>
      %dma_start3A_172 = arith.constant 0 : i32
      %dma_start3A_173 = tpu.memref_slice %arg5[%squeeze3A_157, %dma_start3A_172] : memref<1000000x64xf32, #tpu.memory_space<hbm>> -> memref<1x64xf32, #tpu.memory_space<hbm>>
      %dma_start3A_174 = arith.constant 0 : i32
      %dma_start3A_175 = tpu.memref_slice %arg10[%add3A_169, %dma_start3A_174] : memref<256x64xf32, #tpu.memory_space<vmem>> -> memref<1x64xf32, #tpu.memory_space<vmem>>
      %dma_start3A_176 = arith.constant 0 : i32
      %dma_start3A_177 = tpu.memref_slice %arg5[%squeeze3A_157, %dma_start3A_176] : memref<1000000x64xf32, #tpu.memory_space<hbm>> -> memref<1x64xf32, #tpu.memory_space<hbm>>
      tpu.enqueue_dma source(%dma_start3A_177 : memref<1x64xf32, #tpu.memory_space<hbm>>) target(%dma_start3A_175 : memref<1x64xf32, #tpu.memory_space<vmem>>) target_semaphore(%arg12 : memref<!tpu.dma_semaphore, #tpu.memory_space<semaphore_mem>>)
      %slice3A_178 = vector.extract_strided_slice %get3A_55 {offsets = [5], sizes = [1], strides = [1]} : vector<16xi32> to vector<1xi32>
      %squeeze3A_179 = vector.extract %slice3A_178[0] : i32 from vector<1xi32>
      %slice3A_180 = vector.extract_strided_slice %get3A_60 {offsets = [5], sizes = [1], strides = [1]} : vector<16xi32> to vector<1xi32>
      %squeeze3A_181 = vector.extract %slice3A_180[0] : i32 from vector<1xi32>
      %add3A_182 = arith.constant 5 : i32
      %add3A_183 = arith.addi %mul3A_51, %add3A_182 : i32
      %dma_start3A_184 = arith.constant 0 : i32
      %dma_start3A_185 = tpu.memref_slice %arg9[%add3A_183, %dma_start3A_184] : memref<256x64xf32, #tpu.memory_space<vmem>> -> memref<1x64xf32, #tpu.memory_space<vmem>>
      %dma_start3A_186 = arith.constant 0 : i32
      %dma_start3A_187 = tpu.memref_slice %arg4[%squeeze3A_179, %dma_start3A_186] : memref<1000000x64xf32, #tpu.memory_space<hbm>> -> memref<1x64xf32, #tpu.memory_space<hbm>>
      %dma_start3A_188 = arith.constant 0 : i32
      %dma_start3A_189 = tpu.memref_slice %arg9[%add3A_183, %dma_start3A_188] : memref<256x64xf32, #tpu.memory_space<vmem>> -> memref<1x64xf32, #tpu.memory_space<vmem>>
      %dma_start3A_190 = arith.constant 0 : i32
      %dma_start3A_191 = tpu.memref_slice %arg4[%squeeze3A_179, %dma_start3A_190] : memref<1000000x64xf32, #tpu.memory_space<hbm>> -> memref<1x64xf32, #tpu.memory_space<hbm>>
      tpu.enqueue_dma source(%dma_start3A_191 : memref<1x64xf32, #tpu.memory_space<hbm>>) target(%dma_start3A_189 : memref<1x64xf32, #tpu.memory_space<vmem>>) target_semaphore(%arg12 : memref<!tpu.dma_semaphore, #tpu.memory_space<semaphore_mem>>)
      %add3A_192 = arith.constant 5 : i32
      %add3A_193 = arith.addi %mul3A_51, %add3A_192 : i32
      %dma_start3A_194 = arith.constant 0 : i32
      %dma_start3A_195 = tpu.memref_slice %arg10[%add3A_193, %dma_start3A_194] : memref<256x64xf32, #tpu.memory_space<vmem>> -> memref<1x64xf32, #tpu.memory_space<vmem>>
      %dma_start3A_196 = arith.constant 0 : i32
      %dma_start3A_197 = tpu.memref_slice %arg5[%squeeze3A_181, %dma_start3A_196] : memref<1000000x64xf32, #tpu.memory_space<hbm>> -> memref<1x64xf32, #tpu.memory_space<hbm>>
      %dma_start3A_198 = arith.constant 0 : i32
      %dma_start3A_199 = tpu.memref_slice %arg10[%add3A_193, %dma_start3A_198] : memref<256x64xf32, #tpu.memory_space<vmem>> -> memref<1x64xf32, #tpu.memory_space<vmem>>
      %dma_start3A_200 = arith.constant 0 : i32
      %dma_start3A_201 = tpu.memref_slice %arg5[%squeeze3A_181, %dma_start3A_200] : memref<1000000x64xf32, #tpu.memory_space<hbm>> -> memref<1x64xf32, #tpu.memory_space<hbm>>
      tpu.enqueue_dma source(%dma_start3A_201 : memref<1x64xf32, #tpu.memory_space<hbm>>) target(%dma_start3A_199 : memref<1x64xf32, #tpu.memory_space<vmem>>) target_semaphore(%arg12 : memref<!tpu.dma_semaphore, #tpu.memory_space<semaphore_mem>>)
      %slice3A_202 = vector.extract_strided_slice %get3A_55 {offsets = [6], sizes = [1], strides = [1]} : vector<16xi32> to vector<1xi32>
      %squeeze3A_203 = vector.extract %slice3A_202[0] : i32 from vector<1xi32>
      %slice3A_204 = vector.extract_strided_slice %get3A_60 {offsets = [6], sizes = [1], strides = [1]} : vector<16xi32> to vector<1xi32>
      %squeeze3A_205 = vector.extract %slice3A_204[0] : i32 from vector<1xi32>
      %add3A_206 = arith.constant 6 : i32
      %add3A_207 = arith.addi %mul3A_51, %add3A_206 : i32
      %dma_start3A_208 = arith.constant 0 : i32
      %dma_start3A_209 = tpu.memref_slice %arg9[%add3A_207, %dma_start3A_208] : memref<256x64xf32, #tpu.memory_space<vmem>> -> memref<1x64xf32, #tpu.memory_space<vmem>>
      %dma_start3A_210 = arith.constant 0 : i32
      %dma_start3A_211 = tpu.memref_slice %arg4[%squeeze3A_203, %dma_start3A_210] : memref<1000000x64xf32, #tpu.memory_space<hbm>> -> memref<1x64xf32, #tpu.memory_space<hbm>>
      %dma_start3A_212 = arith.constant 0 : i32
      %dma_start3A_213 = tpu.memref_slice %arg9[%add3A_207, %dma_start3A_212] : memref<256x64xf32, #tpu.memory_space<vmem>> -> memref<1x64xf32, #tpu.memory_space<vmem>>
      %dma_start3A_214 = arith.constant 0 : i32
      %dma_start3A_215 = tpu.memref_slice %arg4[%squeeze3A_203, %dma_start3A_214] : memref<1000000x64xf32, #tpu.memory_space<hbm>> -> memref<1x64xf32, #tpu.memory_space<hbm>>
      tpu.enqueue_dma source(%dma_start3A_215 : memref<1x64xf32, #tpu.memory_space<hbm>>) target(%dma_start3A_213 : memref<1x64xf32, #tpu.memory_space<vmem>>) target_semaphore(%arg12 : memref<!tpu.dma_semaphore, #tpu.memory_space<semaphore_mem>>)
      %add3A_216 = arith.constant 6 : i32
      %add3A_217 = arith.addi %mul3A_51, %add3A_216 : i32
      %dma_start3A_218 = arith.constant 0 : i32
      %dma_start3A_219 = tpu.memref_slice %arg10[%add3A_217, %dma_start3A_218] : memref<256x64xf32, #tpu.memory_space<vmem>> -> memref<1x64xf32, #tpu.memory_space<vmem>>
      %dma_start3A_220 = arith.constant 0 : i32
      %dma_start3A_221 = tpu.memref_slice %arg5[%squeeze3A_205, %dma_start3A_220] : memref<1000000x64xf32, #tpu.memory_space<hbm>> -> memref<1x64xf32, #tpu.memory_space<hbm>>
      %dma_start3A_222 = arith.constant 0 : i32
      %dma_start3A_223 = tpu.memref_slice %arg10[%add3A_217, %dma_start3A_222] : memref<256x64xf32, #tpu.memory_space<vmem>> -> memref<1x64xf32, #tpu.memory_space<vmem>>
      %dma_start3A_224 = arith.constant 0 : i32
      %dma_start3A_225 = tpu.memref_slice %arg5[%squeeze3A_205, %dma_start3A_224] : memref<1000000x64xf32, #tpu.memory_space<hbm>> -> memref<1x64xf32, #tpu.memory_space<hbm>>
      tpu.enqueue_dma source(%dma_start3A_225 : memref<1x64xf32, #tpu.memory_space<hbm>>) target(%dma_start3A_223 : memref<1x64xf32, #tpu.memory_space<vmem>>) target_semaphore(%arg12 : memref<!tpu.dma_semaphore, #tpu.memory_space<semaphore_mem>>)
      %slice3A_226 = vector.extract_strided_slice %get3A_55 {offsets = [7], sizes = [1], strides = [1]} : vector<16xi32> to vector<1xi32>
      %squeeze3A_227 = vector.extract %slice3A_226[0] : i32 from vector<1xi32>
      %slice3A_228 = vector.extract_strided_slice %get3A_60 {offsets = [7], sizes = [1], strides = [1]} : vector<16xi32> to vector<1xi32>
      %squeeze3A_229 = vector.extract %slice3A_228[0] : i32 from vector<1xi32>
      %add3A_230 = arith.constant 7 : i32
      %add3A_231 = arith.addi %mul3A_51, %add3A_230 : i32
      %dma_start3A_232 = arith.constant 0 : i32
      %dma_start3A_233 = tpu.memref_slice %arg9[%add3A_231, %dma_start3A_232] : memref<256x64xf32, #tpu.memory_space<vmem>> -> memref<1x64xf32, #tpu.memory_space<vmem>>
      %dma_start3A_234 = arith.constant 0 : i32
      %dma_start3A_235 = tpu.memref_slice %arg4[%squeeze3A_227, %dma_start3A_234] : memref<1000000x64xf32, #tpu.memory_space<hbm>> -> memref<1x64xf32, #tpu.memory_space<hbm>>
      %dma_start3A_236 = arith.constant 0 : i32
      %dma_start3A_237 = tpu.memref_slice %arg9[%add3A_231, %dma_start3A_236] : memref<256x64xf32, #tpu.memory_space<vmem>> -> memref<1x64xf32, #tpu.memory_space<vmem>>
      %dma_start3A_238 = arith.constant 0 : i32
      %dma_start3A_239 = tpu.memref_slice %arg4[%squeeze3A_227, %dma_start3A_238] : memref<1000000x64xf32, #tpu.memory_space<hbm>> -> memref<1x64xf32, #tpu.memory_space<hbm>>
      tpu.enqueue_dma source(%dma_start3A_239 : memref<1x64xf32, #tpu.memory_space<hbm>>) target(%dma_start3A_237 : memref<1x64xf32, #tpu.memory_space<vmem>>) target_semaphore(%arg12 : memref<!tpu.dma_semaphore, #tpu.memory_space<semaphore_mem>>)
      %add3A_240 = arith.constant 7 : i32
      %add3A_241 = arith.addi %mul3A_51, %add3A_240 : i32
      %dma_start3A_242 = arith.constant 0 : i32
      %dma_start3A_243 = tpu.memref_slice %arg10[%add3A_241, %dma_start3A_242] : memref<256x64xf32, #tpu.memory_space<vmem>> -> memref<1x64xf32, #tpu.memory_space<vmem>>
      %dma_start3A_244 = arith.constant 0 : i32
      %dma_start3A_245 = tpu.memref_slice %arg5[%squeeze3A_229, %dma_start3A_244] : memref<1000000x64xf32, #tpu.memory_space<hbm>> -> memref<1x64xf32, #tpu.memory_space<hbm>>
      %dma_start3A_246 = arith.constant 0 : i32
      %dma_start3A_247 = tpu.memref_slice %arg10[%add3A_241, %dma_start3A_246] : memref<256x64xf32, #tpu.memory_space<vmem>> -> memref<1x64xf32, #tpu.memory_space<vmem>>
      %dma_start3A_248 = arith.constant 0 : i32
      %dma_start3A_249 = tpu.memref_slice %arg5[%squeeze3A_229, %dma_start3A_248] : memref<1000000x64xf32, #tpu.memory_space<hbm>> -> memref<1x64xf32, #tpu.memory_space<hbm>>
      tpu.enqueue_dma source(%dma_start3A_249 : memref<1x64xf32, #tpu.memory_space<hbm>>) target(%dma_start3A_247 : memref<1x64xf32, #tpu.memory_space<vmem>>) target_semaphore(%arg12 : memref<!tpu.dma_semaphore, #tpu.memory_space<semaphore_mem>>)
      %slice3A_250 = vector.extract_strided_slice %get3A_55 {offsets = [8], sizes = [1], strides = [1]} : vector<16xi32> to vector<1xi32>
      %squeeze3A_251 = vector.extract %slice3A_250[0] : i32 from vector<1xi32>
      %slice3A_252 = vector.extract_strided_slice %get3A_60 {offsets = [8], sizes = [1], strides = [1]} : vector<16xi32> to vector<1xi32>
      %squeeze3A_253 = vector.extract %slice3A_252[0] : i32 from vector<1xi32>
      %add3A_254 = arith.constant 8 : i32
      %add3A_255 = arith.addi %mul3A_51, %add3A_254 : i32
      %dma_start3A_256 = arith.constant 0 : i32
      %dma_start3A_257 = tpu.memref_slice %arg9[%add3A_255, %dma_start3A_256] : memref<256x64xf32, #tpu.memory_space<vmem>> -> memref<1x64xf32, #tpu.memory_space<vmem>>
      %dma_start3A_258 = arith.constant 0 : i32
      %dma_start3A_259 = tpu.memref_slice %arg4[%squeeze3A_251, %dma_start3A_258] : memref<1000000x64xf32, #tpu.memory_space<hbm>> -> memref<1x64xf32, #tpu.memory_space<hbm>>
      %dma_start3A_260 = arith.constant 0 : i32
      %dma_start3A_261 = tpu.memref_slice %arg9[%add3A_255, %dma_start3A_260] : memref<256x64xf32, #tpu.memory_space<vmem>> -> memref<1x64xf32, #tpu.memory_space<vmem>>
      %dma_start3A_262 = arith.constant 0 : i32
      %dma_start3A_263 = tpu.memref_slice %arg4[%squeeze3A_251, %dma_start3A_262] : memref<1000000x64xf32, #tpu.memory_space<hbm>> -> memref<1x64xf32, #tpu.memory_space<hbm>>
      tpu.enqueue_dma source(%dma_start3A_263 : memref<1x64xf32, #tpu.memory_space<hbm>>) target(%dma_start3A_261 : memref<1x64xf32, #tpu.memory_space<vmem>>) target_semaphore(%arg12 : memref<!tpu.dma_semaphore, #tpu.memory_space<semaphore_mem>>)
      %add3A_264 = arith.constant 8 : i32
      %add3A_265 = arith.addi %mul3A_51, %add3A_264 : i32
      %dma_start3A_266 = arith.constant 0 : i32
      %dma_start3A_267 = tpu.memref_slice %arg10[%add3A_265, %dma_start3A_266] : memref<256x64xf32, #tpu.memory_space<vmem>> -> memref<1x64xf32, #tpu.memory_space<vmem>>
      %dma_start3A_268 = arith.constant 0 : i32
      %dma_start3A_269 = tpu.memref_slice %arg5[%squeeze3A_253, %dma_start3A_268] : memref<1000000x64xf32, #tpu.memory_space<hbm>> -> memref<1x64xf32, #tpu.memory_space<hbm>>
      %dma_start3A_270 = arith.constant 0 : i32
      %dma_start3A_271 = tpu.memref_slice %arg10[%add3A_265, %dma_start3A_270] : memref<256x64xf32, #tpu.memory_space<vmem>> -> memref<1x64xf32, #tpu.memory_space<vmem>>
      %dma_start3A_272 = arith.constant 0 : i32
      %dma_start3A_273 = tpu.memref_slice %arg5[%squeeze3A_253, %dma_start3A_272] : memref<1000000x64xf32, #tpu.memory_space<hbm>> -> memref<1x64xf32, #tpu.memory_space<hbm>>
      tpu.enqueue_dma source(%dma_start3A_273 : memref<1x64xf32, #tpu.memory_space<hbm>>) target(%dma_start3A_271 : memref<1x64xf32, #tpu.memory_space<vmem>>) target_semaphore(%arg12 : memref<!tpu.dma_semaphore, #tpu.memory_space<semaphore_mem>>)
      %slice3A_274 = vector.extract_strided_slice %get3A_55 {offsets = [9], sizes = [1], strides = [1]} : vector<16xi32> to vector<1xi32>
      %squeeze3A_275 = vector.extract %slice3A_274[0] : i32 from vector<1xi32>
      %slice3A_276 = vector.extract_strided_slice %get3A_60 {offsets = [9], sizes = [1], strides = [1]} : vector<16xi32> to vector<1xi32>
      %squeeze3A_277 = vector.extract %slice3A_276[0] : i32 from vector<1xi32>
      %add3A_278 = arith.constant 9 : i32
      %add3A_279 = arith.addi %mul3A_51, %add3A_278 : i32
      %dma_start3A_280 = arith.constant 0 : i32
      %dma_start3A_281 = tpu.memref_slice %arg9[%add3A_279, %dma_start3A_280] : memref<256x64xf32, #tpu.memory_space<vmem>> -> memref<1x64xf32, #tpu.memory_space<vmem>>
      %dma_start3A_282 = arith.constant 0 : i32
      %dma_start3A_283 = tpu.memref_slice %arg4[%squeeze3A_275, %dma_start3A_282] : memref<1000000x64xf32, #tpu.memory_space<hbm>> -> memref<1x64xf32, #tpu.memory_space<hbm>>
      %dma_start3A_284 = arith.constant 0 : i32
      %dma_start3A_285 = tpu.memref_slice %arg9[%add3A_279, %dma_start3A_284] : memref<256x64xf32, #tpu.memory_space<vmem>> -> memref<1x64xf32, #tpu.memory_space<vmem>>
      %dma_start3A_286 = arith.constant 0 : i32
      %dma_start3A_287 = tpu.memref_slice %arg4[%squeeze3A_275, %dma_start3A_286] : memref<1000000x64xf32, #tpu.memory_space<hbm>> -> memref<1x64xf32, #tpu.memory_space<hbm>>
      tpu.enqueue_dma source(%dma_start3A_287 : memref<1x64xf32, #tpu.memory_space<hbm>>) target(%dma_start3A_285 : memref<1x64xf32, #tpu.memory_space<vmem>>) target_semaphore(%arg12 : memref<!tpu.dma_semaphore, #tpu.memory_space<semaphore_mem>>)
      %add3A_288 = arith.constant 9 : i32
      %add3A_289 = arith.addi %mul3A_51, %add3A_288 : i32
      %dma_start3A_290 = arith.constant 0 : i32
      %dma_start3A_291 = tpu.memref_slice %arg10[%add3A_289, %dma_start3A_290] : memref<256x64xf32, #tpu.memory_space<vmem>> -> memref<1x64xf32, #tpu.memory_space<vmem>>
      %dma_start3A_292 = arith.constant 0 : i32
      %dma_start3A_293 = tpu.memref_slice %arg5[%squeeze3A_277, %dma_start3A_292] : memref<1000000x64xf32, #tpu.memory_space<hbm>> -> memref<1x64xf32, #tpu.memory_space<hbm>>
      %dma_start3A_294 = arith.constant 0 : i32
      %dma_start3A_295 = tpu.memref_slice %arg10[%add3A_289, %dma_start3A_294] : memref<256x64xf32, #tpu.memory_space<vmem>> -> memref<1x64xf32, #tpu.memory_space<vmem>>
      %dma_start3A_296 = arith.constant 0 : i32
      %dma_start3A_297 = tpu.memref_slice %arg5[%squeeze3A_277, %dma_start3A_296] : memref<1000000x64xf32, #tpu.memory_space<hbm>> -> memref<1x64xf32, #tpu.memory_space<hbm>>
      tpu.enqueue_dma source(%dma_start3A_297 : memref<1x64xf32, #tpu.memory_space<hbm>>) target(%dma_start3A_295 : memref<1x64xf32, #tpu.memory_space<vmem>>) target_semaphore(%arg12 : memref<!tpu.dma_semaphore, #tpu.memory_space<semaphore_mem>>)
      %slice3A_298 = vector.extract_strided_slice %get3A_55 {offsets = [10], sizes = [1], strides = [1]} : vector<16xi32> to vector<1xi32>
      %squeeze3A_299 = vector.extract %slice3A_298[0] : i32 from vector<1xi32>
      %slice3A_300 = vector.extract_strided_slice %get3A_60 {offsets = [10], sizes = [1], strides = [1]} : vector<16xi32> to vector<1xi32>
      %squeeze3A_301 = vector.extract %slice3A_300[0] : i32 from vector<1xi32>
      %add3A_302 = arith.constant 10 : i32
      %add3A_303 = arith.addi %mul3A_51, %add3A_302 : i32
      %dma_start3A_304 = arith.constant 0 : i32
      %dma_start3A_305 = tpu.memref_slice %arg9[%add3A_303, %dma_start3A_304] : memref<256x64xf32, #tpu.memory_space<vmem>> -> memref<1x64xf32, #tpu.memory_space<vmem>>
      %dma_start3A_306 = arith.constant 0 : i32
      %dma_start3A_307 = tpu.memref_slice %arg4[%squeeze3A_299, %dma_start3A_306] : memref<1000000x64xf32, #tpu.memory_space<hbm>> -> memref<1x64xf32, #tpu.memory_space<hbm>>
      %dma_start3A_308 = arith.constant 0 : i32
      %dma_start3A_309 = tpu.memref_slice %arg9[%add3A_303, %dma_start3A_308] : memref<256x64xf32, #tpu.memory_space<vmem>> -> memref<1x64xf32, #tpu.memory_space<vmem>>
      %dma_start3A_310 = arith.constant 0 : i32
      %dma_start3A_311 = tpu.memref_slice %arg4[%squeeze3A_299, %dma_start3A_310] : memref<1000000x64xf32, #tpu.memory_space<hbm>> -> memref<1x64xf32, #tpu.memory_space<hbm>>
      tpu.enqueue_dma source(%dma_start3A_311 : memref<1x64xf32, #tpu.memory_space<hbm>>) target(%dma_start3A_309 : memref<1x64xf32, #tpu.memory_space<vmem>>) target_semaphore(%arg12 : memref<!tpu.dma_semaphore, #tpu.memory_space<semaphore_mem>>)
      %add3A_312 = arith.constant 10 : i32
      %add3A_313 = arith.addi %mul3A_51, %add3A_312 : i32
      %dma_start3A_314 = arith.constant 0 : i32
      %dma_start3A_315 = tpu.memref_slice %arg10[%add3A_313, %dma_start3A_314] : memref<256x64xf32, #tpu.memory_space<vmem>> -> memref<1x64xf32, #tpu.memory_space<vmem>>
      %dma_start3A_316 = arith.constant 0 : i32
      %dma_start3A_317 = tpu.memref_slice %arg5[%squeeze3A_301, %dma_start3A_316] : memref<1000000x64xf32, #tpu.memory_space<hbm>> -> memref<1x64xf32, #tpu.memory_space<hbm>>
      %dma_start3A_318 = arith.constant 0 : i32
      %dma_start3A_319 = tpu.memref_slice %arg10[%add3A_313, %dma_start3A_318] : memref<256x64xf32, #tpu.memory_space<vmem>> -> memref<1x64xf32, #tpu.memory_space<vmem>>
      %dma_start3A_320 = arith.constant 0 : i32
      %dma_start3A_321 = tpu.memref_slice %arg5[%squeeze3A_301, %dma_start3A_320] : memref<1000000x64xf32, #tpu.memory_space<hbm>> -> memref<1x64xf32, #tpu.memory_space<hbm>>
      tpu.enqueue_dma source(%dma_start3A_321 : memref<1x64xf32, #tpu.memory_space<hbm>>) target(%dma_start3A_319 : memref<1x64xf32, #tpu.memory_space<vmem>>) target_semaphore(%arg12 : memref<!tpu.dma_semaphore, #tpu.memory_space<semaphore_mem>>)
      %slice3A_322 = vector.extract_strided_slice %get3A_55 {offsets = [11], sizes = [1], strides = [1]} : vector<16xi32> to vector<1xi32>
      %squeeze3A_323 = vector.extract %slice3A_322[0] : i32 from vector<1xi32>
      %slice3A_324 = vector.extract_strided_slice %get3A_60 {offsets = [11], sizes = [1], strides = [1]} : vector<16xi32> to vector<1xi32>
      %squeeze3A_325 = vector.extract %slice3A_324[0] : i32 from vector<1xi32>
      %add3A_326 = arith.constant 11 : i32
      %add3A_327 = arith.addi %mul3A_51, %add3A_326 : i32
      %dma_start3A_328 = arith.constant 0 : i32
      %dma_start3A_329 = tpu.memref_slice %arg9[%add3A_327, %dma_start3A_328] : memref<256x64xf32, #tpu.memory_space<vmem>> -> memref<1x64xf32, #tpu.memory_space<vmem>>
      %dma_start3A_330 = arith.constant 0 : i32
      %dma_start3A_331 = tpu.memref_slice %arg4[%squeeze3A_323, %dma_start3A_330] : memref<1000000x64xf32, #tpu.memory_space<hbm>> -> memref<1x64xf32, #tpu.memory_space<hbm>>
      %dma_start3A_332 = arith.constant 0 : i32
      %dma_start3A_333 = tpu.memref_slice %arg9[%add3A_327, %dma_start3A_332] : memref<256x64xf32, #tpu.memory_space<vmem>> -> memref<1x64xf32, #tpu.memory_space<vmem>>
      %dma_start3A_334 = arith.constant 0 : i32
      %dma_start3A_335 = tpu.memref_slice %arg4[%squeeze3A_323, %dma_start3A_334] : memref<1000000x64xf32, #tpu.memory_space<hbm>> -> memref<1x64xf32, #tpu.memory_space<hbm>>
      tpu.enqueue_dma source(%dma_start3A_335 : memref<1x64xf32, #tpu.memory_space<hbm>>) target(%dma_start3A_333 : memref<1x64xf32, #tpu.memory_space<vmem>>) target_semaphore(%arg12 : memref<!tpu.dma_semaphore, #tpu.memory_space<semaphore_mem>>)
      %add3A_336 = arith.constant 11 : i32
      %add3A_337 = arith.addi %mul3A_51, %add3A_336 : i32
      %dma_start3A_338 = arith.constant 0 : i32
      %dma_start3A_339 = tpu.memref_slice %arg10[%add3A_337, %dma_start3A_338] : memref<256x64xf32, #tpu.memory_space<vmem>> -> memref<1x64xf32, #tpu.memory_space<vmem>>
      %dma_start3A_340 = arith.constant 0 : i32
      %dma_start3A_341 = tpu.memref_slice %arg5[%squeeze3A_325, %dma_start3A_340] : memref<1000000x64xf32, #tpu.memory_space<hbm>> -> memref<1x64xf32, #tpu.memory_space<hbm>>
      %dma_start3A_342 = arith.constant 0 : i32
      %dma_start3A_343 = tpu.memref_slice %arg10[%add3A_337, %dma_start3A_342] : memref<256x64xf32, #tpu.memory_space<vmem>> -> memref<1x64xf32, #tpu.memory_space<vmem>>
      %dma_start3A_344 = arith.constant 0 : i32
      %dma_start3A_345 = tpu.memref_slice %arg5[%squeeze3A_325, %dma_start3A_344] : memref<1000000x64xf32, #tpu.memory_space<hbm>> -> memref<1x64xf32, #tpu.memory_space<hbm>>
      tpu.enqueue_dma source(%dma_start3A_345 : memref<1x64xf32, #tpu.memory_space<hbm>>) target(%dma_start3A_343 : memref<1x64xf32, #tpu.memory_space<vmem>>) target_semaphore(%arg12 : memref<!tpu.dma_semaphore, #tpu.memory_space<semaphore_mem>>)
      %slice3A_346 = vector.extract_strided_slice %get3A_55 {offsets = [12], sizes = [1], strides = [1]} : vector<16xi32> to vector<1xi32>
      %squeeze3A_347 = vector.extract %slice3A_346[0] : i32 from vector<1xi32>
      %slice3A_348 = vector.extract_strided_slice %get3A_60 {offsets = [12], sizes = [1], strides = [1]} : vector<16xi32> to vector<1xi32>
      %squeeze3A_349 = vector.extract %slice3A_348[0] : i32 from vector<1xi32>
      %add3A_350 = arith.constant 12 : i32
      %add3A_351 = arith.addi %mul3A_51, %add3A_350 : i32
      %dma_start3A_352 = arith.constant 0 : i32
      %dma_start3A_353 = tpu.memref_slice %arg9[%add3A_351, %dma_start3A_352] : memref<256x64xf32, #tpu.memory_space<vmem>> -> memref<1x64xf32, #tpu.memory_space<vmem>>
      %dma_start3A_354 = arith.constant 0 : i32
      %dma_start3A_355 = tpu.memref_slice %arg4[%squeeze3A_347, %dma_start3A_354] : memref<1000000x64xf32, #tpu.memory_space<hbm>> -> memref<1x64xf32, #tpu.memory_space<hbm>>
      %dma_start3A_356 = arith.constant 0 : i32
      %dma_start3A_357 = tpu.memref_slice %arg9[%add3A_351, %dma_start3A_356] : memref<256x64xf32, #tpu.memory_space<vmem>> -> memref<1x64xf32, #tpu.memory_space<vmem>>
      %dma_start3A_358 = arith.constant 0 : i32
      %dma_start3A_359 = tpu.memref_slice %arg4[%squeeze3A_347, %dma_start3A_358] : memref<1000000x64xf32, #tpu.memory_space<hbm>> -> memref<1x64xf32, #tpu.memory_space<hbm>>
      tpu.enqueue_dma source(%dma_start3A_359 : memref<1x64xf32, #tpu.memory_space<hbm>>) target(%dma_start3A_357 : memref<1x64xf32, #tpu.memory_space<vmem>>) target_semaphore(%arg12 : memref<!tpu.dma_semaphore, #tpu.memory_space<semaphore_mem>>)
      %add3A_360 = arith.constant 12 : i32
      %add3A_361 = arith.addi %mul3A_51, %add3A_360 : i32
      %dma_start3A_362 = arith.constant 0 : i32
      %dma_start3A_363 = tpu.memref_slice %arg10[%add3A_361, %dma_start3A_362] : memref<256x64xf32, #tpu.memory_space<vmem>> -> memref<1x64xf32, #tpu.memory_space<vmem>>
      %dma_start3A_364 = arith.constant 0 : i32
      %dma_start3A_365 = tpu.memref_slice %arg5[%squeeze3A_349, %dma_start3A_364] : memref<1000000x64xf32, #tpu.memory_space<hbm>> -> memref<1x64xf32, #tpu.memory_space<hbm>>
      %dma_start3A_366 = arith.constant 0 : i32
      %dma_start3A_367 = tpu.memref_slice %arg10[%add3A_361, %dma_start3A_366] : memref<256x64xf32, #tpu.memory_space<vmem>> -> memref<1x64xf32, #tpu.memory_space<vmem>>
      %dma_start3A_368 = arith.constant 0 : i32
      %dma_start3A_369 = tpu.memref_slice %arg5[%squeeze3A_349, %dma_start3A_368] : memref<1000000x64xf32, #tpu.memory_space<hbm>> -> memref<1x64xf32, #tpu.memory_space<hbm>>
      tpu.enqueue_dma source(%dma_start3A_369 : memref<1x64xf32, #tpu.memory_space<hbm>>) target(%dma_start3A_367 : memref<1x64xf32, #tpu.memory_space<vmem>>) target_semaphore(%arg12 : memref<!tpu.dma_semaphore, #tpu.memory_space<semaphore_mem>>)
      %slice3A_370 = vector.extract_strided_slice %get3A_55 {offsets = [13], sizes = [1], strides = [1]} : vector<16xi32> to vector<1xi32>
      %squeeze3A_371 = vector.extract %slice3A_370[0] : i32 from vector<1xi32>
      %slice3A_372 = vector.extract_strided_slice %get3A_60 {offsets = [13], sizes = [1], strides = [1]} : vector<16xi32> to vector<1xi32>
      %squeeze3A_373 = vector.extract %slice3A_372[0] : i32 from vector<1xi32>
      %add3A_374 = arith.constant 13 : i32
      %add3A_375 = arith.addi %mul3A_51, %add3A_374 : i32
      %dma_start3A_376 = arith.constant 0 : i32
      %dma_start3A_377 = tpu.memref_slice %arg9[%add3A_375, %dma_start3A_376] : memref<256x64xf32, #tpu.memory_space<vmem>> -> memref<1x64xf32, #tpu.memory_space<vmem>>
      %dma_start3A_378 = arith.constant 0 : i32
      %dma_start3A_379 = tpu.memref_slice %arg4[%squeeze3A_371, %dma_start3A_378] : memref<1000000x64xf32, #tpu.memory_space<hbm>> -> memref<1x64xf32, #tpu.memory_space<hbm>>
      %dma_start3A_380 = arith.constant 0 : i32
      %dma_start3A_381 = tpu.memref_slice %arg9[%add3A_375, %dma_start3A_380] : memref<256x64xf32, #tpu.memory_space<vmem>> -> memref<1x64xf32, #tpu.memory_space<vmem>>
      %dma_start3A_382 = arith.constant 0 : i32
      %dma_start3A_383 = tpu.memref_slice %arg4[%squeeze3A_371, %dma_start3A_382] : memref<1000000x64xf32, #tpu.memory_space<hbm>> -> memref<1x64xf32, #tpu.memory_space<hbm>>
      tpu.enqueue_dma source(%dma_start3A_383 : memref<1x64xf32, #tpu.memory_space<hbm>>) target(%dma_start3A_381 : memref<1x64xf32, #tpu.memory_space<vmem>>) target_semaphore(%arg12 : memref<!tpu.dma_semaphore, #tpu.memory_space<semaphore_mem>>)
      %add3A_384 = arith.constant 13 : i32
      %add3A_385 = arith.addi %mul3A_51, %add3A_384 : i32
      %dma_start3A_386 = arith.constant 0 : i32
      %dma_start3A_387 = tpu.memref_slice %arg10[%add3A_385, %dma_start3A_386] : memref<256x64xf32, #tpu.memory_space<vmem>> -> memref<1x64xf32, #tpu.memory_space<vmem>>
      %dma_start3A_388 = arith.constant 0 : i32
      %dma_start3A_389 = tpu.memref_slice %arg5[%squeeze3A_373, %dma_start3A_388] : memref<1000000x64xf32, #tpu.memory_space<hbm>> -> memref<1x64xf32, #tpu.memory_space<hbm>>
      %dma_start3A_390 = arith.constant 0 : i32
      %dma_start3A_391 = tpu.memref_slice %arg10[%add3A_385, %dma_start3A_390] : memref<256x64xf32, #tpu.memory_space<vmem>> -> memref<1x64xf32, #tpu.memory_space<vmem>>
      %dma_start3A_392 = arith.constant 0 : i32
      %dma_start3A_393 = tpu.memref_slice %arg5[%squeeze3A_373, %dma_start3A_392] : memref<1000000x64xf32, #tpu.memory_space<hbm>> -> memref<1x64xf32, #tpu.memory_space<hbm>>
      tpu.enqueue_dma source(%dma_start3A_393 : memref<1x64xf32, #tpu.memory_space<hbm>>) target(%dma_start3A_391 : memref<1x64xf32, #tpu.memory_space<vmem>>) target_semaphore(%arg12 : memref<!tpu.dma_semaphore, #tpu.memory_space<semaphore_mem>>)
      %slice3A_394 = vector.extract_strided_slice %get3A_55 {offsets = [14], sizes = [1], strides = [1]} : vector<16xi32> to vector<1xi32>
      %squeeze3A_395 = vector.extract %slice3A_394[0] : i32 from vector<1xi32>
      %slice3A_396 = vector.extract_strided_slice %get3A_60 {offsets = [14], sizes = [1], strides = [1]} : vector<16xi32> to vector<1xi32>
      %squeeze3A_397 = vector.extract %slice3A_396[0] : i32 from vector<1xi32>
      %add3A_398 = arith.constant 14 : i32
      %add3A_399 = arith.addi %mul3A_51, %add3A_398 : i32
      %dma_start3A_400 = arith.constant 0 : i32
      %dma_start3A_401 = tpu.memref_slice %arg9[%add3A_399, %dma_start3A_400] : memref<256x64xf32, #tpu.memory_space<vmem>> -> memref<1x64xf32, #tpu.memory_space<vmem>>
      %dma_start3A_402 = arith.constant 0 : i32
      %dma_start3A_403 = tpu.memref_slice %arg4[%squeeze3A_395, %dma_start3A_402] : memref<1000000x64xf32, #tpu.memory_space<hbm>> -> memref<1x64xf32, #tpu.memory_space<hbm>>
      %dma_start3A_404 = arith.constant 0 : i32
      %dma_start3A_405 = tpu.memref_slice %arg9[%add3A_399, %dma_start3A_404] : memref<256x64xf32, #tpu.memory_space<vmem>> -> memref<1x64xf32, #tpu.memory_space<vmem>>
      %dma_start3A_406 = arith.constant 0 : i32
      %dma_start3A_407 = tpu.memref_slice %arg4[%squeeze3A_395, %dma_start3A_406] : memref<1000000x64xf32, #tpu.memory_space<hbm>> -> memref<1x64xf32, #tpu.memory_space<hbm>>
      tpu.enqueue_dma source(%dma_start3A_407 : memref<1x64xf32, #tpu.memory_space<hbm>>) target(%dma_start3A_405 : memref<1x64xf32, #tpu.memory_space<vmem>>) target_semaphore(%arg12 : memref<!tpu.dma_semaphore, #tpu.memory_space<semaphore_mem>>)
      %add3A_408 = arith.constant 14 : i32
      %add3A_409 = arith.addi %mul3A_51, %add3A_408 : i32
      %dma_start3A_410 = arith.constant 0 : i32
      %dma_start3A_411 = tpu.memref_slice %arg10[%add3A_409, %dma_start3A_410] : memref<256x64xf32, #tpu.memory_space<vmem>> -> memref<1x64xf32, #tpu.memory_space<vmem>>
      %dma_start3A_412 = arith.constant 0 : i32
      %dma_start3A_413 = tpu.memref_slice %arg5[%squeeze3A_397, %dma_start3A_412] : memref<1000000x64xf32, #tpu.memory_space<hbm>> -> memref<1x64xf32, #tpu.memory_space<hbm>>
      %dma_start3A_414 = arith.constant 0 : i32
      %dma_start3A_415 = tpu.memref_slice %arg10[%add3A_409, %dma_start3A_414] : memref<256x64xf32, #tpu.memory_space<vmem>> -> memref<1x64xf32, #tpu.memory_space<vmem>>
      %dma_start3A_416 = arith.constant 0 : i32
      %dma_start3A_417 = tpu.memref_slice %arg5[%squeeze3A_397, %dma_start3A_416] : memref<1000000x64xf32, #tpu.memory_space<hbm>> -> memref<1x64xf32, #tpu.memory_space<hbm>>
      tpu.enqueue_dma source(%dma_start3A_417 : memref<1x64xf32, #tpu.memory_space<hbm>>) target(%dma_start3A_415 : memref<1x64xf32, #tpu.memory_space<vmem>>) target_semaphore(%arg12 : memref<!tpu.dma_semaphore, #tpu.memory_space<semaphore_mem>>)
      %slice3A_418 = vector.extract_strided_slice %get3A_55 {offsets = [15], sizes = [1], strides = [1]} : vector<16xi32> to vector<1xi32>
      %squeeze3A_419 = vector.extract %slice3A_418[0] : i32 from vector<1xi32>
      %slice3A_420 = vector.extract_strided_slice %get3A_60 {offsets = [15], sizes = [1], strides = [1]} : vector<16xi32> to vector<1xi32>
      %squeeze3A_421 = vector.extract %slice3A_420[0] : i32 from vector<1xi32>
      %add3A_422 = arith.constant 15 : i32
      %add3A_423 = arith.addi %mul3A_51, %add3A_422 : i32
      %dma_start3A_424 = arith.constant 0 : i32
      %dma_start3A_425 = tpu.memref_slice %arg9[%add3A_423, %dma_start3A_424] : memref<256x64xf32, #tpu.memory_space<vmem>> -> memref<1x64xf32, #tpu.memory_space<vmem>>
      %dma_start3A_426 = arith.constant 0 : i32
      %dma_start3A_427 = tpu.memref_slice %arg4[%squeeze3A_419, %dma_start3A_426] : memref<1000000x64xf32, #tpu.memory_space<hbm>> -> memref<1x64xf32, #tpu.memory_space<hbm>>
      %dma_start3A_428 = arith.constant 0 : i32
      %dma_start3A_429 = tpu.memref_slice %arg9[%add3A_423, %dma_start3A_428] : memref<256x64xf32, #tpu.memory_space<vmem>> -> memref<1x64xf32, #tpu.memory_space<vmem>>
      %dma_start3A_430 = arith.constant 0 : i32
      %dma_start3A_431 = tpu.memref_slice %arg4[%squeeze3A_419, %dma_start3A_430] : memref<1000000x64xf32, #tpu.memory_space<hbm>> -> memref<1x64xf32, #tpu.memory_space<hbm>>
      tpu.enqueue_dma source(%dma_start3A_431 : memref<1x64xf32, #tpu.memory_space<hbm>>) target(%dma_start3A_429 : memref<1x64xf32, #tpu.memory_space<vmem>>) target_semaphore(%arg12 : memref<!tpu.dma_semaphore, #tpu.memory_space<semaphore_mem>>)
      %add3A_432 = arith.constant 15 : i32
      %add3A_433 = arith.addi %mul3A_51, %add3A_432 : i32
      %dma_start3A_434 = arith.constant 0 : i32
      %dma_start3A_435 = tpu.memref_slice %arg10[%add3A_433, %dma_start3A_434] : memref<256x64xf32, #tpu.memory_space<vmem>> -> memref<1x64xf32, #tpu.memory_space<vmem>>
      %dma_start3A_436 = arith.constant 0 : i32
      %dma_start3A_437 = tpu.memref_slice %arg5[%squeeze3A_421, %dma_start3A_436] : memref<1000000x64xf32, #tpu.memory_space<hbm>> -> memref<1x64xf32, #tpu.memory_space<hbm>>
      %dma_start3A_438 = arith.constant 0 : i32
      %dma_start3A_439 = tpu.memref_slice %arg10[%add3A_433, %dma_start3A_438] : memref<256x64xf32, #tpu.memory_space<vmem>> -> memref<1x64xf32, #tpu.memory_space<vmem>>
      %dma_start3A_440 = arith.constant 0 : i32
      %dma_start3A_441 = tpu.memref_slice %arg5[%squeeze3A_421, %dma_start3A_440] : memref<1000000x64xf32, #tpu.memory_space<hbm>> -> memref<1x64xf32, #tpu.memory_space<hbm>>
      tpu.enqueue_dma source(%dma_start3A_441 : memref<1x64xf32, #tpu.memory_space<hbm>>) target(%dma_start3A_439 : memref<1x64xf32, #tpu.memory_space<vmem>>) target_semaphore(%arg12 : memref<!tpu.dma_semaphore, #tpu.memory_space<semaphore_mem>>)
    }
    %scan3A_36 = arith.constant 16 : i32
    %scan3A_37 = arith.constant 0 : i32
    %scan3A_38 = arith.constant 0 : i32
    %scan3A_39 = arith.constant 256 : i32
    %scan3A_40 = arith.addi %scan3A_38, %scan3A_39 : i32
    %scan3A_41 = arith.constant 1 : i32
    scf.for %scan3A_49 = %scan3A_38 to %scan3A_40 step %scan3A_41  : i32 {
      %dma_wait3A = arith.constant 0 : i32
      %dma_wait3A_50 = arith.constant 0 : i32
      %dma_wait3A_51 = tpu.memref_slice %arg9[%dma_wait3A, %dma_wait3A_50] : memref<256x64xf32, #tpu.memory_space<vmem>> -> memref<1x64xf32, #tpu.memory_space<vmem>>
      %dma_wait3A_52 = arith.constant 0 : i32
      %dma_wait3A_53 = arith.constant 0 : i32
      %dma_wait3A_54 = tpu.memref_slice %arg4[%dma_wait3A_52, %dma_wait3A_53] : memref<1000000x64xf32, #tpu.memory_space<hbm>> -> memref<1x64xf32, #tpu.memory_space<hbm>>
      %dma_wait3A_55 = arith.constant 0 : i32
      %dma_wait3A_56 = arith.constant 0 : i32
      %dma_wait3A_57 = tpu.memref_slice %arg9[%dma_wait3A_55, %dma_wait3A_56] : memref<256x64xf32, #tpu.memory_space<vmem>> -> memref<1x64xf32, #tpu.memory_space<vmem>>
      %dma_wait3A_58 = arith.constant 0 : i32
      %dma_wait3A_59 = arith.constant 0 : i32
      %dma_wait3A_60 = tpu.memref_slice %arg4[%dma_wait3A_58, %dma_wait3A_59] : memref<1000000x64xf32, #tpu.memory_space<hbm>> -> memref<1x64xf32, #tpu.memory_space<hbm>>
      tpu.wait_dma2 semaphore(%arg12 : memref<!tpu.dma_semaphore, #tpu.memory_space<semaphore_mem>>) src(%dma_wait3A_60 : memref<1x64xf32, #tpu.memory_space<hbm>>) dst(%dma_wait3A_57 : memref<1x64xf32, #tpu.memory_space<vmem>>)
      %dma_wait3A_61 = arith.constant 0 : i32
      %dma_wait3A_62 = arith.constant 0 : i32
      %dma_wait3A_63 = tpu.memref_slice %arg10[%dma_wait3A_61, %dma_wait3A_62] : memref<256x64xf32, #tpu.memory_space<vmem>> -> memref<1x64xf32, #tpu.memory_space<vmem>>
      %dma_wait3A_64 = arith.constant 0 : i32
      %dma_wait3A_65 = arith.constant 0 : i32
      %dma_wait3A_66 = tpu.memref_slice %arg4[%dma_wait3A_64, %dma_wait3A_65] : memref<1000000x64xf32, #tpu.memory_space<hbm>> -> memref<1x64xf32, #tpu.memory_space<hbm>>
      %dma_wait3A_67 = arith.constant 0 : i32
      %dma_wait3A_68 = arith.constant 0 : i32
      %dma_wait3A_69 = tpu.memref_slice %arg10[%dma_wait3A_67, %dma_wait3A_68] : memref<256x64xf32, #tpu.memory_space<vmem>> -> memref<1x64xf32, #tpu.memory_space<vmem>>
      %dma_wait3A_70 = arith.constant 0 : i32
      %dma_wait3A_71 = arith.constant 0 : i32
      %dma_wait3A_72 = tpu.memref_slice %arg4[%dma_wait3A_70, %dma_wait3A_71] : memref<1000000x64xf32, #tpu.memory_space<hbm>> -> memref<1x64xf32, #tpu.memory_space<hbm>>
      tpu.wait_dma2 semaphore(%arg12 : memref<!tpu.dma_semaphore, #tpu.memory_space<semaphore_mem>>) src(%dma_wait3A_72 : memref<1x64xf32, #tpu.memory_space<hbm>>) dst(%dma_wait3A_69 : memref<1x64xf32, #tpu.memory_space<vmem>>)
    }
    %scan3A_42 = arith.constant 256 : i32
    %scan3A_43 = arith.constant 0 : i32
    %scan3A_44 = arith.constant 0 : i32
    %scan3A_45 = arith.constant 16 : i32
    %scan3A_46 = arith.addi %scan3A_44, %scan3A_45 : i32
    %scan3A_47 = arith.constant 1 : i32
    scf.for %scan3A_49 = %scan3A_44 to %scan3A_46 step %scan3A_47  : i32 {
      %mul3A_50 = arith.constant 16 : i32
      %mul3A_51 = arith.muli %scan3A_49, %mul3A_50 : i32
      %broadcast_in_dim3A = arith.constant 0.000000e+00 : f32
      %broadcast_in_dim3A_52 = vector.broadcast %broadcast_in_dim3A : f32 to vector<16xf32>
      %add3A_53 = arith.constant 0 : i32
      %add3A_54 = arith.addi %mul3A_51, %add3A_53 : i32
      %get3A = arith.index_cast %add3A_54 : i32 to index
      %get3A_55 = arith.constant 0 : index
      %get3A_56 = tpu.vector_load %arg9[%get3A, %get3A_55] {strides = array<i32>} : memref<256x64xf32, #tpu.memory_space<vmem>>, vector<1x16xf32>,
      %get3A_57 = vector.shape_cast %get3A_56 : vector<1x16xf32> to vector<16xf32>
      %get3A_58 = arith.index_cast %add3A_54 : i32 to index
      %get3A_59 = arith.constant 0 : index
      %get3A_60 = tpu.vector_load %arg10[%get3A_58, %get3A_59] {strides = array<i32>} : memref<256x64xf32, #tpu.memory_space<vmem>>, vector<1x16xf32>,
      %get3A_61 = vector.shape_cast %get3A_60 : vector<1x16xf32> to vector<16xf32>
      %mul3A_62 = arith.mulf %get3A_57, %get3A_61 : vector<16xf32>
      %get3A_63 = arith.index_cast %add3A_54 : i32 to index
      %get3A_64 = arith.constant 16 : index
      %get3A_65 = tpu.vector_load %arg9[%get3A_63, %get3A_64] {strides = array<i32>} : memref<256x64xf32, #tpu.memory_space<vmem>>, vector<1x16xf32>,
      %get3A_66 = vector.shape_cast %get3A_65 : vector<1x16xf32> to vector<16xf32>
      %get3A_67 = arith.index_cast %add3A_54 : i32 to index
      %get3A_68 = arith.constant 16 : index
      %get3A_69 = tpu.vector_load %arg10[%get3A_67, %get3A_68] {strides = array<i32>} : memref<256x64xf32, #tpu.memory_space<vmem>>, vector<1x16xf32>,
      %get3A_70 = vector.shape_cast %get3A_69 : vector<1x16xf32> to vector<16xf32>
      %mul3A_71 = arith.mulf %get3A_66, %get3A_70 : vector<16xf32>
      %add3A_72 = arith.addf %mul3A_62, %mul3A_71 : vector<16xf32>
      %get3A_73 = arith.index_cast %add3A_54 : i32 to index
      %get3A_74 = arith.constant 32 : index
      %get3A_75 = tpu.vector_load %arg9[%get3A_73, %get3A_74] {strides = array<i32>} : memref<256x64xf32, #tpu.memory_space<vmem>>, vector<1x16xf32>,
      %get3A_76 = vector.shape_cast %get3A_75 : vector<1x16xf32> to vector<16xf32>
      %get3A_77 = arith.index_cast %add3A_54 : i32 to index
      %get3A_78 = arith.constant 32 : index
      %get3A_79 = tpu.vector_load %arg10[%get3A_77, %get3A_78] {strides = array<i32>} : memref<256x64xf32, #tpu.memory_space<vmem>>, vector<1x16xf32>,
      %get3A_80 = vector.shape_cast %get3A_79 : vector<1x16xf32> to vector<16xf32>
      %mul3A_81 = arith.mulf %get3A_76, %get3A_80 : vector<16xf32>
      %add3A_82 = arith.addf %add3A_72, %mul3A_81 : vector<16xf32>
      %get3A_83 = arith.index_cast %add3A_54 : i32 to index
      %get3A_84 = arith.constant 48 : index
      %get3A_85 = tpu.vector_load %arg9[%get3A_83, %get3A_84] {strides = array<i32>} : memref<256x64xf32, #tpu.memory_space<vmem>>, vector<1x16xf32>,
      %get3A_86 = vector.shape_cast %get3A_85 : vector<1x16xf32> to vector<16xf32>
      %get3A_87 = arith.index_cast %add3A_54 : i32 to index
      %get3A_88 = arith.constant 48 : index
      %get3A_89 = tpu.vector_load %arg10[%get3A_87, %get3A_88] {strides = array<i32>} : memref<256x64xf32, #tpu.memory_space<vmem>>, vector<1x16xf32>,
      %get3A_90 = vector.shape_cast %get3A_89 : vector<1x16xf32> to vector<16xf32>
      %mul3A_91 = arith.mulf %get3A_86, %get3A_90 : vector<16xf32>
      %add3A_92 = arith.addf %add3A_82, %mul3A_91 : vector<16xf32>
      %eq3A = arith.constant 0 : i32
      %eq3A_93 = vector.broadcast %eq3A : i32 to vector<16xi32>
      %eq3A_94 = arith.cmpi eq, %iota3A, %eq3A_93 : vector<16xi32>
      %broadcast_in_dim3A_95 = vector.shape_cast %xor3A_4 : vector<16xi32> to vector<16x1xi32>
      %gather3A = vector.shape_cast %broadcast_in_dim3A_95 : vector<16x1xi32> to vector<16xi32>
      %gather3A_96 = tpu.dynamic_gather %add3A_92[%gather3A] in [0] : vector<16xf32>, vector<16xi32> -> vector<16xf32>
      %add3A_97 = arith.addf %add3A_92, %gather3A_96 : vector<16xf32>
      %broadcast_in_dim3A_98 = vector.shape_cast %xor3A_7 : vector<16xi32> to vector<16x1xi32>
      %gather3A_99 = vector.shape_cast %broadcast_in_dim3A_98 : vector<16x1xi32> to vector<16xi32>
      %gather3A_100 = tpu.dynamic_gather %add3A_97[%gather3A_99] in [0] : vector<16xf32>, vector<16xi32> -> vector<16xf32>
      %add3A_101 = arith.addf %add3A_97, %gather3A_100 : vector<16xf32>
      %broadcast_in_dim3A_102 = vector.shape_cast %xor3A_10 : vector<16xi32> to vector<16x1xi32>
      %gather3A_103 = vector.shape_cast %broadcast_in_dim3A_102 : vector<16x1xi32> to vector<16xi32>
      %gather3A_104 = tpu.dynamic_gather %add3A_101[%gather3A_103] in [0] : vector<16xf32>, vector<16xi32> -> vector<16xf32>
      %add3A_105 = arith.addf %add3A_101, %gather3A_104 : vector<16xf32>
      %broadcast_in_dim3A_106 = vector.shape_cast %xor3A_13 : vector<16xi32> to vector<16x1xi32>
      %gather3A_107 = vector.shape_cast %broadcast_in_dim3A_106 : vector<16x1xi32> to vector<16xi32>
      %gather3A_108 = tpu.dynamic_gather %add3A_105[%gather3A_107] in [0] : vector<16xf32>, vector<16xi32> -> vector<16xf32>
      %add3A_109 = arith.addf %add3A_105, %gather3A_108 : vector<16xf32>
      %select_n3A = arith.select %eq3A_94, %add3A_109, %broadcast_in_dim3A_52 : vector<16xi1>, vector<16xf32>
      %add3A_110 = arith.constant 1 : i32
      %add3A_111 = arith.addi %mul3A_51, %add3A_110 : i32
      %get3A_112 = arith.index_cast %add3A_111 : i32 to index
      %get3A_113 = arith.constant 0 : index
      %get3A_114 = tpu.vector_load %arg9[%get3A_112, %get3A_113] {strides = array<i32>} : memref<256x64xf32, #tpu.memory_space<vmem>>, vector<1x16xf32>,
      %get3A_115 = vector.shape_cast %get3A_114 : vector<1x16xf32> to vector<16xf32>
      %get3A_116 = arith.index_cast %add3A_111 : i32 to index
      %get3A_117 = arith.constant 0 : index
      %get3A_118 = tpu.vector_load %arg10[%get3A_116, %get3A_117] {strides = array<i32>} : memref<256x64xf32, #tpu.memory_space<vmem>>, vector<1x16xf32>,
      %get3A_119 = vector.shape_cast %get3A_118 : vector<1x16xf32> to vector<16xf32>
      %mul3A_120 = arith.mulf %get3A_115, %get3A_119 : vector<16xf32>
      %get3A_121 = arith.index_cast %add3A_111 : i32 to index
      %get3A_122 = arith.constant 16 : index
      %get3A_123 = tpu.vector_load %arg9[%get3A_121, %get3A_122] {strides = array<i32>} : memref<256x64xf32, #tpu.memory_space<vmem>>, vector<1x16xf32>,
      %get3A_124 = vector.shape_cast %get3A_123 : vector<1x16xf32> to vector<16xf32>
      %get3A_125 = arith.index_cast %add3A_111 : i32 to index
      %get3A_126 = arith.constant 16 : index
      %get3A_127 = tpu.vector_load %arg10[%get3A_125, %get3A_126] {strides = array<i32>} : memref<256x64xf32, #tpu.memory_space<vmem>>, vector<1x16xf32>,
      %get3A_128 = vector.shape_cast %get3A_127 : vector<1x16xf32> to vector<16xf32>
      %mul3A_129 = arith.mulf %get3A_124, %get3A_128 : vector<16xf32>
      %add3A_130 = arith.addf %mul3A_120, %mul3A_129 : vector<16xf32>
      %get3A_131 = arith.index_cast %add3A_111 : i32 to index
      %get3A_132 = arith.constant 32 : index
      %get3A_133 = tpu.vector_load %arg9[%get3A_131, %get3A_132] {strides = array<i32>} : memref<256x64xf32, #tpu.memory_space<vmem>>, vector<1x16xf32>,
      %get3A_134 = vector.shape_cast %get3A_133 : vector<1x16xf32> to vector<16xf32>
      %get3A_135 = arith.index_cast %add3A_111 : i32 to index
      %get3A_136 = arith.constant 32 : index
      %get3A_137 = tpu.vector_load %arg10[%get3A_135, %get3A_136] {strides = array<i32>} : memref<256x64xf32, #tpu.memory_space<vmem>>, vector<1x16xf32>,
      %get3A_138 = vector.shape_cast %get3A_137 : vector<1x16xf32> to vector<16xf32>
      %mul3A_139 = arith.mulf %get3A_134, %get3A_138 : vector<16xf32>
      %add3A_140 = arith.addf %add3A_130, %mul3A_139 : vector<16xf32>
      %get3A_141 = arith.index_cast %add3A_111 : i32 to index
      %get3A_142 = arith.constant 48 : index
      %get3A_143 = tpu.vector_load %arg9[%get3A_141, %get3A_142] {strides = array<i32>} : memref<256x64xf32, #tpu.memory_space<vmem>>, vector<1x16xf32>,
      %get3A_144 = vector.shape_cast %get3A_143 : vector<1x16xf32> to vector<16xf32>
      %get3A_145 = arith.index_cast %add3A_111 : i32 to index
      %get3A_146 = arith.constant 48 : index
      %get3A_147 = tpu.vector_load %arg10[%get3A_145, %get3A_146] {strides = array<i32>} : memref<256x64xf32, #tpu.memory_space<vmem>>, vector<1x16xf32>,
      %get3A_148 = vector.shape_cast %get3A_147 : vector<1x16xf32> to vector<16xf32>
      %mul3A_149 = arith.mulf %get3A_144, %get3A_148 : vector<16xf32>
      %add3A_150 = arith.addf %add3A_140, %mul3A_149 : vector<16xf32>
      %eq3A_151 = arith.constant 1 : i32
      %eq3A_152 = vector.broadcast %eq3A_151 : i32 to vector<16xi32>
      %eq3A_153 = arith.cmpi eq, %iota3A, %eq3A_152 : vector<16xi32>
      %broadcast_in_dim3A_154 = vector.shape_cast %xor3A_4 : vector<16xi32> to vector<16x1xi32>
      %gather3A_155 = vector.shape_cast %broadcast_in_dim3A_154 : vector<16x1xi32> to vector<16xi32>
      %gather3A_156 = tpu.dynamic_gather %add3A_150[%gather3A_155] in [0] : vector<16xf32>, vector<16xi32> -> vector<16xf32>
      %add3A_157 = arith.addf %add3A_150, %gather3A_156 : vector<16xf32>
      %broadcast_in_dim3A_158 = vector.shape_cast %xor3A_7 : vector<16xi32> to vector<16x1xi32>
      %gather3A_159 = vector.shape_cast %broadcast_in_dim3A_158 : vector<16x1xi32> to vector<16xi32>
      %gather3A_160 = tpu.dynamic_gather %add3A_157[%gather3A_159] in [0] : vector<16xf32>, vector<16xi32> -> vector<16xf32>
      %add3A_161 = arith.addf %add3A_157, %gather3A_160 : vector<16xf32>
      %broadcast_in_dim3A_162 = vector.shape_cast %xor3A_10 : vector<16xi32> to vector<16x1xi32>
      %gather3A_163 = vector.shape_cast %broadcast_in_dim3A_162 : vector<16x1xi32> to vector<16xi32>
      %gather3A_164 = tpu.dynamic_gather %add3A_161[%gather3A_163] in [0] : vector<16xf32>, vector<16xi32> -> vector<16xf32>
      %add3A_165 = arith.addf %add3A_161, %gather3A_164 : vector<16xf32>
      %broadcast_in_dim3A_166 = vector.shape_cast %xor3A_13 : vector<16xi32> to vector<16x1xi32>
      %gather3A_167 = vector.shape_cast %broadcast_in_dim3A_166 : vector<16x1xi32> to vector<16xi32>
      %gather3A_168 = tpu.dynamic_gather %add3A_165[%gather3A_167] in [0] : vector<16xf32>, vector<16xi32> -> vector<16xf32>
      %add3A_169 = arith.addf %add3A_165, %gather3A_168 : vector<16xf32>
      %select_n3A_170 = arith.select %eq3A_153, %add3A_169, %select_n3A : vector<16xi1>, vector<16xf32>
      %add3A_171 = arith.constant 2 : i32
      %add3A_172 = arith.addi %mul3A_51, %add3A_171 : i32
      %get3A_173 = arith.index_cast %add3A_172 : i32 to index
      %get3A_174 = arith.constant 0 : index
      %get3A_175 = tpu.vector_load %arg9[%get3A_173, %get3A_174] {strides = array<i32>} : memref<256x64xf32, #tpu.memory_space<vmem>>, vector<1x16xf32>,
      %get3A_176 = vector.shape_cast %get3A_175 : vector<1x16xf32> to vector<16xf32>
      %get3A_177 = arith.index_cast %add3A_172 : i32 to index
      %get3A_178 = arith.constant 0 : index
      %get3A_179 = tpu.vector_load %arg10[%get3A_177, %get3A_178] {strides = array<i32>} : memref<256x64xf32, #tpu.memory_space<vmem>>, vector<1x16xf32>,
      %get3A_180 = vector.shape_cast %get3A_179 : vector<1x16xf32> to vector<16xf32>
      %mul3A_181 = arith.mulf %get3A_176, %get3A_180 : vector<16xf32>
      %get3A_182 = arith.index_cast %add3A_172 : i32 to index
      %get3A_183 = arith.constant 16 : index
      %get3A_184 = tpu.vector_load %arg9[%get3A_182, %get3A_183] {strides = array<i32>} : memref<256x64xf32, #tpu.memory_space<vmem>>, vector<1x16xf32>,
      %get3A_185 = vector.shape_cast %get3A_184 : vector<1x16xf32> to vector<16xf32>
      %get3A_186 = arith.index_cast %add3A_172 : i32 to index
      %get3A_187 = arith.constant 16 : index
      %get3A_188 = tpu.vector_load %arg10[%get3A_186, %get3A_187] {strides = array<i32>} : memref<256x64xf32, #tpu.memory_space<vmem>>, vector<1x16xf32>,
      %get3A_189 = vector.shape_cast %get3A_188 : vector<1x16xf32> to vector<16xf32>
      %mul3A_190 = arith.mulf %get3A_185, %get3A_189 : vector<16xf32>
      %add3A_191 = arith.addf %mul3A_181, %mul3A_190 : vector<16xf32>
      %get3A_192 = arith.index_cast %add3A_172 : i32 to index
      %get3A_193 = arith.constant 32 : index
      %get3A_194 = tpu.vector_load %arg9[%get3A_192, %get3A_193] {strides = array<i32>} : memref<256x64xf32, #tpu.memory_space<vmem>>, vector<1x16xf32>,
      %get3A_195 = vector.shape_cast %get3A_194 : vector<1x16xf32> to vector<16xf32>
      %get3A_196 = arith.index_cast %add3A_172 : i32 to index
      %get3A_197 = arith.constant 32 : index
      %get3A_198 = tpu.vector_load %arg10[%get3A_196, %get3A_197] {strides = array<i32>} : memref<256x64xf32, #tpu.memory_space<vmem>>, vector<1x16xf32>,
      %get3A_199 = vector.shape_cast %get3A_198 : vector<1x16xf32> to vector<16xf32>
      %mul3A_200 = arith.mulf %get3A_195, %get3A_199 : vector<16xf32>
      %add3A_201 = arith.addf %add3A_191, %mul3A_200 : vector<16xf32>
      %get3A_202 = arith.index_cast %add3A_172 : i32 to index
      %get3A_203 = arith.constant 48 : index
      %get3A_204 = tpu.vector_load %arg9[%get3A_202, %get3A_203] {strides = array<i32>} : memref<256x64xf32, #tpu.memory_space<vmem>>, vector<1x16xf32>,
      %get3A_205 = vector.shape_cast %get3A_204 : vector<1x16xf32> to vector<16xf32>
      %get3A_206 = arith.index_cast %add3A_172 : i32 to index
      %get3A_207 = arith.constant 48 : index
      %get3A_208 = tpu.vector_load %arg10[%get3A_206, %get3A_207] {strides = array<i32>} : memref<256x64xf32, #tpu.memory_space<vmem>>, vector<1x16xf32>,
      %get3A_209 = vector.shape_cast %get3A_208 : vector<1x16xf32> to vector<16xf32>
      %mul3A_210 = arith.mulf %get3A_205, %get3A_209 : vector<16xf32>
      %add3A_211 = arith.addf %add3A_201, %mul3A_210 : vector<16xf32>
      %eq3A_212 = arith.constant 2 : i32
      %eq3A_213 = vector.broadcast %eq3A_212 : i32 to vector<16xi32>
      %eq3A_214 = arith.cmpi eq, %iota3A, %eq3A_213 : vector<16xi32>
      %broadcast_in_dim3A_215 = vector.shape_cast %xor3A_4 : vector<16xi32> to vector<16x1xi32>
      %gather3A_216 = vector.shape_cast %broadcast_in_dim3A_215 : vector<16x1xi32> to vector<16xi32>
      %gather3A_217 = tpu.dynamic_gather %add3A_211[%gather3A_216] in [0] : vector<16xf32>, vector<16xi32> -> vector<16xf32>
      %add3A_218 = arith.addf %add3A_211, %gather3A_217 : vector<16xf32>
      %broadcast_in_dim3A_219 = vector.shape_cast %xor3A_7 : vector<16xi32> to vector<16x1xi32>
      %gather3A_220 = vector.shape_cast %broadcast_in_dim3A_219 : vector<16x1xi32> to vector<16xi32>
      %gather3A_221 = tpu.dynamic_gather %add3A_218[%gather3A_220] in [0] : vector<16xf32>, vector<16xi32> -> vector<16xf32>
      %add3A_222 = arith.addf %add3A_218, %gather3A_221 : vector<16xf32>
      %broadcast_in_dim3A_223 = vector.shape_cast %xor3A_10 : vector<16xi32> to vector<16x1xi32>
      %gather3A_224 = vector.shape_cast %broadcast_in_dim3A_223 : vector<16x1xi32> to vector<16xi32>
      %gather3A_225 = tpu.dynamic_gather %add3A_222[%gather3A_224] in [0] : vector<16xf32>, vector<16xi32> -> vector<16xf32>
      %add3A_226 = arith.addf %add3A_222, %gather3A_225 : vector<16xf32>
      %broadcast_in_dim3A_227 = vector.shape_cast %xor3A_13 : vector<16xi32> to vector<16x1xi32>
      %gather3A_228 = vector.shape_cast %broadcast_in_dim3A_227 : vector<16x1xi32> to vector<16xi32>
      %gather3A_229 = tpu.dynamic_gather %add3A_226[%gather3A_228] in [0] : vector<16xf32>, vector<16xi32> -> vector<16xf32>
      %add3A_230 = arith.addf %add3A_226, %gather3A_229 : vector<16xf32>
      %select_n3A_231 = arith.select %eq3A_214, %add3A_230, %select_n3A_170 : vector<16xi1>, vector<16xf32>
      %add3A_232 = arith.constant 3 : i32
      %add3A_233 = arith.addi %mul3A_51, %add3A_232 : i32
      %get3A_234 = arith.index_cast %add3A_233 : i32 to index
      %get3A_235 = arith.constant 0 : index
      %get3A_236 = tpu.vector_load %arg9[%get3A_234, %get3A_235] {strides = array<i32>} : memref<256x64xf32, #tpu.memory_space<vmem>>, vector<1x16xf32>,
      %get3A_237 = vector.shape_cast %get3A_236 : vector<1x16xf32> to vector<16xf32>
      %get3A_238 = arith.index_cast %add3A_233 : i32 to index
      %get3A_239 = arith.constant 0 : index
      %get3A_240 = tpu.vector_load %arg10[%get3A_238, %get3A_239] {strides = array<i32>} : memref<256x64xf32, #tpu.memory_space<vmem>>, vector<1x16xf32>,
      %get3A_241 = vector.shape_cast %get3A_240 : vector<1x16xf32> to vector<16xf32>
      %mul3A_242 = arith.mulf %get3A_237, %get3A_241 : vector<16xf32>
      %get3A_243 = arith.index_cast %add3A_233 : i32 to index
      %get3A_244 = arith.constant 16 : index
      %get3A_245 = tpu.vector_load %arg9[%get3A_243, %get3A_244] {strides = array<i32>} : memref<256x64xf32, #tpu.memory_space<vmem>>, vector<1x16xf32>,
      %get3A_246 = vector.shape_cast %get3A_245 : vector<1x16xf32> to vector<16xf32>
      %get3A_247 = arith.index_cast %add3A_233 : i32 to index
      %get3A_248 = arith.constant 16 : index
      %get3A_249 = tpu.vector_load %arg10[%get3A_247, %get3A_248] {strides = array<i32>} : memref<256x64xf32, #tpu.memory_space<vmem>>, vector<1x16xf32>,
      %get3A_250 = vector.shape_cast %get3A_249 : vector<1x16xf32> to vector<16xf32>
      %mul3A_251 = arith.mulf %get3A_246, %get3A_250 : vector<16xf32>
      %add3A_252 = arith.addf %mul3A_242, %mul3A_251 : vector<16xf32>
      %get3A_253 = arith.index_cast %add3A_233 : i32 to index
      %get3A_254 = arith.constant 32 : index
      %get3A_255 = tpu.vector_load %arg9[%get3A_253, %get3A_254] {strides = array<i32>} : memref<256x64xf32, #tpu.memory_space<vmem>>, vector<1x16xf32>,
      %get3A_256 = vector.shape_cast %get3A_255 : vector<1x16xf32> to vector<16xf32>
      %get3A_257 = arith.index_cast %add3A_233 : i32 to index
      %get3A_258 = arith.constant 32 : index
      %get3A_259 = tpu.vector_load %arg10[%get3A_257, %get3A_258] {strides = array<i32>} : memref<256x64xf32, #tpu.memory_space<vmem>>, vector<1x16xf32>,
      %get3A_260 = vector.shape_cast %get3A_259 : vector<1x16xf32> to vector<16xf32>
      %mul3A_261 = arith.mulf %get3A_256, %get3A_260 : vector<16xf32>
      %add3A_262 = arith.addf %add3A_252, %mul3A_261 : vector<16xf32>
      %get3A_263 = arith.index_cast %add3A_233 : i32 to index
      %get3A_264 = arith.constant 48 : index
      %get3A_265 = tpu.vector_load %arg9[%get3A_263, %get3A_264] {strides = array<i32>} : memref<256x64xf32, #tpu.memory_space<vmem>>, vector<1x16xf32>,
      %get3A_266 = vector.shape_cast %get3A_265 : vector<1x16xf32> to vector<16xf32>
      %get3A_267 = arith.index_cast %add3A_233 : i32 to index
      %get3A_268 = arith.constant 48 : index
      %get3A_269 = tpu.vector_load %arg10[%get3A_267, %get3A_268] {strides = array<i32>} : memref<256x64xf32, #tpu.memory_space<vmem>>, vector<1x16xf32>,
      %get3A_270 = vector.shape_cast %get3A_269 : vector<1x16xf32> to vector<16xf32>
      %mul3A_271 = arith.mulf %get3A_266, %get3A_270 : vector<16xf32>
      %add3A_272 = arith.addf %add3A_262, %mul3A_271 : vector<16xf32>
      %eq3A_273 = arith.constant 3 : i32
      %eq3A_274 = vector.broadcast %eq3A_273 : i32 to vector<16xi32>
      %eq3A_275 = arith.cmpi eq, %iota3A, %eq3A_274 : vector<16xi32>
      %broadcast_in_dim3A_276 = vector.shape_cast %xor3A_4 : vector<16xi32> to vector<16x1xi32>
      %gather3A_277 = vector.shape_cast %broadcast_in_dim3A_276 : vector<16x1xi32> to vector<16xi32>
      %gather3A_278 = tpu.dynamic_gather %add3A_272[%gather3A_277] in [0] : vector<16xf32>, vector<16xi32> -> vector<16xf32>
      %add3A_279 = arith.addf %add3A_272, %gather3A_278 : vector<16xf32>
      %broadcast_in_dim3A_280 = vector.shape_cast %xor3A_7 : vector<16xi32> to vector<16x1xi32>
      %gather3A_281 = vector.shape_cast %broadcast_in_dim3A_280 : vector<16x1xi32> to vector<16xi32>
      %gather3A_282 = tpu.dynamic_gather %add3A_279[%gather3A_281] in [0] : vector<16xf32>, vector<16xi32> -> vector<16xf32>
      %add3A_283 = arith.addf %add3A_279, %gather3A_282 : vector<16xf32>
      %broadcast_in_dim3A_284 = vector.shape_cast %xor3A_10 : vector<16xi32> to vector<16x1xi32>
      %gather3A_285 = vector.shape_cast %broadcast_in_dim3A_284 : vector<16x1xi32> to vector<16xi32>
      %gather3A_286 = tpu.dynamic_gather %add3A_283[%gather3A_285] in [0] : vector<16xf32>, vector<16xi32> -> vector<16xf32>
      %add3A_287 = arith.addf %add3A_283, %gather3A_286 : vector<16xf32>
      %broadcast_in_dim3A_288 = vector.shape_cast %xor3A_13 : vector<16xi32> to vector<16x1xi32>
      %gather3A_289 = vector.shape_cast %broadcast_in_dim3A_288 : vector<16x1xi32> to vector<16xi32>
      %gather3A_290 = tpu.dynamic_gather %add3A_287[%gather3A_289] in [0] : vector<16xf32>, vector<16xi32> -> vector<16xf32>
      %add3A_291 = arith.addf %add3A_287, %gather3A_290 : vector<16xf32>
      %select_n3A_292 = arith.select %eq3A_275, %add3A_291, %select_n3A_231 : vector<16xi1>, vector<16xf32>
      %add3A_293 = arith.constant 4 : i32
      %add3A_294 = arith.addi %mul3A_51, %add3A_293 : i32
      %get3A_295 = arith.index_cast %add3A_294 : i32 to index
      %get3A_296 = arith.constant 0 : index
      %get3A_297 = tpu.vector_load %arg9[%get3A_295, %get3A_296] {strides = array<i32>} : memref<256x64xf32, #tpu.memory_space<vmem>>, vector<1x16xf32>,
      %get3A_298 = vector.shape_cast %get3A_297 : vector<1x16xf32> to vector<16xf32>
      %get3A_299 = arith.index_cast %add3A_294 : i32 to index
      %get3A_300 = arith.constant 0 : index
      %get3A_301 = tpu.vector_load %arg10[%get3A_299, %get3A_300] {strides = array<i32>} : memref<256x64xf32, #tpu.memory_space<vmem>>, vector<1x16xf32>,
      %get3A_302 = vector.shape_cast %get3A_301 : vector<1x16xf32> to vector<16xf32>
      %mul3A_303 = arith.mulf %get3A_298, %get3A_302 : vector<16xf32>
      %get3A_304 = arith.index_cast %add3A_294 : i32 to index
      %get3A_305 = arith.constant 16 : index
      %get3A_306 = tpu.vector_load %arg9[%get3A_304, %get3A_305] {strides = array<i32>} : memref<256x64xf32, #tpu.memory_space<vmem>>, vector<1x16xf32>,
      %get3A_307 = vector.shape_cast %get3A_306 : vector<1x16xf32> to vector<16xf32>
      %get3A_308 = arith.index_cast %add3A_294 : i32 to index
      %get3A_309 = arith.constant 16 : index
      %get3A_310 = tpu.vector_load %arg10[%get3A_308, %get3A_309] {strides = array<i32>} : memref<256x64xf32, #tpu.memory_space<vmem>>, vector<1x16xf32>,
      %get3A_311 = vector.shape_cast %get3A_310 : vector<1x16xf32> to vector<16xf32>
      %mul3A_312 = arith.mulf %get3A_307, %get3A_311 : vector<16xf32>
      %add3A_313 = arith.addf %mul3A_303, %mul3A_312 : vector<16xf32>
      %get3A_314 = arith.index_cast %add3A_294 : i32 to index
      %get3A_315 = arith.constant 32 : index
      %get3A_316 = tpu.vector_load %arg9[%get3A_314, %get3A_315] {strides = array<i32>} : memref<256x64xf32, #tpu.memory_space<vmem>>, vector<1x16xf32>,
      %get3A_317 = vector.shape_cast %get3A_316 : vector<1x16xf32> to vector<16xf32>
      %get3A_318 = arith.index_cast %add3A_294 : i32 to index
      %get3A_319 = arith.constant 32 : index
      %get3A_320 = tpu.vector_load %arg10[%get3A_318, %get3A_319] {strides = array<i32>} : memref<256x64xf32, #tpu.memory_space<vmem>>, vector<1x16xf32>,
      %get3A_321 = vector.shape_cast %get3A_320 : vector<1x16xf32> to vector<16xf32>
      %mul3A_322 = arith.mulf %get3A_317, %get3A_321 : vector<16xf32>
      %add3A_323 = arith.addf %add3A_313, %mul3A_322 : vector<16xf32>
      %get3A_324 = arith.index_cast %add3A_294 : i32 to index
      %get3A_325 = arith.constant 48 : index
      %get3A_326 = tpu.vector_load %arg9[%get3A_324, %get3A_325] {strides = array<i32>} : memref<256x64xf32, #tpu.memory_space<vmem>>, vector<1x16xf32>,
      %get3A_327 = vector.shape_cast %get3A_326 : vector<1x16xf32> to vector<16xf32>
      %get3A_328 = arith.index_cast %add3A_294 : i32 to index
      %get3A_329 = arith.constant 48 : index
      %get3A_330 = tpu.vector_load %arg10[%get3A_328, %get3A_329] {strides = array<i32>} : memref<256x64xf32, #tpu.memory_space<vmem>>, vector<1x16xf32>,
      %get3A_331 = vector.shape_cast %get3A_330 : vector<1x16xf32> to vector<16xf32>
      %mul3A_332 = arith.mulf %get3A_327, %get3A_331 : vector<16xf32>
      %add3A_333 = arith.addf %add3A_323, %mul3A_332 : vector<16xf32>
      %eq3A_334 = arith.constant 4 : i32
      %eq3A_335 = vector.broadcast %eq3A_334 : i32 to vector<16xi32>
      %eq3A_336 = arith.cmpi eq, %iota3A, %eq3A_335 : vector<16xi32>
      %broadcast_in_dim3A_337 = vector.shape_cast %xor3A_4 : vector<16xi32> to vector<16x1xi32>
      %gather3A_338 = vector.shape_cast %broadcast_in_dim3A_337 : vector<16x1xi32> to vector<16xi32>
      %gather3A_339 = tpu.dynamic_gather %add3A_333[%gather3A_338] in [0] : vector<16xf32>, vector<16xi32> -> vector<16xf32>
      %add3A_340 = arith.addf %add3A_333, %gather3A_339 : vector<16xf32>
      %broadcast_in_dim3A_341 = vector.shape_cast %xor3A_7 : vector<16xi32> to vector<16x1xi32>
      %gather3A_342 = vector.shape_cast %broadcast_in_dim3A_341 : vector<16x1xi32> to vector<16xi32>
      %gather3A_343 = tpu.dynamic_gather %add3A_340[%gather3A_342] in [0] : vector<16xf32>, vector<16xi32> -> vector<16xf32>
      %add3A_344 = arith.addf %add3A_340, %gather3A_343 : vector<16xf32>
      %broadcast_in_dim3A_345 = vector.shape_cast %xor3A_10 : vector<16xi32> to vector<16x1xi32>
      %gather3A_346 = vector.shape_cast %broadcast_in_dim3A_345 : vector<16x1xi32> to vector<16xi32>
      %gather3A_347 = tpu.dynamic_gather %add3A_344[%gather3A_346] in [0] : vector<16xf32>, vector<16xi32> -> vector<16xf32>
      %add3A_348 = arith.addf %add3A_344, %gather3A_347 : vector<16xf32>
      %broadcast_in_dim3A_349 = vector.shape_cast %xor3A_13 : vector<16xi32> to vector<16x1xi32>
      %gather3A_350 = vector.shape_cast %broadcast_in_dim3A_349 : vector<16x1xi32> to vector<16xi32>
      %gather3A_351 = tpu.dynamic_gather %add3A_348[%gather3A_350] in [0] : vector<16xf32>, vector<16xi32> -> vector<16xf32>
      %add3A_352 = arith.addf %add3A_348, %gather3A_351 : vector<16xf32>
      %select_n3A_353 = arith.select %eq3A_336, %add3A_352, %select_n3A_292 : vector<16xi1>, vector<16xf32>
      %add3A_354 = arith.constant 5 : i32
      %add3A_355 = arith.addi %mul3A_51, %add3A_354 : i32
      %get3A_356 = arith.index_cast %add3A_355 : i32 to index
      %get3A_357 = arith.constant 0 : index
      %get3A_358 = tpu.vector_load %arg9[%get3A_356, %get3A_357] {strides = array<i32>} : memref<256x64xf32, #tpu.memory_space<vmem>>, vector<1x16xf32>,
      %get3A_359 = vector.shape_cast %get3A_358 : vector<1x16xf32> to vector<16xf32>
      %get3A_360 = arith.index_cast %add3A_355 : i32 to index
      %get3A_361 = arith.constant 0 : index
      %get3A_362 = tpu.vector_load %arg10[%get3A_360, %get3A_361] {strides = array<i32>} : memref<256x64xf32, #tpu.memory_space<vmem>>, vector<1x16xf32>,
      %get3A_363 = vector.shape_cast %get3A_362 : vector<1x16xf32> to vector<16xf32>
      %mul3A_364 = arith.mulf %get3A_359, %get3A_363 : vector<16xf32>
      %get3A_365 = arith.index_cast %add3A_355 : i32 to index
      %get3A_366 = arith.constant 16 : index
      %get3A_367 = tpu.vector_load %arg9[%get3A_365, %get3A_366] {strides = array<i32>} : memref<256x64xf32, #tpu.memory_space<vmem>>, vector<1x16xf32>,
      %get3A_368 = vector.shape_cast %get3A_367 : vector<1x16xf32> to vector<16xf32>
      %get3A_369 = arith.index_cast %add3A_355 : i32 to index
      %get3A_370 = arith.constant 16 : index
      %get3A_371 = tpu.vector_load %arg10[%get3A_369, %get3A_370] {strides = array<i32>} : memref<256x64xf32, #tpu.memory_space<vmem>>, vector<1x16xf32>,
      %get3A_372 = vector.shape_cast %get3A_371 : vector<1x16xf32> to vector<16xf32>
      %mul3A_373 = arith.mulf %get3A_368, %get3A_372 : vector<16xf32>
      %add3A_374 = arith.addf %mul3A_364, %mul3A_373 : vector<16xf32>
      %get3A_375 = arith.index_cast %add3A_355 : i32 to index
      %get3A_376 = arith.constant 32 : index
      %get3A_377 = tpu.vector_load %arg9[%get3A_375, %get3A_376] {strides = array<i32>} : memref<256x64xf32, #tpu.memory_space<vmem>>, vector<1x16xf32>,
      %get3A_378 = vector.shape_cast %get3A_377 : vector<1x16xf32> to vector<16xf32>
      %get3A_379 = arith.index_cast %add3A_355 : i32 to index
      %get3A_380 = arith.constant 32 : index
      %get3A_381 = tpu.vector_load %arg10[%get3A_379, %get3A_380] {strides = array<i32>} : memref<256x64xf32, #tpu.memory_space<vmem>>, vector<1x16xf32>,
      %get3A_382 = vector.shape_cast %get3A_381 : vector<1x16xf32> to vector<16xf32>
      %mul3A_383 = arith.mulf %get3A_378, %get3A_382 : vector<16xf32>
      %add3A_384 = arith.addf %add3A_374, %mul3A_383 : vector<16xf32>
      %get3A_385 = arith.index_cast %add3A_355 : i32 to index
      %get3A_386 = arith.constant 48 : index
      %get3A_387 = tpu.vector_load %arg9[%get3A_385, %get3A_386] {strides = array<i32>} : memref<256x64xf32, #tpu.memory_space<vmem>>, vector<1x16xf32>,
      %get3A_388 = vector.shape_cast %get3A_387 : vector<1x16xf32> to vector<16xf32>
      %get3A_389 = arith.index_cast %add3A_355 : i32 to index
      %get3A_390 = arith.constant 48 : index
      %get3A_391 = tpu.vector_load %arg10[%get3A_389, %get3A_390] {strides = array<i32>} : memref<256x64xf32, #tpu.memory_space<vmem>>, vector<1x16xf32>,
      %get3A_392 = vector.shape_cast %get3A_391 : vector<1x16xf32> to vector<16xf32>
      %mul3A_393 = arith.mulf %get3A_388, %get3A_392 : vector<16xf32>
      %add3A_394 = arith.addf %add3A_384, %mul3A_393 : vector<16xf32>
      %eq3A_395 = arith.constant 5 : i32
      %eq3A_396 = vector.broadcast %eq3A_395 : i32 to vector<16xi32>
      %eq3A_397 = arith.cmpi eq, %iota3A, %eq3A_396 : vector<16xi32>
      %broadcast_in_dim3A_398 = vector.shape_cast %xor3A_4 : vector<16xi32> to vector<16x1xi32>
      %gather3A_399 = vector.shape_cast %broadcast_in_dim3A_398 : vector<16x1xi32> to vector<16xi32>
      %gather3A_400 = tpu.dynamic_gather %add3A_394[%gather3A_399] in [0] : vector<16xf32>, vector<16xi32> -> vector<16xf32>
      %add3A_401 = arith.addf %add3A_394, %gather3A_400 : vector<16xf32>
      %broadcast_in_dim3A_402 = vector.shape_cast %xor3A_7 : vector<16xi32> to vector<16x1xi32>
      %gather3A_403 = vector.shape_cast %broadcast_in_dim3A_402 : vector<16x1xi32> to vector<16xi32>
      %gather3A_404 = tpu.dynamic_gather %add3A_401[%gather3A_403] in [0] : vector<16xf32>, vector<16xi32> -> vector<16xf32>
      %add3A_405 = arith.addf %add3A_401, %gather3A_404 : vector<16xf32>
      %broadcast_in_dim3A_406 = vector.shape_cast %xor3A_10 : vector<16xi32> to vector<16x1xi32>
      %gather3A_407 = vector.shape_cast %broadcast_in_dim3A_406 : vector<16x1xi32> to vector<16xi32>
      %gather3A_408 = tpu.dynamic_gather %add3A_405[%gather3A_407] in [0] : vector<16xf32>, vector<16xi32> -> vector<16xf32>
      %add3A_409 = arith.addf %add3A_405, %gather3A_408 : vector<16xf32>
      %broadcast_in_dim3A_410 = vector.shape_cast %xor3A_13 : vector<16xi32> to vector<16x1xi32>
      %gather3A_411 = vector.shape_cast %broadcast_in_dim3A_410 : vector<16x1xi32> to vector<16xi32>
      %gather3A_412 = tpu.dynamic_gather %add3A_409[%gather3A_411] in [0] : vector<16xf32>, vector<16xi32> -> vector<16xf32>
      %add3A_413 = arith.addf %add3A_409, %gather3A_412 : vector<16xf32>
      %select_n3A_414 = arith.select %eq3A_397, %add3A_413, %select_n3A_353 : vector<16xi1>, vector<16xf32>
      %add3A_415 = arith.constant 6 : i32
      %add3A_416 = arith.addi %mul3A_51, %add3A_415 : i32
      %get3A_417 = arith.index_cast %add3A_416 : i32 to index
      %get3A_418 = arith.constant 0 : index
      %get3A_419 = tpu.vector_load %arg9[%get3A_417, %get3A_418] {strides = array<i32>} : memref<256x64xf32, #tpu.memory_space<vmem>>, vector<1x16xf32>,
      %get3A_420 = vector.shape_cast %get3A_419 : vector<1x16xf32> to vector<16xf32>
      %get3A_421 = arith.index_cast %add3A_416 : i32 to index
      %get3A_422 = arith.constant 0 : index
      %get3A_423 = tpu.vector_load %arg10[%get3A_421, %get3A_422] {strides = array<i32>} : memref<256x64xf32, #tpu.memory_space<vmem>>, vector<1x16xf32>,
      %get3A_424 = vector.shape_cast %get3A_423 : vector<1x16xf32> to vector<16xf32>
      %mul3A_425 = arith.mulf %get3A_420, %get3A_424 : vector<16xf32>
      %get3A_426 = arith.index_cast %add3A_416 : i32 to index
      %get3A_427 = arith.constant 16 : index
      %get3A_428 = tpu.vector_load %arg9[%get3A_426, %get3A_427] {strides = array<i32>} : memref<256x64xf32, #tpu.memory_space<vmem>>, vector<1x16xf32>,
      %get3A_429 = vector.shape_cast %get3A_428 : vector<1x16xf32> to vector<16xf32>
      %get3A_430 = arith.index_cast %add3A_416 : i32 to index
      %get3A_431 = arith.constant 16 : index
      %get3A_432 = tpu.vector_load %arg10[%get3A_430, %get3A_431] {strides = array<i32>} : memref<256x64xf32, #tpu.memory_space<vmem>>, vector<1x16xf32>,
      %get3A_433 = vector.shape_cast %get3A_432 : vector<1x16xf32> to vector<16xf32>
      %mul3A_434 = arith.mulf %get3A_429, %get3A_433 : vector<16xf32>
      %add3A_435 = arith.addf %mul3A_425, %mul3A_434 : vector<16xf32>
      %get3A_436 = arith.index_cast %add3A_416 : i32 to index
      %get3A_437 = arith.constant 32 : index
      %get3A_438 = tpu.vector_load %arg9[%get3A_436, %get3A_437] {strides = array<i32>} : memref<256x64xf32, #tpu.memory_space<vmem>>, vector<1x16xf32>,
      %get3A_439 = vector.shape_cast %get3A_438 : vector<1x16xf32> to vector<16xf32>
      %get3A_440 = arith.index_cast %add3A_416 : i32 to index
      %get3A_441 = arith.constant 32 : index
      %get3A_442 = tpu.vector_load %arg10[%get3A_440, %get3A_441] {strides = array<i32>} : memref<256x64xf32, #tpu.memory_space<vmem>>, vector<1x16xf32>,
      %get3A_443 = vector.shape_cast %get3A_442 : vector<1x16xf32> to vector<16xf32>
      %mul3A_444 = arith.mulf %get3A_439, %get3A_443 : vector<16xf32>
      %add3A_445 = arith.addf %add3A_435, %mul3A_444 : vector<16xf32>
      %get3A_446 = arith.index_cast %add3A_416 : i32 to index
      %get3A_447 = arith.constant 48 : index
      %get3A_448 = tpu.vector_load %arg9[%get3A_446, %get3A_447] {strides = array<i32>} : memref<256x64xf32, #tpu.memory_space<vmem>>, vector<1x16xf32>,
      %get3A_449 = vector.shape_cast %get3A_448 : vector<1x16xf32> to vector<16xf32>
      %get3A_450 = arith.index_cast %add3A_416 : i32 to index
      %get3A_451 = arith.constant 48 : index
      %get3A_452 = tpu.vector_load %arg10[%get3A_450, %get3A_451] {strides = array<i32>} : memref<256x64xf32, #tpu.memory_space<vmem>>, vector<1x16xf32>,
      %get3A_453 = vector.shape_cast %get3A_452 : vector<1x16xf32> to vector<16xf32>
      %mul3A_454 = arith.mulf %get3A_449, %get3A_453 : vector<16xf32>
      %add3A_455 = arith.addf %add3A_445, %mul3A_454 : vector<16xf32>
      %eq3A_456 = arith.constant 6 : i32
      %eq3A_457 = vector.broadcast %eq3A_456 : i32 to vector<16xi32>
      %eq3A_458 = arith.cmpi eq, %iota3A, %eq3A_457 : vector<16xi32>
      %broadcast_in_dim3A_459 = vector.shape_cast %xor3A_4 : vector<16xi32> to vector<16x1xi32>
      %gather3A_460 = vector.shape_cast %broadcast_in_dim3A_459 : vector<16x1xi32> to vector<16xi32>
      %gather3A_461 = tpu.dynamic_gather %add3A_455[%gather3A_460] in [0] : vector<16xf32>, vector<16xi32> -> vector<16xf32>
      %add3A_462 = arith.addf %add3A_455, %gather3A_461 : vector<16xf32>
      %broadcast_in_dim3A_463 = vector.shape_cast %xor3A_7 : vector<16xi32> to vector<16x1xi32>
      %gather3A_464 = vector.shape_cast %broadcast_in_dim3A_463 : vector<16x1xi32> to vector<16xi32>
      %gather3A_465 = tpu.dynamic_gather %add3A_462[%gather3A_464] in [0] : vector<16xf32>, vector<16xi32> -> vector<16xf32>
      %add3A_466 = arith.addf %add3A_462, %gather3A_465 : vector<16xf32>
      %broadcast_in_dim3A_467 = vector.shape_cast %xor3A_10 : vector<16xi32> to vector<16x1xi32>
      %gather3A_468 = vector.shape_cast %broadcast_in_dim3A_467 : vector<16x1xi32> to vector<16xi32>
      %gather3A_469 = tpu.dynamic_gather %add3A_466[%gather3A_468] in [0] : vector<16xf32>, vector<16xi32> -> vector<16xf32>
      %add3A_470 = arith.addf %add3A_466, %gather3A_469 : vector<16xf32>
      %broadcast_in_dim3A_471 = vector.shape_cast %xor3A_13 : vector<16xi32> to vector<16x1xi32>
      %gather3A_472 = vector.shape_cast %broadcast_in_dim3A_471 : vector<16x1xi32> to vector<16xi32>
      %gather3A_473 = tpu.dynamic_gather %add3A_470[%gather3A_472] in [0] : vector<16xf32>, vector<16xi32> -> vector<16xf32>
      %add3A_474 = arith.addf %add3A_470, %gather3A_473 : vector<16xf32>
      %select_n3A_475 = arith.select %eq3A_458, %add3A_474, %select_n3A_414 : vector<16xi1>, vector<16xf32>
      %add3A_476 = arith.constant 7 : i32
      %add3A_477 = arith.addi %mul3A_51, %add3A_476 : i32
      %get3A_478 = arith.index_cast %add3A_477 : i32 to index
      %get3A_479 = arith.constant 0 : index
      %get3A_480 = tpu.vector_load %arg9[%get3A_478, %get3A_479] {strides = array<i32>} : memref<256x64xf32, #tpu.memory_space<vmem>>, vector<1x16xf32>,
      %get3A_481 = vector.shape_cast %get3A_480 : vector<1x16xf32> to vector<16xf32>
      %get3A_482 = arith.index_cast %add3A_477 : i32 to index
      %get3A_483 = arith.constant 0 : index
      %get3A_484 = tpu.vector_load %arg10[%get3A_482, %get3A_483] {strides = array<i32>} : memref<256x64xf32, #tpu.memory_space<vmem>>, vector<1x16xf32>,
      %get3A_485 = vector.shape_cast %get3A_484 : vector<1x16xf32> to vector<16xf32>
      %mul3A_486 = arith.mulf %get3A_481, %get3A_485 : vector<16xf32>
      %get3A_487 = arith.index_cast %add3A_477 : i32 to index
      %get3A_488 = arith.constant 16 : index
      %get3A_489 = tpu.vector_load %arg9[%get3A_487, %get3A_488] {strides = array<i32>} : memref<256x64xf32, #tpu.memory_space<vmem>>, vector<1x16xf32>,
      %get3A_490 = vector.shape_cast %get3A_489 : vector<1x16xf32> to vector<16xf32>
      %get3A_491 = arith.index_cast %add3A_477 : i32 to index
      %get3A_492 = arith.constant 16 : index
      %get3A_493 = tpu.vector_load %arg10[%get3A_491, %get3A_492] {strides = array<i32>} : memref<256x64xf32, #tpu.memory_space<vmem>>, vector<1x16xf32>,
      %get3A_494 = vector.shape_cast %get3A_493 : vector<1x16xf32> to vector<16xf32>
      %mul3A_495 = arith.mulf %get3A_490, %get3A_494 : vector<16xf32>
      %add3A_496 = arith.addf %mul3A_486, %mul3A_495 : vector<16xf32>
      %get3A_497 = arith.index_cast %add3A_477 : i32 to index
      %get3A_498 = arith.constant 32 : index
      %get3A_499 = tpu.vector_load %arg9[%get3A_497, %get3A_498] {strides = array<i32>} : memref<256x64xf32, #tpu.memory_space<vmem>>, vector<1x16xf32>,
      %get3A_500 = vector.shape_cast %get3A_499 : vector<1x16xf32> to vector<16xf32>
      %get3A_501 = arith.index_cast %add3A_477 : i32 to index
      %get3A_502 = arith.constant 32 : index
      %get3A_503 = tpu.vector_load %arg10[%get3A_501, %get3A_502] {strides = array<i32>} : memref<256x64xf32, #tpu.memory_space<vmem>>, vector<1x16xf32>,
      %get3A_504 = vector.shape_cast %get3A_503 : vector<1x16xf32> to vector<16xf32>
      %mul3A_505 = arith.mulf %get3A_500, %get3A_504 : vector<16xf32>
      %add3A_506 = arith.addf %add3A_496, %mul3A_505 : vector<16xf32>
      %get3A_507 = arith.index_cast %add3A_477 : i32 to index
      %get3A_508 = arith.constant 48 : index
      %get3A_509 = tpu.vector_load %arg9[%get3A_507, %get3A_508] {strides = array<i32>} : memref<256x64xf32, #tpu.memory_space<vmem>>, vector<1x16xf32>,
      %get3A_510 = vector.shape_cast %get3A_509 : vector<1x16xf32> to vector<16xf32>
      %get3A_511 = arith.index_cast %add3A_477 : i32 to index
      %get3A_512 = arith.constant 48 : index
      %get3A_513 = tpu.vector_load %arg10[%get3A_511, %get3A_512] {strides = array<i32>} : memref<256x64xf32, #tpu.memory_space<vmem>>, vector<1x16xf32>,
      %get3A_514 = vector.shape_cast %get3A_513 : vector<1x16xf32> to vector<16xf32>
      %mul3A_515 = arith.mulf %get3A_510, %get3A_514 : vector<16xf32>
      %add3A_516 = arith.addf %add3A_506, %mul3A_515 : vector<16xf32>
      %eq3A_517 = arith.constant 7 : i32
      %eq3A_518 = vector.broadcast %eq3A_517 : i32 to vector<16xi32>
      %eq3A_519 = arith.cmpi eq, %iota3A, %eq3A_518 : vector<16xi32>
      %broadcast_in_dim3A_520 = vector.shape_cast %xor3A_4 : vector<16xi32> to vector<16x1xi32>
      %gather3A_521 = vector.shape_cast %broadcast_in_dim3A_520 : vector<16x1xi32> to vector<16xi32>
      %gather3A_522 = tpu.dynamic_gather %add3A_516[%gather3A_521] in [0] : vector<16xf32>, vector<16xi32> -> vector<16xf32>
      %add3A_523 = arith.addf %add3A_516, %gather3A_522 : vector<16xf32>
      %broadcast_in_dim3A_524 = vector.shape_cast %xor3A_7 : vector<16xi32> to vector<16x1xi32>
      %gather3A_525 = vector.shape_cast %broadcast_in_dim3A_524 : vector<16x1xi32> to vector<16xi32>
      %gather3A_526 = tpu.dynamic_gather %add3A_523[%gather3A_525] in [0] : vector<16xf32>, vector<16xi32> -> vector<16xf32>
      %add3A_527 = arith.addf %add3A_523, %gather3A_526 : vector<16xf32>
      %broadcast_in_dim3A_528 = vector.shape_cast %xor3A_10 : vector<16xi32> to vector<16x1xi32>
      %gather3A_529 = vector.shape_cast %broadcast_in_dim3A_528 : vector<16x1xi32> to vector<16xi32>
      %gather3A_530 = tpu.dynamic_gather %add3A_527[%gather3A_529] in [0] : vector<16xf32>, vector<16xi32> -> vector<16xf32>
      %add3A_531 = arith.addf %add3A_527, %gather3A_530 : vector<16xf32>
      %broadcast_in_dim3A_532 = vector.shape_cast %xor3A_13 : vector<16xi32> to vector<16x1xi32>
      %gather3A_533 = vector.shape_cast %broadcast_in_dim3A_532 : vector<16x1xi32> to vector<16xi32>
      %gather3A_534 = tpu.dynamic_gather %add3A_531[%gather3A_533] in [0] : vector<16xf32>, vector<16xi32> -> vector<16xf32>
      %add3A_535 = arith.addf %add3A_531, %gather3A_534 : vector<16xf32>
      %select_n3A_536 = arith.select %eq3A_519, %add3A_535, %select_n3A_475 : vector<16xi1>, vector<16xf32>
      %add3A_537 = arith.constant 8 : i32
      %add3A_538 = arith.addi %mul3A_51, %add3A_537 : i32
      %get3A_539 = arith.index_cast %add3A_538 : i32 to index
      %get3A_540 = arith.constant 0 : index
      %get3A_541 = tpu.vector_load %arg9[%get3A_539, %get3A_540] {strides = array<i32>} : memref<256x64xf32, #tpu.memory_space<vmem>>, vector<1x16xf32>,
      %get3A_542 = vector.shape_cast %get3A_541 : vector<1x16xf32> to vector<16xf32>
      %get3A_543 = arith.index_cast %add3A_538 : i32 to index
      %get3A_544 = arith.constant 0 : index
      %get3A_545 = tpu.vector_load %arg10[%get3A_543, %get3A_544] {strides = array<i32>} : memref<256x64xf32, #tpu.memory_space<vmem>>, vector<1x16xf32>,
      %get3A_546 = vector.shape_cast %get3A_545 : vector<1x16xf32> to vector<16xf32>
      %mul3A_547 = arith.mulf %get3A_542, %get3A_546 : vector<16xf32>
      %get3A_548 = arith.index_cast %add3A_538 : i32 to index
      %get3A_549 = arith.constant 16 : index
      %get3A_550 = tpu.vector_load %arg9[%get3A_548, %get3A_549] {strides = array<i32>} : memref<256x64xf32, #tpu.memory_space<vmem>>, vector<1x16xf32>,
      %get3A_551 = vector.shape_cast %get3A_550 : vector<1x16xf32> to vector<16xf32>
      %get3A_552 = arith.index_cast %add3A_538 : i32 to index
      %get3A_553 = arith.constant 16 : index
      %get3A_554 = tpu.vector_load %arg10[%get3A_552, %get3A_553] {strides = array<i32>} : memref<256x64xf32, #tpu.memory_space<vmem>>, vector<1x16xf32>,
      %get3A_555 = vector.shape_cast %get3A_554 : vector<1x16xf32> to vector<16xf32>
      %mul3A_556 = arith.mulf %get3A_551, %get3A_555 : vector<16xf32>
      %add3A_557 = arith.addf %mul3A_547, %mul3A_556 : vector<16xf32>
      %get3A_558 = arith.index_cast %add3A_538 : i32 to index
      %get3A_559 = arith.constant 32 : index
      %get3A_560 = tpu.vector_load %arg9[%get3A_558, %get3A_559] {strides = array<i32>} : memref<256x64xf32, #tpu.memory_space<vmem>>, vector<1x16xf32>,
      %get3A_561 = vector.shape_cast %get3A_560 : vector<1x16xf32> to vector<16xf32>
      %get3A_562 = arith.index_cast %add3A_538 : i32 to index
      %get3A_563 = arith.constant 32 : index
      %get3A_564 = tpu.vector_load %arg10[%get3A_562, %get3A_563] {strides = array<i32>} : memref<256x64xf32, #tpu.memory_space<vmem>>, vector<1x16xf32>,
      %get3A_565 = vector.shape_cast %get3A_564 : vector<1x16xf32> to vector<16xf32>
      %mul3A_566 = arith.mulf %get3A_561, %get3A_565 : vector<16xf32>
      %add3A_567 = arith.addf %add3A_557, %mul3A_566 : vector<16xf32>
      %get3A_568 = arith.index_cast %add3A_538 : i32 to index
      %get3A_569 = arith.constant 48 : index
      %get3A_570 = tpu.vector_load %arg9[%get3A_568, %get3A_569] {strides = array<i32>} : memref<256x64xf32, #tpu.memory_space<vmem>>, vector<1x16xf32>,
      %get3A_571 = vector.shape_cast %get3A_570 : vector<1x16xf32> to vector<16xf32>
      %get3A_572 = arith.index_cast %add3A_538 : i32 to index
      %get3A_573 = arith.constant 48 : index
      %get3A_574 = tpu.vector_load %arg10[%get3A_572, %get3A_573] {strides = array<i32>} : memref<256x64xf32, #tpu.memory_space<vmem>>, vector<1x16xf32>,
      %get3A_575 = vector.shape_cast %get3A_574 : vector<1x16xf32> to vector<16xf32>
      %mul3A_576 = arith.mulf %get3A_571, %get3A_575 : vector<16xf32>
      %add3A_577 = arith.addf %add3A_567, %mul3A_576 : vector<16xf32>
      %eq3A_578 = arith.constant 8 : i32
      %eq3A_579 = vector.broadcast %eq3A_578 : i32 to vector<16xi32>
      %eq3A_580 = arith.cmpi eq, %iota3A, %eq3A_579 : vector<16xi32>
      %broadcast_in_dim3A_581 = vector.shape_cast %xor3A_4 : vector<16xi32> to vector<16x1xi32>
      %gather3A_582 = vector.shape_cast %broadcast_in_dim3A_581 : vector<16x1xi32> to vector<16xi32>
      %gather3A_583 = tpu.dynamic_gather %add3A_577[%gather3A_582] in [0] : vector<16xf32>, vector<16xi32> -> vector<16xf32>
      %add3A_584 = arith.addf %add3A_577, %gather3A_583 : vector<16xf32>
      %broadcast_in_dim3A_585 = vector.shape_cast %xor3A_7 : vector<16xi32> to vector<16x1xi32>
      %gather3A_586 = vector.shape_cast %broadcast_in_dim3A_585 : vector<16x1xi32> to vector<16xi32>
      %gather3A_587 = tpu.dynamic_gather %add3A_584[%gather3A_586] in [0] : vector<16xf32>, vector<16xi32> -> vector<16xf32>
      %add3A_588 = arith.addf %add3A_584, %gather3A_587 : vector<16xf32>
      %broadcast_in_dim3A_589 = vector.shape_cast %xor3A_10 : vector<16xi32> to vector<16x1xi32>
      %gather3A_590 = vector.shape_cast %broadcast_in_dim3A_589 : vector<16x1xi32> to vector<16xi32>
      %gather3A_591 = tpu.dynamic_gather %add3A_588[%gather3A_590] in [0] : vector<16xf32>, vector<16xi32> -> vector<16xf32>
      %add3A_592 = arith.addf %add3A_588, %gather3A_591 : vector<16xf32>
      %broadcast_in_dim3A_593 = vector.shape_cast %xor3A_13 : vector<16xi32> to vector<16x1xi32>
      %gather3A_594 = vector.shape_cast %broadcast_in_dim3A_593 : vector<16x1xi32> to vector<16xi32>
      %gather3A_595 = tpu.dynamic_gather %add3A_592[%gather3A_594] in [0] : vector<16xf32>, vector<16xi32> -> vector<16xf32>
      %add3A_596 = arith.addf %add3A_592, %gather3A_595 : vector<16xf32>
      %select_n3A_597 = arith.select %eq3A_580, %add3A_596, %select_n3A_536 : vector<16xi1>, vector<16xf32>
      %add3A_598 = arith.constant 9 : i32
      %add3A_599 = arith.addi %mul3A_51, %add3A_598 : i32
      %get3A_600 = arith.index_cast %add3A_599 : i32 to index
      %get3A_601 = arith.constant 0 : index
      %get3A_602 = tpu.vector_load %arg9[%get3A_600, %get3A_601] {strides = array<i32>} : memref<256x64xf32, #tpu.memory_space<vmem>>, vector<1x16xf32>,
      %get3A_603 = vector.shape_cast %get3A_602 : vector<1x16xf32> to vector<16xf32>
      %get3A_604 = arith.index_cast %add3A_599 : i32 to index
      %get3A_605 = arith.constant 0 : index
      %get3A_606 = tpu.vector_load %arg10[%get3A_604, %get3A_605] {strides = array<i32>} : memref<256x64xf32, #tpu.memory_space<vmem>>, vector<1x16xf32>,
      %get3A_607 = vector.shape_cast %get3A_606 : vector<1x16xf32> to vector<16xf32>
      %mul3A_608 = arith.mulf %get3A_603, %get3A_607 : vector<16xf32>
      %get3A_609 = arith.index_cast %add3A_599 : i32 to index
      %get3A_610 = arith.constant 16 : index
      %get3A_611 = tpu.vector_load %arg9[%get3A_609, %get3A_610] {strides = array<i32>} : memref<256x64xf32, #tpu.memory_space<vmem>>, vector<1x16xf32>,
      %get3A_612 = vector.shape_cast %get3A_611 : vector<1x16xf32> to vector<16xf32>
      %get3A_613 = arith.index_cast %add3A_599 : i32 to index
      %get3A_614 = arith.constant 16 : index
      %get3A_615 = tpu.vector_load %arg10[%get3A_613, %get3A_614] {strides = array<i32>} : memref<256x64xf32, #tpu.memory_space<vmem>>, vector<1x16xf32>,
      %get3A_616 = vector.shape_cast %get3A_615 : vector<1x16xf32> to vector<16xf32>
      %mul3A_617 = arith.mulf %get3A_612, %get3A_616 : vector<16xf32>
      %add3A_618 = arith.addf %mul3A_608, %mul3A_617 : vector<16xf32>
      %get3A_619 = arith.index_cast %add3A_599 : i32 to index
      %get3A_620 = arith.constant 32 : index
      %get3A_621 = tpu.vector_load %arg9[%get3A_619, %get3A_620] {strides = array<i32>} : memref<256x64xf32, #tpu.memory_space<vmem>>, vector<1x16xf32>,
      %get3A_622 = vector.shape_cast %get3A_621 : vector<1x16xf32> to vector<16xf32>
      %get3A_623 = arith.index_cast %add3A_599 : i32 to index
      %get3A_624 = arith.constant 32 : index
      %get3A_625 = tpu.vector_load %arg10[%get3A_623, %get3A_624] {strides = array<i32>} : memref<256x64xf32, #tpu.memory_space<vmem>>, vector<1x16xf32>,
      %get3A_626 = vector.shape_cast %get3A_625 : vector<1x16xf32> to vector<16xf32>
      %mul3A_627 = arith.mulf %get3A_622, %get3A_626 : vector<16xf32>
      %add3A_628 = arith.addf %add3A_618, %mul3A_627 : vector<16xf32>
      %get3A_629 = arith.index_cast %add3A_599 : i32 to index
      %get3A_630 = arith.constant 48 : index
      %get3A_631 = tpu.vector_load %arg9[%get3A_629, %get3A_630] {strides = array<i32>} : memref<256x64xf32, #tpu.memory_space<vmem>>, vector<1x16xf32>,
      %get3A_632 = vector.shape_cast %get3A_631 : vector<1x16xf32> to vector<16xf32>
      %get3A_633 = arith.index_cast %add3A_599 : i32 to index
      %get3A_634 = arith.constant 48 : index
      %get3A_635 = tpu.vector_load %arg10[%get3A_633, %get3A_634] {strides = array<i32>} : memref<256x64xf32, #tpu.memory_space<vmem>>, vector<1x16xf32>,
      %get3A_636 = vector.shape_cast %get3A_635 : vector<1x16xf32> to vector<16xf32>
      %mul3A_637 = arith.mulf %get3A_632, %get3A_636 : vector<16xf32>
      %add3A_638 = arith.addf %add3A_628, %mul3A_637 : vector<16xf32>
      %eq3A_639 = arith.constant 9 : i32
      %eq3A_640 = vector.broadcast %eq3A_639 : i32 to vector<16xi32>
      %eq3A_641 = arith.cmpi eq, %iota3A, %eq3A_640 : vector<16xi32>
      %broadcast_in_dim3A_642 = vector.shape_cast %xor3A_4 : vector<16xi32> to vector<16x1xi32>
      %gather3A_643 = vector.shape_cast %broadcast_in_dim3A_642 : vector<16x1xi32> to vector<16xi32>
      %gather3A_644 = tpu.dynamic_gather %add3A_638[%gather3A_643] in [0] : vector<16xf32>, vector<16xi32> -> vector<16xf32>
      %add3A_645 = arith.addf %add3A_638, %gather3A_644 : vector<16xf32>
      %broadcast_in_dim3A_646 = vector.shape_cast %xor3A_7 : vector<16xi32> to vector<16x1xi32>
      %gather3A_647 = vector.shape_cast %broadcast_in_dim3A_646 : vector<16x1xi32> to vector<16xi32>
      %gather3A_648 = tpu.dynamic_gather %add3A_645[%gather3A_647] in [0] : vector<16xf32>, vector<16xi32> -> vector<16xf32>
      %add3A_649 = arith.addf %add3A_645, %gather3A_648 : vector<16xf32>
      %broadcast_in_dim3A_650 = vector.shape_cast %xor3A_10 : vector<16xi32> to vector<16x1xi32>
      %gather3A_651 = vector.shape_cast %broadcast_in_dim3A_650 : vector<16x1xi32> to vector<16xi32>
      %gather3A_652 = tpu.dynamic_gather %add3A_649[%gather3A_651] in [0] : vector<16xf32>, vector<16xi32> -> vector<16xf32>
      %add3A_653 = arith.addf %add3A_649, %gather3A_652 : vector<16xf32>
      %broadcast_in_dim3A_654 = vector.shape_cast %xor3A_13 : vector<16xi32> to vector<16x1xi32>
      %gather3A_655 = vector.shape_cast %broadcast_in_dim3A_654 : vector<16x1xi32> to vector<16xi32>
      %gather3A_656 = tpu.dynamic_gather %add3A_653[%gather3A_655] in [0] : vector<16xf32>, vector<16xi32> -> vector<16xf32>
      %add3A_657 = arith.addf %add3A_653, %gather3A_656 : vector<16xf32>
      %select_n3A_658 = arith.select %eq3A_641, %add3A_657, %select_n3A_597 : vector<16xi1>, vector<16xf32>
      %add3A_659 = arith.constant 10 : i32
      %add3A_660 = arith.addi %mul3A_51, %add3A_659 : i32
      %get3A_661 = arith.index_cast %add3A_660 : i32 to index
      %get3A_662 = arith.constant 0 : index
      %get3A_663 = tpu.vector_load %arg9[%get3A_661, %get3A_662] {strides = array<i32>} : memref<256x64xf32, #tpu.memory_space<vmem>>, vector<1x16xf32>,
      %get3A_664 = vector.shape_cast %get3A_663 : vector<1x16xf32> to vector<16xf32>
      %get3A_665 = arith.index_cast %add3A_660 : i32 to index
      %get3A_666 = arith.constant 0 : index
      %get3A_667 = tpu.vector_load %arg10[%get3A_665, %get3A_666] {strides = array<i32>} : memref<256x64xf32, #tpu.memory_space<vmem>>, vector<1x16xf32>,
      %get3A_668 = vector.shape_cast %get3A_667 : vector<1x16xf32> to vector<16xf32>
      %mul3A_669 = arith.mulf %get3A_664, %get3A_668 : vector<16xf32>
      %get3A_670 = arith.index_cast %add3A_660 : i32 to index
      %get3A_671 = arith.constant 16 : index
      %get3A_672 = tpu.vector_load %arg9[%get3A_670, %get3A_671] {strides = array<i32>} : memref<256x64xf32, #tpu.memory_space<vmem>>, vector<1x16xf32>,
      %get3A_673 = vector.shape_cast %get3A_672 : vector<1x16xf32> to vector<16xf32>
      %get3A_674 = arith.index_cast %add3A_660 : i32 to index
      %get3A_675 = arith.constant 16 : index
      %get3A_676 = tpu.vector_load %arg10[%get3A_674, %get3A_675] {strides = array<i32>} : memref<256x64xf32, #tpu.memory_space<vmem>>, vector<1x16xf32>,
      %get3A_677 = vector.shape_cast %get3A_676 : vector<1x16xf32> to vector<16xf32>
      %mul3A_678 = arith.mulf %get3A_673, %get3A_677 : vector<16xf32>
      %add3A_679 = arith.addf %mul3A_669, %mul3A_678 : vector<16xf32>
      %get3A_680 = arith.index_cast %add3A_660 : i32 to index
      %get3A_681 = arith.constant 32 : index
      %get3A_682 = tpu.vector_load %arg9[%get3A_680, %get3A_681] {strides = array<i32>} : memref<256x64xf32, #tpu.memory_space<vmem>>, vector<1x16xf32>,
      %get3A_683 = vector.shape_cast %get3A_682 : vector<1x16xf32> to vector<16xf32>
      %get3A_684 = arith.index_cast %add3A_660 : i32 to index
      %get3A_685 = arith.constant 32 : index
      %get3A_686 = tpu.vector_load %arg10[%get3A_684, %get3A_685] {strides = array<i32>} : memref<256x64xf32, #tpu.memory_space<vmem>>, vector<1x16xf32>,
      %get3A_687 = vector.shape_cast %get3A_686 : vector<1x16xf32> to vector<16xf32>
      %mul3A_688 = arith.mulf %get3A_683, %get3A_687 : vector<16xf32>
      %add3A_689 = arith.addf %add3A_679, %mul3A_688 : vector<16xf32>
      %get3A_690 = arith.index_cast %add3A_660 : i32 to index
      %get3A_691 = arith.constant 48 : index
      %get3A_692 = tpu.vector_load %arg9[%get3A_690, %get3A_691] {strides = array<i32>} : memref<256x64xf32, #tpu.memory_space<vmem>>, vector<1x16xf32>,
      %get3A_693 = vector.shape_cast %get3A_692 : vector<1x16xf32> to vector<16xf32>
      %get3A_694 = arith.index_cast %add3A_660 : i32 to index
      %get3A_695 = arith.constant 48 : index
      %get3A_696 = tpu.vector_load %arg10[%get3A_694, %get3A_695] {strides = array<i32>} : memref<256x64xf32, #tpu.memory_space<vmem>>, vector<1x16xf32>,
      %get3A_697 = vector.shape_cast %get3A_696 : vector<1x16xf32> to vector<16xf32>
      %mul3A_698 = arith.mulf %get3A_693, %get3A_697 : vector<16xf32>
      %add3A_699 = arith.addf %add3A_689, %mul3A_698 : vector<16xf32>
      %eq3A_700 = arith.constant 10 : i32
      %eq3A_701 = vector.broadcast %eq3A_700 : i32 to vector<16xi32>
      %eq3A_702 = arith.cmpi eq, %iota3A, %eq3A_701 : vector<16xi32>
      %broadcast_in_dim3A_703 = vector.shape_cast %xor3A_4 : vector<16xi32> to vector<16x1xi32>
      %gather3A_704 = vector.shape_cast %broadcast_in_dim3A_703 : vector<16x1xi32> to vector<16xi32>
      %gather3A_705 = tpu.dynamic_gather %add3A_699[%gather3A_704] in [0] : vector<16xf32>, vector<16xi32> -> vector<16xf32>
      %add3A_706 = arith.addf %add3A_699, %gather3A_705 : vector<16xf32>
      %broadcast_in_dim3A_707 = vector.shape_cast %xor3A_7 : vector<16xi32> to vector<16x1xi32>
      %gather3A_708 = vector.shape_cast %broadcast_in_dim3A_707 : vector<16x1xi32> to vector<16xi32>
      %gather3A_709 = tpu.dynamic_gather %add3A_706[%gather3A_708] in [0] : vector<16xf32>, vector<16xi32> -> vector<16xf32>
      %add3A_710 = arith.addf %add3A_706, %gather3A_709 : vector<16xf32>
      %broadcast_in_dim3A_711 = vector.shape_cast %xor3A_10 : vector<16xi32> to vector<16x1xi32>
      %gather3A_712 = vector.shape_cast %broadcast_in_dim3A_711 : vector<16x1xi32> to vector<16xi32>
      %gather3A_713 = tpu.dynamic_gather %add3A_710[%gather3A_712] in [0] : vector<16xf32>, vector<16xi32> -> vector<16xf32>
      %add3A_714 = arith.addf %add3A_710, %gather3A_713 : vector<16xf32>
      %broadcast_in_dim3A_715 = vector.shape_cast %xor3A_13 : vector<16xi32> to vector<16x1xi32>
      %gather3A_716 = vector.shape_cast %broadcast_in_dim3A_715 : vector<16x1xi32> to vector<16xi32>
      %gather3A_717 = tpu.dynamic_gather %add3A_714[%gather3A_716] in [0] : vector<16xf32>, vector<16xi32> -> vector<16xf32>
      %add3A_718 = arith.addf %add3A_714, %gather3A_717 : vector<16xf32>
      %select_n3A_719 = arith.select %eq3A_702, %add3A_718, %select_n3A_658 : vector<16xi1>, vector<16xf32>
      %add3A_720 = arith.constant 11 : i32
      %add3A_721 = arith.addi %mul3A_51, %add3A_720 : i32
      %get3A_722 = arith.index_cast %add3A_721 : i32 to index
      %get3A_723 = arith.constant 0 : index
      %get3A_724 = tpu.vector_load %arg9[%get3A_722, %get3A_723] {strides = array<i32>} : memref<256x64xf32, #tpu.memory_space<vmem>>, vector<1x16xf32>,
      %get3A_725 = vector.shape_cast %get3A_724 : vector<1x16xf32> to vector<16xf32>
      %get3A_726 = arith.index_cast %add3A_721 : i32 to index
      %get3A_727 = arith.constant 0 : index
      %get3A_728 = tpu.vector_load %arg10[%get3A_726, %get3A_727] {strides = array<i32>} : memref<256x64xf32, #tpu.memory_space<vmem>>, vector<1x16xf32>,
      %get3A_729 = vector.shape_cast %get3A_728 : vector<1x16xf32> to vector<16xf32>
      %mul3A_730 = arith.mulf %get3A_725, %get3A_729 : vector<16xf32>
      %get3A_731 = arith.index_cast %add3A_721 : i32 to index
      %get3A_732 = arith.constant 16 : index
      %get3A_733 = tpu.vector_load %arg9[%get3A_731, %get3A_732] {strides = array<i32>} : memref<256x64xf32, #tpu.memory_space<vmem>>, vector<1x16xf32>,
      %get3A_734 = vector.shape_cast %get3A_733 : vector<1x16xf32> to vector<16xf32>
      %get3A_735 = arith.index_cast %add3A_721 : i32 to index
      %get3A_736 = arith.constant 16 : index
      %get3A_737 = tpu.vector_load %arg10[%get3A_735, %get3A_736] {strides = array<i32>} : memref<256x64xf32, #tpu.memory_space<vmem>>, vector<1x16xf32>,
      %get3A_738 = vector.shape_cast %get3A_737 : vector<1x16xf32> to vector<16xf32>
      %mul3A_739 = arith.mulf %get3A_734, %get3A_738 : vector<16xf32>
      %add3A_740 = arith.addf %mul3A_730, %mul3A_739 : vector<16xf32>
      %get3A_741 = arith.index_cast %add3A_721 : i32 to index
      %get3A_742 = arith.constant 32 : index
      %get3A_743 = tpu.vector_load %arg9[%get3A_741, %get3A_742] {strides = array<i32>} : memref<256x64xf32, #tpu.memory_space<vmem>>, vector<1x16xf32>,
      %get3A_744 = vector.shape_cast %get3A_743 : vector<1x16xf32> to vector<16xf32>
      %get3A_745 = arith.index_cast %add3A_721 : i32 to index
      %get3A_746 = arith.constant 32 : index
      %get3A_747 = tpu.vector_load %arg10[%get3A_745, %get3A_746] {strides = array<i32>} : memref<256x64xf32, #tpu.memory_space<vmem>>, vector<1x16xf32>,
      %get3A_748 = vector.shape_cast %get3A_747 : vector<1x16xf32> to vector<16xf32>
      %mul3A_749 = arith.mulf %get3A_744, %get3A_748 : vector<16xf32>
      %add3A_750 = arith.addf %add3A_740, %mul3A_749 : vector<16xf32>
      %get3A_751 = arith.index_cast %add3A_721 : i32 to index
      %get3A_752 = arith.constant 48 : index
      %get3A_753 = tpu.vector_load %arg9[%get3A_751, %get3A_752] {strides = array<i32>} : memref<256x64xf32, #tpu.memory_space<vmem>>, vector<1x16xf32>,
      %get3A_754 = vector.shape_cast %get3A_753 : vector<1x16xf32> to vector<16xf32>
      %get3A_755 = arith.index_cast %add3A_721 : i32 to index
      %get3A_756 = arith.constant 48 : index
      %get3A_757 = tpu.vector_load %arg10[%get3A_755, %get3A_756] {strides = array<i32>} : memref<256x64xf32, #tpu.memory_space<vmem>>, vector<1x16xf32>,
      %get3A_758 = vector.shape_cast %get3A_757 : vector<1x16xf32> to vector<16xf32>
      %mul3A_759 = arith.mulf %get3A_754, %get3A_758 : vector<16xf32>
      %add3A_760 = arith.addf %add3A_750, %mul3A_759 : vector<16xf32>
      %eq3A_761 = arith.constant 11 : i32
      %eq3A_762 = vector.broadcast %eq3A_761 : i32 to vector<16xi32>
      %eq3A_763 = arith.cmpi eq, %iota3A, %eq3A_762 : vector<16xi32>
      %broadcast_in_dim3A_764 = vector.shape_cast %xor3A_4 : vector<16xi32> to vector<16x1xi32>
      %gather3A_765 = vector.shape_cast %broadcast_in_dim3A_764 : vector<16x1xi32> to vector<16xi32>
      %gather3A_766 = tpu.dynamic_gather %add3A_760[%gather3A_765] in [0] : vector<16xf32>, vector<16xi32> -> vector<16xf32>
      %add3A_767 = arith.addf %add3A_760, %gather3A_766 : vector<16xf32>
      %broadcast_in_dim3A_768 = vector.shape_cast %xor3A_7 : vector<16xi32> to vector<16x1xi32>
      %gather3A_769 = vector.shape_cast %broadcast_in_dim3A_768 : vector<16x1xi32> to vector<16xi32>
      %gather3A_770 = tpu.dynamic_gather %add3A_767[%gather3A_769] in [0] : vector<16xf32>, vector<16xi32> -> vector<16xf32>
      %add3A_771 = arith.addf %add3A_767, %gather3A_770 : vector<16xf32>
      %broadcast_in_dim3A_772 = vector.shape_cast %xor3A_10 : vector<16xi32> to vector<16x1xi32>
      %gather3A_773 = vector.shape_cast %broadcast_in_dim3A_772 : vector<16x1xi32> to vector<16xi32>
      %gather3A_774 = tpu.dynamic_gather %add3A_771[%gather3A_773] in [0] : vector<16xf32>, vector<16xi32> -> vector<16xf32>
      %add3A_775 = arith.addf %add3A_771, %gather3A_774 : vector<16xf32>
      %broadcast_in_dim3A_776 = vector.shape_cast %xor3A_13 : vector<16xi32> to vector<16x1xi32>
      %gather3A_777 = vector.shape_cast %broadcast_in_dim3A_776 : vector<16x1xi32> to vector<16xi32>
      %gather3A_778 = tpu.dynamic_gather %add3A_775[%gather3A_777] in [0] : vector<16xf32>, vector<16xi32> -> vector<16xf32>
      %add3A_779 = arith.addf %add3A_775, %gather3A_778 : vector<16xf32>
      %select_n3A_780 = arith.select %eq3A_763, %add3A_779, %select_n3A_719 : vector<16xi1>, vector<16xf32>
      %add3A_781 = arith.constant 12 : i32
      %add3A_782 = arith.addi %mul3A_51, %add3A_781 : i32
      %get3A_783 = arith.index_cast %add3A_782 : i32 to index
      %get3A_784 = arith.constant 0 : index
      %get3A_785 = tpu.vector_load %arg9[%get3A_783, %get3A_784] {strides = array<i32>} : memref<256x64xf32, #tpu.memory_space<vmem>>, vector<1x16xf32>,
      %get3A_786 = vector.shape_cast %get3A_785 : vector<1x16xf32> to vector<16xf32>
      %get3A_787 = arith.index_cast %add3A_782 : i32 to index
      %get3A_788 = arith.constant 0 : index
      %get3A_789 = tpu.vector_load %arg10[%get3A_787, %get3A_788] {strides = array<i32>} : memref<256x64xf32, #tpu.memory_space<vmem>>, vector<1x16xf32>,
      %get3A_790 = vector.shape_cast %get3A_789 : vector<1x16xf32> to vector<16xf32>
      %mul3A_791 = arith.mulf %get3A_786, %get3A_790 : vector<16xf32>
      %get3A_792 = arith.index_cast %add3A_782 : i32 to index
      %get3A_793 = arith.constant 16 : index
      %get3A_794 = tpu.vector_load %arg9[%get3A_792, %get3A_793] {strides = array<i32>} : memref<256x64xf32, #tpu.memory_space<vmem>>, vector<1x16xf32>,
      %get3A_795 = vector.shape_cast %get3A_794 : vector<1x16xf32> to vector<16xf32>
      %get3A_796 = arith.index_cast %add3A_782 : i32 to index
      %get3A_797 = arith.constant 16 : index
      %get3A_798 = tpu.vector_load %arg10[%get3A_796, %get3A_797] {strides = array<i32>} : memref<256x64xf32, #tpu.memory_space<vmem>>, vector<1x16xf32>,
      %get3A_799 = vector.shape_cast %get3A_798 : vector<1x16xf32> to vector<16xf32>
      %mul3A_800 = arith.mulf %get3A_795, %get3A_799 : vector<16xf32>
      %add3A_801 = arith.addf %mul3A_791, %mul3A_800 : vector<16xf32>
      %get3A_802 = arith.index_cast %add3A_782 : i32 to index
      %get3A_803 = arith.constant 32 : index
      %get3A_804 = tpu.vector_load %arg9[%get3A_802, %get3A_803] {strides = array<i32>} : memref<256x64xf32, #tpu.memory_space<vmem>>, vector<1x16xf32>,
      %get3A_805 = vector.shape_cast %get3A_804 : vector<1x16xf32> to vector<16xf32>
      %get3A_806 = arith.index_cast %add3A_782 : i32 to index
      %get3A_807 = arith.constant 32 : index
      %get3A_808 = tpu.vector_load %arg10[%get3A_806, %get3A_807] {strides = array<i32>} : memref<256x64xf32, #tpu.memory_space<vmem>>, vector<1x16xf32>,
      %get3A_809 = vector.shape_cast %get3A_808 : vector<1x16xf32> to vector<16xf32>
      %mul3A_810 = arith.mulf %get3A_805, %get3A_809 : vector<16xf32>
      %add3A_811 = arith.addf %add3A_801, %mul3A_810 : vector<16xf32>
      %get3A_812 = arith.index_cast %add3A_782 : i32 to index
      %get3A_813 = arith.constant 48 : index
      %get3A_814 = tpu.vector_load %arg9[%get3A_812, %get3A_813] {strides = array<i32>} : memref<256x64xf32, #tpu.memory_space<vmem>>, vector<1x16xf32>,
      %get3A_815 = vector.shape_cast %get3A_814 : vector<1x16xf32> to vector<16xf32>
      %get3A_816 = arith.index_cast %add3A_782 : i32 to index
      %get3A_817 = arith.constant 48 : index
      %get3A_818 = tpu.vector_load %arg10[%get3A_816, %get3A_817] {strides = array<i32>} : memref<256x64xf32, #tpu.memory_space<vmem>>, vector<1x16xf32>,
      %get3A_819 = vector.shape_cast %get3A_818 : vector<1x16xf32> to vector<16xf32>
      %mul3A_820 = arith.mulf %get3A_815, %get3A_819 : vector<16xf32>
      %add3A_821 = arith.addf %add3A_811, %mul3A_820 : vector<16xf32>
      %eq3A_822 = arith.constant 12 : i32
      %eq3A_823 = vector.broadcast %eq3A_822 : i32 to vector<16xi32>
      %eq3A_824 = arith.cmpi eq, %iota3A, %eq3A_823 : vector<16xi32>
      %broadcast_in_dim3A_825 = vector.shape_cast %xor3A_4 : vector<16xi32> to vector<16x1xi32>
      %gather3A_826 = vector.shape_cast %broadcast_in_dim3A_825 : vector<16x1xi32> to vector<16xi32>
      %gather3A_827 = tpu.dynamic_gather %add3A_821[%gather3A_826] in [0] : vector<16xf32>, vector<16xi32> -> vector<16xf32>
      %add3A_828 = arith.addf %add3A_821, %gather3A_827 : vector<16xf32>
      %broadcast_in_dim3A_829 = vector.shape_cast %xor3A_7 : vector<16xi32> to vector<16x1xi32>
      %gather3A_830 = vector.shape_cast %broadcast_in_dim3A_829 : vector<16x1xi32> to vector<16xi32>
      %gather3A_831 = tpu.dynamic_gather %add3A_828[%gather3A_830] in [0] : vector<16xf32>, vector<16xi32> -> vector<16xf32>
      %add3A_832 = arith.addf %add3A_828, %gather3A_831 : vector<16xf32>
      %broadcast_in_dim3A_833 = vector.shape_cast %xor3A_10 : vector<16xi32> to vector<16x1xi32>
      %gather3A_834 = vector.shape_cast %broadcast_in_dim3A_833 : vector<16x1xi32> to vector<16xi32>
      %gather3A_835 = tpu.dynamic_gather %add3A_832[%gather3A_834] in [0] : vector<16xf32>, vector<16xi32> -> vector<16xf32>
      %add3A_836 = arith.addf %add3A_832, %gather3A_835 : vector<16xf32>
      %broadcast_in_dim3A_837 = vector.shape_cast %xor3A_13 : vector<16xi32> to vector<16x1xi32>
      %gather3A_838 = vector.shape_cast %broadcast_in_dim3A_837 : vector<16x1xi32> to vector<16xi32>
      %gather3A_839 = tpu.dynamic_gather %add3A_836[%gather3A_838] in [0] : vector<16xf32>, vector<16xi32> -> vector<16xf32>
      %add3A_840 = arith.addf %add3A_836, %gather3A_839 : vector<16xf32>
      %select_n3A_841 = arith.select %eq3A_824, %add3A_840, %select_n3A_780 : vector<16xi1>, vector<16xf32>
      %add3A_842 = arith.constant 13 : i32
      %add3A_843 = arith.addi %mul3A_51, %add3A_842 : i32
      %get3A_844 = arith.index_cast %add3A_843 : i32 to index
      %get3A_845 = arith.constant 0 : index
      %get3A_846 = tpu.vector_load %arg9[%get3A_844, %get3A_845] {strides = array<i32>} : memref<256x64xf32, #tpu.memory_space<vmem>>, vector<1x16xf32>,
      %get3A_847 = vector.shape_cast %get3A_846 : vector<1x16xf32> to vector<16xf32>
      %get3A_848 = arith.index_cast %add3A_843 : i32 to index
      %get3A_849 = arith.constant 0 : index
      %get3A_850 = tpu.vector_load %arg10[%get3A_848, %get3A_849] {strides = array<i32>} : memref<256x64xf32, #tpu.memory_space<vmem>>, vector<1x16xf32>,
      %get3A_851 = vector.shape_cast %get3A_850 : vector<1x16xf32> to vector<16xf32>
      %mul3A_852 = arith.mulf %get3A_847, %get3A_851 : vector<16xf32>
      %get3A_853 = arith.index_cast %add3A_843 : i32 to index
      %get3A_854 = arith.constant 16 : index
      %get3A_855 = tpu.vector_load %arg9[%get3A_853, %get3A_854] {strides = array<i32>} : memref<256x64xf32, #tpu.memory_space<vmem>>, vector<1x16xf32>,
      %get3A_856 = vector.shape_cast %get3A_855 : vector<1x16xf32> to vector<16xf32>
      %get3A_857 = arith.index_cast %add3A_843 : i32 to index
      %get3A_858 = arith.constant 16 : index
      %get3A_859 = tpu.vector_load %arg10[%get3A_857, %get3A_858] {strides = array<i32>} : memref<256x64xf32, #tpu.memory_space<vmem>>, vector<1x16xf32>,
      %get3A_860 = vector.shape_cast %get3A_859 : vector<1x16xf32> to vector<16xf32>
      %mul3A_861 = arith.mulf %get3A_856, %get3A_860 : vector<16xf32>
      %add3A_862 = arith.addf %mul3A_852, %mul3A_861 : vector<16xf32>
      %get3A_863 = arith.index_cast %add3A_843 : i32 to index
      %get3A_864 = arith.constant 32 : index
      %get3A_865 = tpu.vector_load %arg9[%get3A_863, %get3A_864] {strides = array<i32>} : memref<256x64xf32, #tpu.memory_space<vmem>>, vector<1x16xf32>,
      %get3A_866 = vector.shape_cast %get3A_865 : vector<1x16xf32> to vector<16xf32>
      %get3A_867 = arith.index_cast %add3A_843 : i32 to index
      %get3A_868 = arith.constant 32 : index
      %get3A_869 = tpu.vector_load %arg10[%get3A_867, %get3A_868] {strides = array<i32>} : memref<256x64xf32, #tpu.memory_space<vmem>>, vector<1x16xf32>,
      %get3A_870 = vector.shape_cast %get3A_869 : vector<1x16xf32> to vector<16xf32>
      %mul3A_871 = arith.mulf %get3A_866, %get3A_870 : vector<16xf32>
      %add3A_872 = arith.addf %add3A_862, %mul3A_871 : vector<16xf32>
      %get3A_873 = arith.index_cast %add3A_843 : i32 to index
      %get3A_874 = arith.constant 48 : index
      %get3A_875 = tpu.vector_load %arg9[%get3A_873, %get3A_874] {strides = array<i32>} : memref<256x64xf32, #tpu.memory_space<vmem>>, vector<1x16xf32>,
      %get3A_876 = vector.shape_cast %get3A_875 : vector<1x16xf32> to vector<16xf32>
      %get3A_877 = arith.index_cast %add3A_843 : i32 to index
      %get3A_878 = arith.constant 48 : index
      %get3A_879 = tpu.vector_load %arg10[%get3A_877, %get3A_878] {strides = array<i32>} : memref<256x64xf32, #tpu.memory_space<vmem>>, vector<1x16xf32>,
      %get3A_880 = vector.shape_cast %get3A_879 : vector<1x16xf32> to vector<16xf32>
      %mul3A_881 = arith.mulf %get3A_876, %get3A_880 : vector<16xf32>
      %add3A_882 = arith.addf %add3A_872, %mul3A_881 : vector<16xf32>
      %eq3A_883 = arith.constant 13 : i32
      %eq3A_884 = vector.broadcast %eq3A_883 : i32 to vector<16xi32>
      %eq3A_885 = arith.cmpi eq, %iota3A, %eq3A_884 : vector<16xi32>
      %broadcast_in_dim3A_886 = vector.shape_cast %xor3A_4 : vector<16xi32> to vector<16x1xi32>
      %gather3A_887 = vector.shape_cast %broadcast_in_dim3A_886 : vector<16x1xi32> to vector<16xi32>
      %gather3A_888 = tpu.dynamic_gather %add3A_882[%gather3A_887] in [0] : vector<16xf32>, vector<16xi32> -> vector<16xf32>
      %add3A_889 = arith.addf %add3A_882, %gather3A_888 : vector<16xf32>
      %broadcast_in_dim3A_890 = vector.shape_cast %xor3A_7 : vector<16xi32> to vector<16x1xi32>
      %gather3A_891 = vector.shape_cast %broadcast_in_dim3A_890 : vector<16x1xi32> to vector<16xi32>
      %gather3A_892 = tpu.dynamic_gather %add3A_889[%gather3A_891] in [0] : vector<16xf32>, vector<16xi32> -> vector<16xf32>
      %add3A_893 = arith.addf %add3A_889, %gather3A_892 : vector<16xf32>
      %broadcast_in_dim3A_894 = vector.shape_cast %xor3A_10 : vector<16xi32> to vector<16x1xi32>
      %gather3A_895 = vector.shape_cast %broadcast_in_dim3A_894 : vector<16x1xi32> to vector<16xi32>
      %gather3A_896 = tpu.dynamic_gather %add3A_893[%gather3A_895] in [0] : vector<16xf32>, vector<16xi32> -> vector<16xf32>
      %add3A_897 = arith.addf %add3A_893, %gather3A_896 : vector<16xf32>
      %broadcast_in_dim3A_898 = vector.shape_cast %xor3A_13 : vector<16xi32> to vector<16x1xi32>
      %gather3A_899 = vector.shape_cast %broadcast_in_dim3A_898 : vector<16x1xi32> to vector<16xi32>
      %gather3A_900 = tpu.dynamic_gather %add3A_897[%gather3A_899] in [0] : vector<16xf32>, vector<16xi32> -> vector<16xf32>
      %add3A_901 = arith.addf %add3A_897, %gather3A_900 : vector<16xf32>
      %select_n3A_902 = arith.select %eq3A_885, %add3A_901, %select_n3A_841 : vector<16xi1>, vector<16xf32>
      %add3A_903 = arith.constant 14 : i32
      %add3A_904 = arith.addi %mul3A_51, %add3A_903 : i32
      %get3A_905 = arith.index_cast %add3A_904 : i32 to index
      %get3A_906 = arith.constant 0 : index
      %get3A_907 = tpu.vector_load %arg9[%get3A_905, %get3A_906] {strides = array<i32>} : memref<256x64xf32, #tpu.memory_space<vmem>>, vector<1x16xf32>,
      %get3A_908 = vector.shape_cast %get3A_907 : vector<1x16xf32> to vector<16xf32>
      %get3A_909 = arith.index_cast %add3A_904 : i32 to index
      %get3A_910 = arith.constant 0 : index
      %get3A_911 = tpu.vector_load %arg10[%get3A_909, %get3A_910] {strides = array<i32>} : memref<256x64xf32, #tpu.memory_space<vmem>>, vector<1x16xf32>,
      %get3A_912 = vector.shape_cast %get3A_911 : vector<1x16xf32> to vector<16xf32>
      %mul3A_913 = arith.mulf %get3A_908, %get3A_912 : vector<16xf32>
      %get3A_914 = arith.index_cast %add3A_904 : i32 to index
      %get3A_915 = arith.constant 16 : index
      %get3A_916 = tpu.vector_load %arg9[%get3A_914, %get3A_915] {strides = array<i32>} : memref<256x64xf32, #tpu.memory_space<vmem>>, vector<1x16xf32>,
      %get3A_917 = vector.shape_cast %get3A_916 : vector<1x16xf32> to vector<16xf32>
      %get3A_918 = arith.index_cast %add3A_904 : i32 to index
      %get3A_919 = arith.constant 16 : index
      %get3A_920 = tpu.vector_load %arg10[%get3A_918, %get3A_919] {strides = array<i32>} : memref<256x64xf32, #tpu.memory_space<vmem>>, vector<1x16xf32>,
      %get3A_921 = vector.shape_cast %get3A_920 : vector<1x16xf32> to vector<16xf32>
      %mul3A_922 = arith.mulf %get3A_917, %get3A_921 : vector<16xf32>
      %add3A_923 = arith.addf %mul3A_913, %mul3A_922 : vector<16xf32>
      %get3A_924 = arith.index_cast %add3A_904 : i32 to index
      %get3A_925 = arith.constant 32 : index
      %get3A_926 = tpu.vector_load %arg9[%get3A_924, %get3A_925] {strides = array<i32>} : memref<256x64xf32, #tpu.memory_space<vmem>>, vector<1x16xf32>,
      %get3A_927 = vector.shape_cast %get3A_926 : vector<1x16xf32> to vector<16xf32>
      %get3A_928 = arith.index_cast %add3A_904 : i32 to index
      %get3A_929 = arith.constant 32 : index
      %get3A_930 = tpu.vector_load %arg10[%get3A_928, %get3A_929] {strides = array<i32>} : memref<256x64xf32, #tpu.memory_space<vmem>>, vector<1x16xf32>,
      %get3A_931 = vector.shape_cast %get3A_930 : vector<1x16xf32> to vector<16xf32>
      %mul3A_932 = arith.mulf %get3A_927, %get3A_931 : vector<16xf32>
      %add3A_933 = arith.addf %add3A_923, %mul3A_932 : vector<16xf32>
      %get3A_934 = arith.index_cast %add3A_904 : i32 to index
      %get3A_935 = arith.constant 48 : index
      %get3A_936 = tpu.vector_load %arg9[%get3A_934, %get3A_935] {strides = array<i32>} : memref<256x64xf32, #tpu.memory_space<vmem>>, vector<1x16xf32>,
      %get3A_937 = vector.shape_cast %get3A_936 : vector<1x16xf32> to vector<16xf32>
      %get3A_938 = arith.index_cast %add3A_904 : i32 to index
      %get3A_939 = arith.constant 48 : index
      %get3A_940 = tpu.vector_load %arg10[%get3A_938, %get3A_939] {strides = array<i32>} : memref<256x64xf32, #tpu.memory_space<vmem>>, vector<1x16xf32>,
      %get3A_941 = vector.shape_cast %get3A_940 : vector<1x16xf32> to vector<16xf32>
      %mul3A_942 = arith.mulf %get3A_937, %get3A_941 : vector<16xf32>
      %add3A_943 = arith.addf %add3A_933, %mul3A_942 : vector<16xf32>
      %eq3A_944 = arith.constant 14 : i32
      %eq3A_945 = vector.broadcast %eq3A_944 : i32 to vector<16xi32>
      %eq3A_946 = arith.cmpi eq, %iota3A, %eq3A_945 : vector<16xi32>
      %broadcast_in_dim3A_947 = vector.shape_cast %xor3A_4 : vector<16xi32> to vector<16x1xi32>
      %gather3A_948 = vector.shape_cast %broadcast_in_dim3A_947 : vector<16x1xi32> to vector<16xi32>
      %gather3A_949 = tpu.dynamic_gather %add3A_943[%gather3A_948] in [0] : vector<16xf32>, vector<16xi32> -> vector<16xf32>
      %add3A_950 = arith.addf %add3A_943, %gather3A_949 : vector<16xf32>
      %broadcast_in_dim3A_951 = vector.shape_cast %xor3A_7 : vector<16xi32> to vector<16x1xi32>
      %gather3A_952 = vector.shape_cast %broadcast_in_dim3A_951 : vector<16x1xi32> to vector<16xi32>
      %gather3A_953 = tpu.dynamic_gather %add3A_950[%gather3A_952] in [0] : vector<16xf32>, vector<16xi32> -> vector<16xf32>
      %add3A_954 = arith.addf %add3A_950, %gather3A_953 : vector<16xf32>
      %broadcast_in_dim3A_955 = vector.shape_cast %xor3A_10 : vector<16xi32> to vector<16x1xi32>
      %gather3A_956 = vector.shape_cast %broadcast_in_dim3A_955 : vector<16x1xi32> to vector<16xi32>
      %gather3A_957 = tpu.dynamic_gather %add3A_954[%gather3A_956] in [0] : vector<16xf32>, vector<16xi32> -> vector<16xf32>
      %add3A_958 = arith.addf %add3A_954, %gather3A_957 : vector<16xf32>
      %broadcast_in_dim3A_959 = vector.shape_cast %xor3A_13 : vector<16xi32> to vector<16x1xi32>
      %gather3A_960 = vector.shape_cast %broadcast_in_dim3A_959 : vector<16x1xi32> to vector<16xi32>
      %gather3A_961 = tpu.dynamic_gather %add3A_958[%gather3A_960] in [0] : vector<16xf32>, vector<16xi32> -> vector<16xf32>
      %add3A_962 = arith.addf %add3A_958, %gather3A_961 : vector<16xf32>
      %select_n3A_963 = arith.select %eq3A_946, %add3A_962, %select_n3A_902 : vector<16xi1>, vector<16xf32>
      %add3A_964 = arith.constant 15 : i32
      %add3A_965 = arith.addi %mul3A_51, %add3A_964 : i32
      %get3A_966 = arith.index_cast %add3A_965 : i32 to index
      %get3A_967 = arith.constant 0 : index
      %get3A_968 = tpu.vector_load %arg9[%get3A_966, %get3A_967] {strides = array<i32>} : memref<256x64xf32, #tpu.memory_space<vmem>>, vector<1x16xf32>,
      %get3A_969 = vector.shape_cast %get3A_968 : vector<1x16xf32> to vector<16xf32>
      %get3A_970 = arith.index_cast %add3A_965 : i32 to index
      %get3A_971 = arith.constant 0 : index
      %get3A_972 = tpu.vector_load %arg10[%get3A_970, %get3A_971] {strides = array<i32>} : memref<256x64xf32, #tpu.memory_space<vmem>>, vector<1x16xf32>,
      %get3A_973 = vector.shape_cast %get3A_972 : vector<1x16xf32> to vector<16xf32>
      %mul3A_974 = arith.mulf %get3A_969, %get3A_973 : vector<16xf32>
      %get3A_975 = arith.index_cast %add3A_965 : i32 to index
      %get3A_976 = arith.constant 16 : index
      %get3A_977 = tpu.vector_load %arg9[%get3A_975, %get3A_976] {strides = array<i32>} : memref<256x64xf32, #tpu.memory_space<vmem>>, vector<1x16xf32>,
      %get3A_978 = vector.shape_cast %get3A_977 : vector<1x16xf32> to vector<16xf32>
      %get3A_979 = arith.index_cast %add3A_965 : i32 to index
      %get3A_980 = arith.constant 16 : index
      %get3A_981 = tpu.vector_load %arg10[%get3A_979, %get3A_980] {strides = array<i32>} : memref<256x64xf32, #tpu.memory_space<vmem>>, vector<1x16xf32>,
      %get3A_982 = vector.shape_cast %get3A_981 : vector<1x16xf32> to vector<16xf32>
      %mul3A_983 = arith.mulf %get3A_978, %get3A_982 : vector<16xf32>
      %add3A_984 = arith.addf %mul3A_974, %mul3A_983 : vector<16xf32>
      %get3A_985 = arith.index_cast %add3A_965 : i32 to index
      %get3A_986 = arith.constant 32 : index
      %get3A_987 = tpu.vector_load %arg9[%get3A_985, %get3A_986] {strides = array<i32>} : memref<256x64xf32, #tpu.memory_space<vmem>>, vector<1x16xf32>,
      %get3A_988 = vector.shape_cast %get3A_987 : vector<1x16xf32> to vector<16xf32>
      %get3A_989 = arith.index_cast %add3A_965 : i32 to index
      %get3A_990 = arith.constant 32 : index
      %get3A_991 = tpu.vector_load %arg10[%get3A_989, %get3A_990] {strides = array<i32>} : memref<256x64xf32, #tpu.memory_space<vmem>>, vector<1x16xf32>,
      %get3A_992 = vector.shape_cast %get3A_991 : vector<1x16xf32> to vector<16xf32>
      %mul3A_993 = arith.mulf %get3A_988, %get3A_992 : vector<16xf32>
      %add3A_994 = arith.addf %add3A_984, %mul3A_993 : vector<16xf32>
      %get3A_995 = arith.index_cast %add3A_965 : i32 to index
      %get3A_996 = arith.constant 48 : index
      %get3A_997 = tpu.vector_load %arg9[%get3A_995, %get3A_996] {strides = array<i32>} : memref<256x64xf32, #tpu.memory_space<vmem>>, vector<1x16xf32>,
      %get3A_998 = vector.shape_cast %get3A_997 : vector<1x16xf32> to vector<16xf32>
      %get3A_999 = arith.index_cast %add3A_965 : i32 to index
      %get3A_1000 = arith.constant 48 : index
      %get3A_1001 = tpu.vector_load %arg10[%get3A_999, %get3A_1000] {strides = array<i32>} : memref<256x64xf32, #tpu.memory_space<vmem>>, vector<1x16xf32>,
      %get3A_1002 = vector.shape_cast %get3A_1001 : vector<1x16xf32> to vector<16xf32>
      %mul3A_1003 = arith.mulf %get3A_998, %get3A_1002 : vector<16xf32>
      %add3A_1004 = arith.addf %add3A_994, %mul3A_1003 : vector<16xf32>
      %eq3A_1005 = arith.constant 15 : i32
      %eq3A_1006 = vector.broadcast %eq3A_1005 : i32 to vector<16xi32>
      %eq3A_1007 = arith.cmpi eq, %iota3A, %eq3A_1006 : vector<16xi32>
      %broadcast_in_dim3A_1008 = vector.shape_cast %xor3A_4 : vector<16xi32> to vector<16x1xi32>
      %gather3A_1009 = vector.shape_cast %broadcast_in_dim3A_1008 : vector<16x1xi32> to vector<16xi32>
      %gather3A_1010 = tpu.dynamic_gather %add3A_1004[%gather3A_1009] in [0] : vector<16xf32>, vector<16xi32> -> vector<16xf32>
      %add3A_1011 = arith.addf %add3A_1004, %gather3A_1010 : vector<16xf32>
      %broadcast_in_dim3A_1012 = vector.shape_cast %xor3A_7 : vector<16xi32> to vector<16x1xi32>
      %gather3A_1013 = vector.shape_cast %broadcast_in_dim3A_1012 : vector<16x1xi32> to vector<16xi32>
      %gather3A_1014 = tpu.dynamic_gather %add3A_1011[%gather3A_1013] in [0] : vector<16xf32>, vector<16xi32> -> vector<16xf32>
      %add3A_1015 = arith.addf %add3A_1011, %gather3A_1014 : vector<16xf32>
      %broadcast_in_dim3A_1016 = vector.shape_cast %xor3A_10 : vector<16xi32> to vector<16x1xi32>
      %gather3A_1017 = vector.shape_cast %broadcast_in_dim3A_1016 : vector<16x1xi32> to vector<16xi32>
      %gather3A_1018 = tpu.dynamic_gather %add3A_1015[%gather3A_1017] in [0] : vector<16xf32>, vector<16xi32> -> vector<16xf32>
      %add3A_1019 = arith.addf %add3A_1015, %gather3A_1018 : vector<16xf32>
      %broadcast_in_dim3A_1020 = vector.shape_cast %xor3A_13 : vector<16xi32> to vector<16x1xi32>
      %gather3A_1021 = vector.shape_cast %broadcast_in_dim3A_1020 : vector<16x1xi32> to vector<16xi32>
      %gather3A_1022 = tpu.dynamic_gather %add3A_1019[%gather3A_1021] in [0] : vector<16xf32>, vector<16xi32> -> vector<16xf32>
      %add3A_1023 = arith.addf %add3A_1019, %gather3A_1022 : vector<16xf32>
      %select_n3A_1024 = arith.select %eq3A_1007, %add3A_1023, %select_n3A_963 : vector<16xi1>, vector<16xf32>
      %add3A_1025 = arith.constant 256 : i32
      %add3A_1026 = arith.addi %add3A_1025, %mul3A_51 : i32
      %swap3A = arith.index_cast %add3A_1026 : i32 to index
      %swap3A_1027 = tpu.vector_load %arg11[%swap3A] {strides = array<i32>} : memref<512xf32, #tpu.memory_space<vmem>>, vector<16xf32>,
      %swap3A_1028 = vector.shape_cast %swap3A_1027 : vector<16xf32> to vector<16xf32>
      %swap3A_1029 = vector.shape_cast %select_n3A_1024 : vector<16xf32> to vector<16xf32>
      tpu.vector_store %arg11[%swap3A], %swap3A_1029 {strides = array<i32>} : memref<512xf32, #tpu.memory_space<vmem>>, vector<16xf32>,
    }
    %scan3A_48 = arith.constant 16 : i32
    "tpu.region"() ({
      %run_scoped3A = tpu.sem_alloc : memref<!tpu.dma_semaphore, #tpu.memory_space<semaphore_mem>>
      %dma_start3A = tpu.memref_slice %arg6[%mul3A_2] : memref<16384xf32, #tpu.memory_space<hbm>> -> memref<512xf32, #tpu.memory_space<hbm>>
      %dma_start3A_49 = tpu.memref_slice %arg6[%mul3A_2] : memref<16384xf32, #tpu.memory_space<hbm>> -> memref<512xf32, #tpu.memory_space<hbm>>
      tpu.enqueue_dma source(%arg11 : memref<512xf32, #tpu.memory_space<vmem>>) target(%dma_start3A_49 : memref<512xf32, #tpu.memory_space<hbm>>) target_semaphore(%run_scoped3A : memref<!tpu.dma_semaphore, #tpu.memory_space<semaphore_mem>>)
      %dma_wait3A = tpu.memref_slice %arg6[%mul3A_2] : memref<16384xf32, #tpu.memory_space<hbm>> -> memref<512xf32, #tpu.memory_space<hbm>>
      %dma_wait3A_50 = tpu.memref_slice %arg6[%mul3A_2] : memref<16384xf32, #tpu.memory_space<hbm>> -> memref<512xf32, #tpu.memory_space<hbm>>
      tpu.wait_dma2 semaphore(%run_scoped3A : memref<!tpu.dma_semaphore, #tpu.memory_space<semaphore_mem>>) src(%arg11 : memref<512xf32, #tpu.memory_space<vmem>>) dst(%dma_wait3A_50 : memref<512xf32, #tpu.memory_space<hbm>>)
      tpu.yield
    }) : () -> ()
    return
  }
}

</mosaic_0001>

<sc_bundles>
// kernel: kernel.3.cloned.1.call-start
scs
__scs_entry_jumppad:
0x0: {  	(pc) =	sbr.rel $0x88, $3  }
0x1: {  	(tag) =	ssettag $0x0;
	lr =	simm.s32 $0x1  }
0x2: {  	[smem:$0x3F9D] =	sst lr;
	_ =	strace $0xD0000000  }
0x3: {  	_ = 	snop  }
0x4: {  	_ = 	snop  }
0x5: {  	_ = 	snop  }
0x6: {  	_ = 	snop  }
0x7: {  	_ = 	snop  }
__scs_overlays_trampoline_lowered:
0x8: {  	[smem:$0x3FAC] =	sst s0  }
0x9: {  	[smem:$0x3FAD] =	sst s1  }
0xa: {  	[smem:$0x3FAE] =	sst s2  }
0xb: {  	[smem:$0x3FAF] =	sst s3  }
0xc: {  	[smem:$0x3FB0] =	sst s4  }
0xd: {  	[smem:$0x3FB1] =	sst s5  }
0xe: {  	[smem:$0x3FB2] =	sst s6  }
0xf: {  	[smem:$0x3FB3] =	sst s7  }
0x10: {  	[smem:$0x3FB4] =	sst s8  }
0x11: {  	[smem:$0x3FB5] =	sst s9;
	s0 =	simm.s32 @!p0 $0x0  }
0x12: {  	s1 =	sld [smem:$0x3F9B];
	s0 =	simm.s32 @p0 $0x1  }
0x13: {  	[smem:$0x3FB6] =	sst s0;
	s0 =	simm.s32 @!p1 $0x0  }
0x14: {  	s2 =	sld [smem:$0x3F9A];
	s0 =	simm.s32 @p1 $0x1  }
0x15: {  	[smem:$0x3FB7] =	sst s0;
	s0 =	simm.s32 @!p2 $0x0  }
0x16: {  	s3 =	sld [smem:$0x3FDB];
	s0 =	simm.s32 @p2 $0x1  }
0x17: {  	s4 =	simm.s32 $0x1BF5;
	[smem:$0x3FB9] =	sst s0  }
0x18: {  	s0 =	sld [smem:$0x3F9C];
	_ =	swait.ge [sflag:s4], $0x0  }
0x19: {  	s7 =	sld [smem:$0x3F9D]  }
0x1a: {  	s8 =	sadd.s32 $0xFFFFE003, lr  }
0x1b: {  	s9 =	sadd.s32 $0xFFFFFEF7, lr;
	s5 =	simm.s32 $0xFFFFFFFF;
	p2 =	slt.u32 s8, $0xFFFFF086  }
0x1c: {  	p1 =	slt.u32 s9, $0xF7A;
	s5 =	simm.s32 @!p2 $0x0  }
0x1d: {  	s5 =	simm.s32 @p1 $0x1;
	p0 =	seq.s32 s7, s2  }
0x1e: {  	s7 =	smul.u32 @!p0 $0xF7A, s2;
	p2 =	seq.s32 @!p0 s5, $0x0  }
0x1f: {  	s9 =	smul.u32 $0xF7A, s1;
	s8 =	simm.s32 @!p0 $0x1BF5;
	p2 =	por !p2, p0  }
0x20: {  	[sflag:s8] =	ssyncset.s32 @!p0 $0xFFFFF086;
	s6 =	sadd.s32 @!p0 s3, s7;
	s7 =	simm.s32 @!p0 $0x108  }
0x21: {  	s3 =	sadd.s32 s3, s9;
	s6 =	sadd.s32 @!p0 $0x88, s6;
	s7 =	simm.s32 @p2 $0x1082  }
0x22: {  	[simem:s7], [sflag:s8] =	dma.local @!p0 [hbm:s6], $0xF7A  }
0x23: {  	s9 =	sor.u32 $0xD0000000, s2;
	s6 =	simm.s32 $0x108;
	_ =	swait.ge @!p0 [sflag:s8], $0x0  }
0x24: {  	s3 =	sadd.s32 $0x88, s3;
	s6 =	simm.s32 @!p1 $0x1082;
	[sflag:s4] =	ssyncset.s32 $0xFFFFF086  }
0x25: {  	[simem:s6], [sflag:s4] =	dma.local [hbm:s3], $0xF7A  }
0x26: {  	[smem:$0x3F9D] =	sst s1;
	(tag) =	ssettag s2;
	_ =	strace s9  }
0x27: {  	s1 =	sld [smem:$0x3FAD]  }
0x28: {  	s2 =	sld [smem:$0x3FAE]  }
0x29: {  	s4 =	sld [smem:$0x3FB0]  }
0x2a: {  	p0 =	seq.s32 s5, $0x0;
	s5 =	sld [smem:$0x3FB1]  }
0x2b: {  	s6 =	sld [smem:$0x3FB2]  }
0x2c: {  	s7 =	sld [smem:$0x3FB3]  }
0x2d: {  	s3 =	simm.s32 $0x108;
	s8 =	sld [smem:$0x3FB4]  }
0x2e: {  	s3 =	simm.s32 @!p0 $0x1082;
	s9 =	sld [smem:$0x3FB5]  }
0x2f: {  	lr =	sadd.s32 s0, s3;
	s0 =	sld [smem:$0x3FAC]  }
0x30: {  	s3 =	sld [smem:$0x3FAF]  }
0x31: {  	[smem:$0x3FB8] =	sst s10  }
0x32: {  	s10 =	sld [smem:$0x3FB6];
	_ =	sdelay $0x3  }
0x33: {  	p0 =	seq.s32 s10, $0x1;
	s10 =	sld [smem:$0x3FB8];
	_ =	sdelay $0x3  }
0x34: {  	[smem:$0x3FB8] =	sst s10  }
0x35: {  	s10 =	sld [smem:$0x3FB7];
	_ =	sdelay $0x3  }
0x36: {  	p1 =	seq.s32 s10, $0x1;
	s10 =	sld [smem:$0x3FB8];
	_ =	sdelay $0x3  }
0x37: {  	[smem:$0x3FB8] =	sst s10  }
0x38: {  	s10 =	sld [smem:$0x3FB9]  }
0x39: {  	_ = 	snop;
	(pc) =	sbr.ind lr, $3  }
0x3a: {  	_ = 	snop  }
0x3b: {  	_ = 	snop  }
0x3c: {  	p2 =	seq.s32 s10, $0x1;
	s10 =	sld [smem:$0x3FB8]  }
0x3d: {  	_ =	shalt  }
0x3e: {  	_ =	shalt  }
0x3f: {  	_ =	shalt  }
0x40: {  	_ =	shalt  }
0x41: {  	_ =	shalt  }
0x42: {  	_ =	shalt  }
0x43: {  	_ =	shalt  }
0x44: {  	_ =	shalt  }
0x45: {  	_ =	shalt  }
0x46: {  	_ =	shalt  }
0x47: {  	_ =	shalt  }
0x48: {  	_ =	shalt  }
0x49: {  	_ =	shalt  }
0x4a: {  	_ =	shalt  }
0x4b: {  	_ =	shalt  }
0x4c: {  	_ =	shalt  }
0x4d: {  	_ =	shalt  }
0x4e: {  	_ =	shalt  }
0x4f: {  	_ =	shalt  }
0x50: {  	_ =	shalt  }
0x51: {  	_ =	shalt  }
0x52: {  	_ =	shalt  }
0x53: {  	_ =	shalt  }
0x54: {  	_ =	shalt  }
0x55: {  	_ =	shalt  }
0x56: {  	_ =	shalt  }
0x57: {  	_ =	shalt  }
0x58: {  	_ =	shalt  }
0x59: {  	_ =	shalt  }
0x5a: {  	_ =	shalt  }
0x5b: {  	_ =	shalt  }
0x5c: {  	_ =	shalt  }
0x5d: {  	_ =	shalt  }
0x5e: {  	_ =	shalt  }
0x5f: {  	_ =	shalt  }
0x60: {  	_ =	shalt  }
0x61: {  	_ =	shalt  }
0x62: {  	_ =	shalt  }
0x63: {  	_ =	shalt  }
0x64: {  	_ =	shalt  }
0x65: {  	_ =	shalt  }
0x66: {  	_ =	shalt  }
0x67: {  	_ =	shalt  }
0x68: {  	_ =	shalt  }
0x69: {  	_ =	shalt  }
0x6a: {  	_ =	shalt  }
0x6b: {  	_ =	shalt  }
0x6c: {  	_ =	shalt  }
0x6d: {  	_ =	shalt  }
0x6e: {  	_ =	shalt  }
0x6f: {  	_ =	shalt  }
0x70: {  	_ =	shalt  }
0x71: {  	_ =	shalt  }
0x72: {  	_ =	shalt  }
0x73: {  	_ =	shalt  }
0x74: {  	_ =	shalt  }
0x75: {  	_ =	shalt  }
0x76: {  	_ =	shalt  }
0x77: {  	_ =	shalt  }
0x78: {  	_ =	shalt  }
0x79: {  	_ =	shalt  }
0x7a: {  	_ =	shalt  }
0x7b: {  	_ =	shalt  }
0x7c: {  	_ =	shalt  }
0x7d: {  	_ =	shalt  }
0x7e: {  	_ =	shalt  }
0x7f: {  	_ =	shalt  }
0x80: {  	_ =	shalt  }
0x81: {  	_ =	shalt  }
0x82: {  	_ =	shalt  }
0x83: {  	_ =	shalt  }
0x84: {  	_ =	shalt  }
0x85: {  	_ =	shalt  }
0x86: {  	_ =	shalt  }
0x87: {  	_ =	shalt  }
.Lfunc_end0:
.L_simem_size_0:
called_computation_lowered:
.L_overlay_start_0:
0x88: {  	s2 =	sld [smem:$0x3FD9]  }
0x89: {  	s3 =	sld [smem:$0x3FFE];
	_ =	sdelay $0x1  }
0x8a: {  	s1 =	srdreg.scid  }
0x8b: {  	s0 =	sand.u32 $0x1, s1  }
0x8c: {  	s17 =	sshll.u32 s0, $0xA;
	s2 =	sadd.s32 s3, s2  }
0x8d: {  	s2 =	sadd.s32 s2, s17  }
0x8e: {  	[smem:$0x3FC4] =	sst s2  }
0x8f: {  	_ = 	snop  }
0x90: {  	s2 =	sld [smem:$0x3FC9]  }
0x91: {  	s18 =	sld [smem:$0x3FC8]  }
0x92: {  	s4 =	sld [smem:$0x3FD0];
	(tm) =	ssettm $0x1  }
0x93: {  	s5 =	sld [smem:$0x3FFB];
	_ =	sdelay $0x3  }
0x94: {  	_ =	strace s5  }
0x95: {  	s5 =	sld [smem:$0x3FFC];
	_ =	sdelay $0x3  }
0x96: {  	_ =	strace s5  }
0x97: {  	s5 =	sld [smem:$0x3FFD];
	_ =	sdelay $0x3  }
0x98: {  	_ =	strace s5  }
0x99: {  	_ =	strace $0x8FFFFFFF  }
0x9a: {  	s19 =	sld [smem:$0x3FDB];
	_ =	sdelay $0x1  }
0x9b: {  	s6 =	simm.s32 $_scs_section_size  }
0x9c: {  	s7 =	simm.s32 $_size__tile_overlayer_lowered;
	s8 =	simm.s32 $_tile_overlayer_lowered  }
0x9d: {  	s22 =	simm.s32 $0x1BFF;
	s21 =	sshll.u32 s8, $0x1;
	s5 =	sadd.s32 s6, s19  }
0x9e: {  	s9 =	simm.s32 $0x0;
	s20 =	sshll.u32 s7, $0x1;
	s7 =	sadd.s32 s21, s5  }
0x9f: {  	[timem:s9], [sflag:s22] =	dma.local [hbm:s7], s20  }
0xa0: {  	_ =	swait.ge [sflag:s22], s20  }
0xa1: {  	s6 =	ssub.s32 $0x0, s20;
	[sflag:s22] =	ssyncset.done $0x0  }
0xa2: {  	[sflag:s22] =	ssyncadd.s32 s6;
	_ =	sdelay $0x1  }
0xa3: {  	s23 =	simm.s32 $0x1B8B  }
0xa4: {  	_ =	swait.ge [sflag:s23], $0x1  }
0xa5: {  	[sflag:s23] =	ssyncset.done $0x0  }
0xa6: {  	s25 =	simm.s32 $0x1B8E;
	s24 =	sld [smem:$0x3FFE];
	[sflag:s23] =	ssyncadd.s32 $0xFFFFFFFF  }
0xa7: {  	s26 =	simm.s32 $execute0_lowered;
	[smem:$0x3FD2] =	sst s25  }
0xa8: {  	s7 =	sshll.u32 s26, $0x1;
	_ =	strace $0x80000046;
	[dreg:$0x1] =	wrdreg $0xFFFFFFFF  }
0xa9: {  	s28 =	simm.s32 $_size_execute0_lowered;
	s5 =	sadd.s32 s5, s7;
	[dreg:$0x0] =	wrdreg $0x0  }
0xaa: {  	s7 =	sshll.u32 s28, $0x1;
	[dreg:$0x2] =	wrdreg s5  }
0xab: {  	[dreg:$0x3] =	wrdreg s7  }
0xac: {  	[dreg:$0x4] =	wrdreg $0xC0  }
0xad: {  	_ =	task [dreg:s9], $0x5FFFF  }
0xae: {  	[dreg:$0x1] =	wrdreg $0xFFFFFFFF  }
0xaf: {  	[dreg:$0x0] =	wrdreg $0x60  }
0xb0: {  	[dreg:$0x2] =	wrdreg s2  }
0xb1: {  	[dreg:$0x3] =	wrdreg s18  }
0xb2: {  	[dreg:$0x4] =	wrdreg s24  }
0xb3: {  	[dreg:$0x5] =	wrdreg s4  }
0xb4: {  	[dreg:$0x6] =	wrdreg $0x9  }
0xb5: {  	_ =	task.clear_ibuf [dreg:s9], $0x7FFFF;
	_ =	strace $0x90000046  }
0xb6: {  	s29 =	simm.s32 $0x9;
	_ =	strace $0x80000048  }
0xb7: {  	_ =	swait.ge [sflag:s29], $0x1  }
0xb8: {  	[sflag:s29] =	ssyncadd.s32 $0xFFFFFFFF  }
0xb9: {  	_ =	strace $0x90000048  }
0xba: {  	_ =	sfence  }
0xbb: {  	s30 =	sld [smem:$0x0];
	_ =	sdelay $0x2  }
0xbc: {  	s31 =	sshll.u32 s1, $0xD;
	s1 =	sshrl.u32 s1, $0x2  }
0xbd: {  	s3 =	sand.u32 $0x4000, s31;
	s1 =	sadd.s32 s1, s30  }
0xbe: {  	s0 =	sor.u32 s3, s0;
	s1 =	sshll.u32 s1, $0x11  }
0xbf: {  	s0 =	sor.u32 s1, s0  }
0xc0: {  	s0 =	sadd.s32 $0x8F2B, s0  }
0xc1: {  	[sflag:s0] =	ssyncadd.remote.s32 $0x1  }
0xc2: {  	_ =	sfence.sel $0xFFFF  }
0xc3: {  	[dreg:$0x0] =	wrdreg $0xFFFFFFFF;
	(pc) =	sbr.abs _section_cstart, $3  }
0xc4: {  	[dreg:$0x1] =	wrdreg $0xFFFFFFFF  }
0xc5: {  	_ =	task.clear_ibuf [dreg:s9], $0x2FFFF;
	_ =	strace $0x9FFFFFFF  }
0xc6: {  	(tm) =	ssettm $0x7FFFFFFF  }
0xc7: {  	_ =	shalt  }
tec
execute0_lowered:
.L_overlay_start_1:
0x0: {  	(tag) =	ssettag $0x1  }
0x1: {  	v0 =	vimm.s32 $0xFEDCBA98;
	v1 =	vimm.s32 $0x76543210  }
0x2: {  	v2 =	vimm.s32 $0xBA98FEDC;
	v3 =	vimm.s32 $0x32107654;
	v4 =	vimm.s32 $0xDCFE98BA  }
0x3: {  	v5 =	vimm.s32 $0x54761032;
	v6 =	vimm.s32 $0xEFCDAB89;
	v7 =	vimm.s32 $0x67452301  }
0x4: {  	s0 =	rddreg [dreg:$0x0];
	vm0 =	vmmov $0x1;
	vm1 =	vmmov $0x3;
	vm2 =	vmmov $0x7  }
0x5: {  	s1 =	rddreg [dreg:$0x1];
	vm3 =	vmmov $0xf;
	vm4 =	vmmov $0x1f;
	v0 =	vunpack.c.l.s4.s8 v0  }
0x6: {  	s2 =	rddreg [dreg:$0x2];
	v1 =	vunpack.c.l.s4.s8 v1;
	v2 =	vunpack.c.l.s4.s8 v2;
	v3 =	vunpack.c.l.s4.s8 v3  }
0x7: {  	s3 =	rddreg [dreg:$0x3];
	s10 =	simm.s32 $0x0;
	s4 =	srdreg.scid;
	v4 =	vunpack.c.l.s4.s8 v4;
	v5 =	vunpack.c.l.s4.s8 v5;
	v6 =	vunpack.c.l.s4.s8 v6  }
0x8: {  	s6 =	stileid.u32;
	v7 =	vunpack.c.l.s4.s8 v7;
	[smem:$0x7FF] =	sst s10;
	v0 =	vunpack.c.0.s8.s32 v0;
	v2 =	vunpack.c.0.s8.s32 v2  }
0x9: {  	s11 =	sadd.s32 $0x400, s2;
	s4 =	sand.u32 $0x1, s4;
	s6 =	sshll.u32 s6, $0x7;
	v3 =	vunpack.c.0.s8.s32 v3;
	v4 =	vunpack.c.0.s8.s32 v4;
	v1 =	vunpack.c.0.s8.s32 v1  }
0xa: {  	s12 =	sadd.s32 $0xF42800, s2;
	s5 =	ssub.s32 $0x2, s4;
	s4 =	sshll.u32 s4, $0x6;
	v5 =	vunpack.c.0.s8.s32 v5;
	v6 =	vunpack.c.0.s8.s32 v6;
	v0 =	vand.u32 $0xF, v0  }
0xb: {  	_ =	strace $0x80000047;
	[dreg:$0x5] =	wrdreg s11;
	v7 =	vunpack.c.0.s8.s32 v7;
	s4 =	sor.u32 s4, s6;
	v2 =	vcombine.low v3, v2;
	v62 =	vcombine.low v0, v1  }
0xc: {  	vm5 =	vmmov $0x3f;
	vm6 =	vmmov $0x7f;
	[dreg:$0x6] =	wrdreg s12;
	s0 =	sadd.s32 s0, s4;
	v58 =	vcombine.low v5, v4  }
0xd: {  	vm7 =	vmmov $0xff;
	s28 =	sshrl.u32 s5, $0x1;
	s29 =	sadd.s32 s1, s4;
	v59 =	vcombine.low v7, v6;
	[dreg:$0x15] =	wrdreg s0;
	v63 =	vand.u32 $0xF, v2;
	[tilespmem:$0x1FFC0] =	vst v62  }
0xe: {  	vm8 =	vmmov $0x1ff;
	vm9 =	vmmov $0x3ff;
	s2 =	ssub.s32 s5, s28;
	s30 =	sadd.s32 s3, s4;
	[dreg:$0x16] =	wrdreg s29;
	v51 =	vand.u32 $0xF, v58;
	[tilespmem:$0x1FFD0] =	vst v63  }
0xf: {  	vm10 =	vmmov $0x7ff;
	vm11 =	vmmov $0xfff;
	[dreg:$0x17] =	wrdreg s30;
	s31 =	smax.u32 s2, $0x1;
	v52 =	vand.u32 $0xF, v59;
	[tilespmem:$0x1FFE0] =	vst v51  }
0x10: {  	vm12 =	vmmov $0x1fff;
	vm13 =	vmmov $0x3fff;
	vm14 =	vmmov $0x7fff;
	s1 =	simm.s32 $0x0;
	s2 =	simm.s32 $0x2;
	[dreg:$0x18] =	wrdreg s31;
	[tilespmem:$0x1FFF0] =	vst v52  }
.LBB2_1:
0x11: {  	[dreg:$0x19] =	wrdreg s1  }
0x12: {  	s0 =	rddreg [dreg:$0x15]  }
0x13: {  	[tilespmem:s10], [sflag:$0x2] =	stream.linear.gather [hbm4b:s0+s10], $0x200, $0x38;
	[tilespmem:$0x10600] =	vst v63  }
0x14: {  	_ =	swait.ge [sflag:s2], $0x200  }
0x15: {  	[sflag:s2] =	ssyncset.done $0x0  }
0x16: {  	s21 =	simm.s32 $0x200;
	s22 =	rddreg [dreg:$0x16];
	[sflag:s2] =	ssyncadd.s32 $0xFFFFFE00  }
0x17: {  	[tilespmem:s21], [sflag:$0x2] =	stream.linear.gather [hbm4b:s22+s10], $0x200, $0x38;
	[tilespmem:$0x10600] =	vst v63  }
0x18: {  	_ =	swait.ge [sflag:s2], $0x200  }
0x19: {  	[sflag:s2] =	ssyncset.done $0x0  }
0x1a: {  	[sflag:s2] =	ssyncadd.s32 $0xFFFFFE00  }
0x1b: {  	v4 =	vld [tilespmem:s10+$0x0]  }
0x1c: {  	v6 =	vld [tilespmem:s21+$0x0];
	_ =	sdelay $0x3  }
0x1d: {  	v5 =	vshll.u32 v4, $0x4  }
0x1e: {  	v63 =	vshll.u32 v6, $0x4;
	(v2sf) =	vpush v5, $0x0  }
0x1f: {  	(v2sf) =	vpush v63, $0x0  }
0x20: {  	(v2sf) =	vpush v5, $0x1;
	_ =	sdelay $0x2  }
0x21: {  	(v2sf) =	vpush v63, $0x1;
	_ =	sdelay $0x1  }
0x22: {  	(v2sf) =	vpush v5, $0x2;
	_ =	sdelay $0x1  }
0x23: {  	(v2sf) =	vpush v63, $0x2;
	_ =	sdelay $0x1  }
0x24: {  	s14 =	simm.s32 $0x2000;
	(v2sf) =	vpush v5, $0x3  }
0x25: {  	s13 =	simm.s32 $0x0;
	s3 =	simm.s32 $0x8400;
	s1 =	simm.s32 $0x680  }
0x26: {  	s4 =	simm.s32 $0x400;
	s6 =	simm.s32 $0x600;
	s7 =	simm.s32 $0x580  }
0x27: {  	s25 =	simm.s32 $0x480;
	s29 =	simm.s32 $0x8480;
	s17 =	simm.s32 $0x8500  }
0x28: {  	s30 =	simm.s32 $0x8A00;
	s0 =	simm.s32 $0x8900;
	s5 =	spop (v2sf);
	(v2sf) =	vpush v63, $0x3  }
0x29: {  	s22 =	simm.s32 $0x8600;
	s5 =	sand.u32 $0x1FFFFFF0, s5;
	s8 =	spop (v2sf)  }
0x2a: {  	s2 =	simm.s32 $0x880;
	(v2sf) =	vpush v5, $0x4;
	s5 =	sadd.s32 s11, s5;
	s24 =	spop (v2sf)  }
0x2b: {  	(v2sf) =	vpush v63, $0x4;
	[tilespmem:s4], [sflag:$0x1] =	stream.linear.gather [hbm4b:s5+s10], $0x80, $0x38;
	[tilespmem:$0x10600] =	vst v63  }
0x2c: {  	s23 =	sand.u32 $0x1FFFFFF0, s8;
	s4 =	simm.s32 $0x8580;
	s8 =	sand.u32 $0x1FFFFFF0, s24  }
0x2d: {  	s5 =	sadd.s32 s12, s23;
	s9 =	spop (v2sf);
	(v2sf) =	vpush v5, $0x5;
	s26 =	sadd.s32 s11, s8  }
0x2e: {  	(v2sf) =	vpush v63, $0x5;
	[tilespmem:s3], [sflag:$0x1] =	stream.linear.gather [hbm4b:s5+s10], $0x80, $0x38;
	[tilespmem:$0x10600] =	vst v63  }
0x2f: {  	s28 =	sand.u32 $0x1FFFFFF0, s9;
	s31 =	spop (v2sf);
	s9 =	simm.s32 $0x500  }
0x30: {  	(v2sf) =	vpush v5, $0x6;
	[tilespmem:s25], [sflag:$0x1] =	stream.linear.gather [hbm4b:s26+s10], $0x80, $0x38;
	[tilespmem:$0x10600] =	vst v63  }
0x31: {  	s8 =	sadd.s32 s12, s28;
	s5 =	sand.u32 $0x1FFFFFF0, s31;
	s15 =	spop (v2sf)  }
0x32: {  	[tilespmem:s29], [sflag:$0x1] =	stream.linear.gather [hbm4b:s8+s10], $0x80, $0x38;
	[tilespmem:$0x10600] =	vst v63  }
0x33: {  	s5 =	sadd.s32 s11, s5;
	s16 =	spop (v2sf);
	s8 =	sand.u32 $0x1FFFFFF0, s15  }
0x34: {  	(v2sf) =	vpush v63, $0x6;
	[tilespmem:s9], [sflag:$0x1] =	stream.linear.gather [hbm4b:s5+s10], $0x80, $0x38;
	[tilespmem:$0x10600] =	vst v63  }
0x35: {  	s28 =	simm.s32 $0x8680;
	s19 =	sand.u32 $0x1FFFFFF0, s16;
	s18 =	sadd.s32 s12, s8  }
0x36: {  	[tilespmem:s17], [sflag:$0x1] =	stream.linear.gather [hbm4b:s18+s10], $0x80, $0x38;
	[tilespmem:$0x10600] =	vst v63  }
0x37: {  	s31 =	simm.s32 $0x700;
	s21 =	sadd.s32 s11, s19;
	s20 =	spop (v2sf)  }
0x38: {  	(v2sf) =	vpush v5, $0x7;
	[tilespmem:s7], [sflag:$0x1] =	stream.linear.gather [hbm4b:s21+s10], $0x80, $0x38;
	[tilespmem:$0x10600] =	vst v63  }
0x39: {  	s19 =	simm.s32 $0x8700;
	s3 =	sand.u32 $0x1FFFFFF0, s20;
	s23 =	spop (v2sf)  }
0x3a: {  	s15 =	simm.s32 $0xA80;
	(v2sf) =	vpush v63, $0x7;
	s3 =	sadd.s32 s12, s3;
	s24 =	spop (v2sf)  }
0x3b: {  	(v2sf) =	vpush v5, $0x8;
	[tilespmem:s4], [sflag:$0x1] =	stream.linear.gather [hbm4b:s3+s10], $0x80, $0x38;
	[tilespmem:$0x10600] =	vst v63  }
0x3c: {  	s7 =	sand.u32 $0x1FFFFFF0, s23;
	s26 =	sand.u32 $0x1FFFFFF0, s24;
	s29 =	spop (v2sf)  }
0x3d: {  	s25 =	sadd.s32 s11, s7;
	(v2sf) =	vpush v63, $0x8;
	s4 =	sadd.s32 s12, s26;
	s7 =	spop (v2sf)  }
0x3e: {  	(v2sf) =	vpush v5, $0x9;
	[tilespmem:s6], [sflag:$0x1] =	stream.linear.gather [hbm4b:s25+s10], $0x80, $0x38;
	[tilespmem:$0x10600] =	vst v63  }
0x3f: {  	s6 =	sand.u32 $0x1FFFFFF0, s29;
	s8 =	spop (v2sf);
	s25 =	simm.s32 $0x8780  }
0x40: {  	(v2sf) =	vpush v63, $0x9;
	[tilespmem:s22], [sflag:$0x1] =	stream.linear.gather [hbm4b:s4+s10], $0x80, $0x38;
	[tilespmem:$0x10600] =	vst v63  }
0x41: {  	s5 =	sadd.s32 s11, s6;
	s6 =	sand.u32 $0x1FFFFFF0, s7;
	s16 =	sand.u32 $0x1FFFFFF0, s8;
	(v2sf) =	vpush v5, $0xA  }
0x42: {  	[tilespmem:s1], [sflag:$0x1] =	stream.linear.gather [hbm4b:s5+s10], $0x80, $0x38;
	[tilespmem:$0x10600] =	vst v63  }
0x43: {  	s7 =	simm.s32 $0x8A80;
	s17 =	spop (v2sf);
	s9 =	sadd.s32 s12, s6;
	(v2sf) =	vpush v63, $0xA  }
0x44: {  	[tilespmem:s28], [sflag:$0x1] =	stream.linear.gather [hbm4b:s9+s10], $0x80, $0x38;
	[tilespmem:$0x10600] =	vst v63  }
0x45: {  	s8 =	simm.s32 $0x8880;
	s18 =	sadd.s32 s11, s16;
	s3 =	sand.u32 $0x1FFFFFF0, s17  }
0x46: {  	[tilespmem:s31], [sflag:$0x1] =	stream.linear.gather [hbm4b:s18+s10], $0x80, $0x38;
	[tilespmem:$0x10600] =	vst v63  }
0x47: {  	s22 =	simm.s32 $0x780;
	s3 =	sadd.s32 s12, s3;
	s20 =	spop (v2sf)  }
0x48: {  	[tilespmem:s19], [sflag:$0x1] =	stream.linear.gather [hbm4b:s3+s10], $0x80, $0x38;
	[tilespmem:$0x10600] =	vst v63  }
0x49: {  	s16 =	simm.s32 $0x900;
	(v2sf) =	vpush v5, $0xB;
	s5 =	sand.u32 $0x1FFFFFF0, s20;
	s21 =	spop (v2sf)  }
0x4a: {  	s1 =	simm.s32 $0x8980;
	s23 =	sadd.s32 s11, s5;
	s26 =	spop (v2sf)  }
0x4b: {  	(v2sf) =	vpush v63, $0xB;
	[tilespmem:s22], [sflag:$0x1] =	stream.linear.gather [hbm4b:s23+s10], $0x80, $0x38;
	[tilespmem:$0x10600] =	vst v63  }
0x4c: {  	s28 =	simm.s32 $0x800;
	s24 =	sand.u32 $0x1FFFFFF0, s21;
	s29 =	spop (v2sf)  }
0x4d: {  	s5 =	sadd.s32 s12, s24;
	s4 =	sand.u32 $0x1FFFFFF0, s26;
	s31 =	spop (v2sf)  }
0x4e: {  	[tilespmem:s25], [sflag:$0x1] =	stream.linear.gather [hbm4b:s5+s10], $0x80, $0x38;
	[tilespmem:$0x10600] =	vst v63  }
0x4f: {  	(v2sf) =	vpush v5, $0xC;
	s4 =	sadd.s32 s11, s4;
	s5 =	sand.u32 $0x1FFFFFF0, s29;
	s9 =	spop (v2sf)  }
0x50: {  	s6 =	sand.u32 $0x1FFFFFF0, s31;
	s25 =	simm.s32 $0x980;
	s17 =	spop (v2sf)  }
0x51: {  	(v2sf) =	vpush v63, $0xC;
	[tilespmem:s28], [sflag:$0x1] =	stream.linear.gather [hbm4b:s4+s10], $0x80, $0x38;
	[tilespmem:$0x10600] =	vst v63  }
0x52: {  	s5 =	sadd.s32 s12, s5;
	s4 =	simm.s32 $0x8800;
	s18 =	spop (v2sf)  }
0x53: {  	[tilespmem:s4], [sflag:$0x1] =	stream.linear.gather [hbm4b:s5+s10], $0x80, $0x38;
	[tilespmem:$0x10600] =	vst v63  }
0x54: {  	s20 =	sand.u32 $0x1FFFFFF0, s18;
	s5 =	sadd.s32 s11, s6;
	s4 =	sand.u32 $0x1FFFFFF0, s9  }
0x55: {  	[tilespmem:s2], [sflag:$0x1] =	stream.linear.gather [hbm4b:s5+s10], $0x80, $0x38;
	[tilespmem:$0x10600] =	vst v63  }
0x56: {  	s18 =	simm.s32 $0x10;
	s4 =	sadd.s32 s12, s4;
	s5 =	sand.u32 $0x1FFFFFF0, s17  }
0x57: {  	[tilespmem:s8], [sflag:$0x1] =	stream.linear.gather [hbm4b:s4+s10], $0x80, $0x38;
	[tilespmem:$0x10600] =	vst v63  }
0x58: {  	s22 =	sadd.s32 s12, s20;
	s19 =	sadd.s32 s11, s5;
	s21 =	spop (v2sf)  }
0x59: {  	[tilespmem:s16], [sflag:$0x1] =	stream.linear.gather [hbm4b:s19+s10], $0x80, $0x38;
	[tilespmem:$0x10600] =	vst v63  }
0x5a: {  	s20 =	simm.s32 $0x8B00;
	s23 =	sand.u32 $0x1FFFFFF0, s21;
	s24 =	spop (v2sf)  }
0x5b: {  	(v2sf) =	vpush v5, $0xD;
	[tilespmem:s0], [sflag:$0x1] =	stream.linear.gather [hbm4b:s22+s10], $0x80, $0x38;
	[tilespmem:$0x10600] =	vst v63  }
0x5c: {  	s19 =	simm.s32 $0x210;
	(v2sf) =	vpush v63, $0xD;
	s26 =	sadd.s32 s11, s23;
	s28 =	sand.u32 $0x1FFFFFF0, s24  }
0x5d: {  	(v2sf) =	vpush v5, $0xE;
	[tilespmem:s25], [sflag:$0x1] =	stream.linear.gather [hbm4b:s26+s10], $0x80, $0x38;
	[tilespmem:$0x10600] =	vst v63  }
0x5e: {  	s21 =	simm.s32 $0xB00;
	s29 =	sadd.s32 s12, s28;
	(v2sf) =	vpush v63, $0xE;
	s31 =	spop (v2sf)  }
0x5f: {  	(v2sf) =	vpush v5, $0xF;
	[tilespmem:s1], [sflag:$0x1] =	stream.linear.gather [hbm4b:s29+s10], $0x80, $0x38;
	[tilespmem:$0x10600] =	vst v63  }
0x60: {  	s22 =	simm.s32 $0xA00;
	s0 =	sand.u32 $0x1FFFFFF0, s31;
	(v2sf) =	vpush v63, $0xF;
	s1 =	spop (v2sf)  }
.LBB2_2:
0x61: {  	_ =	sdelay $0x4  }
0x62: {  	s0 =	sadd.s32 s11, s0;
	s1 =	sand.u32 $0x1FFFFFF0, s1  }
0x63: {  	[tilespmem:s22], [sflag:$0x1] =	stream.linear.gather [hbm4b:s0+s10], $0x80, $0x38;
	[tilespmem:$0x10600] =	vst v63  }
0x64: {  	s17 =	sadd.s32 s12, s1  }
0x65: {  	[tilespmem:s30], [sflag:$0x1] =	stream.linear.gather [hbm4b:s17+s10], $0x80, $0x38;
	[tilespmem:$0x10600] =	vst v63  }
0x66: {  	s2 =	spop (v2sf)  }
0x67: {  	s22 =	sand.u32 $0x1FFFFFF0, s2;
	s23 =	spop (v2sf)  }
0x68: {  	s24 =	sadd.s32 s11, s22;
	s25 =	sand.u32 $0x1FFFFFF0, s23;
	s26 =	spop (v2sf)  }
0x69: {  	[tilespmem:s15], [sflag:$0x1] =	stream.linear.gather [hbm4b:s24+s10], $0x80, $0x38;
	[tilespmem:$0x10600] =	vst v63  }
0x6a: {  	s28 =	sadd.s32 s12, s25;
	s29 =	sand.u32 $0x1FFFFFF0, s26;
	s31 =	spop (v2sf)  }
0x6b: {  	[tilespmem:s7], [sflag:$0x1] =	stream.linear.gather [hbm4b:s28+s10], $0x80, $0x38;
	[tilespmem:$0x10600] =	vst v63  }
0x6c: {  	s3 =	sadd.s32 s11, s29;
	s4 =	sand.u32 $0x1FFFFFF0, s31;
	s5 =	spop (v2sf)  }
0x6d: {  	[tilespmem:s21], [sflag:$0x1] =	stream.linear.gather [hbm4b:s3+s10], $0x80, $0x38;
	[tilespmem:$0x10600] =	vst v63  }
0x6e: {  	s6 =	sadd.s32 s12, s4;
	s7 =	sand.u32 $0x1FFFFFF0, s5;
	s8 =	spop (v2sf)  }
0x6f: {  	[tilespmem:s20], [sflag:$0x1] =	stream.linear.gather [hbm4b:s6+s10], $0x80, $0x38;
	[tilespmem:$0x10600] =	vst v63  }
0x70: {  	s9 =	sadd.s32 $0xB80, s13;
	s1 =	sadd.s32 s11, s7;
	s2 =	sand.u32 $0x1FFFFFF0, s8  }
0x71: {  	[tilespmem:s9], [sflag:$0x1] =	stream.linear.gather [hbm4b:s1+s10], $0x80, $0x38;
	[tilespmem:$0x10600] =	vst v63  }
0x72: {  	s13 =	sadd.s32 $0x8B80, s13;
	s15 =	sadd.s32 s12, s2  }
0x73: {  	[tilespmem:s13], [sflag:$0x1] =	stream.linear.gather [hbm4b:s15+s10], $0x80, $0x38;
	[tilespmem:$0x10600] =	vst v63  }
0x74: {  	v4 =	vld [tilespmem:s18+$0x0];
	_ =	sdelay $0x1  }
0x75: {  	v6 =	vld [tilespmem:s19+$0x0];
	_ =	sdelay $0x2  }
0x76: {  	v5 =	vshll.u32 v4, $0x4  }
0x77: {  	(v2sf) =	vpush v5, $0x0  }
0x78: {  	v63 =	vshll.u32 v6, $0x4  }
0x79: {  	s16 =	smov.u32 s14;
	(v2sf) =	vpush v63, $0x0  }
0x7a: {  	s13 =	sshra.s32 s16, $0x2  }
0x7b: {  	p0 =	sne.s32 s14, $0x1E000;
	s14 =	sadd.s32 $0x2000, s14;
	s24 =	sadd.s32 $0x8400, s13  }
0x7c: {  	s31 =	sadd.s32 $0x680, s13;
	s0 =	sadd.s32 $0x880, s13;
	s25 =	sadd.s32 $0x400, s13;
	(v2sf) =	vpush v5, $0x1  }
0x7d: {  	s8 =	sadd.s32 $0x600, s13;
	s17 =	sadd.s32 $0x8900, s13;
	s10 =	sadd.s32 $0x580, s13  }
0x7e: {  	s12 =	sadd.s32 $0x8580, s13;
	s30 =	sadd.s32 $0x8A00, s13;
	s23 =	sadd.s32 $0x500, s13  }
0x7f: {  	s9 =	sadd.s32 $0x8600, s13;
	s3 =	sadd.s32 $0x8480, s13;
	s1 =	sadd.s32 $0x8500, s13;
	(v2sf) =	vpush v63, $0x1  }
0x80: {  	s2 =	sadd.s32 $0x8680, s13;
	s6 =	sadd.s32 $0x700, s13;
	s4 =	sadd.s32 $0x8980, s13  }
0x81: {  	s7 =	sadd.s32 $0x8A80, s13;
	s5 =	sadd.s32 $0x8700, s13;
	[dreg:$0xb] =	wrdreg s0;
	(v2sf) =	vpush v5, $0x2  }
0x82: {  	s20 =	sadd.s32 $0x8880, s13;
	s21 =	sadd.s32 $0x900, s13;
	[dreg:$0x7] =	wrdreg s17;
	(v2sf) =	vpush v63, $0x2  }
0x83: {  	s11 =	sadd.s32 $0x780, s13;
	s22 =	sadd.s32 $0x8800, s13;
	[dreg:$0x9] =	wrdreg s4  }
0x84: {  	s15 =	sadd.s32 $0x480, s13;
	s16 =	sadd.s32 $0x800, s13;
	[dreg:$0xf] =	wrdreg s20;
	(v2sf) =	vpush v5, $0x3  }
0x85: {  	s18 =	sadd.s32 $0x10, s18;
	s19 =	sadd.s32 $0x10, s19;
	[dreg:$0xd] =	wrdreg s21  }
0x86: {  	s17 =	simm.s32 $0x0;
	[dreg:$0x13] =	wrdreg s16;
	s29 =	spop (v2sf)  }
0x87: {  	s0 =	sadd.s32 $0xA80, s13;
	s16 =	rddreg [dreg:$0x5];
	(v2sf) =	vpush v63, $0x3;
	s26 =	sand.u32 $0x1FFFFFF0, s29  }
0x88: {  	[dreg:$0x11] =	wrdreg s22;
	s28 =	spop (v2sf);
	s26 =	sadd.s32 s16, s26  }
0x89: {  	(v2sf) =	vpush v5, $0x4;
	[tilespmem:s25], [sflag:$0x1] =	stream.linear.gather [hbm4b:s26+s17], $0x80, $0x38;
	[tilespmem:$0x10600] =	vst v63  }
0x8a: {  	s22 =	sadd.s32 $0xA00, s13;
	s28 =	sand.u32 $0x1FFFFFF0, s28;
	s26 =	rddreg [dreg:$0x6]  }
0x8b: {  	s4 =	sadd.s32 $0x8780, s13;
	s16 =	spop (v2sf);
	s25 =	sadd.s32 s26, s28  }
0x8c: {  	[tilespmem:s24], [sflag:$0x1] =	stream.linear.gather [hbm4b:s25+s17], $0x80, $0x38;
	[tilespmem:$0x10600] =	vst v63  }
0x8d: {  	s21 =	sadd.s32 $0xB00, s13;
	s16 =	sand.u32 $0x1FFFFFF0, s16;
	s25 =	rddreg [dreg:$0x5]  }
0x8e: {  	(v2sf) =	vpush v63, $0x4;
	s28 =	spop (v2sf);
	s16 =	sadd.s32 s25, s16;
	s25 =	rddreg [dreg:$0x6]  }
0x8f: {  	(v2sf) =	vpush v5, $0x5;
	[tilespmem:s15], [sflag:$0x1] =	stream.linear.gather [hbm4b:s16+s17], $0x80, $0x38;
	[tilespmem:$0x10600] =	vst v63  }
0x90: {  	s26 =	sand.u32 $0x1FFFFFF0, s28;
	s28 =	spop (v2sf);
	s16 =	rddreg [dreg:$0x6]  }
0x91: {  	(v2sf) =	vpush v63, $0x5;
	s15 =	sadd.s32 s16, s26;
	s26 =	sand.u32 $0x1FFFFFF0, s28;
	s28 =	spop (v2sf)  }
0x92: {  	[tilespmem:s3], [sflag:$0x1] =	stream.linear.gather [hbm4b:s15+s17], $0x80, $0x38;
	[tilespmem:$0x10600] =	vst v63  }
0x93: {  	s20 =	sadd.s32 $0x8B00, s13;
	(v2sf) =	vpush v5, $0x6;
	s15 =	rddreg [dreg:$0x5];
	s24 =	spop (v2sf)  }
0x94: {  	s16 =	sand.u32 $0x1FFFFFF0, s28;
	s3 =	sadd.s32 s15, s26;
	s26 =	sand.u32 $0x1FFFFFF0, s24  }
0x95: {  	(v2sf) =	vpush v63, $0x6;
	[tilespmem:s23], [sflag:$0x1] =	stream.linear.gather [hbm4b:s3+s17], $0x80, $0x38;
	[tilespmem:$0x10600] =	vst v63  }
0x96: {  	s28 =	spop (v2sf);
	s3 =	sadd.s32 s25, s16;
	s23 =	rddreg [dreg:$0x6]  }
0x97: {  	[tilespmem:s1], [sflag:$0x1] =	stream.linear.gather [hbm4b:s3+s17], $0x80, $0x38;
	[tilespmem:$0x10600] =	vst v63  }
0x98: {  	(v2sf) =	vpush v5, $0x7;
	s15 =	sand.u32 $0x1FFFFFF0, s28;
	s16 =	spop (v2sf);
	s3 =	rddreg [dreg:$0x5]  }
0x99: {  	(v2sf) =	vpush v63, $0x7;
	s24 =	sand.u32 $0x1FFFFFF0, s16;
	s1 =	sadd.s32 s3, s26;
	s26 =	rddreg [dreg:$0x5]  }
0x9a: {  	[tilespmem:s10], [sflag:$0x1] =	stream.linear.gather [hbm4b:s1+s17], $0x80, $0x38;
	[tilespmem:$0x10600] =	vst v63  }
0x9b: {  	(v2sf) =	vpush v5, $0x8;
	s1 =	sadd.s32 s23, s15;
	s15 =	smov.u32 s0;
	s23 =	rddreg [dreg:$0x5]  }
0x9c: {  	[tilespmem:s12], [sflag:$0x1] =	stream.linear.gather [hbm4b:s1+s17], $0x80, $0x38;
	[tilespmem:$0x10600] =	vst v63  }
0x9d: {  	s10 =	simm.s32 $0x0;
	s25 =	spop (v2sf);
	s12 =	rddreg [dreg:$0x6]  }
0x9e: {  	s1 =	sadd.s32 s26, s24;
	s28 =	sand.u32 $0x1FFFFFF0, s25;
	s0 =	spop (v2sf)  }
0x9f: {  	(v2sf) =	vpush v63, $0x8;
	[tilespmem:s8], [sflag:$0x1] =	stream.linear.gather [hbm4b:s1+s17], $0x80, $0x38;
	[tilespmem:$0x10600] =	vst v63  }
0xa0: {  	s16 =	sand.u32 $0x1FFFFFF0, s0;
	s8 =	sadd.s32 s12, s28;
	s17 =	spop (v2sf)  }
0xa1: {  	(v2sf) =	vpush v5, $0x9;
	[tilespmem:s9], [sflag:$0x1] =	stream.linear.gather [hbm4b:s8+s10], $0x80, $0x38;
	[tilespmem:$0x10600] =	vst v63  }
0xa2: {  	s29 =	sadd.s32 $0x980, s13;
	s1 =	sadd.s32 s23, s16;
	s25 =	spop (v2sf)  }
0xa3: {  	[tilespmem:s31], [sflag:$0x1] =	stream.linear.gather [hbm4b:s1+s10], $0x80, $0x38;
	[tilespmem:$0x10600] =	vst v63  }
0xa4: {  	(v2sf) =	vpush v63, $0x9;
	s23 =	rddreg [dreg:$0x5];
	s24 =	sand.u32 $0x1FFFFFF0, s17;
	s31 =	spop (v2sf)  }
0xa5: {  	s26 =	sadd.s32 s12, s24;
	s28 =	sand.u32 $0x1FFFFFF0, s25;
	s3 =	sand.u32 $0x1FFFFFF0, s31  }
0xa6: {  	(v2sf) =	vpush v5, $0xA;
	[tilespmem:s2], [sflag:$0x1] =	stream.linear.gather [hbm4b:s26+s10], $0x80, $0x38;
	[tilespmem:$0x10600] =	vst v63  }
0xa7: {  	s8 =	spop (v2sf);
	s2 =	rddreg [dreg:$0x5];
	s9 =	sadd.s32 s12, s3  }
0xa8: {  	(v2sf) =	vpush v63, $0xA;
	s16 =	sand.u32 $0x1FFFFFF0, s8;
	s17 =	spop (v2sf);
	s0 =	sadd.s32 s2, s28  }
0xa9: {  	[tilespmem:s6], [sflag:$0x1] =	stream.linear.gather [hbm4b:s0+s10], $0x80, $0x38;
	[tilespmem:$0x10600] =	vst v63  }
0xaa: {  	s25 =	spop (v2sf);
	s0 =	sadd.s32 s23, s16;
	s16 =	rddreg [dreg:$0x11]  }
0xab: {  	[tilespmem:s5], [sflag:$0x1] =	stream.linear.gather [hbm4b:s9+s10], $0x80, $0x38;
	[tilespmem:$0x10600] =	vst v63  }
0xac: {  	(v2sf) =	vpush v5, $0xB;
	s24 =	sand.u32 $0x1FFFFFF0, s17;
	s28 =	sand.u32 $0x1FFFFFF0, s25;
	s25 =	rddreg [dreg:$0xb]  }
0xad: {  	[tilespmem:s11], [sflag:$0x1] =	stream.linear.gather [hbm4b:s0+s10], $0x80, $0x38;
	[tilespmem:$0x10600] =	vst v63  }
0xae: {  	(v2sf) =	vpush v63, $0xB;
	s26 =	sadd.s32 s12, s24;
	s5 =	rddreg [dreg:$0x13];
	s31 =	spop (v2sf)  }
0xaf: {  	(v2sf) =	vpush v5, $0xC;
	[tilespmem:s4], [sflag:$0x1] =	stream.linear.gather [hbm4b:s26+s10], $0x80, $0x38;
	[tilespmem:$0x10600] =	vst v63  }
0xb0: {  	s11 =	rddreg [dreg:$0x5];
	s2 =	sand.u32 $0x1FFFFFF0, s31;
	s4 =	spop (v2sf)  }
0xb1: {  	(v2sf) =	vpush v63, $0xC;
	s1 =	sadd.s32 s11, s28;
	s6 =	sadd.s32 s12, s2;
	s8 =	sand.u32 $0x1FFFFFF0, s4  }
0xb2: {  	[tilespmem:s5], [sflag:$0x1] =	stream.linear.gather [hbm4b:s1+s10], $0x80, $0x38;
	[tilespmem:$0x10600] =	vst v63  }
0xb3: {  	s9 =	spop (v2sf);
	s4 =	rddreg [dreg:$0xf];
	s17 =	sadd.s32 s11, s8  }
0xb4: {  	[tilespmem:s16], [sflag:$0x1] =	stream.linear.gather [hbm4b:s6+s10], $0x80, $0x38;
	[tilespmem:$0x10600] =	vst v63  }
0xb5: {  	s23 =	sand.u32 $0x1FFFFFF0, s9;
	s24 =	spop (v2sf);
	s9 =	rddreg [dreg:$0xd]  }
0xb6: {  	[tilespmem:s25], [sflag:$0x1] =	stream.linear.gather [hbm4b:s17+s10], $0x80, $0x38;
	[tilespmem:$0x10600] =	vst v63  }
0xb7: {  	s26 =	sadd.s32 s12, s23;
	s28 =	sand.u32 $0x1FFFFFF0, s24;
	s31 =	spop (v2sf)  }
0xb8: {  	[tilespmem:s4], [sflag:$0x1] =	stream.linear.gather [hbm4b:s26+s10], $0x80, $0x38;
	[tilespmem:$0x10600] =	vst v63  }
0xb9: {  	s24 =	rddreg [dreg:$0x7];
	s5 =	sadd.s32 s11, s28;
	s6 =	sand.u32 $0x1FFFFFF0, s31  }
0xba: {  	[tilespmem:s9], [sflag:$0x1] =	stream.linear.gather [hbm4b:s5+s10], $0x80, $0x38;
	[tilespmem:$0x10600] =	vst v63  }
0xbb: {  	s8 =	spop (v2sf);
	s31 =	rddreg [dreg:$0x9];
	s16 =	sadd.s32 s12, s6  }
0xbc: {  	(v2sf) =	vpush v5, $0xD;
	[tilespmem:s24], [sflag:$0x1] =	stream.linear.gather [hbm4b:s16+s10], $0x80, $0x38;
	[tilespmem:$0x10600] =	vst v63  }
.Ltmp0:
0xbd: {  	(v2sf) =	vpush v63, $0xD;
	s17 =	sand.u32 $0x1FFFFFF0, s8;
	s23 =	spop (v2sf);
	(pc) =	sbr.rel @p0 .LBB2_2-.Ltmp0, $4  }
0xbe: {  	(v2sf) =	vpush v5, $0xE;
	s25 =	sadd.s32 s11, s17;
	s26 =	sand.u32 $0x1FFFFFF0, s23;
	s28 =	spop (v2sf)  }
0xbf: {  	(v2sf) =	vpush v63, $0xE;
	[tilespmem:s29], [sflag:$0x1] =	stream.linear.gather [hbm4b:s25+s10], $0x80, $0x38;
	[tilespmem:$0x10600] =	vst v63  }
0xc0: {  	(v2sf) =	vpush v5, $0xF;
	s0 =	sand.u32 $0x1FFFFFF0, s28;
	s1 =	spop (v2sf);
	s29 =	sadd.s32 s12, s26  }
0xc1: {  	(v2sf) =	vpush v63, $0xF;
	[tilespmem:s31], [sflag:$0x1] =	stream.linear.gather [hbm4b:s29+s10], $0x80, $0x38;
	[tilespmem:$0x10600] =	vst v63  }
0xc2: {  	_ =	sdelay $0x4  }
0xc3: {  	s0 =	sadd.s32 s11, s0;
	s1 =	sand.u32 $0x1FFFFFF0, s1  }
0xc4: {  	[tilespmem:s22], [sflag:$0x1] =	stream.linear.gather [hbm4b:s0+s10], $0x80, $0x38;
	[tilespmem:$0x10600] =	vst v63  }
0xc5: {  	s5 =	sadd.s32 s12, s1  }
0xc6: {  	[tilespmem:s30], [sflag:$0x1] =	stream.linear.gather [hbm4b:s5+s10], $0x80, $0x38;
	[tilespmem:$0x10600] =	vst v63  }
0xc7: {  	s2 =	spop (v2sf)  }
0xc8: {  	s6 =	sand.u32 $0x1FFFFFF0, s2;
	s8 =	spop (v2sf)  }
0xc9: {  	s9 =	sadd.s32 s11, s6;
	s14 =	sand.u32 $0x1FFFFFF0, s8;
	s16 =	spop (v2sf)  }
0xca: {  	[tilespmem:s15], [sflag:$0x1] =	stream.linear.gather [hbm4b:s9+s10], $0x80, $0x38;
	[tilespmem:$0x10600] =	vst v63  }
0xcb: {  	s17 =	sadd.s32 s12, s14;
	s18 =	sand.u32 $0x1FFFFFF0, s16;
	s19 =	spop (v2sf)  }
0xcc: {  	[tilespmem:s7], [sflag:$0x1] =	stream.linear.gather [hbm4b:s17+s10], $0x80, $0x38;
	[tilespmem:$0x10600] =	vst v63  }
0xcd: {  	s22 =	sadd.s32 s11, s18;
	s23 =	sand.u32 $0x1FFFFFF0, s19;
	s24 =	spop (v2sf)  }
0xce: {  	[tilespmem:s21], [sflag:$0x1] =	stream.linear.gather [hbm4b:s22+s10], $0x80, $0x38;
	[tilespmem:$0x10600] =	vst v63  }
0xcf: {  	s25 =	sadd.s32 s12, s23;
	s26 =	sand.u32 $0x1FFFFFF0, s24;
	s28 =	spop (v2sf)  }
0xd0: {  	[tilespmem:s20], [sflag:$0x1] =	stream.linear.gather [hbm4b:s25+s10], $0x80, $0x38;
	[tilespmem:$0x10600] =	vst v63  }
0xd1: {  	s29 =	sadd.s32 $0xB80, s13;
	s1 =	sadd.s32 s11, s26;
	s2 =	sand.u32 $0x1FFFFFF0, s28  }
0xd2: {  	[tilespmem:s29], [sflag:$0x1] =	stream.linear.gather [hbm4b:s1+s10], $0x80, $0x38;
	[tilespmem:$0x10600] =	vst v63  }
0xd3: {  	s30 =	sadd.s32 $0x8B80, s13;
	s31 =	sadd.s32 s12, s2;
	s1 =	simm.s32 $0x1  }
0xd4: {  	[tilespmem:s30], [sflag:$0x1] =	stream.linear.gather [hbm4b:s31+s10], $0x80, $0x38;
	[tilespmem:$0x10600] =	vst v63  }
0xd5: {  	_ =	swait.ge [sflag:s1], $0x80  }
0xd6: {  	[sflag:s1] =	ssyncset.done $0x0  }
0xd7: {  	[sflag:s1] =	ssyncadd.s32 $0xFFFFFF80  }
0xd8: {  	_ =	swait.ge [sflag:s1], $0x80  }
0xd9: {  	s0 =	simm.s32 $0xFF;
	[sflag:s1] =	ssyncset.done $0x0  }
.LBB2_4:
0xda: {  	p0 =	sne.s32 s0, $0x1;
	s0 =	sadd.s32 $0xFFFFFFFF, s0;
	[sflag:s1] =	ssyncadd.s32 $0xFFFFFF80  }
.Ltmp1:
0xdb: {  	_ =	swait.ge [sflag:s1], $0x80;
	(pc) =	sbr.rel @p0 .LBB2_4-.Ltmp1, $4  }
0xdc: {  	[sflag:s1] =	ssyncset.done $0x0  }
0xdd: {  	[sflag:s1] =	ssyncadd.s32 $0xFFFFFF80  }
0xde: {  	_ =	swait.ge [sflag:s1], $0x80  }
0xdf: {  	[sflag:s1] =	ssyncset.done $0x0  }
0xe0: {  	[sflag:s1] =	ssyncadd.s32 $0xFFFFFF80;
	s13 =	simm.s32 $0x0;
	v3 =	vld [tilespmem:$0x1FFE0]  }
0xe1: {  	v4 =	vld [tilespmem:s13+$0xBB0]  }
0xe2: {  	v5 =	vld [tilespmem:s13+$0x8BB0]  }
0xe3: {  	v6 =	vld [tilespmem:s13+$0xB30]  }
0xe4: {  	v7 =	vld [tilespmem:s13+$0x8B30]  }
0xe5: {  	v10 =	vld [tilespmem:s13+$0xBA0]  }
0xe6: {  	v13 =	vld [tilespmem:s13+$0x8BA0]  }
0xe7: {  	v15 =	vld [tilespmem:s13+$0xAB0]  }
0xe8: {  	v23 =	vld [tilespmem:s13+$0x8AB0]  }
0xe9: {  	v14 =	vld [tilespmem:s13+$0xB20]  }
0xea: {  	v16 =	vld [tilespmem:s13+$0x8B20]  }
0xeb: {  	v24 =	vld [tilespmem:s13+$0xB80]  }
0xec: {  	v25 =	vld [tilespmem:s13+$0x8B80]  }
0xed: {  	v26 =	vld [tilespmem:s13+$0xB90]  }
0xee: {  	v27 =	vld [tilespmem:s13+$0x8B90]  }
0xef: {  	v28 =	vld [tilespmem:s13+$0xA30]  }
0xf0: {  	v29 =	vld [tilespmem:s13+$0x8A30]  }
0xf1: {  	v30 =	vld [tilespmem:s13+$0xAA0]  }
0xf2: {  	v31 =	vld [tilespmem:s13+$0x8AA0]  }
0xf3: {  	v32 =	vld [tilespmem:s13+$0xB00]  }
0xf4: {  	v33 =	vld [tilespmem:s13+$0x8B00]  }
0xf5: {  	v34 =	vld [tilespmem:s13+$0xB10]  }
0xf6: {  	v35 =	vld [tilespmem:s13+$0x8B10]  }
0xf7: {  	v36 =	vld [tilespmem:s13+$0x9B0]  }
0xf8: {  	v37 =	vld [tilespmem:s13+$0x89B0]  }
0xf9: {  	v38 =	vld [tilespmem:s13+$0xA20]  }
0xfa: {  	v39 =	vld [tilespmem:s13+$0x8A20]  }
0xfb: {  	v40 =	vld [tilespmem:s13+$0xA80]  }
0xfc: {  	v41 =	vld [tilespmem:s13+$0x8A80]  }
0xfd: {  	v42 =	vld [tilespmem:s13+$0xA90]  }
0xfe: {  	v43 =	vld [tilespmem:s13+$0x8A90]  }
0xff: {  	v0 =	vld [tilespmem:s13+$0x930]  }
0x100: {  	v45 =	vld [tilespmem:s13+$0x8930]  }
0x101: {  	v46 =	vld [tilespmem:s13+$0x9A0]  }
0x102: {  	v47 =	vld [tilespmem:s13+$0x89A0]  }
0x103: {  	v48 =	vld [tilespmem:s13+$0xA00]  }
0x104: {  	v49 =	vld [tilespmem:s13+$0x8A00]  }
0x105: {  	v50 =	vld [tilespmem:s13+$0xA10]  }
0x106: {  	v51 =	vld [tilespmem:s13+$0x8A10]  }
0x107: {  	v52 =	vld [tilespmem:s13+$0x8B0]  }
0x108: {  	v53 =	vld [tilespmem:s13+$0x88B0]  }
0x109: {  	v54 =	vld [tilespmem:s13+$0x920]  }
0x10a: {  	v55 =	vld [tilespmem:s13+$0x8920]  }
0x10b: {  	v56 =	vld [tilespmem:s13+$0x980]  }
0x10c: {  	v57 =	vld [tilespmem:s13+$0x8980]  }
0x10d: {  	v58 =	vld [tilespmem:s13+$0x990]  }
0x10e: {  	v59 =	vld [tilespmem:s13+$0x8990]  }
0x10f: {  	v62 =	vld [tilespmem:s13+$0x830]  }
0x110: {  	v63 =	vld [tilespmem:s13+$0x8830]  }
0x111: {  	v60 =	vld [tilespmem:s13+$0x8A0]  }
0x112: {  	v61 =	vld [tilespmem:s13+$0x88A0]  }
0x113: {  	v44 =	vld [tilespmem:s13+$0x910]  }
0x114: {  	v22 =	vld [tilespmem:s13+$0x8910]  }
0x115: {  	v21 =	vld [tilespmem:s13+$0x880]  }
0x116: {  	v19 =	vld [tilespmem:s13+$0x8880]  }
0x117: {  	v20 =	vld [tilespmem:s13+$0x890]  }
0x118: {  	v18 =	vld [tilespmem:s13+$0x8890]  }
0x119: {  	v17 =	vld [tilespmem:s13+$0x800]  }
0x11a: {  	v11 =	vld [tilespmem:s13+$0x8800]  }
0x11b: {  	v12 =	vld [tilespmem:s13+$0x810]  }
0x11c: {  	v9 =	vld [tilespmem:s13+$0x8810]  }
0x11d: {  	v1 =	vld [tilespmem:s13+$0x86B0]  }
0x11e: {  	v8 =	vld [tilespmem:s13+$0x780]  }
0x11f: {  	[tilespmem:$0x1FE10] =	vst v62;
	v62 =	vld [tilespmem:s13+$0x900]  }
0x120: {  	[tilespmem:$0x1FE20] =	vst v63;
	v63 =	vld [tilespmem:s13+$0x8900]  }
0x121: {  	[tilespmem:$0x1FDC0] =	vst v0;
	v0 =	vld [tilespmem:s13+$0x7B0]  }
0x122: {  	[tilespmem:$0x1FE90] =	vst v1;
	v1 =	vld [tilespmem:s13+$0x720]  }
0x123: {  	v6 =	vmul.f32 v7, v6;
	v7 =	vld [tilespmem:s13+$0x8780]  }
0x124: {  	v4 =	vmul.f32 v5, v4;
	v5 =	vmul.f32 v25, v24;
	v25 =	vld [tilespmem:s13+$0x790]  }
0x125: {  	v24 =	vmul.f32 v27, v26;
	v27 =	vld [tilespmem:s13+$0x8790]  }
0x126: {  	v26 =	vmul.f32 v16, v14;
	v14 =	vmul.f32 v13, v10;
	v10 =	vld [tilespmem:s13+$0x630]  }
0x127: {  	v13 =	vld [tilespmem:s13+$0x8630]  }
0x128: {  	v16 =	vmul.f32 v33, v32;
	v32 =	vmul.f32 v35, v34;
	v34 =	vld [tilespmem:s13+$0x700]  }
0x129: {  	v35 =	vld [tilespmem:s13+$0x8700]  }
0x12a: {  	v28 =	vmul.f32 v29, v28;
	v29 =	vld [tilespmem:s13+$0x8710]  }
0x12b: {  	v33 =	vld [tilespmem:s13+$0x8680]  }
0x12c: {  	v22 =	vmul.f32 v22, v44;
	v44 =	vld [tilespmem:s13+$0x430]  }
0x12d: {  	v18 =	vmul.f32 v18, v20;
	v20 =	vld [tilespmem:s13+$0x8430]  }
0x12e: {  	[tilespmem:$0x1FE30] =	vst v0;
	v0 =	vld [tilespmem:s13+$0x87B0]  }
0x12f: {  	v11 =	vmul.f32 v11, v17;
	v17 =	vld [tilespmem:s13+$0x4B0]  }
0x130: {  	v30 =	vmul.f32 v31, v30;
	v19 =	vmul.f32 v19, v21;
	v31 =	vadd.f32 v32, v16;
	v16 =	vld [tilespmem:s13+$0x86A0]  }
0x131: {  	v32 =	vld [tilespmem:s13+$0x690]  }
0x132: {  	v5 =	vadd.f32 v24, v5;
	v18 =	vadd.f32 v18, v19;
	v19 =	vld [tilespmem:s13+$0x520]  }
0x133: {  	v2 =	vmul.f32 v49, v48;
	[tilespmem:$0x1FE40] =	vst v0;
	v0 =	vld [tilespmem:s13+$0x820]  }
0x134: {  	v24 =	vmul.f32 v41, v40;
	v40 =	vmul.f32 v51, v50;
	v5 =	vadd.f32 v14, v5;
	v14 =	vld [tilespmem:s13+$0x6A0]  }
0x135: {  	v15 =	vmul.f32 v23, v15;
	v23 =	vadd.f32 v26, v31;
	v26 =	vld [tilespmem:s13+$0x710]  }
0x136: {  	v41 =	vadd.f32 v40, v2;
	v2 =	vld [tilespmem:$0x1FFD0]  }
0x137: {  	v40 =	vld [tilespmem:s13+$0x8690]  }
0x138: {  	[tilespmem:$0x1FDD0] =	vst v0;
	v0 =	vld [tilespmem:s13+$0x8820]  }
0x139: {  	v31 =	vmul.f32 v57, v56;
	v56 =	vld [tilespmem:$0x1FDC0]  }
0x13a: {  	[tilespmem:$0x1FE50] =	vst v1;
	v1 =	vld [tilespmem:s13+$0x8720]  }
0x13b: {  	v7 =	vmul.f32 v7, v8;
	v8 =	vmul.f32 v27, v25;
	v25 =	vld [tilespmem:$0x1FE20]  }
0x13c: {  	v34 =	vmul.f32 v35, v34;
	v35 =	vld [tilespmem:s13+$0x8420]  }
0x13d: {  	[tilespmem:$0x1FDE0] =	vst v0;
	v0 =	vld [tilespmem:s13+$0x730]  }
0x13e: {  	v6 =	vadd.f32 v6, v23;
	v23 =	vld [tilespmem:s13+$0x620]  }
0x13f: {  	[tilespmem:$0x1FE60] =	vst v1;
	v1 =	vmul.f32 v43, v42;
	v42 =	vmul.f32 v39, v38;
	v38 =	vld [tilespmem:s13+$0x8620]  }
0x140: {  	v39 =	vld [tilespmem:s13+$0x680]  }
0x141: {  	v43 =	vmul.f32 v59, v58;
	v58 =	vmul.f32 v53, v52;
	v52 =	vld [tilespmem:s13+$0x610]  }
0x142: {  	[tilespmem:$0x1FE70] =	vst v0;
	v0 =	vld [tilespmem:s13+$0x8730]  }
0x143: {  	v59 =	vmul.f32 v55, v54;
	v54 =	vld [tilespmem:s13+$0x8610]  }
0x144: {  	v53 =	vld [tilespmem:$0x1FE50]  }
0x145: {  	v27 =	vld [tilespmem:$0x1FE40]  }
0x146: {  	v55 =	vld [tilespmem:$0x1FE60]  }
0x147: {  	v24 =	vadd.f32 v1, v24;
	[tilespmem:$0x1FE80] =	vst v0;
	v0 =	vld [tilespmem:s13+$0x7A0]  }
0x148: {  	v9 =	vmul.f32 v9, v12;
	v1 =	vld [tilespmem:$0x1FFC0]  }
0x149: {  	v4 =	vadd.f32 v4, v5;
	v26 =	vmul.f32 v29, v26;
	v5 =	vadd.f32 v30, v24;
	v24 =	vld [tilespmem:s13+$0x5B0]  }
0x14a: {  	v9 =	vadd.f32 v9, v11;
	v11 =	vld [tilespmem:$0x1FDD0]  }
0x14b: {  	v26 =	vadd.f32 v26, v34;
	v34 =	vmul.f32 v55, v53;
	v53 =	vld [tilespmem:s13+$0x8410]  }
0x14c: {  	v60 =	vmul.f32 v61, v60;
	v30 =	vadd.f32 v42, v41;
	[tilespmem:$0x1FDF0] =	vst v0;
	v0 =	vld [tilespmem:s13+$0x87A0]  }
0x14d: {  	v5 =	vadd.f32 v15, v5;
	v15 =	vperm.xlane v4, v1;
	v26 =	vadd.f32 v34, v26;
	v34 =	vld [tilespmem:s13+$0x8500]  }
0x14e: {  	v18 =	vadd.f32 v60, v18;
	v63 =	vmul.f32 v63, v62;
	v28 =	vadd.f32 v28, v30;
	v21 =	vld [tilespmem:$0x1FDE0]  }
0x14f: {  	v4 =	vadd.f32 v4, v15;
	v15 =	vadd.f32 v43, v31;
	v31 =	vmul.f32 v47, v46;
	v46 =	vld [tilespmem:s13+$0x600]  }
0x150: {  	v10 =	vmul.f32 v13, v10;
	v12 =	vadd.f32 v22, v63;
	v43 =	vmul.f32 v45, v56;
	v45 =	vld [tilespmem:s13+$0x510]  }
0x151: {  	v20 =	vmul.f32 v20, v44;
	v7 =	vadd.f32 v8, v7;
	v49 =	vperm.xlane v28, v1;
	v8 =	vld [tilespmem:$0x1FDF0];
	[tilespmem:$0x1FE00] =	vst v0  }
0x152: {  	v14 =	vmul.f32 v16, v14;
	v12 =	vadd.f32 v59, v12;
	v30 =	vperm.xlane v5, v1;
	v22 =	vld [tilespmem:$0x1FE00]  }
0x153: {  	v48 =	vperm.xlane v6, v1;
	v28 =	vadd.f32 v28, v49;
	v49 =	vld [tilespmem:s13+$0x410];
	v11 =	vmul.f32 v21, v11  }
0x154: {  	v5 =	vadd.f32 v5, v30;
	v15 =	vadd.f32 v31, v15;
	v31 =	vmul.f32 v37, v36;
	v37 =	vld [tilespmem:s13+$0x5A0]  }
0x155: {  	v32 =	vmul.f32 v40, v32;
	v18 =	vadd.f32 v58, v18;
	v9 =	vadd.f32 v11, v9;
	v11 =	vld [tilespmem:$0x1FE10]  }
0x156: {  	v6 =	vadd.f32 v6, v48;
	v12 =	vadd.f32 v43, v12;
	v43 =	vld [tilespmem:s13+$0x400];
	v50 =	vperm.xlane v5, v2  }
0x157: {  	v30 =	vperm.xlane v4, v2;
	v31 =	vadd.f32 v31, v15;
	v15 =	vld [tilespmem:s13+$0x530];
	v8 =	vmul.f32 v22, v8  }
0x158: {  	v23 =	vmul.f32 v38, v23;
	v29 =	vperm.xlane v12, v1;
	v36 =	vadd.f32 v5, v50;
	v50 =	vld [tilespmem:s13+$0x8600]  }
0x159: {  	v51 =	vperm.xlane v6, v2;
	v4 =	vadd.f32 v4, v30;
	v7 =	vadd.f32 v8, v7;
	v8 =	vld [tilespmem:$0x1FE30]  }
0x15a: {  	v30 =	vperm.xlane v28, v2;
	v12 =	vadd.f32 v12, v29;
	v29 =	vld [tilespmem:$0x1FE70];
	v11 =	vmul.f32 v25, v11  }
0x15b: {  	v5 =	vadd.f32 v6, v51;
	v6 =	vperm.xlane v31, v1;
	v41 =	vperm.xlane v4, v3;
	v58 =	vld [tilespmem:$0x1FE80]  }
0x15c: {  	v28 =	vadd.f32 v28, v30;
	v30 =	vld [tilespmem:s13+$0x85A0];
	v42 =	vperm.xlane v36, v3;
	v9 =	vadd.f32 v11, v9  }
0x15d: {  	v57 =	vperm.xlane v5, v3;
	v21 =	vld [tilespmem:s13+$0x580];
	v31 =	vadd.f32 v31, v6;
	v60 =	vperm.xlane v12, v2  }
0x15e: {  	v4 =	vadd.f32 v4, v41;
	v41 =	vld [tilespmem:s13+$0x8400];
	v56 =	vperm.xlane v9, v1;
	v8 =	vmul.f32 v27, v8  }
0x15f: {  	v6 =	vadd.f32 v36, v42;
	v42 =	vld [tilespmem:s13+$0x4A0];
	v61 =	vperm.xlane v31, v2;
	v12 =	vadd.f32 v12, v60  }
0x160: {  	v60 =	vld [tilespmem:s13+$0x480];
	v29 =	vmul.f32 v58, v29;
	v9 =	vadd.f32 v9, v56;
	v7 =	vadd.f32 v8, v7  }
0x161: {  	v5 =	vadd.f32 v5, v57;
	v31 =	vadd.f32 v31, v61;
	v25 =	vld [tilespmem:s13+$0x590];
	v8 =	vperm.xlane v18, v1  }
0x162: {  	v11 =	vld [tilespmem:s13+$0x420];
	v26 =	vadd.f32 v29, v26;
	v29 =	vperm.xlane v9, v2;
	v57 =	vperm.xlane v7, v1  }
0x163: {  	v33 =	vmul.f32 v33, v39;
	v49 =	vmul.f32 v53, v49;
	v22 =	vld [tilespmem:s13+$0x8580];
	v8 =	vadd.f32 v18, v8  }
0x164: {  	v0 =	vld [tilespmem:s13+$0x6B0];
	v9 =	vadd.f32 v9, v29;
	v29 =	vperm.xlane v31, v3;
	v7 =	vadd.f32 v7, v57  }
0x165: {  	v48 =	vperm.xlane v28, v3;
	v27 =	vld [tilespmem:s13+$0x8590];
	v59 =	vperm.xlane v8, v2  }
0x166: {  	v30 =	vmul.f32 v30, v37;
	v29 =	vadd.f32 v31, v29;
	v31 =	vld [tilespmem:s13+$0x490];
	v61 =	vperm.xlane v7, v2  }
0x167: {  	v63 =	vperm.xlane v12, v3;
	v18 =	vld [tilespmem:s13+$0x500];
	v36 =	vadd.f32 v8, v59;
	v8 =	vperm.xlane v26, v1  }
0x168: {  	v56 =	vperm.xlane v9, v3;
	v21 =	vmul.f32 v22, v21;
	v59 =	vld [tilespmem:$0x1FE90];
	v7 =	vadd.f32 v7, v61  }
0x169: {  	v62 =	vperm.xlane v36, v3;
	v26 =	vadd.f32 v26, v8;
	v8 =	vadd.f32 v28, v48;
	v28 =	vld [tilespmem:s13+$0x8480]  }
0x16a: {  	v12 =	vadd.f32 v12, v63;
	v22 =	vmul.f32 v27, v25;
	v27 =	vmul.f32 v41, v43;
	v61 =	vld [tilespmem:s13+$0x8490]  }
0x16b: {  	v63 =	vmul.f32 v50, v46;
	v13 =	vperm.xlane v7, v3;
	v36 =	vadd.f32 v36, v62;
	v62 =	vld [tilespmem:s13+$0x8510]  }
0x16c: {  	v11 =	vmul.f32 v35, v11;
	v9 =	vadd.f32 v9, v56;
	v27 =	vadd.f32 v49, v27;
	v48 =	vld [tilespmem:s13+$0x84A0]  }
0x16d: {  	v25 =	vadd.f32 v32, v33;
	v16 =	vperm.xlane v26, v2;
	v7 =	vadd.f32 v7, v13;
	v13 =	vld [tilespmem:s13+$0x8520]  }
0x16e: {  	v50 =	vld [tilespmem:s13+$0x84B0];
	v18 =	vmul.f32 v34, v18;
	v11 =	vadd.f32 v11, v27;
	v55 =	vmul.f32 v59, v0  }
0x16f: {  	v16 =	vadd.f32 v26, v16;
	v26 =	vmul.f32 v28, v60;
	v28 =	vmul.f32 v61, v31;
	v31 =	vld [tilespmem:s13+$0x8530]  }
0x170: {  	v51 =	vld [tilespmem:s13+$0x85B0];
	v14 =	vadd.f32 v14, v25;
	v0 =	vmul.f32 v54, v52;
	v25 =	vmul.f32 v62, v45  }
0x171: {  	v11 =	vadd.f32 v20, v11;
	v26 =	vadd.f32 v28, v26;
	v28 =	vmul.f32 v48, v42  }
0x172: {  	v52 =	vadd.f32 v0, v63;
	v18 =	vadd.f32 v25, v18;
	v13 =	vmul.f32 v13, v19  }
0x173: {  	v17 =	vmul.f32 v50, v17;
	v19 =	vadd.f32 v22, v21;
	v21 =	vadd.f32 v28, v26  }
0x174: {  	v14 =	vadd.f32 v55, v14;
	v15 =	vmul.f32 v31, v15;
	v13 =	vadd.f32 v13, v18  }
0x175: {  	v18 =	vadd.f32 v30, v19;
	v17 =	vadd.f32 v17, v21;
	v19 =	vmul.f32 v51, v24  }
0x176: {  	v13 =	vadd.f32 v15, v13;
	v15 =	vadd.f32 v23, v52  }
0x177: {  	v21 =	vperm.xlane v11, v1;
	v22 =	vperm.xlane v17, v1;
	v18 =	vadd.f32 v19, v18  }
0x178: {  	v20 =	vperm.xlane v16, v3;
	v19 =	vperm.xlane v13, v1;
	v10 =	vadd.f32 v10, v15  }
0x179: {  	v11 =	vadd.f32 v11, v21;
	v15 =	vadd.f32 v17, v22;
	v17 =	vperm.xlane v18, v1  }
0x17a: {  	v21 =	vperm.xlane v14, v1;
	v13 =	vadd.f32 v13, v19;
	v19 =	vperm.xlane v10, v1  }
0x17b: {  	v22 =	vperm.xlane v11, v2;
	v23 =	vperm.xlane v15, v2;
	v17 =	vadd.f32 v18, v17  }
0x17c: {  	v14 =	vadd.f32 v14, v21;
	v18 =	vperm.xlane v13, v2;
	v10 =	vadd.f32 v10, v19  }
0x17d: {  	v11 =	vadd.f32 v11, v22;
	v15 =	vadd.f32 v15, v23;
	v19 =	vperm.xlane v17, v2  }
0x17e: {  	v48 =	vld [tilespmem:$0x1FFF0];
	v21 =	vperm.xlane v14, v2;
	v13 =	vadd.f32 v13, v18;
	v18 =	vperm.xlane v10, v2  }
0x17f: {  	v22 =	vperm.xlane v11, v3;
	v23 =	vperm.xlane v15, v3;
	v17 =	vadd.f32 v17, v19  }
0x180: {  	v14 =	vadd.f32 v14, v21;
	v19 =	vperm.xlane v13, v3;
	v10 =	vadd.f32 v10, v18  }
0x181: {  	v11 =	vadd.f32 v11, v22;
	v15 =	vadd.f32 v15, v23;
	v18 =	vperm.xlane v17, v3  }
0x182: {  	v21 =	vperm.xlane v14, v3;
	v13 =	vadd.f32 v13, v19;
	v19 =	vperm.xlane v10, v3  }
0x183: {  	v22 =	vperm.xlane v11, v48;
	v23 =	vperm.xlane v15, v48;
	v17 =	vadd.f32 v17, v18  }
0x184: {  	v14 =	vadd.f32 v14, v21;
	v18 =	vperm.xlane v13, v48;
	v10 =	vadd.f32 v10, v19  }
0x185: {  	v11 =	vadd.f32 v11, v22;
	v15 =	vadd.f32 v15, v23;
	v19 =	vperm.xlane v17, v48  }
0x186: {  	v16 =	vadd.f32 v16, v20;
	v13 =	vadd.f32 v13, v18;
	v18 =	vperm.xlane v10, v48  }
0x187: {  	v11 =	vsel vm0, v11, v15;
	v15 =	vadd.f32 v17, v19;
	v17 =	vperm.xlane v14, v48  }
0x188: {  	v11 =	vsel vm1, v11, v13;
	v10 =	vadd.f32 v10, v18;
	v13 =	vperm.xlane v16, v48  }
0x189: {  	v14 =	vadd.f32 v14, v17;
	v11 =	vsel vm2, v11, v15;
	v15 =	vperm.xlane v7, v48  }
0x18a: {  	v10 =	vsel vm3, v11, v10;
	v11 =	vadd.f32 v16, v13;
	v13 =	vperm.xlane v9, v48  }
0x18b: {  	v10 =	vsel vm4, v10, v14;
	v7 =	vadd.f32 v7, v15;
	v14 =	vperm.xlane v36, v48  }
0x18c: {  	v10 =	vsel vm5, v10, v11;
	v9 =	vadd.f32 v9, v13;
	v11 =	vperm.xlane v12, v48  }
0x18d: {  	v13 =	vperm.xlane v29, v48;
	v7 =	vsel vm6, v10, v7;
	v10 =	vadd.f32 v36, v14  }
0x18e: {  	v7 =	vsel vm7, v7, v9;
	v9 =	vadd.f32 v12, v11;
	v11 =	vperm.xlane v8, v48  }
0x18f: {  	v12 =	vperm.xlane v6, v48;
	v7 =	vsel vm8, v7, v10;
	v10 =	vadd.f32 v29, v13  }
0x190: {  	v7 =	vsel vm9, v7, v9;
	v8 =	vadd.f32 v8, v11;
	v9 =	vperm.xlane v5, v48  }
0x191: {  	v6 =	vadd.f32 v6, v12;
	v7 =	vsel vm10, v7, v10;
	v10 =	vperm.xlane v4, v48  }
0x192: {  	v7 =	vsel vm11, v7, v8;
	v5 =	vadd.f32 v5, v9  }
0x193: {  	v6 =	vsel vm12, v7, v6;
	v4 =	vadd.f32 v4, v10  }
0x194: {  	v5 =	vsel vm13, v6, v5  }
0x195: {  	s14 =	simm.s32 $0x10400;
	v4 =	vsel vm14, v5, v4  }
0x196: {  	s15 =	simm.s32 $0x800;
	[tilespmem:s14+$0x0] =	vst v4  }
0x197: {  	v4 =	vld [tilespmem:s15+$0xBB0]  }
0x198: {  	v5 =	vld [tilespmem:s15+$0x8BB0]  }
0x199: {  	v6 =	vld [tilespmem:s15+$0xB30]  }
0x19a: {  	v7 =	vld [tilespmem:s15+$0x8B30]  }
0x19b: {  	v8 =	vld [tilespmem:s15+$0xBA0]  }
0x19c: {  	v12 =	vld [tilespmem:s15+$0x8BA0]  }
0x19d: {  	v13 =	vld [tilespmem:s15+$0xAB0]  }
0x19e: {  	v14 =	vld [tilespmem:s15+$0x8AB0]  }
0x19f: {  	v11 =	vld [tilespmem:s15+$0xB20]  }
0x1a0: {  	v15 =	vld [tilespmem:s15+$0x8B20]  }
0x1a1: {  	v16 =	vld [tilespmem:s15+$0xB80]  }
0x1a2: {  	v17 =	vld [tilespmem:s15+$0x8B80]  }
0x1a3: {  	v18 =	vld [tilespmem:s15+$0xB90]  }
0x1a4: {  	v19 =	vld [tilespmem:s15+$0x8B90]  }
0x1a5: {  	v57 =	vld [tilespmem:s15+$0xA30]  }
0x1a6: {  	v21 =	vld [tilespmem:s15+$0x8A30]  }
0x1a7: {  	v22 =	vld [tilespmem:s15+$0xAA0]  }
0x1a8: {  	v23 =	vld [tilespmem:s15+$0x8AA0]  }
0x1a9: {  	v27 =	vld [tilespmem:s15+$0xB00]  }
0x1aa: {  	v29 =	vld [tilespmem:s15+$0x8B00]  }
0x1ab: {  	v33 =	vld [tilespmem:s15+$0xB10]  }
0x1ac: {  	v34 =	vld [tilespmem:s15+$0x8B10]  }
0x1ad: {  	v53 =	vld [tilespmem:s15+$0x9B0]  }
0x1ae: {  	v45 =	vld [tilespmem:s15+$0x89B0]  }
0x1af: {  	v39 =	vld [tilespmem:s15+$0xA20]  }
0x1b0: {  	v40 =	vld [tilespmem:s15+$0x8A20]  }
0x1b1: {  	v26 =	vld [tilespmem:s15+$0xA80]  }
0x1b2: {  	v41 =	vld [tilespmem:s15+$0x8A80]  }
0x1b3: {  	v42 =	vld [tilespmem:s15+$0xA90]  }
0x1b4: {  	v43 =	vld [tilespmem:s15+$0x8A90]  }
0x1b5: {  	v54 =	vld [tilespmem:s15+$0x930]  }
0x1b6: {  	v55 =	vld [tilespmem:s15+$0x8930]  }
0x1b7: {  	v46 =	vld [tilespmem:s15+$0x9A0]  }
0x1b8: {  	v47 =	vld [tilespmem:s15+$0x89A0]  }
0x1b9: {  	v0 =	vld [tilespmem:s15+$0xA00]  }
0x1ba: {  	v49 =	vld [tilespmem:s15+$0x8A00]  }
0x1bb: {  	v50 =	vld [tilespmem:s15+$0xA10]  }
0x1bc: {  	v9 =	vld [tilespmem:s15+$0x830]  }
0x1bd: {  	v51 =	vld [tilespmem:s15+$0x8A10]  }
0x1be: {  	v52 =	vld [tilespmem:s15+$0x8B0]  }
0x1bf: {  	v56 =	vld [tilespmem:s15+$0x980]  }
0x1c0: {  	v20 =	vld [tilespmem:s15+$0x8980]  }
0x1c1: {  	[tilespmem:$0x1FF20] =	vst v9;
	v9 =	vld [tilespmem:s15+$0x8830]  }
0x1c2: {  	v58 =	vld [tilespmem:s15+$0x990]  }
0x1c3: {  	v59 =	vld [tilespmem:s15+$0x8990]  }
0x1c4: {  	v60 =	vld [tilespmem:s15+$0x8A0]  }
0x1c5: {  	v61 =	vld [tilespmem:s15+$0x88A0]  }
0x1c6: {  	[tilespmem:$0x1FF30] =	vst v9;
	v9 =	vld [tilespmem:s15+$0x910]  }
0x1c7: {  	v62 =	vld [tilespmem:s15+$0x900]  }
0x1c8: {  	v63 =	vld [tilespmem:s15+$0x8900]  }
0x1c9: {  	v44 =	vld [tilespmem:s15+$0x8910]  }
0x1ca: {  	v38 =	vld [tilespmem:s15+$0x880]  }
0x1cb: {  	[tilespmem:$0x1FED0] =	vst v9;
	v9 =	vld [tilespmem:s15+$0x7B0]  }
0x1cc: {  	v37 =	vld [tilespmem:s15+$0x8880]  }
0x1cd: {  	v36 =	vld [tilespmem:s15+$0x890]  }
0x1ce: {  	v35 =	vld [tilespmem:s15+$0x8890]  }
0x1cf: {  	v32 =	vld [tilespmem:s15+$0x800]  }
0x1d0: {  	[tilespmem:$0x1FF40] =	vst v9;
	v9 =	vld [tilespmem:s15+$0x87B0]  }
0x1d1: {  	v31 =	vld [tilespmem:s15+$0x8800]  }
0x1d2: {  	v30 =	vld [tilespmem:s15+$0x810]  }
0x1d3: {  	v28 =	vld [tilespmem:s15+$0x8810]  }
0x1d4: {  	v25 =	vld [tilespmem:s15+$0x780]  }
0x1d5: {  	[tilespmem:$0x1FF50] =	vst v9;
	v9 =	vld [tilespmem:s15+$0x820]  }
0x1d6: {  	v24 =	vld [tilespmem:s15+$0x8780]  }
0x1d7: {  	v10 =	vld [tilespmem:s15+$0x790]  }
0x1d8: {  	[tilespmem:$0x1FEA0] =	vst v53;
	v53 =	vld [tilespmem:s15+$0x88B0]  }
0x1d9: {  	[tilespmem:$0x1FEB0] =	vst v54;
	v54 =	vld [tilespmem:s15+$0x920]  }
0x1da: {  	[tilespmem:$0x1FEE0] =	vst v9;
	v9 =	vld [tilespmem:s15+$0x8820]  }
0x1db: {  	[tilespmem:$0x1FEC0] =	vst v55;
	v55 =	vld [tilespmem:s15+$0x8920]  }
0x1dc: {  	v4 =	vmul.f32 v5, v4;
	v15 =	vmul.f32 v15, v11;
	v11 =	vld [tilespmem:s15+$0x630]  }
0x1dd: {  	v5 =	vmul.f32 v17, v16;
	v16 =	vmul.f32 v41, v26;
	v26 =	vld [tilespmem:s15+$0x8630]  }
0x1de: {  	v8 =	vmul.f32 v12, v8;
	v12 =	vmul.f32 v29, v27;
	v27 =	vld [tilespmem:s15+$0x6A0]  }
0x1df: {  	[tilespmem:$0x1FEF0] =	vst v9;
	v9 =	vld [tilespmem:s15+$0x730]  }
0x1e0: {  	v29 =	vld [tilespmem:s15+$0x86A0]  }
0x1e1: {  	v41 =	vld [tilespmem:s15+$0x700]  }
0x1e2: {  	v17 =	vmul.f32 v43, v42;
	v42 =	vld [tilespmem:s15+$0x8700]  }
0x1e3: {  	v43 =	vld [tilespmem:s15+$0x620]  }
0x1e4: {  	v6 =	vmul.f32 v7, v6;
	[tilespmem:$0x1FF80] =	vst v9;
	v9 =	vld [tilespmem:s15+$0x8730]  }
0x1e5: {  	v7 =	vmul.f32 v19, v18;
	v18 =	vmul.f32 v49, v0;
	v0 =	vld [tilespmem:s15+$0x8620]  }
0x1e6: {  	v35 =	vmul.f32 v35, v36;
	v36 =	vld [tilespmem:s15+$0x500]  }
0x1e7: {  	v16 =	vadd.f32 v17, v16;
	v17 =	vmul.f32 v23, v22;
	v22 =	vld [tilespmem:s15+$0x430]  }
0x1e8: {  	v5 =	vadd.f32 v7, v5;
	v7 =	vmul.f32 v34, v33;
	v33 =	vld [tilespmem:s15+$0x580]  }
0x1e9: {  	[tilespmem:$0x1FF90] =	vst v9;
	v9 =	vld [tilespmem:s15+$0x7A0]  }
0x1ea: {  	v7 =	vadd.f32 v7, v12;
	v12 =	vmul.f32 v14, v13;
	v14 =	vmul.f32 v40, v39;
	v39 =	vld [tilespmem:s15+$0x710]  }
0x1eb: {  	v5 =	vadd.f32 v8, v5;
	v40 =	vld [tilespmem:s15+$0x8710]  }
0x1ec: {  	v19 =	vmul.f32 v51, v50;
	v8 =	vadd.f32 v17, v16;
	v17 =	vld [tilespmem:s15+$0x85A0]  }
0x1ed: {  	v4 =	vadd.f32 v4, v5;
	v5 =	vadd.f32 v15, v7;
	v15 =	vmul.f32 v21, v57;
	v57 =	vld [tilespmem:s15+$0x5B0]  }
0x1ee: {  	v13 =	vadd.f32 v19, v18;
	[tilespmem:$0x1FF00] =	vst v9;
	v9 =	vld [tilespmem:s15+$0x87A0]  }
0x1ef: {  	v7 =	vld [tilespmem:s15+$0x680]  }
0x1f0: {  	v8 =	vadd.f32 v12, v8;
	v12 =	vadd.f32 v14, v13;
	v14 =	vmul.f32 v59, v58;
	v58 =	vld [tilespmem:s15+$0x8680]  }
0x1f1: {  	v13 =	vmul.f32 v20, v56;
	v20 =	vld [tilespmem:s15+$0x610]  }
0x1f2: {  	v21 =	vld [tilespmem:s15+$0x8610];
	v5 =	vadd.f32 v6, v5;
	v6 =	vperm.xlane v4, v1;
	v16 =	vperm.xlane v8, v1  }
0x1f3: {  	v15 =	vadd.f32 v15, v12;
	v12 =	vadd.f32 v14, v13;
	v13 =	vmul.f32 v47, v46;
	[tilespmem:$0x1FF10] =	vst v9;
	v9 =	vld [tilespmem:s15+$0x6B0]  }
0x1f4: {  	v40 =	vmul.f32 v40, v39;
	v39 =	vld [tilespmem:s15+$0x8420];
	v4 =	vadd.f32 v4, v6  }
0x1f5: {  	v6 =	vadd.f32 v8, v16;
	v8 =	vperm.xlane v15, v1;
	v13 =	vadd.f32 v13, v12;
	v12 =	vld [tilespmem:$0x1FEA0]  }
0x1f6: {  	v59 =	vmul.f32 v61, v60;
	v61 =	vld [tilespmem:$0x1FED0]  }
0x1f7: {  	v18 =	vadd.f32 v15, v8;
	v15 =	vperm.xlane v6, v2;
	v8 =	vld [tilespmem:$0x1FEB0]  }
0x1f8: {  	[tilespmem:$0x1FFA0] =	vst v9;
	v9 =	vld [tilespmem:s15+$0x86B0]  }
0x1f9: {  	v6 =	vadd.f32 v6, v15;
	v15 =	vld [tilespmem:s15+$0x5A0]  }
0x1fa: {  	v14 =	vperm.xlane v5, v1;
	v16 =	vmul.f32 v45, v12;
	v12 =	vld [tilespmem:s15+$0x690]  }
0x1fb: {  	v45 =	vmul.f32 v53, v52;
	v52 =	vld [tilespmem:$0x1FF20]  }
0x1fc: {  	v5 =	vadd.f32 v5, v14;
	v14 =	vperm.xlane v4, v2;
	v53 =	vld [tilespmem:$0x1FF30]  }
0x1fd: {  	[tilespmem:$0x1FFB0] =	vst v9;
	v9 =	vld [tilespmem:s15+$0x720]  }
0x1fe: {  	v23 =	vmul.f32 v63, v62;
	v56 =	vmul.f32 v55, v54;
	v4 =	vadd.f32 v4, v14;
	v55 =	vld [tilespmem:$0x1FF40]  }
0x1ff: {  	v14 =	vperm.xlane v5, v2;
	v44 =	vmul.f32 v44, v61;
	v19 =	vadd.f32 v16, v13;
	v16 =	vld [tilespmem:$0x1FEC0]  }
0x200: {  	v28 =	vmul.f32 v28, v30;
	v13 =	vld [tilespmem:s15+$0x8690]  }
0x201: {  	v5 =	vadd.f32 v5, v14;
	v30 =	vadd.f32 v44, v23;
	v23 =	vld [tilespmem:s15+$0x8430];
	v14 =	vperm.xlane v19, v1  }
0x202: {  	[tilespmem:$0x1FF60] =	vst v9;
	v9 =	vld [tilespmem:s15+$0x8720]  }
0x203: {  	v47 =	vadd.f32 v19, v14;
	v14 =	vperm.xlane v5, v3;
	v19 =	vld [tilespmem:s15+$0x8600]  }
0x204: {  	v30 =	vadd.f32 v56, v30;
	v56 =	vld [tilespmem:$0x1FF50];
	v34 =	vmul.f32 v16, v8  }
0x205: {  	v16 =	vperm.xlane v18, v2;
	v5 =	vadd.f32 v5, v14;
	v14 =	vmul.f32 v37, v38;
	v38 =	vld [tilespmem:$0x1FEE0]  }
0x206: {  	v44 =	vld [tilespmem:$0x1FEF0]  }
0x207: {  	v49 =	vadd.f32 v18, v16;
	v18 =	vperm.xlane v4, v3;
	[tilespmem:$0x1FF70] =	vst v9;
	v9 =	vld [tilespmem:s15+$0x8790]  }
0x208: {  	v50 =	vld [tilespmem:$0x1FF00]  }
0x209: {  	v4 =	vadd.f32 v4, v18;
	v18 =	vperm.xlane v6, v3;
	v51 =	vld [tilespmem:$0x1FF10]  }
0x20a: {  	v8 =	vld [tilespmem:s15+$0x530]  }
0x20b: {  	v24 =	vmul.f32 v24, v25;
	v16 =	vld [tilespmem:s15+$0x600];
	v6 =	vadd.f32 v6, v18;
	v18 =	vmul.f32 v31, v32  }
0x20c: {  	v54 =	vadd.f32 v34, v30;
	v34 =	vld [tilespmem:s15+$0x590];
	v9 =	vmul.f32 v9, v10;
	v10 =	vadd.f32 v35, v14  }
0x20d: {  	v30 =	vld [tilespmem:s15+$0x8590];
	v25 =	vadd.f32 v28, v18;
	v28 =	vmul.f32 v44, v38  }
0x20e: {  	v31 =	vld [tilespmem:s15+$0x420];
	v9 =	vadd.f32 v9, v24;
	v24 =	vmul.f32 v51, v50;
	v10 =	vadd.f32 v59, v10  }
0x20f: {  	v18 =	vld [tilespmem:s15+$0x520];
	v25 =	vadd.f32 v28, v25;
	v28 =	vmul.f32 v53, v52  }
0x210: {  	v62 =	vmovc v1;
	v44 =	vld [tilespmem:s15+$0x410];
	v9 =	vadd.f32 v24, v9;
	v24 =	vmul.f32 v56, v55;
	v10 =	vadd.f32 v45, v10  }
0x211: {  	v61 =	vperm.xlane v54, v62;
	v46 =	vld [tilespmem:$0x1FF70]  }
0x212: {  	v63 =	vmovc v2;
	v28 =	vadd.f32 v28, v25;
	v45 =	vld [tilespmem:$0x1FF60];
	v9 =	vadd.f32 v24, v9;
	v24 =	vperm.xlane v10, v62  }
0x213: {  	v38 =	vperm.xlane v47, v63;
	v55 =	vld [tilespmem:$0x1FF90]  }
0x214: {  	v51 =	vperm.xlane v28, v62;
	v10 =	vadd.f32 v10, v24;
	v24 =	vadd.f32 v54, v61;
	v54 =	vld [tilespmem:$0x1FF80]  }
0x215: {  	v38 =	vadd.f32 v47, v38;
	v47 =	vld [tilespmem:s15+$0x8410];
	v59 =	vmul.f32 v42, v41  }
0x216: {  	v26 =	vmul.f32 v26, v11;
	v25 =	vld [tilespmem:s15+$0x4A0];
	v28 =	vadd.f32 v28, v51  }
0x217: {  	v14 =	vld [tilespmem:s15+$0x4B0];
	v37 =	vadd.f32 v40, v59;
	v52 =	vperm.xlane v9, v62;
	v50 =	vmul.f32 v46, v45  }
0x218: {  	v35 =	vld [tilespmem:s15+$0x8580];
	v1 =	vperm.xlane v28, v63;
	v59 =	vperm.xlane v10, v63  }
0x219: {  	v41 =	vld [tilespmem:s15+$0x8400];
	v9 =	vadd.f32 v9, v52;
	v53 =	vadd.f32 v50, v37;
	v56 =	vmul.f32 v55, v54  }
0x21a: {  	v32 =	vperm.xlane v49, v3;
	v61 =	vperm.xlane v24, v63;
	v51 =	vadd.f32 v10, v59;
	v59 =	vld [tilespmem:$0x1FFB0]  }
0x21b: {  	v52 =	vadd.f32 v28, v1;
	v2 =	vperm.xlane v9, v63;
	v45 =	vadd.f32 v56, v53;
	v56 =	vld [tilespmem:$0x1FFA0]  }
0x21c: {  	v42 =	vld [tilespmem:s15+$0x400];
	v28 =	vmul.f32 v29, v27;
	v27 =	vmul.f32 v0, v43;
	v53 =	vadd.f32 v24, v61  }
0x21d: {  	v40 =	vld [tilespmem:s15+$0x510];
	v55 =	vperm.xlane v38, v3;
	v50 =	vadd.f32 v9, v2;
	v10 =	vperm.xlane v45, v62  }
0x21e: {  	v29 =	vld [tilespmem:s15+$0x8480];
	v54 =	vperm.xlane v51, v3;
	v61 =	vperm.xlane v53, v3  }
0x21f: {  	v37 =	vld [tilespmem:s15+$0x8500];
	v46 =	vadd.f32 v45, v10;
	v10 =	vadd.f32 v38, v55;
	v55 =	vperm.xlane v50, v3  }
0x220: {  	v9 =	vadd.f32 v49, v32;
	v49 =	vld [tilespmem:s15+$0x480];
	v38 =	vmul.f32 v58, v7;
	v24 =	vmul.f32 v59, v56  }
0x221: {  	s17 =	simm.s32 $0x2000;
	s16 =	simm.s32 $0x4000;
	v60 =	vmovc v3;
	v11 =	vadd.f32 v53, v61;
	v53 =	vld [tilespmem:s15+$0x490];
	v56 =	vperm.xlane v52, v3;
	v32 =	vperm.xlane v46, v63  }
.LBB2_6:
0x222: {  	v43 =	vld [tilespmem:s15+$0x8490];
	v15 =	vmul.f32 v17, v15  }
0x223: {  	v45 =	vld [tilespmem:s15+$0x8510];
	v32 =	vadd.f32 v46, v32;
	v17 =	vmul.f32 v13, v12;
	v16 =	vmul.f32 v19, v16  }
0x224: {  	v12 =	vadd.f32 v51, v54;
	v19 =	vmul.f32 v21, v20;
	v20 =	vmul.f32 v23, v22  }
0x225: {  	v13 =	vadd.f32 v52, v56;
	v21 =	vld [tilespmem:s15+$0x84A0];
	v22 =	vmul.f32 v35, v33;
	v31 =	vmul.f32 v39, v31  }
0x226: {  	v1 =	vld [tilespmem:s15+$0x8520];
	v23 =	vadd.f32 v50, v55;
	v30 =	vmul.f32 v30, v34;
	v2 =	vmul.f32 v41, v42  }
0x227: {  	v44 =	vmul.f32 v47, v44;
	v47 =	vld [tilespmem:s15+$0x84B0];
	v29 =	vmul.f32 v29, v49;
	v17 =	vadd.f32 v17, v38  }
0x228: {  	v50 =	vld [tilespmem:s15+$0x8530];
	v49 =	vmul.f32 v43, v53;
	v51 =	vmul.f32 v45, v40;
	v16 =	vadd.f32 v19, v16  }
0x229: {  	v52 =	vld [tilespmem:s15+$0x85B0];
	v19 =	vadd.f32 v44, v2;
	v17 =	vadd.f32 v28, v17;
	v28 =	vmul.f32 v37, v36  }
0x22a: {  	v22 =	vadd.f32 v30, v22;
	v29 =	vadd.f32 v49, v29;
	v21 =	vmul.f32 v21, v25  }
0x22b: {  	v18 =	vmul.f32 v1, v18;
	v19 =	vadd.f32 v31, v19;
	v25 =	vadd.f32 v51, v28  }
0x22c: {  	v15 =	vadd.f32 v15, v22;
	v14 =	vmul.f32 v47, v14;
	v21 =	vadd.f32 v21, v29  }
0x22d: {  	v16 =	vadd.f32 v27, v16;
	v8 =	vmul.f32 v50, v8;
	v18 =	vadd.f32 v18, v25  }
0x22e: {  	v7 =	vmul.f32 v52, v57;
	v19 =	vadd.f32 v20, v19;
	v14 =	vadd.f32 v14, v21  }
0x22f: {  	v16 =	vadd.f32 v26, v16;
	v8 =	vadd.f32 v8, v18  }
0x230: {  	v7 =	vadd.f32 v7, v15;
	v20 =	vperm.xlane v19, v62;
	v21 =	vperm.xlane v14, v62  }
0x231: {  	v17 =	vadd.f32 v24, v17;
	v18 =	vperm.xlane v32, v60;
	v15 =	vperm.xlane v8, v62  }
0x232: {  	v19 =	vadd.f32 v19, v20;
	v20 =	vperm.xlane v7, v62;
	v14 =	vadd.f32 v14, v21  }
0x233: {  	v21 =	vperm.xlane v17, v62;
	v8 =	vadd.f32 v8, v15;
	v15 =	vperm.xlane v16, v62  }
0x234: {  	v22 =	vperm.xlane v19, v63;
	v7 =	vadd.f32 v7, v20;
	v24 =	vperm.xlane v14, v63  }
0x235: {  	v20 =	vperm.xlane v8, v63;
	v15 =	vadd.f32 v16, v15;
	v16 =	vadd.f32 v17, v21  }
0x236: {  	v17 =	vadd.f32 v19, v22;
	v19 =	vperm.xlane v7, v63;
	v14 =	vadd.f32 v14, v24  }
0x237: {  	v8 =	vadd.f32 v8, v20;
	v20 =	vperm.xlane v15, v63;
	v21 =	vperm.xlane v16, v63  }
0x238: {  	v22 =	vperm.xlane v17, v60;
	v7 =	vadd.f32 v7, v19;
	v24 =	vperm.xlane v14, v60  }
0x239: {  	v19 =	vperm.xlane v8, v60;
	v15 =	vadd.f32 v15, v20;
	v16 =	vadd.f32 v16, v21  }
0x23a: {  	v17 =	vadd.f32 v17, v22;
	v20 =	vperm.xlane v7, v60;
	v14 =	vadd.f32 v14, v24  }
0x23b: {  	v8 =	vadd.f32 v8, v19;
	v19 =	vperm.xlane v15, v60;
	v21 =	vperm.xlane v16, v60  }
0x23c: {  	v22 =	vperm.xlane v17, v48;
	v7 =	vadd.f32 v7, v20;
	v24 =	vperm.xlane v14, v48  }
0x23d: {  	v20 =	vperm.xlane v8, v48;
	v15 =	vadd.f32 v15, v19;
	v16 =	vadd.f32 v16, v21  }
0x23e: {  	v17 =	vadd.f32 v17, v22;
	v19 =	vperm.xlane v7, v48;
	v14 =	vadd.f32 v14, v24  }
0x23f: {  	v18 =	vadd.f32 v32, v18;
	v8 =	vadd.f32 v8, v20;
	v20 =	vperm.xlane v15, v48  }
0x240: {  	v7 =	vadd.f32 v7, v19;
	v14 =	vsel vm0, v17, v14;
	v17 =	vperm.xlane v16, v48  }
0x241: {  	v8 =	vsel vm1, v14, v8;
	v14 =	vadd.f32 v15, v20;
	v15 =	vperm.xlane v18, v48  }
0x242: {  	v7 =	vsel vm2, v8, v7;
	v8 =	vadd.f32 v16, v17;
	v16 =	vperm.xlane v23, v48  }
0x243: {  	v7 =	vsel vm3, v7, v14;
	v14 =	vadd.f32 v18, v15;
	v15 =	vperm.xlane v13, v48  }
0x244: {  	v7 =	vsel vm4, v7, v8;
	v8 =	vadd.f32 v23, v16;
	v16 =	vperm.xlane v12, v48  }
0x245: {  	v7 =	vsel vm5, v7, v14;
	v13 =	vadd.f32 v13, v15;
	v14 =	vperm.xlane v11, v48  }
0x246: {  	v7 =	vsel vm6, v7, v8;
	v8 =	vadd.f32 v12, v16;
	v12 =	vperm.xlane v10, v48  }
0x247: {  	v7 =	vsel vm7, v7, v13;
	v11 =	vadd.f32 v11, v14;
	v13 =	vperm.xlane v9, v48  }
0x248: {  	v7 =	vsel vm8, v7, v8;
	v8 =	vadd.f32 v10, v12;
	v10 =	vperm.xlane v6, v48  }
0x249: {  	v7 =	vsel vm9, v7, v11;
	v9 =	vadd.f32 v9, v13;
	v11 =	vperm.xlane v5, v48  }
0x24a: {  	v7 =	vsel vm10, v7, v8;
	v6 =	vadd.f32 v6, v10;
	v8 =	vperm.xlane v4, v48  }
0x24b: {  	v7 =	vsel vm11, v7, v9;
	v5 =	vadd.f32 v5, v11  }
0x24c: {  	v6 =	vsel vm12, v7, v6;
	v4 =	vadd.f32 v4, v8  }
0x24d: {  	v5 =	vsel vm13, v6, v5  }
0x24e: {  	s14 =	sadd.s32 $0x10, s14;
	v4 =	vsel vm14, v5, v4  }
0x24f: {  	s15 =	sshra.s32 s16, $0x2;
	[tilespmem:s14+$0x0] =	vst v4  }
0x250: {  	v17 =	vld [tilespmem:s15+$0xBB0]  }
0x251: {  	v27 =	vld [tilespmem:s15+$0x8BB0]  }
0x252: {  	v28 =	vld [tilespmem:s15+$0xB30]  }
0x253: {  	v29 =	vld [tilespmem:s15+$0x8B30]  }
0x254: {  	v16 =	vld [tilespmem:s15+$0xBA0]  }
0x255: {  	v19 =	vld [tilespmem:s15+$0x8BA0]  }
0x256: {  	v31 =	vld [tilespmem:s15+$0xAB0]  }
0x257: {  	v24 =	vld [tilespmem:s15+$0x8AB0]  }
0x258: {  	v32 =	vld [tilespmem:s15+$0xB20]  }
0x259: {  	v51 =	vld [tilespmem:s15+$0x8B20]  }
0x25a: {  	v57 =	vld [tilespmem:s15+$0xB80]  }
0x25b: {  	v59 =	vld [tilespmem:s15+$0x8B80]  }
0x25c: {  	v60 =	vld [tilespmem:s15+$0xB90]  }
0x25d: {  	v61 =	vld [tilespmem:s15+$0x8B90]  }
0x25e: {  	v21 =	vld [tilespmem:s15+$0xA30]  }
0x25f: {  	v20 =	vld [tilespmem:s15+$0x8A30]  }
0x260: {  	v38 =	vld [tilespmem:s15+$0xAA0]  }
0x261: {  	v43 =	vld [tilespmem:s15+$0x8AA0]  }
0x262: {  	v63 =	vld [tilespmem:s15+$0xB00]  }
0x263: {  	v14 =	vld [tilespmem:s15+$0x8B00]  }
0x264: {  	v13 =	vld [tilespmem:s15+$0xB10]  }
0x265: {  	v12 =	vld [tilespmem:s15+$0x8B10]  }
0x266: {  	v0 =	vld [tilespmem:s15+$0x9B0]  }
0x267: {  	v53 =	vld [tilespmem:s15+$0x89B0]  }
0x268: {  	v56 =	vld [tilespmem:s15+$0xA20]  }
0x269: {  	v58 =	vld [tilespmem:s15+$0x8A20]  }
0x26a: {  	v10 =	vld [tilespmem:s15+$0xA80]  }
0x26b: {  	v8 =	vld [tilespmem:s15+$0x8A80]  }
0x26c: {  	v6 =	vld [tilespmem:s15+$0xA90]  }
0x26d: {  	v4 =	vld [tilespmem:s15+$0x8A90]  }
0x26e: {  	v54 =	vld [tilespmem:s15+$0x930]  }
0x26f: {  	v55 =	vld [tilespmem:s15+$0x8930]  }
0x270: {  	v45 =	vld [tilespmem:s15+$0x9A0]  }
0x271: {  	v15 =	vld [tilespmem:s15+$0x89A0]  }
0x272: {  	v3 =	vld [tilespmem:s15+$0xA00]  }
0x273: {  	v2 =	vld [tilespmem:s15+$0x8A00]  }
0x274: {  	v1 =	vld [tilespmem:s15+$0xA10]  }
0x275: {  	v5 =	vld [tilespmem:s15+$0x8B0]  }
0x276: {  	v26 =	vld [tilespmem:s15+$0x88B0]  }
0x277: {  	v30 =	vld [tilespmem:s15+$0x920]  }
0x278: {  	v25 =	vld [tilespmem:s15+$0x8920]  }
0x279: {  	v11 =	vld [tilespmem:s15+$0x980]  }
0x27a: {  	v9 =	vld [tilespmem:s15+$0x8980]  }
0x27b: {  	v7 =	vld [tilespmem:s15+$0x990]  }
0x27c: {  	v18 =	vld [tilespmem:s15+$0x830]  }
0x27d: {  	v23 =	vld [tilespmem:s15+$0x8A0]  }
0x27e: {  	v40 =	vld [tilespmem:s15+$0x88A0]  }
0x27f: {  	v22 =	vld [tilespmem:s15+$0x900]  }
0x280: {  	v39 =	vld [tilespmem:s15+$0x8900]  }
0x281: {  	v41 =	vld [tilespmem:s15+$0x910]  }
0x282: {  	v44 =	vld [tilespmem:s15+$0x8910]  }
0x283: {  	v33 =	vld [tilespmem:s15+$0x820]  }
0x284: {  	v34 =	vld [tilespmem:s15+$0x8820]  }
0x285: {  	v46 =	vld [tilespmem:s15+$0x880]  }
0x286: {  	v47 =	vld [tilespmem:s15+$0x8880]  }
0x287: {  	v49 =	vld [tilespmem:s15+$0x890]  }
0x288: {  	v50 =	vld [tilespmem:s15+$0x8890]  }
0x289: {  	v35 =	vld [tilespmem:s15+$0x7A0]  }
0x28a: {  	v42 =	vld [tilespmem:s15+$0x87A0]  }
0x28b: {  	v52 =	vld [tilespmem:s15+$0x800]  }
0x28c: {  	v36 =	vld [tilespmem:s15+$0x720]  }
0x28d: {  	v37 =	vld [tilespmem:s15+$0x8720]  }
0x28e: {  	v62 =	vld [tilespmem:s15+$0x780]  }
0x28f: {  	[tilespmem:$0x1FCE0] =	vst v0;
	v0 =	vld [tilespmem:s15+$0x8A10]  }
0x290: {  	[tilespmem:$0x1FD20] =	vst v5;
	v5 =	vld [tilespmem:s15+$0x8990]  }
0x291: {  	[tilespmem:$0x1FD30] =	vst v18;
	v18 =	vld [tilespmem:s15+$0x8830]  }
0x292: {  	[tilespmem:$0x1FCF0] =	vst v53;
	v53 =	vld [tilespmem:s15+$0x8800]  }
0x293: {  	[tilespmem:$0x1FD00] =	vst v54;
	v54 =	vld [tilespmem:s15+$0x810]  }
0x294: {  	[tilespmem:$0x1FD10] =	vst v55;
	v55 =	vld [tilespmem:s15+$0x8810]  }
0x295: {  	v28 =	vmul.f32 v29, v28;
	v17 =	vmul.f32 v27, v17;
	v27 =	vld [tilespmem:s15+$0x790]  }
0x296: {  	v29 =	vmul.f32 v59, v57;
	v59 =	vmul.f32 v61, v60;
	v60 =	vld [tilespmem:s15+$0x8790]  }
0x297: {  	v16 =	vmul.f32 v19, v16;
	v19 =	vld [tilespmem:s15+$0x630]  }
0x298: {  	v14 =	vmul.f32 v14, v63;
	v63 =	vld [tilespmem:$0x1FFD0]  }
0x299: {  	v8 =	vmul.f32 v8, v10;
	v10 =	vld [tilespmem:s15+$0x6A0]  }
0x29a: {  	v51 =	vmul.f32 v51, v32;
	v12 =	vmul.f32 v12, v13;
	v32 =	vld [tilespmem:s15+$0x86A0]  }
0x29b: {  	v4 =	vmul.f32 v4, v6;
	v61 =	vmul.f32 v58, v56;
	v56 =	vld [tilespmem:s15+$0x8700]  }
0x29c: {  	v2 =	vmul.f32 v2, v3;
	[tilespmem:$0x1FD40] =	vst v18;
	v18 =	vld [tilespmem:s15+$0x7B0];
	v0 =	vmul.f32 v0, v1  }
0x29d: {  	v57 =	vld [tilespmem:s15+$0x5B0];
	v25 =	vmul.f32 v25, v30;
	v30 =	vmul.f32 v40, v23  }
0x29e: {  	v40 =	vmul.f32 v39, v22;
	v22 =	vld [tilespmem:s15+$0x430];
	v13 =	vadd.f32 v59, v29;
	v0 =	vadd.f32 v0, v2  }
0x29f: {  	v3 =	vadd.f32 v4, v8;
	v4 =	vmul.f32 v43, v38;
	v6 =	vadd.f32 v12, v14;
	v38 =	vld [tilespmem:$0x1FFC0]  }
0x2a0: {  	v23 =	vld [tilespmem:s15+$0x8430];
	v8 =	vmul.f32 v20, v21;
	v1 =	vadd.f32 v16, v13;
	v2 =	vadd.f32 v61, v0  }
0x2a1: {  	v3 =	vadd.f32 v4, v3;
	v6 =	vadd.f32 v51, v6;
	[tilespmem:$0x1FD50] =	vst v18;
	v18 =	vld [tilespmem:s15+$0x87B0]  }
0x2a2: {  	v4 =	vmul.f32 v24, v31;
	v1 =	vadd.f32 v17, v1;
	v2 =	vadd.f32 v8, v2;
	v8 =	vld [tilespmem:$0x1FFC0]  }
0x2a3: {  	v9 =	vmul.f32 v9, v11;
	v39 =	vld [tilespmem:s15+$0x8420];
	v5 =	vmul.f32 v5, v7  }
0x2a4: {  	v7 =	vld [tilespmem:$0x1FFC0];
	v3 =	vadd.f32 v4, v3;
	v4 =	vadd.f32 v28, v6;
	v6 =	vperm.xlane v1, v38  }
0x2a5: {  	v29 =	vld [tilespmem:s15+$0x8630]  }
0x2a6: {  	v59 =	vld [tilespmem:s15+$0x700];
	v5 =	vadd.f32 v5, v9;
	v1 =	vadd.f32 v1, v6;
	v6 =	vmul.f32 v15, v45  }
0x2a7: {  	[tilespmem:$0x1FD60] =	vst v18;
	v18 =	vld [tilespmem:s15+$0x730];
	v8 =	vperm.xlane v4, v8  }
0x2a8: {  	v5 =	vadd.f32 v6, v5;
	v6 =	vld [tilespmem:$0x1FCE0]  }
0x2a9: {  	v7 =	vperm.xlane v3, v7;
	v4 =	vadd.f32 v4, v8;
	v8 =	vld [tilespmem:$0x1FCF0]  }
0x2aa: {  	v43 =	vld [tilespmem:s15+$0x8620]  }
0x2ab: {  	v9 =	vld [tilespmem:$0x1FFC0];
	v3 =	vadd.f32 v3, v7;
	v7 =	vperm.xlane v1, v63;
	v11 =	vperm.xlane v4, v63  }
0x2ac: {  	[tilespmem:$0x1FD70] =	vst v18;
	v18 =	vld [tilespmem:s15+$0x8730]  }
0x2ad: {  	v1 =	vadd.f32 v1, v7;
	v7 =	vadd.f32 v4, v11;
	v4 =	vld [tilespmem:$0x1FFC0]  }
0x2ae: {  	v12 =	vld [tilespmem:s15+$0x690];
	v6 =	vmul.f32 v8, v6  }
0x2af: {  	v14 =	vld [tilespmem:$0x1FD00]  }
0x2b0: {  	v20 =	vld [tilespmem:s15+$0x610];
	v5 =	vadd.f32 v6, v5  }
0x2b1: {  	v9 =	vperm.xlane v2, v9;
	[tilespmem:$0x1FD80] =	vst v18;
	v18 =	vld [tilespmem:s15+$0x6B0]  }
0x2b2: {  	v21 =	vld [tilespmem:s15+$0x8610];
	v4 =	vperm.xlane v5, v4  }
0x2b3: {  	[tilespmem:$0x1FDB0] =	vst v19;
	v19 =	vld [tilespmem:$0x1FD10];
	v2 =	vadd.f32 v2, v9  }
0x2b4: {  	v51 =	vadd.f32 v5, v4;
	v4 =	vld [tilespmem:$0x1FFE0]  }
0x2b5: {  	v11 =	vld [tilespmem:$0x1FFE0];
	v6 =	vperm.xlane v2, v63  }
0x2b6: {  	v9 =	vperm.xlane v3, v63;
	[tilespmem:$0x1FD90] =	vst v18;
	v18 =	vld [tilespmem:s15+$0x86B0]  }
0x2b7: {  	v2 =	vadd.f32 v2, v6;
	v6 =	vld [tilespmem:$0x1FFE0]  }
0x2b8: {  	v3 =	vadd.f32 v3, v9;
	v9 =	vld [tilespmem:$0x1FFE0]  }
0x2b9: {  	v58 =	vperm.xlane v2, v4;
	v4 =	vld [tilespmem:$0x1FD20]  }
0x2ba: {  	v24 =	vld [tilespmem:s15+$0x710]  }
0x2bb: {  	v11 =	vperm.xlane v7, v11;
	[tilespmem:$0x1FDA0] =	vst v18;
	v18 =	vld [tilespmem:s15+$0x8780]  }
0x2bc: {  	v31 =	vld [tilespmem:s15+$0x8710];
	v27 =	vmul.f32 v60, v27;
	v6 =	vperm.xlane v1, v6  }
0x2bd: {  	v13 =	vld [tilespmem:s15+$0x8690];
	v28 =	vmul.f32 v19, v14;
	v9 =	vperm.xlane v3, v9;
	v5 =	vadd.f32 v7, v11  }
0x2be: {  	v16 =	vld [tilespmem:s15+$0x600];
	v7 =	vmul.f32 v47, v46;
	v26 =	vmul.f32 v26, v4;
	v4 =	vadd.f32 v1, v6  }
0x2bf: {  	v60 =	vld [tilespmem:$0x1FFE0];
	v6 =	vadd.f32 v3, v9;
	v3 =	vmul.f32 v53, v52;
	v9 =	vmul.f32 v55, v54  }
0x2c0: {  	v17 =	vld [tilespmem:s15+$0x85A0];
	v11 =	vmul.f32 v50, v49;
	v55 =	vmul.f32 v18, v62  }
0x2c1: {  	v38 =	vld [tilespmem:s15+$0x620];
	v14 =	vmul.f32 v44, v41;
	v3 =	vadd.f32 v9, v3;
	v9 =	vmul.f32 v34, v33  }
0x2c2: {  	v7 =	vadd.f32 v11, v7;
	v11 =	vadd.f32 v27, v55;
	v27 =	vld [tilespmem:$0x1FD40]  }
0x2c3: {  	v1 =	vadd.f32 v14, v40;
	v3 =	vadd.f32 v9, v3;
	v9 =	vld [tilespmem:$0x1FD30]  }
0x2c4: {  	v0 =	vld [tilespmem:s15+$0x8680]  }
0x2c5: {  	v24 =	vmul.f32 v31, v24;
	v31 =	vld [tilespmem:s15+$0x420];
	v1 =	vadd.f32 v25, v1;
	v25 =	vmul.f32 v42, v35  }
0x2c6: {  	v19 =	vld [tilespmem:s15+$0x8600]  }
0x2c7: {  	v11 =	vadd.f32 v25, v11;
	v25 =	vld [tilespmem:$0x1FD50]  }
0x2c8: {  	v9 =	vmul.f32 v27, v9;
	v27 =	vld [tilespmem:$0x1FD60]  }
0x2c9: {  	v41 =	vld [tilespmem:s15+$0x8400]  }
0x2ca: {  	v7 =	vadd.f32 v30, v7;
	v62 =	vld [tilespmem:$0x1FFC0]  }
0x2cb: {  	v44 =	vld [tilespmem:s15+$0x410]  }
0x2cc: {  	v45 =	vld [tilespmem:s15+$0x680];
	v7 =	vadd.f32 v26, v7;
	v26 =	vmul.f32 v56, v59  }
0x2cd: {  	v15 =	vld [tilespmem:s15+$0x5A0];
	v25 =	vmul.f32 v27, v25  }
0x2ce: {  	v8 =	vld [tilespmem:s15+$0x530];
	v24 =	vadd.f32 v24, v26;
	v26 =	vmul.f32 v37, v36  }
0x2cf: {  	v47 =	vld [tilespmem:s15+$0x8410];
	v3 =	vadd.f32 v9, v3;
	v9 =	vadd.f32 v25, v11;
	v11 =	vperm.xlane v7, v62  }
0x2d0: {  	v49 =	vld [tilespmem:s15+$0x480]  }
0x2d1: {  	v7 =	vadd.f32 v7, v11;
	v11 =	vadd.f32 v26, v24;
	v24 =	vld [tilespmem:$0x1FD70]  }
0x2d2: {  	v26 =	vld [tilespmem:$0x1FD80]  }
0x2d3: {  	v30 =	vld [tilespmem:s15+$0x8590]  }
0x2d4: {  	v14 =	vld [tilespmem:s15+$0x4B0];
	v1 =	vadd.f32 v28, v1  }
0x2d5: {  	v40 =	vld [tilespmem:s15+$0x510];
	v59 =	vperm.xlane v9, v62  }
0x2d6: {  	v18 =	vld [tilespmem:s15+$0x520];
	v28 =	vperm.xlane v3, v62;
	v27 =	vperm.xlane v1, v62  }
0x2d7: {  	v33 =	vld [tilespmem:s15+$0x580];
	v9 =	vadd.f32 v9, v59;
	v24 =	vmul.f32 v26, v24  }
0x2d8: {  	v61 =	vperm.xlane v51, v63;
	v35 =	vld [tilespmem:s15+$0x8580];
	v3 =	vadd.f32 v3, v28;
	v1 =	vadd.f32 v1, v27  }
0x2d9: {  	v34 =	vld [tilespmem:s15+$0x590];
	v28 =	vperm.xlane v9, v63;
	v26 =	vperm.xlane v7, v63;
	v11 =	vadd.f32 v24, v11  }
0x2da: {  	v53 =	vadd.f32 v51, v61;
	v42 =	vld [tilespmem:s15+$0x400];
	v27 =	vperm.xlane v1, v63;
	v24 =	vperm.xlane v3, v63  }
0x2db: {  	v50 =	vadd.f32 v9, v28;
	v9 =	vld [tilespmem:$0x1FD90];
	v51 =	vadd.f32 v7, v26;
	v7 =	vperm.xlane v11, v62  }
0x2dc: {  	v1 =	vadd.f32 v1, v27;
	v52 =	vadd.f32 v3, v24;
	v24 =	vld [tilespmem:$0x1FDA0]  }
0x2dd: {  	p0 =	sne.s32 s16, $0x1E000;
	v27 =	vmul.f32 v43, v38;
	v38 =	vmul.f32 v0, v45;
	v46 =	vadd.f32 v11, v7;
	v7 =	vld [tilespmem:$0x1FDB0]  }
.Ltmp2:
0x2de: {  	v36 =	vld [tilespmem:s15+$0x500];
	v61 =	vperm.xlane v1, v60;
	v28 =	vmul.f32 v32, v10;
	(pc) =	sbr.rel @p0 .LBB2_6-.Ltmp2, $4  }
0x2df: {  	v37 =	vld [tilespmem:s15+$0x8500];
	v55 =	vperm.xlane v50, v60;
	v3 =	vperm.xlane v53, v60  }
0x2e0: {  	v25 =	vld [tilespmem:s15+$0x4A0];
	v54 =	vperm.xlane v51, v60;
	v56 =	vperm.xlane v52, v60  }
0x2e1: {  	v10 =	vadd.f32 v53, v3;
	v53 =	vld [tilespmem:s15+$0x490];
	v11 =	vadd.f32 v1, v61;
	v32 =	vperm.xlane v46, v63  }
0x2e2: {  	s16 =	sadd.s32 $0x2000, s16;
	v24 =	vmul.f32 v24, v9;
	v9 =	vadd.f32 v2, v58;
	v26 =	vmul.f32 v29, v7;
	v29 =	vld [tilespmem:s15+$0x8480]  }
0x2e3: {  	v2 =	vmul.f32 v17, v15  }
0x2e4: {  	v1 =	vld [tilespmem:s15+$0x8490];
	v3 =	vmul.f32 v13, v12;
	v13 =	vmul.f32 v19, v16  }
0x2e5: {  	v7 =	vadd.f32 v51, v54;
	v51 =	vld [tilespmem:s15+$0x8510];
	v15 =	vmul.f32 v21, v20;
	v54 =	vmul.f32 v23, v22  }
0x2e6: {  	v16 =	vadd.f32 v52, v56;
	v56 =	vld [tilespmem:s15+$0x84A0];
	v58 =	vmul.f32 v35, v33;
	v59 =	vmul.f32 v39, v31  }
0x2e7: {  	v21 =	vadd.f32 v50, v55;
	v61 =	vld [tilespmem:s15+$0x8520];
	v30 =	vmul.f32 v30, v34;
	v43 =	vmul.f32 v41, v42  }
0x2e8: {  	v45 =	vmul.f32 v47, v44;
	v47 =	vld [tilespmem:s15+$0x84B0];
	v32 =	vadd.f32 v46, v32;
	v50 =	vmul.f32 v37, v36  }
0x2e9: {  	v3 =	vadd.f32 v3, v38;
	v29 =	vmul.f32 v29, v49;
	v49 =	vld [tilespmem:s15+$0x8530];
	v1 =	vmul.f32 v1, v53  }
0x2ea: {  	v13 =	vadd.f32 v15, v13;
	v52 =	vadd.f32 v45, v43;
	v12 =	vmul.f32 v51, v40;
	v51 =	vld [tilespmem:s15+$0x85B0]  }
0x2eb: {  	v20 =	vadd.f32 v30, v58;
	v19 =	vmul.f32 v56, v25;
	v1 =	vadd.f32 v1, v29  }
0x2ec: {  	v3 =	vadd.f32 v28, v3;
	v18 =	vmul.f32 v61, v18;
	v12 =	vadd.f32 v12, v50  }
0x2ed: {  	v15 =	vadd.f32 v59, v52;
	v14 =	vmul.f32 v47, v14;
	v1 =	vadd.f32 v19, v1  }
0x2ee: {  	v2 =	vadd.f32 v2, v20;
	v12 =	vadd.f32 v18, v12;
	v8 =	vmul.f32 v49, v8  }
0x2ef: {  	v15 =	vadd.f32 v54, v15;
	v0 =	vmul.f32 v51, v57;
	v1 =	vadd.f32 v14, v1  }
0x2f0: {  	v53 =	vadd.f32 v27, v13;
	v54 =	vperm.xlane v32, v60;
	v8 =	vadd.f32 v8, v12  }
0x2f1: {  	v55 =	vperm.xlane v15, v62;
	v0 =	vadd.f32 v0, v2;
	v56 =	vperm.xlane v1, v62  }
0x2f2: {  	v3 =	vadd.f32 v24, v3;
	v12 =	vadd.f32 v26, v53;
	v57 =	vperm.xlane v8, v62  }
0x2f3: {  	v14 =	vadd.f32 v15, v55;
	v58 =	vperm.xlane v0, v62;
	v1 =	vadd.f32 v1, v56  }
0x2f4: {  	v61 =	vperm.xlane v3, v62;
	v59 =	vperm.xlane v12, v62;
	v2 =	vadd.f32 v8, v57  }
0x2f5: {  	v22 =	vperm.xlane v14, v63;
	v0 =	vadd.f32 v0, v58;
	v23 =	vperm.xlane v1, v63  }
0x2f6: {  	v3 =	vadd.f32 v3, v61;
	v8 =	vadd.f32 v12, v59;
	v24 =	vperm.xlane v2, v63  }
0x2f7: {  	v25 =	vadd.f32 v14, v22;
	v26 =	vperm.xlane v0, v63;
	v1 =	vadd.f32 v1, v23  }
0x2f8: {  	v17 =	vperm.xlane v3, v63;
	v27 =	vperm.xlane v8, v63;
	v2 =	vadd.f32 v2, v24  }
0x2f9: {  	v18 =	vperm.xlane v25, v60;
	v0 =	vadd.f32 v0, v26;
	v19 =	vperm.xlane v1, v60  }
0x2fa: {  	v3 =	vadd.f32 v3, v17;
	v8 =	vadd.f32 v8, v27;
	v28 =	vperm.xlane v2, v60  }
0x2fb: {  	v12 =	vadd.f32 v25, v18;
	v29 =	vperm.xlane v0, v60;
	v1 =	vadd.f32 v1, v19  }
0x2fc: {  	v17 =	vperm.xlane v3, v60;
	v30 =	vperm.xlane v8, v60;
	v2 =	vadd.f32 v2, v28  }
0x2fd: {  	v18 =	vperm.xlane v12, v48;
	v0 =	vadd.f32 v0, v29;
	v19 =	vperm.xlane v1, v48  }
0x2fe: {  	v3 =	vadd.f32 v3, v17;
	v8 =	vadd.f32 v8, v30;
	v31 =	vperm.xlane v2, v48  }
0x2ff: {  	v12 =	vadd.f32 v12, v18;
	v33 =	vperm.xlane v0, v48;
	v1 =	vadd.f32 v1, v19  }
0x300: {  	v13 =	vadd.f32 v32, v54;
	v34 =	vperm.xlane v8, v48;
	v2 =	vadd.f32 v2, v31  }
0x301: {  	v35 =	vperm.xlane v3, v48;
	v0 =	vadd.f32 v0, v33;
	v1 =	vsel vm0, v12, v1  }
0x302: {  	v37 =	vperm.xlane v13, v48;
	v36 =	vadd.f32 v8, v34;
	v1 =	vsel vm1, v1, v2  }
0x303: {  	v39 =	vperm.xlane v21, v48;
	v38 =	vadd.f32 v3, v35;
	v0 =	vsel vm2, v1, v0  }
0x304: {  	v41 =	vperm.xlane v16, v48;
	v40 =	vadd.f32 v13, v37;
	v0 =	vsel vm3, v0, v36  }
0x305: {  	v43 =	vperm.xlane v7, v48;
	v42 =	vadd.f32 v21, v39;
	v0 =	vsel vm4, v0, v38  }
0x306: {  	v45 =	vperm.xlane v11, v48;
	v44 =	vadd.f32 v16, v41;
	v0 =	vsel vm5, v0, v40  }
0x307: {  	v46 =	vadd.f32 v7, v43;
	v47 =	vperm.xlane v10, v48;
	v0 =	vsel vm6, v0, v42  }
0x308: {  	v50 =	vperm.xlane v9, v48;
	v49 =	vadd.f32 v11, v45;
	v0 =	vsel vm7, v0, v44  }
0x309: {  	v52 =	vperm.xlane v6, v48;
	v51 =	vadd.f32 v10, v47;
	v0 =	vsel vm8, v0, v46  }
0x30a: {  	v54 =	vperm.xlane v5, v48;
	v53 =	vadd.f32 v9, v50;
	v0 =	vsel vm9, v0, v49  }
0x30b: {  	v55 =	vadd.f32 v6, v52;
	v56 =	vperm.xlane v4, v48;
	v0 =	vsel vm10, v0, v51  }
0x30c: {  	v57 =	vadd.f32 v5, v54;
	v0 =	vsel vm11, v0, v53  }
0x30d: {  	v58 =	vadd.f32 v4, v56;
	v0 =	vsel vm12, v0, v55  }
0x30e: {  	v0 =	vsel vm13, v0, v57  }
0x30f: {  	s0 =	sadd.s32 $0x10, s14;
	v0 =	vsel vm14, v0, v58  }
0x310: {  	s21 =	simm.s32 $0x100;
	[tilespmem:s0+$0x0] =	vst v0  }
0x311: {  	s22 =	simm.s32 $0x300;
	v0 =	vld [tilespmem:s21+$0x0]  }
0x312: {  	v59 =	vld [tilespmem:s22+$0x0];
	_ =	sdelay $0x3  }
0x313: {  	v60 =	vshll.u32 v0, $0x4  }
0x314: {  	v61 =	vshll.u32 v59, $0x4;
	(v2sf) =	vpush v60, $0x0  }
0x315: {  	(v2sf) =	vpush v61, $0x0  }
0x316: {  	(v2sf) =	vpush v60, $0x1;
	_ =	sdelay $0x2  }
0x317: {  	(v2sf) =	vpush v61, $0x1;
	_ =	sdelay $0x1  }
0x318: {  	(v2sf) =	vpush v60, $0x2;
	_ =	sdelay $0x1  }
0x319: {  	(v2sf) =	vpush v61, $0x2;
	_ =	sdelay $0x1  }
0x31a: {  	(v2sf) =	vpush v60, $0x3  }
0x31b: {  	s14 =	simm.s32 $0x0;
	s3 =	simm.s32 $0x8400;
	s1 =	simm.s32 $0x680  }
0x31c: {  	s2 =	simm.s32 $0x880;
	s4 =	simm.s32 $0x400;
	s6 =	simm.s32 $0x600  }
0x31d: {  	s7 =	simm.s32 $0x580;
	s25 =	simm.s32 $0x480;
	s29 =	simm.s32 $0x8480  }
0x31e: {  	s16 =	simm.s32 $0x8500;
	s30 =	simm.s32 $0x8A00;
	s5 =	spop (v2sf);
	(v2sf) =	vpush v61, $0x3  }
0x31f: {  	s0 =	simm.s32 $0x8900;
	s5 =	sand.u32 $0x1FFFFFF0, s5;
	s8 =	spop (v2sf)  }
0x320: {  	s22 =	simm.s32 $0x8600;
	(v2sf) =	vpush v60, $0x4;
	s5 =	sadd.s32 s11, s5;
	s24 =	spop (v2sf)  }
0x321: {  	(v2sf) =	vpush v61, $0x4;
	[tilespmem:s4], [sflag:$0x1] =	stream.linear.gather [hbm4b:s5+s10], $0x80, $0x38;
	[tilespmem:$0x10600] =	vst v63  }
0x322: {  	s23 =	sand.u32 $0x1FFFFFF0, s8;
	s4 =	simm.s32 $0x8580;
	s8 =	sand.u32 $0x1FFFFFF0, s24  }
0x323: {  	s5 =	sadd.s32 s12, s23;
	s9 =	spop (v2sf);
	(v2sf) =	vpush v60, $0x5;
	s26 =	sadd.s32 s11, s8  }
0x324: {  	(v2sf) =	vpush v61, $0x5;
	[tilespmem:s3], [sflag:$0x1] =	stream.linear.gather [hbm4b:s5+s10], $0x80, $0x38;
	[tilespmem:$0x10600] =	vst v63  }
0x325: {  	s28 =	sand.u32 $0x1FFFFFF0, s9;
	s31 =	spop (v2sf);
	s9 =	simm.s32 $0x500  }
0x326: {  	(v2sf) =	vpush v60, $0x6;
	[tilespmem:s25], [sflag:$0x1] =	stream.linear.gather [hbm4b:s26+s10], $0x80, $0x38;
	[tilespmem:$0x10600] =	vst v63  }
0x327: {  	s8 =	sadd.s32 s12, s28;
	s5 =	sand.u32 $0x1FFFFFF0, s31;
	s13 =	spop (v2sf)  }
0x328: {  	[tilespmem:s29], [sflag:$0x1] =	stream.linear.gather [hbm4b:s8+s10], $0x80, $0x38;
	[tilespmem:$0x10600] =	vst v63  }
0x329: {  	s5 =	sadd.s32 s11, s5;
	s15 =	spop (v2sf);
	s8 =	sand.u32 $0x1FFFFFF0, s13  }
0x32a: {  	(v2sf) =	vpush v61, $0x6;
	[tilespmem:s9], [sflag:$0x1] =	stream.linear.gather [hbm4b:s5+s10], $0x80, $0x38;
	[tilespmem:$0x10600] =	vst v63  }
0x32b: {  	s28 =	simm.s32 $0x8680;
	s19 =	sand.u32 $0x1FFFFFF0, s15;
	s18 =	sadd.s32 s12, s8  }
0x32c: {  	[tilespmem:s16], [sflag:$0x1] =	stream.linear.gather [hbm4b:s18+s10], $0x80, $0x38;
	[tilespmem:$0x10600] =	vst v63  }
0x32d: {  	s31 =	simm.s32 $0x700;
	s21 =	sadd.s32 s11, s19;
	s20 =	spop (v2sf)  }
0x32e: {  	(v2sf) =	vpush v60, $0x7;
	[tilespmem:s7], [sflag:$0x1] =	stream.linear.gather [hbm4b:s21+s10], $0x80, $0x38;
	[tilespmem:$0x10600] =	vst v63  }
0x32f: {  	s15 =	simm.s32 $0xA80;
	s3 =	sand.u32 $0x1FFFFFF0, s20;
	s23 =	spop (v2sf)  }
0x330: {  	s19 =	simm.s32 $0x8700;
	(v2sf) =	vpush v61, $0x7;
	s3 =	sadd.s32 s12, s3;
	s24 =	spop (v2sf)  }
0x331: {  	(v2sf) =	vpush v60, $0x8;
	[tilespmem:s4], [sflag:$0x1] =	stream.linear.gather [hbm4b:s3+s10], $0x80, $0x38;
	[tilespmem:$0x10600] =	vst v63  }
0x332: {  	s7 =	sand.u32 $0x1FFFFFF0, s23;
	s26 =	sand.u32 $0x1FFFFFF0, s24;
	s29 =	spop (v2sf)  }
0x333: {  	s25 =	sadd.s32 s11, s7;
	(v2sf) =	vpush v61, $0x8;
	s4 =	sadd.s32 s12, s26;
	s7 =	spop (v2sf)  }
0x334: {  	(v2sf) =	vpush v60, $0x9;
	[tilespmem:s6], [sflag:$0x1] =	stream.linear.gather [hbm4b:s25+s10], $0x80, $0x38;
	[tilespmem:$0x10600] =	vst v63  }
0x335: {  	s6 =	sand.u32 $0x1FFFFFF0, s29;
	s8 =	spop (v2sf);
	s25 =	simm.s32 $0x8780  }
0x336: {  	(v2sf) =	vpush v61, $0x9;
	[tilespmem:s22], [sflag:$0x1] =	stream.linear.gather [hbm4b:s4+s10], $0x80, $0x38;
	[tilespmem:$0x10600] =	vst v63  }
0x337: {  	s5 =	sadd.s32 s11, s6;
	s6 =	sand.u32 $0x1FFFFFF0, s7;
	s13 =	sand.u32 $0x1FFFFFF0, s8;
	(v2sf) =	vpush v60, $0xA  }
0x338: {  	[tilespmem:s1], [sflag:$0x1] =	stream.linear.gather [hbm4b:s5+s10], $0x80, $0x38;
	[tilespmem:$0x10600] =	vst v63  }
0x339: {  	s7 =	simm.s32 $0x8A80;
	s16 =	spop (v2sf);
	s9 =	sadd.s32 s12, s6;
	(v2sf) =	vpush v61, $0xA  }
0x33a: {  	[tilespmem:s28], [sflag:$0x1] =	stream.linear.gather [hbm4b:s9+s10], $0x80, $0x38;
	[tilespmem:$0x10600] =	vst v63  }
0x33b: {  	s8 =	simm.s32 $0x8880;
	s18 =	sadd.s32 s11, s13;
	s3 =	sand.u32 $0x1FFFFFF0, s16  }
0x33c: {  	[tilespmem:s31], [sflag:$0x1] =	stream.linear.gather [hbm4b:s18+s10], $0x80, $0x38;
	[tilespmem:$0x10600] =	vst v63  }
0x33d: {  	s22 =	simm.s32 $0x780;
	s3 =	sadd.s32 s12, s3;
	s20 =	spop (v2sf)  }
0x33e: {  	[tilespmem:s19], [sflag:$0x1] =	stream.linear.gather [hbm4b:s3+s10], $0x80, $0x38;
	[tilespmem:$0x10600] =	vst v63  }
0x33f: {  	s13 =	simm.s32 $0x900;
	(v2sf) =	vpush v60, $0xB;
	s5 =	sand.u32 $0x1FFFFFF0, s20;
	s21 =	spop (v2sf)  }
0x340: {  	s1 =	simm.s32 $0x8980;
	s23 =	sadd.s32 s11, s5;
	s26 =	spop (v2sf)  }
0x341: {  	(v2sf) =	vpush v61, $0xB;
	[tilespmem:s22], [sflag:$0x1] =	stream.linear.gather [hbm4b:s23+s10], $0x80, $0x38;
	[tilespmem:$0x10600] =	vst v63  }
0x342: {  	s28 =	simm.s32 $0x800;
	s24 =	sand.u32 $0x1FFFFFF0, s21;
	s29 =	spop (v2sf)  }
0x343: {  	s5 =	sadd.s32 s12, s24;
	s4 =	sand.u32 $0x1FFFFFF0, s26;
	s31 =	spop (v2sf)  }
0x344: {  	[tilespmem:s25], [sflag:$0x1] =	stream.linear.gather [hbm4b:s5+s10], $0x80, $0x38;
	[tilespmem:$0x10600] =	vst v63  }
0x345: {  	(v2sf) =	vpush v60, $0xC;
	s4 =	sadd.s32 s11, s4;
	s5 =	sand.u32 $0x1FFFFFF0, s29;
	s9 =	spop (v2sf)  }
0x346: {  	s6 =	sand.u32 $0x1FFFFFF0, s31;
	s25 =	simm.s32 $0x980;
	s16 =	spop (v2sf)  }
0x347: {  	(v2sf) =	vpush v61, $0xC;
	[tilespmem:s28], [sflag:$0x1] =	stream.linear.gather [hbm4b:s4+s10], $0x80, $0x38;
	[tilespmem:$0x10600] =	vst v63  }
0x348: {  	s5 =	sadd.s32 s12, s5;
	s4 =	simm.s32 $0x8800;
	s18 =	spop (v2sf)  }
0x349: {  	[tilespmem:s4], [sflag:$0x1] =	stream.linear.gather [hbm4b:s5+s10], $0x80, $0x38;
	[tilespmem:$0x10600] =	vst v63  }
0x34a: {  	s20 =	sand.u32 $0x1FFFFFF0, s18;
	s5 =	sadd.s32 s11, s6;
	s4 =	sand.u32 $0x1FFFFFF0, s9  }
0x34b: {  	[tilespmem:s2], [sflag:$0x1] =	stream.linear.gather [hbm4b:s5+s10], $0x80, $0x38;
	[tilespmem:$0x10600] =	vst v63  }
0x34c: {  	s18 =	simm.s32 $0x110;
	s4 =	sadd.s32 s12, s4;
	s5 =	sand.u32 $0x1FFFFFF0, s16  }
0x34d: {  	[tilespmem:s8], [sflag:$0x1] =	stream.linear.gather [hbm4b:s4+s10], $0x80, $0x38;
	[tilespmem:$0x10600] =	vst v63  }
0x34e: {  	s22 =	sadd.s32 s12, s20;
	s19 =	sadd.s32 s11, s5;
	s21 =	spop (v2sf)  }
0x34f: {  	[tilespmem:s13], [sflag:$0x1] =	stream.linear.gather [hbm4b:s19+s10], $0x80, $0x38;
	[tilespmem:$0x10600] =	vst v63  }
0x350: {  	s20 =	simm.s32 $0x8B00;
	s23 =	sand.u32 $0x1FFFFFF0, s21;
	s24 =	spop (v2sf)  }
0x351: {  	(v2sf) =	vpush v60, $0xD;
	[tilespmem:s0], [sflag:$0x1] =	stream.linear.gather [hbm4b:s22+s10], $0x80, $0x38;
	[tilespmem:$0x10600] =	vst v63  }
0x352: {  	s19 =	simm.s32 $0x310;
	(v2sf) =	vpush v61, $0xD;
	s26 =	sadd.s32 s11, s23;
	s28 =	sand.u32 $0x1FFFFFF0, s24  }
0x353: {  	(v2sf) =	vpush v60, $0xE;
	[tilespmem:s25], [sflag:$0x1] =	stream.linear.gather [hbm4b:s26+s10], $0x80, $0x38;
	[tilespmem:$0x10600] =	vst v63  }
0x354: {  	s21 =	simm.s32 $0xB00;
	s29 =	sadd.s32 s12, s28;
	(v2sf) =	vpush v61, $0xE;
	s31 =	spop (v2sf)  }
0x355: {  	(v2sf) =	vpush v60, $0xF;
	[tilespmem:s1], [sflag:$0x1] =	stream.linear.gather [hbm4b:s29+s10], $0x80, $0x38;
	[tilespmem:$0x10600] =	vst v63  }
0x356: {  	s22 =	simm.s32 $0xA00;
	s0 =	sand.u32 $0x1FFFFFF0, s31;
	(v2sf) =	vpush v61, $0xF;
	s1 =	spop (v2sf)  }
.LBB2_8:
0x357: {  	_ =	sdelay $0x4  }
0x358: {  	s0 =	sadd.s32 s11, s0;
	s1 =	sand.u32 $0x1FFFFFF0, s1  }
0x359: {  	[tilespmem:s22], [sflag:$0x1] =	stream.linear.gather [hbm4b:s0+s10], $0x80, $0x38;
	[tilespmem:$0x10600] =	vst v63  }
0x35a: {  	s16 =	sadd.s32 s12, s1  }
0x35b: {  	[tilespmem:s30], [sflag:$0x1] =	stream.linear.gather [hbm4b:s16+s10], $0x80, $0x38;
	[tilespmem:$0x10600] =	vst v63  }
0x35c: {  	s2 =	spop (v2sf)  }
0x35d: {  	s22 =	sand.u32 $0x1FFFFFF0, s2;
	s23 =	spop (v2sf)  }
0x35e: {  	s24 =	sadd.s32 s11, s22;
	s25 =	sand.u32 $0x1FFFFFF0, s23;
	s26 =	spop (v2sf)  }
0x35f: {  	[tilespmem:s15], [sflag:$0x1] =	stream.linear.gather [hbm4b:s24+s10], $0x80, $0x38;
	[tilespmem:$0x10600] =	vst v63  }
0x360: {  	s28 =	sadd.s32 s12, s25;
	s29 =	sand.u32 $0x1FFFFFF0, s26;
	s31 =	spop (v2sf)  }
0x361: {  	[tilespmem:s7], [sflag:$0x1] =	stream.linear.gather [hbm4b:s28+s10], $0x80, $0x38;
	[tilespmem:$0x10600] =	vst v63  }
0x362: {  	s1 =	sadd.s32 s11, s29;
	s3 =	sand.u32 $0x1FFFFFF0, s31;
	s4 =	spop (v2sf)  }
0x363: {  	[tilespmem:s21], [sflag:$0x1] =	stream.linear.gather [hbm4b:s1+s10], $0x80, $0x38;
	[tilespmem:$0x10600] =	vst v63  }
0x364: {  	s5 =	sadd.s32 s12, s3;
	s6 =	sand.u32 $0x1FFFFFF0, s4;
	s7 =	spop (v2sf)  }
0x365: {  	[tilespmem:s20], [sflag:$0x1] =	stream.linear.gather [hbm4b:s5+s10], $0x80, $0x38;
	[tilespmem:$0x10600] =	vst v63  }
0x366: {  	s8 =	sadd.s32 $0xB80, s14;
	s2 =	sand.u32 $0x1FFFFFF0, s7;
	s1 =	sadd.s32 s11, s6  }
0x367: {  	[tilespmem:s8], [sflag:$0x1] =	stream.linear.gather [hbm4b:s1+s10], $0x80, $0x38;
	[tilespmem:$0x10600] =	vst v63  }
0x368: {  	s9 =	sadd.s32 $0x8B80, s14;
	s11 =	sadd.s32 s12, s2  }
0x369: {  	[tilespmem:s9], [sflag:$0x1] =	stream.linear.gather [hbm4b:s11+s10], $0x80, $0x38;
	[tilespmem:$0x10600] =	vst v63  }
0x36a: {  	v0 =	vld [tilespmem:s18+$0x0];
	_ =	sdelay $0x1  }
0x36b: {  	v1 =	vld [tilespmem:s19+$0x0];
	_ =	sdelay $0x2  }
0x36c: {  	v5 =	vshll.u32 v0, $0x4  }
0x36d: {  	(v2sf) =	vpush v5, $0x0  }
0x36e: {  	v4 =	vshll.u32 v1, $0x4  }
0x36f: {  	(v2sf) =	vpush v4, $0x0  }
0x370: {  	p0 =	sne.s32 s17, $0x1E000;
	s12 =	smov.u32 s17  }
0x371: {  	s16 =	simm.s32 $0x0;
	s28 =	rddreg [dreg:$0x5];
	s14 =	sshra.s32 s12, $0x2  }
0x372: {  	s17 =	sadd.s32 $0x2000, s17;
	s3 =	sadd.s32 $0x8400, s14;
	s31 =	sadd.s32 $0x680, s14;
	(v2sf) =	vpush v5, $0x1  }
0x373: {  	s0 =	sadd.s32 $0x880, s14;
	s25 =	sadd.s32 $0x400, s14;
	s13 =	sadd.s32 $0x8900, s14  }
0x374: {  	s12 =	sadd.s32 $0x8580, s14;
	s30 =	sadd.s32 $0x8A00, s14;
	s24 =	sadd.s32 $0x500, s14  }
0x375: {  	s4 =	sadd.s32 $0x8480, s14;
	s6 =	sadd.s32 $0x700, s14;
	[dreg:$0xc] =	wrdreg s0;
	(v2sf) =	vpush v4, $0x1  }
0x376: {  	s15 =	sadd.s32 $0x8980, s14;
	s7 =	sadd.s32 $0x8A80, s14;
	[dreg:$0x8] =	wrdreg s13  }
0x377: {  	s5 =	sadd.s32 $0x8700, s14;
	s20 =	sadd.s32 $0x8880, s14;
	[dreg:$0xa] =	wrdreg s15  }
0x378: {  	s21 =	sadd.s32 $0x900, s14;
	s22 =	sadd.s32 $0x8800, s14;
	[dreg:$0x10] =	wrdreg s20;
	(v2sf) =	vpush v5, $0x2  }
0x379: {  	s2 =	sadd.s32 $0x8780, s14;
	s23 =	sadd.s32 $0x800, s14;
	[dreg:$0xe] =	wrdreg s21;
	(v2sf) =	vpush v4, $0x2  }
0x37a: {  	s0 =	sadd.s32 $0xA80, s14;
	s13 =	sadd.s32 $0x8500, s14;
	[dreg:$0x12] =	wrdreg s22  }
0x37b: {  	s22 =	sadd.s32 $0xA00, s14;
	s15 =	sadd.s32 $0x480, s14;
	[dreg:$0x14] =	wrdreg s23;
	(v2sf) =	vpush v5, $0x3  }
0x37c: {  	s21 =	sadd.s32 $0xB00, s14;
	s20 =	sadd.s32 $0x8B00, s14;
	s29 =	spop (v2sf)  }
0x37d: {  	s8 =	sadd.s32 $0x600, s14;
	s1 =	sadd.s32 $0x8680, s14;
	(v2sf) =	vpush v4, $0x3;
	s23 =	sand.u32 $0x1FFFFFF0, s29  }
0x37e: {  	s10 =	sadd.s32 $0x580, s14;
	s26 =	spop (v2sf);
	s23 =	sadd.s32 s28, s23  }
0x37f: {  	[tilespmem:s25], [sflag:$0x1] =	stream.linear.gather [hbm4b:s23+s16], $0x80, $0x38;
	[tilespmem:$0x10600] =	vst v63  }
0x380: {  	s9 =	sadd.s32 $0x8600, s14;
	(v2sf) =	vpush v5, $0x4;
	s26 =	sand.u32 $0x1FFFFFF0, s26;
	s25 =	rddreg [dreg:$0x6]  }
0x381: {  	s11 =	sadd.s32 $0x780, s14;
	s28 =	spop (v2sf);
	s23 =	sadd.s32 s25, s26  }
0x382: {  	[tilespmem:s3], [sflag:$0x1] =	stream.linear.gather [hbm4b:s23+s16], $0x80, $0x38;
	[tilespmem:$0x10600] =	vst v63  }
0x383: {  	s18 =	sadd.s32 $0x10, s18;
	s26 =	sand.u32 $0x1FFFFFF0, s28;
	s23 =	rddreg [dreg:$0x5]  }
0x384: {  	(v2sf) =	vpush v4, $0x4;
	s28 =	spop (v2sf);
	s25 =	rddreg [dreg:$0x5];
	s3 =	sadd.s32 s23, s26  }
0x385: {  	(v2sf) =	vpush v5, $0x5;
	[tilespmem:s15], [sflag:$0x1] =	stream.linear.gather [hbm4b:s3+s16], $0x80, $0x38;
	[tilespmem:$0x10600] =	vst v63  }
0x386: {  	s19 =	sadd.s32 $0x10, s19;
	s26 =	sand.u32 $0x1FFFFFF0, s28;
	s15 =	rddreg [dreg:$0x6]  }
0x387: {  	(v2sf) =	vpush v4, $0x5;
	s28 =	spop (v2sf);
	s23 =	rddreg [dreg:$0x6];
	s3 =	sadd.s32 s15, s26  }
0x388: {  	s26 =	sand.u32 $0x1FFFFFF0, s28;
	s28 =	spop (v2sf);
	s15 =	smov.u32 s0  }
0x389: {  	(v2sf) =	vpush v5, $0x6;
	[tilespmem:s4], [sflag:$0x1] =	stream.linear.gather [hbm4b:s3+s16], $0x80, $0x38;
	[tilespmem:$0x10600] =	vst v63  }
0x38a: {  	s3 =	sadd.s32 s25, s26;
	s26 =	sand.u32 $0x1FFFFFF0, s28;
	s28 =	spop (v2sf)  }
0x38b: {  	(v2sf) =	vpush v4, $0x6;
	[tilespmem:s24], [sflag:$0x1] =	stream.linear.gather [hbm4b:s3+s16], $0x80, $0x38;
	[tilespmem:$0x10600] =	vst v63  }
0x38c: {  	(v2sf) =	vpush v5, $0x7;
	s25 =	spop (v2sf);
	s3 =	sadd.s32 s23, s26;
	s26 =	rddreg [dreg:$0x5]  }
0x38d: {  	s24 =	sand.u32 $0x1FFFFFF0, s28;
	s28 =	sand.u32 $0x1FFFFFF0, s25;
	s23 =	rddreg [dreg:$0x6]  }
0x38e: {  	(v2sf) =	vpush v4, $0x7;
	[tilespmem:s13], [sflag:$0x1] =	stream.linear.gather [hbm4b:s3+s16], $0x80, $0x38;
	[tilespmem:$0x10600] =	vst v63  }
0x38f: {  	s0 =	spop (v2sf);
	s3 =	sadd.s32 s26, s24;
	s26 =	rddreg [dreg:$0x5]  }
0x390: {  	[tilespmem:s10], [sflag:$0x1] =	stream.linear.gather [hbm4b:s3+s16], $0x80, $0x38;
	[tilespmem:$0x10600] =	vst v63  }
0x391: {  	s24 =	sand.u32 $0x1FFFFFF0, s0;
	s3 =	sadd.s32 s23, s28;
	s23 =	rddreg [dreg:$0x5]  }
0x392: {  	[tilespmem:s12], [sflag:$0x1] =	stream.linear.gather [hbm4b:s3+s16], $0x80, $0x38;
	[tilespmem:$0x10600] =	vst v63  }
0x393: {  	(v2sf) =	vpush v5, $0x8;
	s10 =	simm.s32 $0x0;
	s25 =	spop (v2sf);
	s12 =	rddreg [dreg:$0x6]  }
0x394: {  	s3 =	sadd.s32 s26, s24;
	s28 =	sand.u32 $0x1FFFFFF0, s25;
	s0 =	spop (v2sf)  }
0x395: {  	(v2sf) =	vpush v4, $0x8;
	[tilespmem:s8], [sflag:$0x1] =	stream.linear.gather [hbm4b:s3+s16], $0x80, $0x38;
	[tilespmem:$0x10600] =	vst v63  }
0x396: {  	(v2sf) =	vpush v5, $0x9;
	s13 =	sand.u32 $0x1FFFFFF0, s0;
	s8 =	sadd.s32 s12, s28;
	s16 =	spop (v2sf)  }
0x397: {  	[tilespmem:s9], [sflag:$0x1] =	stream.linear.gather [hbm4b:s8+s10], $0x80, $0x38;
	[tilespmem:$0x10600] =	vst v63  }
0x398: {  	s3 =	sadd.s32 s23, s13;
	s24 =	sand.u32 $0x1FFFFFF0, s16;
	s25 =	spop (v2sf)  }
0x399: {  	[tilespmem:s31], [sflag:$0x1] =	stream.linear.gather [hbm4b:s3+s10], $0x80, $0x38;
	[tilespmem:$0x10600] =	vst v63  }
0x39a: {  	s29 =	sadd.s32 $0x980, s14;
	(v2sf) =	vpush v4, $0x9;
	s26 =	sadd.s32 s12, s24;
	s31 =	spop (v2sf)  }
0x39b: {  	s24 =	rddreg [dreg:$0x5];
	s28 =	sand.u32 $0x1FFFFFF0, s25;
	s9 =	spop (v2sf)  }
0x39c: {  	(v2sf) =	vpush v5, $0xA;
	[tilespmem:s1], [sflag:$0x1] =	stream.linear.gather [hbm4b:s26+s10], $0x80, $0x38;
	[tilespmem:$0x10600] =	vst v63  }
0x39d: {  	s8 =	sand.u32 $0x1FFFFFF0, s31;
	s1 =	rddreg [dreg:$0x5];
	s23 =	spop (v2sf)  }
0x39e: {  	(v2sf) =	vpush v4, $0xA;
	s13 =	sadd.s32 s12, s8;
	s0 =	sadd.s32 s1, s28;
	s25 =	sand.u32 $0x1FFFFFF0, s23  }
0x39f: {  	[tilespmem:s6], [sflag:$0x1] =	stream.linear.gather [hbm4b:s0+s10], $0x80, $0x38;
	[tilespmem:$0x10600] =	vst v63  }
0x3a0: {  	s16 =	sand.u32 $0x1FFFFFF0, s9;
	s28 =	sadd.s32 s12, s25;
	s25 =	rddreg [dreg:$0xc]  }
0x3a1: {  	[tilespmem:s5], [sflag:$0x1] =	stream.linear.gather [hbm4b:s13+s10], $0x80, $0x38;
	[tilespmem:$0x10600] =	vst v63  }
0x3a2: {  	(v2sf) =	vpush v5, $0xB;
	s26 =	spop (v2sf);
	s0 =	sadd.s32 s24, s16;
	s5 =	rddreg [dreg:$0x14]  }
0x3a3: {  	[tilespmem:s11], [sflag:$0x1] =	stream.linear.gather [hbm4b:s0+s10], $0x80, $0x38;
	[tilespmem:$0x10600] =	vst v63  }
0x3a4: {  	(v2sf) =	vpush v4, $0xB;
	s31 =	sand.u32 $0x1FFFFFF0, s26;
	s13 =	rddreg [dreg:$0x12];
	s1 =	spop (v2sf)  }
0x3a5: {  	(v2sf) =	vpush v5, $0xC;
	s11 =	rddreg [dreg:$0x5];
	s3 =	sand.u32 $0x1FFFFFF0, s1;
	s4 =	spop (v2sf)  }
0x3a6: {  	[tilespmem:s2], [sflag:$0x1] =	stream.linear.gather [hbm4b:s28+s10], $0x80, $0x38;
	[tilespmem:$0x10600] =	vst v63  }
0x3a7: {  	(v2sf) =	vpush v4, $0xC;
	s2 =	sadd.s32 s11, s31;
	s6 =	sadd.s32 s12, s3;
	s8 =	sand.u32 $0x1FFFFFF0, s4  }
0x3a8: {  	[tilespmem:s5], [sflag:$0x1] =	stream.linear.gather [hbm4b:s2+s10], $0x80, $0x38;
	[tilespmem:$0x10600] =	vst v63  }
0x3a9: {  	s4 =	rddreg [dreg:$0x10];
	s9 =	spop (v2sf);
	s16 =	sadd.s32 s11, s8  }
0x3aa: {  	[tilespmem:s13], [sflag:$0x1] =	stream.linear.gather [hbm4b:s6+s10], $0x80, $0x38;
	[tilespmem:$0x10600] =	vst v63  }
0x3ab: {  	s23 =	sand.u32 $0x1FFFFFF0, s9;
	s9 =	rddreg [dreg:$0xe];
	s24 =	spop (v2sf)  }
0x3ac: {  	[tilespmem:s25], [sflag:$0x1] =	stream.linear.gather [hbm4b:s16+s10], $0x80, $0x38;
	[tilespmem:$0x10600] =	vst v63  }
0x3ad: {  	s26 =	sadd.s32 s12, s23;
	s28 =	sand.u32 $0x1FFFFFF0, s24;
	s31 =	spop (v2sf)  }
0x3ae: {  	[tilespmem:s4], [sflag:$0x1] =	stream.linear.gather [hbm4b:s26+s10], $0x80, $0x38;
	[tilespmem:$0x10600] =	vst v63  }
0x3af: {  	s24 =	rddreg [dreg:$0x8];
	s5 =	sadd.s32 s11, s28;
	s6 =	sand.u32 $0x1FFFFFF0, s31  }
0x3b0: {  	[tilespmem:s9], [sflag:$0x1] =	stream.linear.gather [hbm4b:s5+s10], $0x80, $0x38;
	[tilespmem:$0x10600] =	vst v63  }
0x3b1: {  	s8 =	spop (v2sf);
	s31 =	rddreg [dreg:$0xa];
	s13 =	sadd.s32 s12, s6  }
0x3b2: {  	(v2sf) =	vpush v5, $0xD;
	[tilespmem:s24], [sflag:$0x1] =	stream.linear.gather [hbm4b:s13+s10], $0x80, $0x38;
	[tilespmem:$0x10600] =	vst v63  }
.Ltmp3:
0x3b3: {  	(v2sf) =	vpush v4, $0xD;
	s16 =	sand.u32 $0x1FFFFFF0, s8;
	s23 =	spop (v2sf);
	(pc) =	sbr.rel @p0 .LBB2_8-.Ltmp3, $4  }
0x3b4: {  	(v2sf) =	vpush v5, $0xE;
	s25 =	sadd.s32 s11, s16;
	s26 =	sand.u32 $0x1FFFFFF0, s23;
	s28 =	spop (v2sf)  }
0x3b5: {  	(v2sf) =	vpush v4, $0xE;
	[tilespmem:s29], [sflag:$0x1] =	stream.linear.gather [hbm4b:s25+s10], $0x80, $0x38;
	[tilespmem:$0x10600] =	vst v63  }
0x3b6: {  	(v2sf) =	vpush v5, $0xF;
	s0 =	sand.u32 $0x1FFFFFF0, s28;
	s1 =	spop (v2sf);
	s29 =	sadd.s32 s12, s26  }
0x3b7: {  	(v2sf) =	vpush v4, $0xF;
	[tilespmem:s31], [sflag:$0x1] =	stream.linear.gather [hbm4b:s29+s10], $0x80, $0x38;
	[tilespmem:$0x10600] =	vst v63  }
0x3b8: {  	_ =	sdelay $0x4  }
0x3b9: {  	s0 =	sadd.s32 s11, s0;
	s1 =	sand.u32 $0x1FFFFFF0, s1  }
0x3ba: {  	[tilespmem:s22], [sflag:$0x1] =	stream.linear.gather [hbm4b:s0+s10], $0x80, $0x38;
	[tilespmem:$0x10600] =	vst v63  }
0x3bb: {  	s5 =	sadd.s32 s12, s1  }
0x3bc: {  	[tilespmem:s30], [sflag:$0x1] =	stream.linear.gather [hbm4b:s5+s10], $0x80, $0x38;
	[tilespmem:$0x10600] =	vst v63  }
0x3bd: {  	s2 =	spop (v2sf)  }
0x3be: {  	s6 =	sand.u32 $0x1FFFFFF0, s2;
	s8 =	spop (v2sf)  }
0x3bf: {  	s9 =	sadd.s32 s11, s6;
	s13 =	sand.u32 $0x1FFFFFF0, s8;
	s16 =	spop (v2sf)  }
0x3c0: {  	[tilespmem:s15], [sflag:$0x1] =	stream.linear.gather [hbm4b:s9+s10], $0x80, $0x38;
	[tilespmem:$0x10600] =	vst v63  }
0x3c1: {  	s17 =	sadd.s32 s12, s13;
	s18 =	sand.u32 $0x1FFFFFF0, s16;
	s19 =	spop (v2sf)  }
0x3c2: {  	[tilespmem:s7], [sflag:$0x1] =	stream.linear.gather [hbm4b:s17+s10], $0x80, $0x38;
	[tilespmem:$0x10600] =	vst v63  }
0x3c3: {  	s22 =	sadd.s32 s11, s18;
	s23 =	sand.u32 $0x1FFFFFF0, s19;
	s24 =	spop (v2sf)  }
0x3c4: {  	[tilespmem:s21], [sflag:$0x1] =	stream.linear.gather [hbm4b:s22+s10], $0x80, $0x38;
	[tilespmem:$0x10600] =	vst v63  }
0x3c5: {  	s25 =	sadd.s32 s12, s23;
	s26 =	sand.u32 $0x1FFFFFF0, s24;
	s28 =	spop (v2sf)  }
0x3c6: {  	[tilespmem:s20], [sflag:$0x1] =	stream.linear.gather [hbm4b:s25+s10], $0x80, $0x38;
	[tilespmem:$0x10600] =	vst v63  }
0x3c7: {  	s29 =	sadd.s32 $0xB80, s14;
	s1 =	sadd.s32 s11, s26;
	s2 =	sand.u32 $0x1FFFFFF0, s28  }
0x3c8: {  	[tilespmem:s29], [sflag:$0x1] =	stream.linear.gather [hbm4b:s1+s10], $0x80, $0x38;
	[tilespmem:$0x10600] =	vst v63  }
0x3c9: {  	s30 =	sadd.s32 $0x8B80, s14;
	s31 =	sadd.s32 s12, s2;
	s1 =	simm.s32 $0x1  }
0x3ca: {  	[tilespmem:s30], [sflag:$0x1] =	stream.linear.gather [hbm4b:s31+s10], $0x80, $0x38;
	[tilespmem:$0x10600] =	vst v63  }
0x3cb: {  	_ =	swait.ge [sflag:s1], $0x80  }
0x3cc: {  	[sflag:s1] =	ssyncset.done $0x0  }
0x3cd: {  	[sflag:s1] =	ssyncadd.s32 $0xFFFFFF80  }
0x3ce: {  	_ =	swait.ge [sflag:s1], $0x80  }
0x3cf: {  	s0 =	simm.s32 $0xFF;
	[sflag:s1] =	ssyncset.done $0x0  }
.LBB2_10:
0x3d0: {  	p0 =	sne.s32 s0, $0x1;
	s0 =	sadd.s32 $0xFFFFFFFF, s0;
	[sflag:s1] =	ssyncadd.s32 $0xFFFFFF80  }
.Ltmp4:
0x3d1: {  	_ =	swait.ge [sflag:s1], $0x80;
	(pc) =	sbr.rel @p0 .LBB2_10-.Ltmp4, $4  }
0x3d2: {  	[sflag:s1] =	ssyncset.done $0x0  }
0x3d3: {  	[sflag:s1] =	ssyncadd.s32 $0xFFFFFF80  }
0x3d4: {  	_ =	swait.ge [sflag:s1], $0x80  }
0x3d5: {  	[sflag:s1] =	ssyncset.done $0x0  }
0x3d6: {  	[sflag:s1] =	ssyncadd.s32 $0xFFFFFF80;
	s13 =	simm.s32 $0x8800  }
0x3d7: {  	v4 =	vld [tilespmem:s13+$0x310]  }
0x3d8: {  	s14 =	simm.s32 $0x800;
	v16 =	vld [tilespmem:s13+$0x230]  }
0x3d9: {  	v18 =	vld [tilespmem:s14+$0x230]  }
0x3da: {  	v17 =	vld [tilespmem:s14+$0x310]  }
0x3db: {  	v5 =	vld [tilespmem:s13+$0x220]  }
0x3dc: {  	v6 =	vld [tilespmem:s14+$0x220]  }
0x3dd: {  	v0 =	vld [tilespmem:s13+$0x2B0]  }
0x3de: {  	v1 =	vld [tilespmem:s14+$0x2B0]  }
0x3df: {  	v2 =	vld [tilespmem:s13+$0x2A0]  }
0x3e0: {  	v3 =	vld [tilespmem:s14+$0x2A0]  }
0x3e1: {  	v27 =	vld [tilespmem:s13+$0x290]  }
0x3e2: {  	v34 =	vld [tilespmem:s14+$0x290]  }
0x3e3: {  	v7 =	vld [tilespmem:s13+$0x1A0]  }
0x3e4: {  	v25 =	vld [tilespmem:s13+$0x190]  }
0x3e5: {  	v26 =	vld [tilespmem:s14+$0x190]  }
0x3e6: {  	v21 =	vld [tilespmem:s13+$0xFFFFFFB0]  }
0x3e7: {  	v23 =	vld [tilespmem:s14+$0xFFFFFFB0]  }
0x3e8: {  	v19 =	vld [tilespmem:s13+$0x110]  }
0x3e9: {  	v22 =	vld [tilespmem:s13+$0xFFFFFC80]  }
0x3ea: {  	v24 =	vld [tilespmem:s14+$0xFFFFFC80]  }
0x3eb: {  	v11 =	vld [tilespmem:s13+$0xB0]  }
0x3ec: {  	v15 =	vld [tilespmem:s14+$0xB0]  }
0x3ed: {  	v35 =	vld [tilespmem:s13+$0xA0]  }
0x3ee: {  	v36 =	vld [tilespmem:s14+$0xA0]  }
0x3ef: {  	v28 =	vld [tilespmem:s14+$0x110]  }
0x3f0: {  	v10 =	vld [tilespmem:s13+$0x100]  }
0x3f1: {  	v37 =	vld [tilespmem:s14+$0x90]  }
0x3f2: {  	v38 =	vld [tilespmem:s13+$0x90]  }
0x3f3: {  	v39 =	vld [tilespmem:s13+$0x80]  }
0x3f4: {  	v40 =	vld [tilespmem:s14+$0x80]  }
0x3f5: {  	v12 =	vld [tilespmem:s13+$0x20]  }
0x3f6: {  	v31 =	vld [tilespmem:s13+$0xFFFFFC10]  }
0x3f7: {  	v32 =	vld [tilespmem:s14+$0xFFFFFC10]  }
0x3f8: {  	v29 =	vld [tilespmem:s13+$0x10]  }
0x3f9: {  	v30 =	vld [tilespmem:s14+$0x10]  }
0x3fa: {  	v13 =	vld [tilespmem:s13+$0x0]  }
0x3fb: {  	v41 =	vld [tilespmem:s13+$0xFFFFFF90]  }
0x3fc: {  	v42 =	vld [tilespmem:s14+$0xFFFFFF90]  }
0x3fd: {  	v14 =	vld [tilespmem:s13+$0xFFFFFF80]  }
0x3fe: {  	v43 =	vld [tilespmem:s14+$0xFFFFFDB0]  }
0x3ff: {  	v44 =	vld [tilespmem:s13+$0xFFFFFF30]  }
0x400: {  	v45 =	vld [tilespmem:s14+$0xFFFFFF30]  }
0x401: {  	v46 =	vld [tilespmem:s13+$0xFFFFFF20]  }
0x402: {  	v47 =	vld [tilespmem:s14+$0xFFFFFF20]  }
0x403: {  	v48 =	vld [tilespmem:s13+$0xFFFFFF10]  }
0x404: {  	v49 =	vld [tilespmem:s14+$0xFFFFFF10]  }
0x405: {  	v50 =	vld [tilespmem:s13+$0xFFFFFF00]  }
0x406: {  	v51 =	vld [tilespmem:s14+$0xFFFFFF00]  }
0x407: {  	v20 =	vld [tilespmem:s13+$0xFFFFFD30]  }
0x408: {  	v52 =	vld [tilespmem:s13+$0xFFFFFEB0]  }
0x409: {  	v53 =	vld [tilespmem:s14+$0xFFFFFEB0]  }
0x40a: {  	v54 =	vld [tilespmem:s13+$0xFFFFFEA0]  }
0x40b: {  	v55 =	vld [tilespmem:s14+$0xFFFFFEA0]  }
0x40c: {  	v56 =	vld [tilespmem:s13+$0xFFFFFE90]  }
0x40d: {  	v57 =	vld [tilespmem:s14+$0xFFFFFE90]  }
0x40e: {  	v58 =	vld [tilespmem:s13+$0xFFFFFE80]  }
0x40f: {  	v59 =	vld [tilespmem:s14+$0xFFFFFE80]  }
0x410: {  	v60 =	vld [tilespmem:s14+$0xFFFFFE30]  }
0x411: {  	v61 =	vld [tilespmem:s13+$0xFFFFFE20]  }
0x412: {  	v33 =	vld [tilespmem:s13+$0xFFFFFC30]  }
0x413: {  	v37 =	vmul.f32 v38, v37;
	v38 =	vmul.f32 v39, v40;
	v39 =	vld [tilespmem:s13+$0xFFFFFE30]  }
0x414: {  	v40 =	vmul.f32 v48, v49;
	v49 =	vld [tilespmem:s14+$0xFFFFFE20]  }
0x415: {  	v58 =	vmul.f32 v58, v59;
	v59 =	vld [tilespmem:s13+$0xFFFFFE00]  }
0x416: {  	v48 =	vmul.f32 v50, v51;
	v50 =	vmul.f32 v54, v55;
	v54 =	vld [tilespmem:s14+$0xFFFFFE00]  }
0x417: {  	v11 =	vmul.f32 v11, v15;
	v15 =	vmul.f32 v44, v45;
	v45 =	vld [tilespmem:s13+$0xFFFFFDA0]  }
0x418: {  	v27 =	vmul.f32 v27, v34;
	v34 =	vld [tilespmem:s14+$0xFFFFFD80]  }
0x419: {  	v41 =	vmul.f32 v41, v42;
	v42 =	vld [tilespmem:s13+$0xFFFFFC20]  }
0x41a: {  	v25 =	vmul.f32 v25, v26;
	v26 =	vld [tilespmem:s14+$0xFFFFFD00]  }
0x41b: {  	v35 =	vmul.f32 v35, v36;
	v57 =	vmul.f32 v56, v57;
	v36 =	vadd.f32 v37, v38;
	v38 =	vld [tilespmem:s13+$0xFFFFFE10]  }
0x41c: {  	v37 =	vmul.f32 v46, v47;
	v40 =	vadd.f32 v40, v48;
	v48 =	vld [tilespmem:s14+$0xFFFFFE10]  }
0x41d: {  	v22 =	vmul.f32 v22, v24;
	v24 =	vld [tilespmem:s14+$0xFFFFFCB0];
	v51 =	vadd.f32 v57, v58  }
0x41e: {  	v46 =	vld [tilespmem:s13+$0xFFFFFDB0];
	v35 =	vadd.f32 v35, v36;
	v37 =	vadd.f32 v37, v40  }
0x41f: {  	v55 =	vmul.f32 v52, v53;
	v16 =	vmul.f32 v16, v18;
	v56 =	vadd.f32 v50, v51;
	v40 =	vld [tilespmem:s14+$0xFFFFFD20]  }
0x420: {  	v36 =	vmul.f32 v59, v54;
	v11 =	vadd.f32 v11, v35;
	v35 =	vld [tilespmem:s13+$0xFFFFFD20];
	v15 =	vadd.f32 v15, v37  }
0x421: {  	v51 =	vld [tilespmem:$0x1FFE0];
	v49 =	vmul.f32 v61, v49;
	v37 =	vadd.f32 v55, v56;
	v38 =	vmul.f32 v38, v48  }
0x422: {  	v48 =	vld [tilespmem:s14+$0xFFFFFDA0];
	v57 =	vperm.xlane v11, v62;
	v58 =	vperm.xlane v15, v62  }
0x423: {  	v39 =	vmul.f32 v39, v60;
	v52 =	vperm.xlane v37, v62;
	v36 =	vadd.f32 v38, v36;
	v38 =	vld [tilespmem:s13+$0xFFFFFD90]  }
0x424: {  	v44 =	vadd.f32 v11, v57;
	v59 =	vadd.f32 v15, v58;
	v15 =	vmul.f32 v2, v3;
	v3 =	vld [tilespmem:s14+$0xFFFFFD90]  }
0x425: {  	v11 =	vmul.f32 v0, v1;
	v1 =	vadd.f32 v37, v52;
	v52 =	vld [tilespmem:$0x1FFF0];
	v35 =	vmul.f32 v35, v40  }
0x426: {  	v36 =	vadd.f32 v49, v36;
	v40 =	vmul.f32 v46, v43;
	v46 =	vld [tilespmem:s13+$0xFFFFFCA0];
	v53 =	vperm.xlane v44, v63  }
0x427: {  	v54 =	vperm.xlane v59, v63;
	v45 =	vmul.f32 v45, v48;
	v48 =	vld [tilespmem:s14+$0xFFFFFC00]  }
0x428: {  	v17 =	vmul.f32 v4, v17;
	v56 =	vperm.xlane v1, v63;
	v36 =	vadd.f32 v39, v36;
	v39 =	vld [tilespmem:s13+$0xFFFFFD10]  }
0x429: {  	v18 =	vmul.f32 v5, v6;
	v55 =	vadd.f32 v44, v53;
	v44 =	vld [tilespmem:s13+$0xFFFFFD80];
	v0 =	vadd.f32 v59, v54  }
0x42a: {  	v21 =	vmul.f32 v21, v23;
	v1 =	vadd.f32 v1, v56;
	v59 =	vld [tilespmem:s14+$0xFFFFFD10];
	v60 =	vperm.xlane v36, v62  }
0x42b: {  	v53 =	vld [tilespmem:s13+$0xFFFFFC00];
	v57 =	vperm.xlane v55, v51;
	v58 =	vperm.xlane v0, v51  }
0x42c: {  	v3 =	vmul.f32 v38, v3;
	v38 =	vld [tilespmem:s14+$0xFFFFFCA0];
	v61 =	vperm.xlane v1, v51;
	v36 =	vadd.f32 v36, v60  }
0x42d: {  	v23 =	vmul.f32 v31, v32;
	v60 =	vld [tilespmem:s13+$0xFFFFFC90];
	v37 =	vadd.f32 v55, v57;
	v0 =	vadd.f32 v0, v58  }
0x42e: {  	v1 =	vadd.f32 v1, v61;
	v61 =	vld [tilespmem:s14+$0xFFFFFC90];
	v34 =	vmul.f32 v44, v34;
	v58 =	vperm.xlane v36, v63  }
0x42f: {  	v44 =	vld [tilespmem:s13+$0xFFFFFD00];
	v2 =	vmul.f32 v39, v59;
	v56 =	vperm.xlane v37, v52  }
0x430: {  	v54 =	vld [tilespmem:s14+$0xFFFFFC20];
	v57 =	vperm.xlane v0, v52;
	v3 =	vadd.f32 v3, v34;
	v34 =	vadd.f32 v36, v58  }
0x431: {  	v47 =	vld [tilespmem:s13+$0xFFFFFCB0];
	v59 =	vperm.xlane v1, v52;
	v58 =	vmul.f32 v53, v48  }
0x432: {  	v4 =	vadd.f32 v37, v56;
	v56 =	vld [tilespmem:s14+$0xFFFFFC30];
	v3 =	vadd.f32 v45, v3;
	v6 =	vperm.xlane v34, v51  }
0x433: {  	v5 =	vadd.f32 v0, v57;
	v57 =	vmul.f32 v60, v61;
	v61 =	vmul.f32 v46, v38;
	v46 =	vld [tilespmem:s14+$0x100]  }
0x434: {  	v23 =	vadd.f32 v23, v58;
	v26 =	vmul.f32 v44, v26;
	v44 =	vld [tilespmem:s14+$0x0];
	v3 =	vadd.f32 v40, v3  }
0x435: {  	v0 =	vmul.f32 v42, v54;
	v31 =	vadd.f32 v34, v6;
	v6 =	vadd.f32 v1, v59;
	v59 =	vld [tilespmem:s14+$0xFFFFFD30]  }
0x436: {  	v22 =	vadd.f32 v57, v22;
	v40 =	vld [tilespmem:s14+$0xFFFFFF80];
	v55 =	vperm.xlane v3, v62  }
0x437: {  	v19 =	vmul.f32 v19, v28;
	v0 =	vadd.f32 v0, v23;
	v23 =	vld [tilespmem:s14+$0x20];
	v2 =	vadd.f32 v2, v26  }
0x438: {  	v9 =	vld [tilespmem:s13+$0x180];
	v24 =	vmul.f32 v47, v24;
	v22 =	vadd.f32 v61, v22;
	v3 =	vadd.f32 v3, v55  }
0x439: {  	v29 =	vmul.f32 v29, v30;
	v26 =	vld [tilespmem:s14+$0xFFFFFFA0];
	v1 =	vmul.f32 v33, v56;
	v2 =	vadd.f32 v35, v2  }
0x43a: {  	v10 =	vmul.f32 v10, v46;
	v22 =	vadd.f32 v24, v22;
	v24 =	vld [tilespmem:s13+$0xFFFFFFA0];
	v43 =	vperm.xlane v3, v63  }
0x43b: {  	v49 =	vld [tilespmem:s14+$0x30];
	v0 =	vadd.f32 v1, v0;
	v13 =	vmul.f32 v13, v44;
	v20 =	vmul.f32 v20, v59  }
0x43c: {  	v54 =	vld [tilespmem:s14+$0x1A0];
	v14 =	vmul.f32 v14, v40;
	v12 =	vmul.f32 v12, v23;
	v3 =	vadd.f32 v3, v43  }
0x43d: {  	v23 =	vld [tilespmem:s14+$0x180];
	v47 =	vperm.xlane v22, v62;
	v48 =	vperm.xlane v0, v62  }
0x43e: {  	v13 =	vadd.f32 v29, v13;
	v2 =	vadd.f32 v20, v2;
	v20 =	vld [tilespmem:s13+$0x30];
	v45 =	vperm.xlane v3, v51  }
0x43f: {  	v8 =	vld [tilespmem:s14+$0x120];
	v22 =	vadd.f32 v22, v47;
	v0 =	vadd.f32 v0, v48;
	v24 =	vmul.f32 v24, v26  }
0x440: {  	v26 =	vld [tilespmem:s13+$0x120];
	v1 =	vadd.f32 v3, v45;
	v3 =	vadd.f32 v41, v14;
	v14 =	vperm.xlane v2, v62  }
0x441: {  	v58 =	vld [tilespmem:s14+$0x130];
	v7 =	vmul.f32 v7, v54;
	v10 =	vadd.f32 v19, v10;
	v55 =	vperm.xlane v0, v63  }
0x442: {  	v57 =	vld [tilespmem:s14+$0x280];
	v12 =	vadd.f32 v12, v13;
	v53 =	vperm.xlane v22, v63;
	v2 =	vadd.f32 v2, v14  }
0x443: {  	v19 =	vld [tilespmem:s13+$0x200];
	v9 =	vmul.f32 v9, v23;
	v20 =	vmul.f32 v20, v49;
	v0 =	vadd.f32 v0, v55  }
0x444: {  	v22 =	vadd.f32 v22, v53;
	v56 =	vadd.f32 v24, v3;
	v3 =	vld [tilespmem:s13+$0x280];
	v24 =	vperm.xlane v2, v63  }
0x445: {  	v59 =	vld [tilespmem:s14+$0x210];
	v9 =	vadd.f32 v25, v9;
	v50 =	vperm.xlane v1, v52;
	v8 =	vmul.f32 v26, v8  }
0x446: {  	v12 =	vadd.f32 v20, v12;
	v20 =	vld [tilespmem:s13+$0x210];
	v25 =	vperm.xlane v22, v51;
	v2 =	vadd.f32 v2, v24  }
0x447: {  	v23 =	vld [tilespmem:s13+$0x130];
	v14 =	vadd.f32 v1, v50;
	v1 =	vadd.f32 v21, v56;
	v21 =	vperm.xlane v0, v51  }
0x448: {  	v7 =	vadd.f32 v7, v9;
	v22 =	vadd.f32 v22, v25;
	v24 =	vld [tilespmem:s14+$0x200];
	v26 =	vperm.xlane v2, v51  }
0x449: {  	v0 =	vadd.f32 v0, v21;
	v21 =	vperm.xlane v12, v62;
	v3 =	vmul.f32 v3, v57  }
0x44a: {  	v8 =	vadd.f32 v8, v10;
	v2 =	vadd.f32 v2, v26;
	v26 =	vperm.xlane v1, v62  }
0x44b: {  	v9 =	vld [tilespmem:s13+$0x1B0];
	v20 =	vmul.f32 v20, v59;
	v12 =	vadd.f32 v12, v21;
	v3 =	vadd.f32 v27, v3  }
0x44c: {  	v10 =	vld [tilespmem:s14+$0x390];
	v21 =	vmul.f32 v23, v58;
	v25 =	vperm.xlane v2, v52;
	v1 =	vadd.f32 v1, v26  }
0x44d: {  	v27 =	vperm.xlane v0, v52;
	v19 =	vmul.f32 v19, v24;
	v24 =	vld [tilespmem:s13+$0x300];
	v3 =	vadd.f32 v15, v3  }
0x44e: {  	v23 =	vperm.xlane v22, v52;
	v26 =	vld [tilespmem:s14+$0x1B0];
	v2 =	vadd.f32 v2, v25;
	v25 =	vperm.xlane v1, v63  }
0x44f: {  	v15 =	vld [tilespmem:s14+$0x300];
	v0 =	vadd.f32 v0, v27;
	v27 =	vperm.xlane v12, v63;
	v3 =	vadd.f32 v11, v3  }
0x450: {  	v60 =	vperm.xlane v31, v52;
	v19 =	vadd.f32 v20, v19;
	v20 =	vld [tilespmem:s13+$0x380];
	v1 =	vadd.f32 v1, v25  }
0x451: {  	v22 =	vadd.f32 v22, v23;
	v12 =	vadd.f32 v12, v27;
	v27 =	vld [tilespmem:s14+$0x320];
	v23 =	vperm.xlane v3, v62  }
0x452: {  	v13 =	vadd.f32 v31, v60;
	v18 =	vadd.f32 v18, v19;
	v25 =	vld [tilespmem:s13+$0x390];
	v11 =	vperm.xlane v1, v51  }
0x453: {  	v0 =	vsel vm0, v0, v22;
	v9 =	vmul.f32 v9, v26;
	v26 =	vld [tilespmem:s14+$0x380];
	v3 =	vadd.f32 v3, v23  }
0x454: {  	v15 =	vmul.f32 v24, v15;
	v23 =	vld [tilespmem:s13+$0x320];
	v18 =	vadd.f32 v16, v18;
	v1 =	vadd.f32 v1, v11  }
0x455: {  	v16 =	vperm.xlane v3, v63;
	v11 =	vadd.f32 v21, v8;
	v21 =	vadd.f32 v9, v7  }
0x456: {  	v22 =	vld [tilespmem:s14+$0x3B0];
	v24 =	vperm.xlane v12, v51;
	v9 =	vadd.f32 v17, v15;
	v19 =	vperm.xlane v1, v52  }
0x457: {  	v15 =	vld [tilespmem:s13+$0x330];
	v10 =	vmul.f32 v25, v10;
	v3 =	vadd.f32 v3, v16;
	v17 =	vperm.xlane v21, v62  }
0x458: {  	v16 =	vld [tilespmem:s14+$0x3A0];
	v60 =	vperm.xlane v11, v62;
	v7 =	vadd.f32 v1, v19;
	v19 =	vperm.xlane v18, v62  }
0x459: {  	v25 =	vmul.f32 v20, v26;
	v20 =	vld [tilespmem:s13+$0x3A0];
	v23 =	vmul.f32 v23, v27;
	v17 =	vadd.f32 v21, v17  }
0x45a: {  	v61 =	vperm.xlane v3, v51;
	v11 =	vadd.f32 v11, v60;
	v21 =	vld [tilespmem:s14+$0x330];
	v18 =	vadd.f32 v18, v19  }
0x45b: {  	v8 =	vld [tilespmem:s13+$0x3B0];
	v19 =	vadd.f32 v10, v25;
	v10 =	vadd.f32 v12, v24;
	v24 =	vperm.xlane v17, v63  }
0x45c: {  	s15 =	simm.s32 $0x0;
	s16 =	simm.s32 $0x10;
	s2 =	simm.s32 $0x2;
	v25 =	vsel vm1, v0, v2;
	v12 =	vadd.f32 v3, v61;
	v26 =	vperm.xlane v18, v63  }
.LBB2_12:
0x45d: {  	p0 =	sne.s32 s16, $0xF0;
	v0 =	vsel vm2, v25, v14;
	v1 =	vperm.xlane v10, v52;
	v2 =	vadd.f32 v17, v24;
	s14 =	sadd.s32 $0x800, s14;
	s13 =	sadd.s32 $0x800, s13  }
0x45e: {  	s0 =	smov.u32 s16;
	s16 =	sadd.s32 $0x10, s16;
	v3 =	vadd.f32 v18, v26;
	v14 =	vperm.xlane v12, v52;
	v16 =	vmul.f32 v20, v16  }
0x45f: {  	v0 =	vsel vm3, v0, v13;
	v13 =	vperm.xlane v2, v51;
	v15 =	vmul.f32 v15, v21  }
0x460: {  	v17 =	vperm.xlane v3, v51;
	v16 =	vadd.f32 v16, v19;
	v8 =	vmul.f32 v8, v22  }
0x461: {  	v0 =	vsel vm4, v0, v6;
	v6 =	vperm.xlane v11, v63;
	v12 =	vadd.f32 v12, v14  }
0x462: {  	v0 =	vsel vm5, v0, v5;
	v5 =	vadd.f32 v23, v9;
	v3 =	vadd.f32 v3, v17  }
0x463: {  	v0 =	vsel vm6, v0, v7;
	v6 =	vadd.f32 v11, v6;
	v2 =	vadd.f32 v2, v13  }
0x464: {  	v1 =	vadd.f32 v10, v1;
	v8 =	vadd.f32 v8, v16;
	v7 =	vperm.xlane v3, v52  }
0x465: {  	v5 =	vadd.f32 v15, v5;
	v9 =	vperm.xlane v6, v51;
	v10 =	vperm.xlane v2, v52  }
0x466: {  	v0 =	vsel vm7, v0, v1;
	v1 =	vadd.f32 v3, v7;
	v3 =	vperm.xlane v8, v62  }
0x467: {  	v0 =	vsel vm8, v0, v4;
	v4 =	vperm.xlane v5, v62;
	v2 =	vadd.f32 v2, v10  }
0x468: {  	v6 =	vadd.f32 v6, v9;
	v3 =	vadd.f32 v8, v3  }
0x469: {  	v4 =	vadd.f32 v5, v4  }
0x46a: {  	v5 =	vperm.xlane v6, v52;
	v7 =	vperm.xlane v3, v63  }
0x46b: {  	v8 =	vperm.xlane v4, v63  }
0x46c: {  	v5 =	vadd.f32 v6, v5;
	v3 =	vadd.f32 v3, v7  }
0x46d: {  	v4 =	vadd.f32 v4, v8  }
0x46e: {  	v0 =	vsel vm9, v0, v5;
	v5 =	vperm.xlane v3, v51  }
0x46f: {  	v0 =	vsel vm10, v0, v2;
	v2 =	vperm.xlane v4, v51  }
0x470: {  	v0 =	vsel vm11, v0, v1;
	v1 =	vadd.f32 v3, v5  }
0x471: {  	v0 =	vsel vm12, v0, v12;
	v2 =	vadd.f32 v4, v2  }
0x472: {  	v3 =	vperm.xlane v1, v52  }
0x473: {  	v4 =	vperm.xlane v2, v52  }
0x474: {  	v1 =	vadd.f32 v1, v3  }
0x475: {  	v2 =	vadd.f32 v2, v4;
	_ =	sdelay $0x1  }
0x476: {  	v0 =	vsel vm13, v0, v2  }
0x477: {  	s1 =	sand.u32 $0xF0, s15;
	s15 =	smov.u32 s0;
	v0 =	vsel vm14, v0, v1  }
0x478: {  	[tilespmem:s1+$0x10500] =	vst v0  }
0x479: {  	v15 =	vld [tilespmem:s13+$0x310]  }
0x47a: {  	v19 =	vld [tilespmem:s13+$0x230]  }
0x47b: {  	v20 =	vld [tilespmem:s14+$0x230]  }
0x47c: {  	v18 =	vld [tilespmem:s14+$0x310]  }
0x47d: {  	v16 =	vld [tilespmem:s13+$0x220]  }
0x47e: {  	v17 =	vld [tilespmem:s14+$0x220]  }
0x47f: {  	v0 =	vld [tilespmem:s13+$0x2B0]  }
0x480: {  	v1 =	vld [tilespmem:s14+$0x2B0]  }
0x481: {  	v2 =	vld [tilespmem:s13+$0x2A0]  }
0x482: {  	v3 =	vld [tilespmem:s14+$0x2A0]  }
0x483: {  	v4 =	vld [tilespmem:s13+$0x290]  }
0x484: {  	v5 =	vld [tilespmem:s14+$0x290]  }
0x485: {  	v10 =	vld [tilespmem:s13+$0x1A0];
	v7 =	vmul.f32 v0, v1  }
0x486: {  	v11 =	vld [tilespmem:s14+$0x120]  }
0x487: {  	v22 =	vld [tilespmem:s13+$0x190];
	v8 =	vmul.f32 v2, v3  }
0x488: {  	v25 =	vld [tilespmem:s14+$0x190]  }
0x489: {  	v12 =	vld [tilespmem:s13+$0x180];
	v9 =	vmul.f32 v4, v5  }
0x48a: {  	v23 =	vld [tilespmem:s13+$0xFFFFFFB0]  }
0x48b: {  	v26 =	vld [tilespmem:s14+$0xFFFFFFB0]  }
0x48c: {  	v24 =	vld [tilespmem:s13+$0x110]  }
0x48d: {  	v27 =	vld [tilespmem:s13+$0xFFFFFC80]  }
0x48e: {  	v29 =	vld [tilespmem:s14+$0xFFFFFC80]  }
0x48f: {  	v0 =	vld [tilespmem:s13+$0xB0]  }
0x490: {  	v1 =	vld [tilespmem:s14+$0xB0]  }
0x491: {  	v2 =	vld [tilespmem:s13+$0xA0]  }
0x492: {  	v3 =	vld [tilespmem:s14+$0xA0]  }
0x493: {  	v31 =	vld [tilespmem:s14+$0x110]  }
0x494: {  	v13 =	vld [tilespmem:s13+$0x100]  }
0x495: {  	v4 =	vld [tilespmem:s14+$0x90]  }
0x496: {  	v5 =	vld [tilespmem:s13+$0x90]  }
0x497: {  	v6 =	vld [tilespmem:s13+$0x80];
	v2 =	vmul.f32 v2, v3  }
0x498: {  	v3 =	vld [tilespmem:s14+$0x80]  }
0x499: {  	v14 =	vld [tilespmem:s13+$0x20]  }
0x49a: {  	v33 =	vld [tilespmem:s13+$0xFFFFFC10]  }
0x49b: {  	v35 =	vld [tilespmem:s14+$0xFFFFFC10];
	v4 =	vmul.f32 v5, v4  }
0x49c: {  	v32 =	vld [tilespmem:s13+$0x10]  }
0x49d: {  	v34 =	vld [tilespmem:s14+$0x10];
	v3 =	vmul.f32 v6, v3  }
0x49e: {  	v21 =	vld [tilespmem:s13+$0x0]  }
0x49f: {  	v5 =	vld [tilespmem:s13+$0xFFFFFF90];
	v3 =	vadd.f32 v4, v3  }
0x4a0: {  	v4 =	vld [tilespmem:s14+$0xFFFFFF90]  }
0x4a1: {  	v0 =	vmul.f32 v0, v1;
	v28 =	vld [tilespmem:s13+$0xFFFFFF80];
	v2 =	vadd.f32 v2, v3  }
0x4a2: {  	v1 =	vld [tilespmem:s14+$0xFFFFFDB0]  }
0x4a3: {  	v3 =	vld [tilespmem:s13+$0xFFFFFF30];
	v0 =	vadd.f32 v0, v2  }
0x4a4: {  	v2 =	vld [tilespmem:s14+$0xFFFFFF30]  }
0x4a5: {  	v6 =	vld [tilespmem:s13+$0xFFFFFF20];
	v30 =	vmul.f32 v5, v4;
	v4 =	vperm.xlane v0, v62  }
0x4a6: {  	v5 =	vld [tilespmem:s14+$0xFFFFFF20]  }
0x4a7: {  	v37 =	vld [tilespmem:s13+$0xFFFFFF10];
	v0 =	vadd.f32 v0, v4  }
0x4a8: {  	v4 =	vld [tilespmem:s14+$0xFFFFFF10]  }
0x4a9: {  	v38 =	vld [tilespmem:s13+$0xFFFFFF00];
	v2 =	vmul.f32 v3, v2;
	v3 =	vperm.xlane v0, v63  }
0x4aa: {  	v39 =	vld [tilespmem:s14+$0xFFFFFF00]  }
0x4ab: {  	v36 =	vld [tilespmem:s13+$0xFFFFFD30];
	v5 =	vmul.f32 v6, v5;
	v0 =	vadd.f32 v0, v3  }
0x4ac: {  	v3 =	vld [tilespmem:s13+$0xFFFFFEB0]  }
0x4ad: {  	v6 =	vld [tilespmem:s14+$0xFFFFFEB0];
	v4 =	vmul.f32 v37, v4;
	v37 =	vperm.xlane v0, v51  }
0x4ae: {  	v40 =	vld [tilespmem:s13+$0xFFFFFEA0]  }
0x4af: {  	v41 =	vld [tilespmem:s14+$0xFFFFFEA0];
	v38 =	vmul.f32 v38, v39;
	v0 =	vadd.f32 v0, v37  }
0x4b0: {  	v39 =	vld [tilespmem:s13+$0xFFFFFE90]  }
0x4b1: {  	v42 =	vld [tilespmem:s14+$0xFFFFFE90];
	v4 =	vadd.f32 v4, v38;
	v37 =	vperm.xlane v0, v52  }
0x4b2: {  	v38 =	vld [tilespmem:s13+$0xFFFFFE80];
	v3 =	vmul.f32 v3, v6  }
0x4b3: {  	v6 =	vld [tilespmem:s14+$0xFFFFFE80];
	v5 =	vadd.f32 v5, v4;
	v4 =	vadd.f32 v0, v37  }
0x4b4: {  	v0 =	vld [tilespmem:s14+$0xFFFFFE30];
	v40 =	vmul.f32 v40, v41  }
0x4b5: {  	v41 =	vld [tilespmem:s13+$0xFFFFFE20];
	v2 =	vadd.f32 v2, v5  }
0x4b6: {  	v37 =	vld [tilespmem:s13+$0xFFFFFC30];
	v5 =	vmul.f32 v39, v42  }
0x4b7: {  	v39 =	vld [tilespmem:s13+$0xFFFFFE30];
	v42 =	vperm.xlane v2, v62  }
0x4b8: {  	v43 =	vld [tilespmem:s14+$0xFFFFFE20];
	v6 =	vmul.f32 v38, v6  }
0x4b9: {  	v38 =	vld [tilespmem:s13+$0xFFFFFE10];
	v2 =	vadd.f32 v2, v42  }
0x4ba: {  	v42 =	vld [tilespmem:s14+$0xFFFFFE10];
	v5 =	vadd.f32 v5, v6  }
0x4bb: {  	v6 =	vld [tilespmem:s13+$0xFFFFFE00];
	v44 =	vperm.xlane v2, v63  }
0x4bc: {  	v45 =	vld [tilespmem:s14+$0xFFFFFE00];
	v5 =	vadd.f32 v40, v5  }
0x4bd: {  	v40 =	vld [tilespmem:s13+$0xFFFFFD20];
	v41 =	vmul.f32 v41, v43;
	v2 =	vadd.f32 v2, v44  }
0x4be: {  	v43 =	vld [tilespmem:s14+$0xFFFFFD20];
	v3 =	vadd.f32 v3, v5  }
0x4bf: {  	v44 =	vld [tilespmem:s13+$0xFFFFFCB0];
	v5 =	vmul.f32 v38, v42;
	v38 =	vperm.xlane v2, v51  }
0x4c0: {  	v42 =	vld [tilespmem:s13+$0xFFFFFDB0];
	v46 =	vperm.xlane v3, v62  }
0x4c1: {  	v47 =	vld [tilespmem:s13+$0xFFFFFDA0];
	v6 =	vmul.f32 v6, v45;
	v2 =	vadd.f32 v2, v38  }
0x4c2: {  	v38 =	vld [tilespmem:s14+$0xFFFFFDA0];
	v3 =	vadd.f32 v3, v46  }
0x4c3: {  	v40 =	vmul.f32 v40, v43;
	v43 =	vld [tilespmem:s13+$0xFFFFFD90];
	v5 =	vadd.f32 v5, v6;
	v6 =	vperm.xlane v2, v52  }
0x4c4: {  	v45 =	vld [tilespmem:s14+$0xFFFFFD90];
	v46 =	vperm.xlane v3, v63  }
0x4c5: {  	v0 =	vmul.f32 v39, v0;
	v48 =	vld [tilespmem:s13+$0xFFFFFD80];
	v41 =	vadd.f32 v41, v5;
	v5 =	vadd.f32 v2, v6  }
0x4c6: {  	v1 =	vmul.f32 v42, v1;
	v2 =	vld [tilespmem:s14+$0xFFFFFD80];
	v3 =	vadd.f32 v3, v46  }
0x4c7: {  	v39 =	vld [tilespmem:s13+$0xFFFFFC20];
	v38 =	vmul.f32 v47, v38;
	v0 =	vadd.f32 v0, v41  }
0x4c8: {  	v6 =	vld [tilespmem:s13+$0xFFFFFD10];
	v41 =	vperm.xlane v3, v51  }
0x4c9: {  	v42 =	vld [tilespmem:s14+$0xFFFFFD10];
	v43 =	vmul.f32 v43, v45;
	v45 =	vperm.xlane v0, v62  }
0x4ca: {  	v46 =	vld [tilespmem:s14+$0xFFFFFCA0];
	v3 =	vadd.f32 v3, v41  }
0x4cb: {  	v41 =	vld [tilespmem:s13+$0xFFFFFD00];
	v2 =	vmul.f32 v48, v2;
	v0 =	vadd.f32 v0, v45  }
0x4cc: {  	v45 =	vld [tilespmem:s13+$0xFFFFFCA0];
	v47 =	vperm.xlane v3, v52  }
0x4cd: {  	v48 =	vld [tilespmem:s14+$0xFFFFFC00];
	v2 =	vadd.f32 v43, v2;
	v43 =	vperm.xlane v0, v63  }
0x4ce: {  	v19 =	vmul.f32 v19, v20;
	v49 =	vld [tilespmem:s13+$0xFFFFFC90];
	v42 =	vmul.f32 v6, v42;
	v6 =	vadd.f32 v3, v47  }
0x4cf: {  	v15 =	vmul.f32 v15, v18;
	v3 =	vld [tilespmem:s14+$0xFFFFFC90];
	v2 =	vadd.f32 v38, v2;
	v0 =	vadd.f32 v0, v43  }
0x4d0: {  	v16 =	vmul.f32 v16, v17;
	v20 =	vmul.f32 v22, v25;
	v18 =	vld [tilespmem:s13+$0xFFFFFC00]  }
0x4d1: {  	v22 =	vmul.f32 v23, v26;
	v17 =	vld [tilespmem:s14+$0xFFFFFD00];
	v1 =	vadd.f32 v1, v2;
	v2 =	vperm.xlane v0, v51  }
0x4d2: {  	v25 =	vmul.f32 v27, v29;
	v24 =	vmul.f32 v24, v31;
	v23 =	vld [tilespmem:s14+$0xFFFFFC20]  }
0x4d3: {  	v26 =	vmul.f32 v33, v35;
	v27 =	vld [tilespmem:s14+$0xFFFFFCB0];
	v29 =	vperm.xlane v1, v62;
	v0 =	vadd.f32 v0, v2  }
0x4d4: {  	v31 =	vmul.f32 v32, v34;
	v2 =	vld [tilespmem:s14+$0xFFFFFC30];
	v3 =	vmul.f32 v49, v3  }
0x4d5: {  	v18 =	vmul.f32 v18, v48;
	v32 =	vld [tilespmem:s14+$0xFFFFFD30];
	v1 =	vadd.f32 v1, v29;
	v29 =	vperm.xlane v0, v52  }
0x4d6: {  	v3 =	vadd.f32 v3, v25;
	v25 =	vmul.f32 v45, v46;
	v17 =	vmul.f32 v41, v17;
	v33 =	vld [tilespmem:s14+$0xFFFFFF80]  }
0x4d7: {  	v18 =	vadd.f32 v26, v18;
	v23 =	vmul.f32 v39, v23;
	v26 =	vperm.xlane v1, v63;
	v34 =	vld [tilespmem:s14+$0x0]  }
0x4d8: {  	v3 =	vadd.f32 v25, v3;
	v25 =	vmul.f32 v44, v27;
	v17 =	vadd.f32 v42, v17;
	v27 =	vld [tilespmem:s14+$0xFFFFFFA0]  }
0x4d9: {  	v18 =	vadd.f32 v23, v18;
	v2 =	vmul.f32 v37, v2;
	v1 =	vadd.f32 v1, v26;
	v23 =	vld [tilespmem:s14+$0x20]  }
0x4da: {  	v3 =	vadd.f32 v25, v3;
	v17 =	vadd.f32 v40, v17;
	v25 =	vmul.f32 v36, v32;
	v26 =	vld [tilespmem:s13+$0xFFFFFFA0]  }
0x4db: {  	v2 =	vadd.f32 v2, v18;
	v18 =	vperm.xlane v1, v51;
	v28 =	vmul.f32 v28, v33;
	v32 =	vld [tilespmem:s14+$0x100]  }
0x4dc: {  	v33 =	vperm.xlane v3, v62;
	v17 =	vadd.f32 v25, v17;
	v21 =	vmul.f32 v21, v34;
	v25 =	vld [tilespmem:s13+$0x30]  }
0x4dd: {  	v34 =	vperm.xlane v2, v62;
	v1 =	vadd.f32 v1, v18;
	v18 =	vadd.f32 v30, v28;
	v28 =	vld [tilespmem:s14+$0x30]  }
0x4de: {  	v3 =	vadd.f32 v3, v33;
	v30 =	vperm.xlane v17, v62;
	v23 =	vmul.f32 v14, v23;
	v33 =	vld [tilespmem:s14+$0x180]  }
0x4df: {  	v2 =	vadd.f32 v2, v34;
	v14 =	vperm.xlane v1, v52;
	v26 =	vmul.f32 v26, v27;
	v27 =	vld [tilespmem:s13+$0x120]  }
0x4e0: {  	v21 =	vadd.f32 v31, v21;
	v34 =	vperm.xlane v3, v63;
	v17 =	vadd.f32 v17, v30;
	v30 =	vld [tilespmem:s14+$0x1A0]  }
0x4e1: {  	v31 =	vperm.xlane v2, v63;
	v14 =	vadd.f32 v1, v14;
	v1 =	vadd.f32 v26, v18;
	v18 =	vld [tilespmem:s13+$0x280]  }
0x4e2: {  	v21 =	vadd.f32 v23, v21;
	v23 =	vmul.f32 v13, v32;
	v26 =	vperm.xlane v17, v63;
	v32 =	vld [tilespmem:s14+$0x280]  }
0x4e3: {  	v13 =	vadd.f32 v0, v29;
	v0 =	vmul.f32 v25, v28;
	v25 =	vld [tilespmem:s13+$0x130];
	v12 =	vmul.f32 v12, v33  }
0x4e4: {  	v23 =	vadd.f32 v24, v23;
	v17 =	vadd.f32 v17, v26;
	v11 =	vmul.f32 v27, v11;
	v24 =	vld [tilespmem:s13+$0x200]  }
0x4e5: {  	v3 =	vadd.f32 v3, v34;
	v2 =	vadd.f32 v2, v31;
	v10 =	vmul.f32 v10, v30;
	v26 =	vld [tilespmem:s14+$0x200]  }
0x4e6: {  	v1 =	vadd.f32 v22, v1;
	v0 =	vadd.f32 v0, v21;
	v27 =	vperm.xlane v17, v51;
	v21 =	vld [tilespmem:s13+$0x210]  }
0x4e7: {  	v22 =	vperm.xlane v2, v51;
	v12 =	vadd.f32 v20, v12;
	v20 =	vld [tilespmem:s14+$0x210];
	v18 =	vmul.f32 v18, v32  }
0x4e8: {  	v28 =	vperm.xlane v3, v51;
	v17 =	vadd.f32 v17, v27;
	v27 =	vperm.xlane v1, v62;
	v29 =	vld [tilespmem:s14+$0x130]  }
0x4e9: {  	v2 =	vadd.f32 v2, v22;
	v22 =	vperm.xlane v0, v62;
	v9 =	vadd.f32 v9, v18;
	v18 =	vld [tilespmem:s13+$0x300]  }
0x4ea: {  	v3 =	vadd.f32 v3, v28;
	v28 =	vperm.xlane v17, v52;
	v1 =	vadd.f32 v1, v27;
	v27 =	vld [tilespmem:s14+$0x1B0]  }
0x4eb: {  	v10 =	vadd.f32 v10, v12;
	v30 =	vperm.xlane v2, v52;
	v24 =	vmul.f32 v24, v26;
	v12 =	vld [tilespmem:s13+$0x1B0]  }
0x4ec: {  	v8 =	vadd.f32 v8, v9;
	v26 =	vadd.f32 v17, v28;
	v17 =	vperm.xlane v1, v63;
	v9 =	vld [tilespmem:s14+$0x300]  }
0x4ed: {  	v0 =	vadd.f32 v0, v22;
	v2 =	vadd.f32 v2, v30;
	v22 =	vmul.f32 v25, v29  }
0x4ee: {  	v25 =	vperm.xlane v3, v52;
	v1 =	vadd.f32 v1, v17;
	v17 =	vmul.f32 v21, v20;
	v20 =	vld [tilespmem:s13+$0x390]  }
0x4ef: {  	v11 =	vadd.f32 v11, v23;
	v7 =	vadd.f32 v7, v8;
	v21 =	vperm.xlane v0, v63;
	v23 =	vld [tilespmem:s14+$0x390]  }
0x4f0: {  	v8 =	vperm.xlane v1, v51;
	v12 =	vmul.f32 v12, v27;
	v17 =	vadd.f32 v17, v24;
	v24 =	vld [tilespmem:s13+$0x380]  }
0x4f1: {  	v3 =	vadd.f32 v3, v25;
	v0 =	vadd.f32 v0, v21;
	v21 =	vperm.xlane v7, v62;
	v25 =	vld [tilespmem:s14+$0x380]  }
0x4f2: {  	v11 =	vadd.f32 v22, v11;
	v9 =	vmul.f32 v18, v9;
	v1 =	vadd.f32 v1, v8  }
0x4f3: {  	v22 =	vperm.xlane v0, v51;
	v16 =	vadd.f32 v16, v17;
	v17 =	vadd.f32 v7, v21;
	v8 =	vld [tilespmem:s13+$0x3B0]  }
0x4f4: {  	v10 =	vadd.f32 v12, v10;
	v7 =	vperm.xlane v1, v52;
	v27 =	vld [tilespmem:s13+$0x320];
	v12 =	vmul.f32 v20, v23  }
0x4f5: {  	v9 =	vadd.f32 v15, v9;
	v18 =	vadd.f32 v19, v16;
	v16 =	vperm.xlane v17, v63;
	v23 =	vld [tilespmem:s14+$0x320]  }
0x4f6: {  	v19 =	vperm.xlane v10, v62;
	v7 =	vadd.f32 v1, v7;
	v1 =	vperm.xlane v11, v62;
	v15 =	vld [tilespmem:s13+$0x330]  }
.Ltmp5:
0x4f7: {  	v21 =	vperm.xlane v18, v62;
	v28 =	vadd.f32 v17, v16;
	v24 =	vmul.f32 v24, v25;
	v16 =	vld [tilespmem:s14+$0x3A0];
	(pc) =	sbr.rel @p0 .LBB2_12-.Ltmp5, $4  }
0x4f8: {  	v2 =	vsel vm0, v2, v3;
	v17 =	vadd.f32 v10, v19;
	v11 =	vadd.f32 v11, v1;
	v20 =	vld [tilespmem:s13+$0x3A0]  }
0x4f9: {  	v18 =	vadd.f32 v18, v21;
	v1 =	vperm.xlane v28, v51;
	v19 =	vadd.f32 v12, v24;
	v21 =	vld [tilespmem:s14+$0x330]  }
0x4fa: {  	v25 =	vsel vm1, v2, v26;
	v10 =	vadd.f32 v0, v22;
	v24 =	vperm.xlane v17, v63;
	v22 =	vld [tilespmem:s14+$0x3B0]  }
0x4fb: {  	v26 =	vperm.xlane v18, v63;
	v12 =	vadd.f32 v28, v1;
	v23 =	vmul.f32 v27, v23  }
0x4fc: {  	_ = 	snop  }
0x4fd: {  	v0 =	vmul.f32 v20, v16  }
0x4fe: {  	v2 =	vadd.f32 v23, v9;
	v1 =	vmul.f32 v15, v21  }
0x4ff: {  	v0 =	vadd.f32 v0, v19;
	v3 =	vmul.f32 v8, v22  }
0x500: {  	v1 =	vadd.f32 v1, v2  }
0x501: {  	v35 =	vperm.xlane v10, v52;
	v0 =	vadd.f32 v3, v0  }
0x502: {  	v37 =	vperm.xlane v11, v63;
	v39 =	vadd.f32 v17, v24;
	v38 =	vperm.xlane v1, v62  }
0x503: {  	v36 =	vsel vm2, v25, v14;
	v40 =	vadd.f32 v18, v26;
	v41 =	vperm.xlane v0, v62  }
0x504: {  	v43 =	vperm.xlane v39, v51;
	v8 =	vadd.f32 v11, v37;
	v1 =	vadd.f32 v1, v38  }
0x505: {  	v42 =	vperm.xlane v12, v52;
	v44 =	vperm.xlane v40, v51;
	v0 =	vadd.f32 v0, v41  }
0x506: {  	v50 =	vadd.f32 v39, v43;
	v45 =	vperm.xlane v8, v51;
	v46 =	vperm.xlane v1, v63  }
0x507: {  	v2 =	vadd.f32 v10, v35;
	v47 =	vadd.f32 v40, v44;
	v48 =	vperm.xlane v0, v63  }
0x508: {  	v3 =	vsel vm3, v36, v13;
	v49 =	vadd.f32 v8, v45;
	v1 =	vadd.f32 v1, v46  }
0x509: {  	v3 =	vsel vm4, v3, v6;
	v56 =	vperm.xlane v50, v52;
	v0 =	vadd.f32 v0, v48  }
0x50a: {  	v3 =	vsel vm5, v3, v5;
	v54 =	vperm.xlane v49, v52;
	v55 =	vperm.xlane v1, v51  }
0x50b: {  	v53 =	vperm.xlane v47, v52;
	v3 =	vsel vm6, v3, v7;
	v57 =	vperm.xlane v0, v51  }
0x50c: {  	v2 =	vsel vm7, v3, v2;
	v58 =	vadd.f32 v49, v54;
	v1 =	vadd.f32 v1, v55  }
0x50d: {  	v59 =	vadd.f32 v50, v56;
	v2 =	vsel vm8, v2, v4;
	v0 =	vadd.f32 v0, v57  }
0x50e: {  	v60 =	vadd.f32 v47, v53;
	v2 =	vsel vm9, v2, v58;
	v61 =	vperm.xlane v1, v52  }
0x50f: {  	v62 =	vadd.f32 v12, v42;
	v2 =	vsel vm10, v2, v59;
	v63 =	vperm.xlane v0, v52  }
0x510: {  	v2 =	vsel vm11, v2, v60;
	v1 =	vadd.f32 v1, v61  }
0x511: {  	v2 =	vsel vm12, v2, v62;
	v0 =	vadd.f32 v0, v63  }
0x512: {  	v1 =	vsel vm13, v2, v1  }
0x513: {  	s0 =	sand.u32 $0xF0, s15;
	v0 =	vsel vm14, v1, v0  }
0x514: {  	s29 =	rddreg [dreg:$0x17];
	s1 =	simm.s32 $0x10400;
	[tilespmem:s0+$0x10500] =	vst v0  }
0x515: {  	[hbm4b:s29+s10] =	stream.linear.scatter [tilespmem:s1], [sflag:$0x2], $0x200, $0x38;
	[tilespmem:$0x10600] =	vst v63  }
0x516: {  	_ =	swait.ge [sflag:s2], $0x200  }
0x517: {  	s30 =	rddreg [dreg:$0x19]  }
0x518: {  	s31 =	rddreg [dreg:$0x18];
	s1 =	sadd.s32 $0x1, s30  }
0x519: {  	p0 =	sne.s32 s1, s31  }
.Ltmp6:
0x51a: {  	_ = 	snop;
	(pc) =	sbr.rel @p0 .LBB2_1-.Ltmp6, $3  }
0x51b: {  	_ =	sdelay $0x1  }
0x51c: {  	[sflag:s2] =	ssyncset.done $0x0  }
0x51d: {  	[sflag:s2] =	ssyncadd.s32 $0xFFFFFE00  }
0x51e: {  	_ =	sfence.sel $0x180000  }
0x51f: {  	[bflag:$0x0] =	sbarrier.arrive $0xFFFF  }
0x520: {  	_ =	strace $0x90000047  }
0x521: {  	s0 =	stileid.u32;
	[bflag:$0x2] =	sbarrier.arrive $0xFFFF  }
0x522: {  	p0 =	sne.s32 s0, $0x0;
	s0 =	rddreg [dreg:$0x4]  }
0x523: {  	s0 =	sadd.s32 @!p0 $0x100000, s0  }
0x524: {  	[sflag:s0] =	ssyncadd.tile.s32 @!p0 $0x1;
	_ =	shalt  }
.Lfunc_end2:
_tile_overlayer_lowered:
.L_overlay_start_2:
0x525: {  	(tag) =	ssettag $0x2  }
0x526: {  	s0 =	rddreg [dreg:$0x0];
	s2 =	stileid.u32  }
0x527: {  	s1 =	rddreg [dreg:$0x1];
	p0 =	sne.s32 s2, $0x0  }
0x528: {  	s3 =	rddreg [dreg:$0x2];
	[bflag:$0x3] =	sbarrier.arrive $0xFFFF;
	s2 =	simm.s32 @!p0 $0x1C02  }
0x529: {  	[timem:s3], [sflag:s2] =	dma.local @!p0 [hbm:s0], s1  }
0x52a: {  	s0 =	simm.s32 @!p0 $0x2  }
0x52b: {  	_ =	swait.ge @!p0 [sflag:s0], s1  }
0x52c: {  	s1 =	ssub.s32 @!p0 $0x0, s1;
	[sflag:s0] =	ssyncset.done @!p0 $0x0  }
0x52d: {  	[sflag:s0] =	ssyncadd.s32 @!p0 s1  }
0x52e: {  	[bflag:$0x3] =	sbarrier.arrive $0xFFFF  }
0x52f: {  	_ =	shalt  }

</sc_bundles>
